<compile_context>
chip_gen: v7x
topology: tpu7x:2x2x1
jax: 0.10.2.dev20260603
libtpu: 0.0.44.dev20260713+nightly
codegen_flags: <defaults>
</compile_context>

<pallas_src>
import functools

import jax
import jax.numpy as jnp
from jax import lax
from jax.experimental import pallas as pl
from jax.experimental.pallas import tpu as pltpu
from jax.experimental.pallas import tpu_sc as plsc

BLK_T = 1024
BM = 512

_SC_NC = 2
_SC_NS = 16
_SC_NW = _SC_NC * _SC_NS


def _route_body(x_ref, wr_ref, br_ref, tril_ref, dest_ref, be_ref,
                oh_s, counts_s, running_s):
    p = pl.program_id(0)
    i = pl.program_id(1)

    @pl.when(p == 0)
    def _router():
        @pl.when(i == 0)
        def _():
            counts_s[...] = jnp.zeros_like(counts_s)
            running_s[...] = jnp.zeros_like(running_s)

        xb = x_ref[...]
        logits = jnp.dot(xb, wr_ref[...], preferred_element_type=jnp.float32)
        logits = logits + br_ref[...][None, :]
        n, e = logits.shape
        maxv = jnp.max(logits, axis=1, keepdims=True)
        ohm = (logits == maxv).astype(jnp.float32)
        tri8 = (lax.broadcasted_iota(jnp.int32, (e, e), 0)
                < lax.broadcasted_iota(jnp.int32, (e, e), 1)
                ).astype(jnp.float32)
        prior = jnp.dot(ohm, tri8, preferred_element_type=jnp.float32)
        oh = ohm * (prior == 0.0).astype(jnp.float32)
        oh_s[i] = oh
        counts_s[...] += jnp.sum(oh, axis=0, keepdims=True)

    @pl.when(p == 1)
    def _plan():
        counts = counts_s[...]
        e = counts.shape[1]
        pc = jnp.ceil(counts / BM) * BM
        tri = (lax.broadcasted_iota(jnp.int32, (e, e), 0)
               < lax.broadcasted_iota(jnp.int32, (e, e), 1)
               ).astype(jnp.float32)
        offs = jnp.dot(pc, tri, preferred_element_type=jnp.float32)
        ends = offs + pc

        oh = oh_s[i]
        earlier = jnp.dot(tril_ref[...], oh, preferred_element_type=jnp.float32)
        base = offs + running_s[...]
        destf = jnp.sum((base + earlier) * oh, axis=1, keepdims=True)
        dest_ref[0, :, :] = destf.astype(jnp.int32)
        running_s[...] += jnp.sum(oh, axis=0, keepdims=True)

        @pl.when(i == 0)
        def _():
            jb = lax.broadcasted_iota(jnp.int32, (1, 128), 1)
            jbf = jb.astype(jnp.float32) * BM
            lane8 = lax.broadcasted_iota(jnp.int32, (1, e), 1)
            acc = jnp.zeros((1, 128), jnp.float32)
            for ei in range(e):
                end_e = jnp.sum(jnp.where(lane8 == ei, ends, 0.0))
                acc += (jbf >= end_e).astype(jnp.float32)
            be_ref[...] = acc.astype(jnp.int32)


def _gmm_body(n_experts, be_ref, xs_ref, wfc_ref, bfc_ref, wg_ref, bg_ref,
              wp_ref, bp_ref, out_ref):
    i = pl.program_id(0)

    @pl.when(be_ref[i] < n_experts)
    def _():
        xb = xs_ref[...]
        h = jnp.dot(xb, wfc_ref[0], preferred_element_type=jnp.float32)
        h = h + bfc_ref[0]
        g = jnp.dot(xb, wg_ref[0], preferred_element_type=jnp.float32)
        g = g + bg_ref[0]
        g = g * (1.0 / (1.0 + jnp.exp(-g)))
        o = jnp.dot(h * g, wp_ref[0], preferred_element_type=jnp.float32)
        out_ref[...] = o + bp_ref[0]


def _sc_scatter(xf, dest, npad):
    tok, c = xf.shape
    per_w = tok // _SC_NW
    ch = 64
    n_ch = per_w // ch
    mesh = plsc.VectorSubcoreMesh(core_axis_name="c", subcore_axis_name="s")

    @functools.partial(
        pl.kernel, mesh=mesh,
        out_type=jax.ShapeDtypeStruct((npad, c), jnp.float32),
        scratch_types=[
            pltpu.VMEM((2, ch), jnp.int32),
            pltpu.VMEM((2, ch, c), jnp.float32),
            pltpu.SemaphoreType.DMA,
            pltpu.SemaphoreType.DMA,
            pltpu.SemaphoreType.DMA,
        ],
    )
    def k(x_hbm, dest_hbm, out_hbm, idx_v, rows_v, in_sem0, in_sem1,
          out_sem):
        wid = lax.axis_index("s") * _SC_NC + lax.axis_index("c")
        base = wid * per_w
        in_sems = (in_sem0, in_sem1)

        def start_in(j):
            o = base + j * ch
            s = j % 2
            i1 = pltpu.make_async_copy(
                dest_hbm.at[pl.ds(o, ch)], idx_v.at[s], in_sems[s])
            i1.start()
            i2 = pltpu.make_async_copy(
                x_hbm.at[pl.ds(o, ch)], rows_v.at[s], in_sems[s])
            i2.start()
            return i1, i2

        pend_in = start_in(0)
        pend_out = None
        for j in range(n_ch):
            s = j % 2
            if pend_out is not None:
                pend_out.wait()
            nxt = start_in(j + 1) if j + 1 < n_ch else None
            pend_in[0].wait()
            pend_in[1].wait()
            cp = pltpu.make_async_copy(
                rows_v.at[s], out_hbm.at[idx_v.at[s]], out_sem)
            cp.start()
            pend_out = cp
            pend_in = nxt
        pend_out.wait()

    return k(xf, dest)


def _sc_gather(ys, dest, tok):
    _, c = ys.shape
    per_w = tok // _SC_NW
    ch = 64
    n_ch = per_w // ch
    mesh = plsc.VectorSubcoreMesh(core_axis_name="c", subcore_axis_name="s")

    @functools.partial(
        pl.kernel, mesh=mesh,
        out_type=jax.ShapeDtypeStruct((tok, c), jnp.float32),
        scratch_types=[
            pltpu.VMEM((2, ch), jnp.int32),
            pltpu.VMEM((2, ch, c), jnp.float32),
            pltpu.SemaphoreType.DMA,
            pltpu.SemaphoreType.DMA,
            pltpu.SemaphoreType.DMA,
            pltpu.SemaphoreType.DMA,
            pltpu.SemaphoreType.DMA,
        ],
    )
    def k(y_hbm, dest_hbm, out_hbm, idx_v, rows_v, idx_sem0, idx_sem1,
          g_sem, o_sem0, o_sem1):
        wid = lax.axis_index("s") * _SC_NC + lax.axis_index("c")
        base = wid * per_w
        idx_sems = (idx_sem0, idx_sem1)
        o_sems = (o_sem0, o_sem1)

        def start_idx(j):
            o = base + j * ch
            cp = pltpu.make_async_copy(
                dest_hbm.at[pl.ds(o, ch)], idx_v.at[j % 2], idx_sems[j % 2])
            cp.start()
            return cp

        def start_store(j):
            o = base + j * ch
            cp = pltpu.make_async_copy(
                rows_v.at[j % 2], out_hbm.at[pl.ds(o, ch)], o_sems[j % 2])
            cp.start()
            return cp

        pend_idx = start_idx(0)
        pend_gather = None
        pend_store = [None, None]
        for j in range(n_ch):
            s = j % 2
            if pend_gather is not None:
                pend_gather.wait()
                pend_store[1 - s] = start_store(j - 1)
            nxt_idx = start_idx(j + 1) if j + 1 < n_ch else None
            pend_idx.wait()
            if pend_store[s] is not None:
                pend_store[s].wait()
            g = pltpu.make_async_copy(
                y_hbm.at[idx_v.at[s]], rows_v.at[s], g_sem)
            g.start()
            pend_gather = g
            pend_idx = nxt_idx
        pend_gather.wait()
        last = n_ch - 1
        st = start_store(last)
        if pend_store[1 - (last % 2)] is not None:
            pend_store[1 - (last % 2)].wait()
        st.wait()

    return k(ys, dest)


def kernel(x, w_router, b_router, w_c_fc, b_c_fc, w_gate, b_gate, w_c_proj,
           b_c_proj):
    b, t, c = x.shape
    e, _, h = w_c_fc.shape
    tok = b * t
    n_rblk = tok // BLK_T
    nblk = tok // BM + e
    npad = nblk * BM
    xf = x.reshape(tok, c)

    tril = jnp.tril(jnp.ones((BLK_T, BLK_T), jnp.float32), -1)

    dest3, be = pl.pallas_call(
        _route_body,
        grid=(2, n_rblk),
        in_specs=[
            pl.BlockSpec((BLK_T, c), lambda p, i: (i * (1 - p), 0)),
            pl.BlockSpec((c, e), lambda p, i: (0, 0)),
            pl.BlockSpec((e,), lambda p, i: (0,)),
            pl.BlockSpec((BLK_T, BLK_T), lambda p, i: (0, 0)),
        ],
        out_specs=[
            pl.BlockSpec((1, BLK_T, 1), lambda p, i: (i, 0, 0)),
            pl.BlockSpec((1, 128), lambda p, i: (0, 0)),
        ],
        out_shape=[
            jax.ShapeDtypeStruct((n_rblk, BLK_T, 1), jnp.int32),
            jax.ShapeDtypeStruct((1, 128), jnp.int32),
        ],
        scratch_shapes=[
            pltpu.VMEM((n_rblk, BLK_T, e), jnp.float32),
            pltpu.VMEM((1, e), jnp.float32),
            pltpu.VMEM((1, e), jnp.float32),
        ],
    )(xf, w_router, b_router, tril)

    dest = dest3.reshape(tok)
    be_list = be.reshape(128)[:nblk]

    xs = _sc_scatter(xf, dest, npad)

    wix = lambda i, be: (jnp.minimum(be[i], e - 1), 0, 0)
    ys = pl.pallas_call(
        functools.partial(_gmm_body, e),
        grid_spec=pltpu.PrefetchScalarGridSpec(
            num_scalar_prefetch=1,
            grid=(nblk,),
            in_specs=[
                pl.BlockSpec((BM, c), lambda i, be: (i, 0)),
                pl.BlockSpec((1, c, h), wix),
                pl.BlockSpec((1, 1, h), wix),
                pl.BlockSpec((1, c, h), wix),
                pl.BlockSpec((1, 1, h), wix),
                pl.BlockSpec((1, h, c), wix),
                pl.BlockSpec((1, 1, c), wix),
            ],
            out_specs=pl.BlockSpec((BM, c), lambda i, be: (i, 0)),
        ),
        out_shape=jax.ShapeDtypeStruct((npad, c), jnp.float32),
    )(be_list, xs, w_c_fc, b_c_fc, w_gate, b_gate, w_c_proj, b_c_proj)

    yf = _sc_gather(ys, dest, tok)
    return yf.reshape(b, t, c)

# --- scband reference (transcript-rebuilt; emitter-appended) ---
"""Pipeline reference for scband-moe-4887672783478 (READ-ONLY COPY).

The authoritative reference and input builder live on the scoring server;
editing this copy changes nothing except your own understanding.
"""

import jax, jax.numpy as jnp
import numpy as np

N_EXPERTS = 8
TOP_K = 1
B, T, C, H = 8, 2048, 768, 768


def setup_inputs(seed: int = 0) -> dict:
    key = jax.random.key(seed)
    ks = jax.random.split(key, 8)
    x = jax.random.normal(ks[0], (B, T, C), dtype=jnp.float32)
    w_router = jax.random.normal(ks[1], (C, N_EXPERTS), dtype=jnp.float32) * 0.02
    b_router = jnp.zeros((N_EXPERTS,), dtype=jnp.float32)
    w_c_fc = jax.random.normal(ks[2], (N_EXPERTS, C, H), dtype=jnp.float32) * 0.02
    b_c_fc = jnp.zeros((N_EXPERTS, 1, H), dtype=jnp.float32)
    w_gate = jax.random.normal(ks[3], (N_EXPERTS, C, H), dtype=jnp.float32) * 0.02
    b_gate = jnp.zeros((N_EXPERTS, 1, H), dtype=jnp.float32)
    w_c_proj = jax.random.normal(ks[4], (N_EXPERTS, H, C), dtype=jnp.float32) * (0.02 * (2 * 12) ** (-0.5))
    b_c_proj = jnp.zeros((N_EXPERTS, 1, C), dtype=jnp.float32)
    return {"x": x, "w_router": w_router, "b_router": b_router, "w_c_fc": w_c_fc, "b_c_fc": b_c_fc, "w_gate": w_gate, "b_gate": b_gate, "w_c_proj": w_c_proj, "b_c_proj": b_c_proj}


def _get_expert_inputs(xb, lb):
    T_, _ = lb.shape
    _, C_ = xb.shape
    top_k_logits, expert_indices = jax.lax.top_k(lb, TOP_K)
    expert_probs = jax.nn.softmax(top_k_logits, axis=-1)
    ei = jnp.swapaxes(expert_indices, 0, 1).ravel()
    expert_one_hot = jax.nn.one_hot(ei, N_EXPERTS, dtype=jnp.int32)
    expert_positions = jnp.cumsum(expert_one_hot, axis=0) * expert_one_hot - 1
    expert_positions = expert_positions.reshape(-1, T_, N_EXPERTS)
    expert_positions = jnp.swapaxes(expert_positions, 0, 1)
    expert_positions = jnp.max(expert_positions, axis=2)
    ei2 = jnp.swapaxes(ei.reshape(-1, T_), 0, 1)
    expert_capacity = TOP_K * T_
    zeros = jnp.zeros((N_EXPERTS, expert_capacity, C_), dtype=xb.dtype)
    xr = jnp.repeat(xb, TOP_K, axis=0)
    expert_inputs = zeros.at[ei2.ravel(), expert_positions.ravel()].add(xr)
    return expert_probs, expert_positions, ei2, expert_inputs


def _experts(x, w_c_fc, b_c_fc, w_gate, b_gate, w_c_proj, b_c_proj):
    h = jnp.einsum('eti,eih->eth', x, w_c_fc) + b_c_fc
    g = jnp.einsum('eti,eih->eth', x, w_gate) + b_gate
    g = jax.nn.silu(g)
    og = h * g
    o = jnp.einsum('eth,eho->eto', og, w_c_proj) + b_c_proj
    return o


def _collect_outputs(expert_outputs, expert_indices, expert_positions, top_k_probs):
    out = expert_outputs[expert_indices, expert_positions]
    return jnp.sum(top_k_probs[..., None] * out, axis=1)


def _forward(x, w_router, b_router, w_c_fc, b_c_fc, w_gate, b_gate, w_c_proj, b_c_proj):
    B_, T_, C_ = x.shape
    logits = jnp.einsum('btc,ce->bte', x, w_router) + b_router
    top_k_probs, expert_positions, expert_indices, expert_inputs = jax.vmap(_get_expert_inputs)(x, logits)
    expert_capacity = TOP_K * T_
    expert_inputs = expert_inputs.reshape(N_EXPERTS, -1, N_EXPERTS, expert_capacity, C_)
    expert_inputs = jnp.swapaxes(expert_inputs, 0, 2)
    expert_inputs = expert_inputs.reshape(-1, C_)
    expert_inputs = expert_inputs.reshape(N_EXPERTS, B_ * expert_capacity, C_)
    expert_outputs = _experts(expert_inputs, w_c_fc, b_c_fc, w_gate, b_gate, w_c_proj, b_c_proj)
    expert_outputs = expert_outputs.reshape(N_EXPERTS, -1, N_EXPERTS, expert_capacity, C_)
    expert_outputs = jnp.swapaxes(expert_outputs, 0, 2)
    expert_outputs = expert_outputs.reshape(B_, N_EXPERTS, expert_capacity, C_)
    y_pred = jax.vmap(_collect_outputs)(expert_outputs, expert_indices, expert_positions, top_k_probs)
    return y_pred


def reference(x, w_router, b_router, w_c_fc, b_c_fc, w_gate, b_gate, w_c_proj, b_c_proj):
    return _forward(x, w_router, b_router, w_c_fc, b_c_fc, w_gate, b_gate, w_c_proj, b_c_proj)

if __name__ == "__main__":
    import jax
    _d = setup_inputs()
    print(jax.jit(kernel)(*tuple(_d.values())))

</pallas_src>

<mosaic_0001>
#map = affine_map<(d0, d1) -> (0, 0)>
#map1 = affine_map<(d0, d1) -> (0)>
module attributes {stable_mosaic.version = 14 : i64} {
  func.func @k(%arg0: i32, %arg1: i32, %arg2: memref<16384x768xf32, #tpu.memory_space<hbm>>, %arg3: memref<16384xi32, #tpu.memory_space<hbm>>, %arg4: memref<20480x768xf32, #tpu.memory_space<hbm>>, %arg5: memref<2x64xi32, #tpu.memory_space<vmem>>, %arg6: memref<2x64x768xf32, #tpu.memory_space<vmem>>, %arg7: memref<!tpu.dma_semaphore, #tpu.memory_space<semaphore_mem>>, %arg8: memref<!tpu.dma_semaphore, #tpu.memory_space<semaphore_mem>>, %arg9: memref<!tpu.dma_semaphore, #tpu.memory_space<semaphore_mem>>) attributes {dimension_semantics = [#tpu.dimension_semantics<core_parallel>, #tpu.dimension_semantics<subcore_parallel>], iteration_bounds = array<i64: 2, 16>, scalar_prefetch = 0 : i64, scratch_operands = 5 : i64, tpu.core_type = #tpu.core_type<sc_vector_subcore>, window_params = [{transform_indices = #map}, {transform_indices = #map1}, {transform_indices = #map}]} {
    %mul3A = arith.constant 2 : i32
    %mul3A_0 = arith.muli %arg1, %mul3A : i32
    %add3A = arith.addi %mul3A_0, %arg0 : i32
    %mul3A_1 = arith.constant 512 : i32
    %mul3A_2 = arith.muli %add3A, %mul3A_1 : i32
    %add3A_3 = arith.constant 0 : i32
    %add3A_4 = arith.addi %mul3A_2, %add3A_3 : i32
    %dma_start3A = arith.constant 0 : i32
    %dma_start3A_5 = arith.constant 0 : i32
    %dma_start3A_6 = tpu.memref_slice %arg5[%dma_start3A, %dma_start3A_5] : memref<2x64xi32, #tpu.memory_space<vmem>> -> memref<1x64xi32, #tpu.memory_space<vmem>>
    %dma_start3A_7 = tpu.memref_squeeze %dma_start3A_6 : memref<1x64xi32, #tpu.memory_space<vmem>> -> memref<64xi32, #tpu.memory_space<vmem>>
    %dma_start3A_8 = tpu.memref_slice %arg3[%add3A_4] : memref<16384xi32, #tpu.memory_space<hbm>> -> memref<64xi32, #tpu.memory_space<hbm>>
    %dma_start3A_9 = arith.constant 0 : i32
    %dma_start3A_10 = tpu.memref_slice %arg5[%dma_start3A, %dma_start3A_9] : memref<2x64xi32, #tpu.memory_space<vmem>> -> memref<1x64xi32, #tpu.memory_space<vmem>>
    %dma_start3A_11 = tpu.memref_squeeze %dma_start3A_10 : memref<1x64xi32, #tpu.memory_space<vmem>> -> memref<64xi32, #tpu.memory_space<vmem>>
    %dma_start3A_12 = tpu.memref_slice %arg3[%add3A_4] : memref<16384xi32, #tpu.memory_space<hbm>> -> memref<64xi32, #tpu.memory_space<hbm>>
    tpu.enqueue_dma source(%dma_start3A_12 : memref<64xi32, #tpu.memory_space<hbm>>) target(%dma_start3A_11 : memref<64xi32, #tpu.memory_space<vmem>>) target_semaphore(%arg7 : memref<!tpu.dma_semaphore, #tpu.memory_space<semaphore_mem>>)
    %dma_start3A_13 = arith.constant 0 : i32
    %dma_start3A_14 = arith.constant 0 : i32
    %dma_start3A_15 = arith.constant 0 : i32
    %dma_start3A_16 = tpu.memref_slice %arg6[%dma_start3A_13, %dma_start3A_14, %dma_start3A_15] : memref<2x64x768xf32, #tpu.memory_space<vmem>> -> memref<1x64x768xf32, #tpu.memory_space<vmem>>
    %dma_start3A_17 = tpu.memref_squeeze %dma_start3A_16 : memref<1x64x768xf32, #tpu.memory_space<vmem>> -> memref<64x768xf32, #tpu.memory_space<vmem>>
    %dma_start3A_18 = arith.constant 0 : i32
    %dma_start3A_19 = tpu.memref_slice %arg2[%add3A_4, %dma_start3A_18] : memref<16384x768xf32, #tpu.memory_space<hbm>> -> memref<64x768xf32, #tpu.memory_space<hbm>>
    %dma_start3A_20 = arith.constant 0 : i32
    %dma_start3A_21 = arith.constant 0 : i32
    %dma_start3A_22 = tpu.memref_slice %arg6[%dma_start3A_13, %dma_start3A_20, %dma_start3A_21] : memref<2x64x768xf32, #tpu.memory_space<vmem>> -> memref<1x64x768xf32, #tpu.memory_space<vmem>>
    %dma_start3A_23 = tpu.memref_squeeze %dma_start3A_22 : memref<1x64x768xf32, #tpu.memory_space<vmem>> -> memref<64x768xf32, #tpu.memory_space<vmem>>
    %dma_start3A_24 = arith.constant 0 : i32
    %dma_start3A_25 = tpu.memref_slice %arg2[%add3A_4, %dma_start3A_24] : memref<16384x768xf32, #tpu.memory_space<hbm>> -> memref<64x768xf32, #tpu.memory_space<hbm>>
    tpu.enqueue_dma source(%dma_start3A_25 : memref<64x768xf32, #tpu.memory_space<hbm>>) target(%dma_start3A_23 : memref<64x768xf32, #tpu.memory_space<vmem>>) target_semaphore(%arg7 : memref<!tpu.dma_semaphore, #tpu.memory_space<semaphore_mem>>)
    %add3A_26 = arith.constant 64 : i32
    %add3A_27 = arith.addi %mul3A_2, %add3A_26 : i32
    %dma_start3A_28 = arith.constant 1 : i32
    %dma_start3A_29 = arith.constant 0 : i32
    %dma_start3A_30 = tpu.memref_slice %arg5[%dma_start3A_28, %dma_start3A_29] : memref<2x64xi32, #tpu.memory_space<vmem>> -> memref<1x64xi32, #tpu.memory_space<vmem>>
    %dma_start3A_31 = tpu.memref_squeeze %dma_start3A_30 : memref<1x64xi32, #tpu.memory_space<vmem>> -> memref<64xi32, #tpu.memory_space<vmem>>
    %dma_start3A_32 = tpu.memref_slice %arg3[%add3A_27] : memref<16384xi32, #tpu.memory_space<hbm>> -> memref<64xi32, #tpu.memory_space<hbm>>
    %dma_start3A_33 = arith.constant 0 : i32
    %dma_start3A_34 = tpu.memref_slice %arg5[%dma_start3A_28, %dma_start3A_33] : memref<2x64xi32, #tpu.memory_space<vmem>> -> memref<1x64xi32, #tpu.memory_space<vmem>>
    %dma_start3A_35 = tpu.memref_squeeze %dma_start3A_34 : memref<1x64xi32, #tpu.memory_space<vmem>> -> memref<64xi32, #tpu.memory_space<vmem>>
    %dma_start3A_36 = tpu.memref_slice %arg3[%add3A_27] : memref<16384xi32, #tpu.memory_space<hbm>> -> memref<64xi32, #tpu.memory_space<hbm>>
    tpu.enqueue_dma source(%dma_start3A_36 : memref<64xi32, #tpu.memory_space<hbm>>) target(%dma_start3A_35 : memref<64xi32, #tpu.memory_space<vmem>>) target_semaphore(%arg8 : memref<!tpu.dma_semaphore, #tpu.memory_space<semaphore_mem>>)
    %dma_start3A_37 = arith.constant 1 : i32
    %dma_start3A_38 = arith.constant 0 : i32
    %dma_start3A_39 = arith.constant 0 : i32
    %dma_start3A_40 = tpu.memref_slice %arg6[%dma_start3A_37, %dma_start3A_38, %dma_start3A_39] : memref<2x64x768xf32, #tpu.memory_space<vmem>> -> memref<1x64x768xf32, #tpu.memory_space<vmem>>
    %dma_start3A_41 = tpu.memref_squeeze %dma_start3A_40 : memref<1x64x768xf32, #tpu.memory_space<vmem>> -> memref<64x768xf32, #tpu.memory_space<vmem>>
    %dma_start3A_42 = arith.constant 0 : i32
    %dma_start3A_43 = tpu.memref_slice %arg2[%add3A_27, %dma_start3A_42] : memref<16384x768xf32, #tpu.memory_space<hbm>> -> memref<64x768xf32, #tpu.memory_space<hbm>>
    %dma_start3A_44 = arith.constant 0 : i32
    %dma_start3A_45 = arith.constant 0 : i32
    %dma_start3A_46 = tpu.memref_slice %arg6[%dma_start3A_37, %dma_start3A_44, %dma_start3A_45] : memref<2x64x768xf32, #tpu.memory_space<vmem>> -> memref<1x64x768xf32, #tpu.memory_space<vmem>>
    %dma_start3A_47 = tpu.memref_squeeze %dma_start3A_46 : memref<1x64x768xf32, #tpu.memory_space<vmem>> -> memref<64x768xf32, #tpu.memory_space<vmem>>
    %dma_start3A_48 = arith.constant 0 : i32
    %dma_start3A_49 = tpu.memref_slice %arg2[%add3A_27, %dma_start3A_48] : memref<16384x768xf32, #tpu.memory_space<hbm>> -> memref<64x768xf32, #tpu.memory_space<hbm>>
    tpu.enqueue_dma source(%dma_start3A_49 : memref<64x768xf32, #tpu.memory_space<hbm>>) target(%dma_start3A_47 : memref<64x768xf32, #tpu.memory_space<vmem>>) target_semaphore(%arg8 : memref<!tpu.dma_semaphore, #tpu.memory_space<semaphore_mem>>)
    %dma_wait3A = arith.constant 0 : i32
    %dma_wait3A_50 = arith.constant 0 : i32
    %dma_wait3A_51 = tpu.memref_slice %arg5[%dma_wait3A, %dma_wait3A_50] : memref<2x64xi32, #tpu.memory_space<vmem>> -> memref<1x64xi32, #tpu.memory_space<vmem>>
    %dma_wait3A_52 = tpu.memref_squeeze %dma_wait3A_51 : memref<1x64xi32, #tpu.memory_space<vmem>> -> memref<64xi32, #tpu.memory_space<vmem>>
    %dma_wait3A_53 = tpu.memref_slice %arg3[%add3A_4] : memref<16384xi32, #tpu.memory_space<hbm>> -> memref<64xi32, #tpu.memory_space<hbm>>
    %dma_wait3A_54 = arith.constant 0 : i32
    %dma_wait3A_55 = tpu.memref_slice %arg5[%dma_wait3A, %dma_wait3A_54] : memref<2x64xi32, #tpu.memory_space<vmem>> -> memref<1x64xi32, #tpu.memory_space<vmem>>
    %dma_wait3A_56 = tpu.memref_squeeze %dma_wait3A_55 : memref<1x64xi32, #tpu.memory_space<vmem>> -> memref<64xi32, #tpu.memory_space<vmem>>
    %dma_wait3A_57 = tpu.memref_slice %arg3[%add3A_4] : memref<16384xi32, #tpu.memory_space<hbm>> -> memref<64xi32, #tpu.memory_space<hbm>>
    tpu.wait_dma2 semaphore(%arg7 : memref<!tpu.dma_semaphore, #tpu.memory_space<semaphore_mem>>) src(%dma_wait3A_57 : memref<64xi32, #tpu.memory_space<hbm>>) dst(%dma_wait3A_56 : memref<64xi32, #tpu.memory_space<vmem>>)
    %dma_wait3A_58 = arith.constant 0 : i32
    %dma_wait3A_59 = arith.constant 0 : i32
    %dma_wait3A_60 = arith.constant 0 : i32
    %dma_wait3A_61 = tpu.memref_slice %arg6[%dma_wait3A_58, %dma_wait3A_59, %dma_wait3A_60] : memref<2x64x768xf32, #tpu.memory_space<vmem>> -> memref<1x64x768xf32, #tpu.memory_space<vmem>>
    %dma_wait3A_62 = tpu.memref_squeeze %dma_wait3A_61 : memref<1x64x768xf32, #tpu.memory_space<vmem>> -> memref<64x768xf32, #tpu.memory_space<vmem>>
    %dma_wait3A_63 = arith.constant 0 : i32
    %dma_wait3A_64 = tpu.memref_slice %arg2[%add3A_4, %dma_wait3A_63] : memref<16384x768xf32, #tpu.memory_space<hbm>> -> memref<64x768xf32, #tpu.memory_space<hbm>>
    %dma_wait3A_65 = arith.constant 0 : i32
    %dma_wait3A_66 = arith.constant 0 : i32
    %dma_wait3A_67 = tpu.memref_slice %arg6[%dma_wait3A_58, %dma_wait3A_65, %dma_wait3A_66] : memref<2x64x768xf32, #tpu.memory_space<vmem>> -> memref<1x64x768xf32, #tpu.memory_space<vmem>>
    %dma_wait3A_68 = tpu.memref_squeeze %dma_wait3A_67 : memref<1x64x768xf32, #tpu.memory_space<vmem>> -> memref<64x768xf32, #tpu.memory_space<vmem>>
    %dma_wait3A_69 = arith.constant 0 : i32
    %dma_wait3A_70 = tpu.memref_slice %arg2[%add3A_4, %dma_wait3A_69] : memref<16384x768xf32, #tpu.memory_space<hbm>> -> memref<64x768xf32, #tpu.memory_space<hbm>>
    tpu.wait_dma2 semaphore(%arg7 : memref<!tpu.dma_semaphore, #tpu.memory_space<semaphore_mem>>) src(%dma_wait3A_70 : memref<64x768xf32, #tpu.memory_space<hbm>>) dst(%dma_wait3A_68 : memref<64x768xf32, #tpu.memory_space<vmem>>)
    %dma_start3A_71 = arith.constant 0 : i32
    %dma_start3A_72 = arith.constant 0 : i32
    %dma_start3A_73 = arith.constant 0 : i32
    %dma_start3A_74 = arith.constant 0 : i32
    %dma_start3A_75 = tpu.memref_slice %arg6[%dma_start3A_71, %dma_start3A_73, %dma_start3A_74] : memref<2x64x768xf32, #tpu.memory_space<vmem>> -> memref<1x64x768xf32, #tpu.memory_space<vmem>>
    %dma_start3A_76 = tpu.memref_squeeze %dma_start3A_75 : memref<1x64x768xf32, #tpu.memory_space<vmem>> -> memref<64x768xf32, #tpu.memory_space<vmem>>
    %dma_start3A_77 = arith.constant 0 : i32
    %dma_start3A_78 = tpu.memref_slice %arg5[%dma_start3A_72, %dma_start3A_77] : memref<2x64xi32, #tpu.memory_space<vmem>> -> memref<1x64xi32, #tpu.memory_space<vmem>>
    %dma_start3A_79 = tpu.memref_squeeze %dma_start3A_78 : memref<1x64xi32, #tpu.memory_space<vmem>> -> memref<64xi32, #tpu.memory_space<vmem>>
    %dma_start3A_80 = arith.constant 0 : i32
    %dma_start3A_81 = arith.constant 0 : i32
    %dma_start3A_82 = tpu.memref_slice %arg4[%dma_start3A_80, %dma_start3A_81] : memref<20480x768xf32, #tpu.memory_space<hbm>> -> memref<20480x768xf32, #tpu.memory_space<hbm>>
    tpu.enqueue_indirect_dma source(%dma_start3A_76 : memref<64x768xf32, #tpu.memory_space<vmem>>) target(%dma_start3A_82 : memref<20480x768xf32, #tpu.memory_space<hbm>>) offsets(%dma_start3A_79 : memref<64xi32, #tpu.memory_space<vmem>>) semaphore(%arg9 : memref<!tpu.dma_semaphore, #tpu.memory_space<semaphore_mem>>)
    %dma_wait3A_83 = arith.constant 0 : i32
    %dma_wait3A_84 = arith.constant 0 : i32
    %dma_wait3A_85 = arith.constant 0 : i32
    %dma_wait3A_86 = arith.constant 0 : i32
    %dma_wait3A_87 = tpu.memref_slice %arg6[%dma_wait3A_83, %dma_wait3A_85, %dma_wait3A_86] : memref<2x64x768xf32, #tpu.memory_space<vmem>> -> memref<1x64x768xf32, #tpu.memory_space<vmem>>
    %dma_wait3A_88 = tpu.memref_squeeze %dma_wait3A_87 : memref<1x64x768xf32, #tpu.memory_space<vmem>> -> memref<64x768xf32, #tpu.memory_space<vmem>>
    %dma_wait3A_89 = arith.constant 0 : i32
    %dma_wait3A_90 = tpu.memref_slice %arg5[%dma_wait3A_84, %dma_wait3A_89] : memref<2x64xi32, #tpu.memory_space<vmem>> -> memref<1x64xi32, #tpu.memory_space<vmem>>
    %dma_wait3A_91 = tpu.memref_squeeze %dma_wait3A_90 : memref<1x64xi32, #tpu.memory_space<vmem>> -> memref<64xi32, #tpu.memory_space<vmem>>
    %dma_wait3A_92 = arith.constant 0 : i32
    %dma_wait3A_93 = arith.constant 0 : i32
    %dma_wait3A_94 = tpu.memref_slice %arg4[%dma_wait3A_92, %dma_wait3A_93] : memref<20480x768xf32, #tpu.memory_space<hbm>> -> memref<20480x768xf32, #tpu.memory_space<hbm>>
    tpu.wait_indirect_dma semaphore(%arg9 : memref<!tpu.dma_semaphore, #tpu.memory_space<semaphore_mem>>) src(%dma_wait3A_88 : memref<64x768xf32, #tpu.memory_space<vmem>>) dst(%dma_wait3A_94 : memref<20480x768xf32, #tpu.memory_space<hbm>>)
    %add3A_95 = arith.constant 128 : i32
    %add3A_96 = arith.addi %mul3A_2, %add3A_95 : i32
    %dma_start3A_97 = arith.constant 0 : i32
    %dma_start3A_98 = arith.constant 0 : i32
    %dma_start3A_99 = tpu.memref_slice %arg5[%dma_start3A_97, %dma_start3A_98] : memref<2x64xi32, #tpu.memory_space<vmem>> -> memref<1x64xi32, #tpu.memory_space<vmem>>
    %dma_start3A_100 = tpu.memref_squeeze %dma_start3A_99 : memref<1x64xi32, #tpu.memory_space<vmem>> -> memref<64xi32, #tpu.memory_space<vmem>>
    %dma_start3A_101 = tpu.memref_slice %arg3[%add3A_96] : memref<16384xi32, #tpu.memory_space<hbm>> -> memref<64xi32, #tpu.memory_space<hbm>>
    %dma_start3A_102 = arith.constant 0 : i32
    %dma_start3A_103 = tpu.memref_slice %arg5[%dma_start3A_97, %dma_start3A_102] : memref<2x64xi32, #tpu.memory_space<vmem>> -> memref<1x64xi32, #tpu.memory_space<vmem>>
    %dma_start3A_104 = tpu.memref_squeeze %dma_start3A_103 : memref<1x64xi32, #tpu.memory_space<vmem>> -> memref<64xi32, #tpu.memory_space<vmem>>
    %dma_start3A_105 = tpu.memref_slice %arg3[%add3A_96] : memref<16384xi32, #tpu.memory_space<hbm>> -> memref<64xi32, #tpu.memory_space<hbm>>
    tpu.enqueue_dma source(%dma_start3A_105 : memref<64xi32, #tpu.memory_space<hbm>>) target(%dma_start3A_104 : memref<64xi32, #tpu.memory_space<vmem>>) target_semaphore(%arg7 : memref<!tpu.dma_semaphore, #tpu.memory_space<semaphore_mem>>)
    %dma_start3A_106 = arith.constant 0 : i32
    %dma_start3A_107 = arith.constant 0 : i32
    %dma_start3A_108 = arith.constant 0 : i32
    %dma_start3A_109 = tpu.memref_slice %arg6[%dma_start3A_106, %dma_start3A_107, %dma_start3A_108] : memref<2x64x768xf32, #tpu.memory_space<vmem>> -> memref<1x64x768xf32, #tpu.memory_space<vmem>>
    %dma_start3A_110 = tpu.memref_squeeze %dma_start3A_109 : memref<1x64x768xf32, #tpu.memory_space<vmem>> -> memref<64x768xf32, #tpu.memory_space<vmem>>
    %dma_start3A_111 = arith.constant 0 : i32
    %dma_start3A_112 = tpu.memref_slice %arg2[%add3A_96, %dma_start3A_111] : memref<16384x768xf32, #tpu.memory_space<hbm>> -> memref<64x768xf32, #tpu.memory_space<hbm>>
    %dma_start3A_113 = arith.constant 0 : i32
    %dma_start3A_114 = arith.constant 0 : i32
    %dma_start3A_115 = tpu.memref_slice %arg6[%dma_start3A_106, %dma_start3A_113, %dma_start3A_114] : memref<2x64x768xf32, #tpu.memory_space<vmem>> -> memref<1x64x768xf32, #tpu.memory_space<vmem>>
    %dma_start3A_116 = tpu.memref_squeeze %dma_start3A_115 : memref<1x64x768xf32, #tpu.memory_space<vmem>> -> memref<64x768xf32, #tpu.memory_space<vmem>>
    %dma_start3A_117 = arith.constant 0 : i32
    %dma_start3A_118 = tpu.memref_slice %arg2[%add3A_96, %dma_start3A_117] : memref<16384x768xf32, #tpu.memory_space<hbm>> -> memref<64x768xf32, #tpu.memory_space<hbm>>
    tpu.enqueue_dma source(%dma_start3A_118 : memref<64x768xf32, #tpu.memory_space<hbm>>) target(%dma_start3A_116 : memref<64x768xf32, #tpu.memory_space<vmem>>) target_semaphore(%arg7 : memref<!tpu.dma_semaphore, #tpu.memory_space<semaphore_mem>>)
    %dma_wait3A_119 = arith.constant 1 : i32
    %dma_wait3A_120 = arith.constant 0 : i32
    %dma_wait3A_121 = tpu.memref_slice %arg5[%dma_wait3A_119, %dma_wait3A_120] : memref<2x64xi32, #tpu.memory_space<vmem>> -> memref<1x64xi32, #tpu.memory_space<vmem>>
    %dma_wait3A_122 = tpu.memref_squeeze %dma_wait3A_121 : memref<1x64xi32, #tpu.memory_space<vmem>> -> memref<64xi32, #tpu.memory_space<vmem>>
    %dma_wait3A_123 = tpu.memref_slice %arg3[%add3A_27] : memref<16384xi32, #tpu.memory_space<hbm>> -> memref<64xi32, #tpu.memory_space<hbm>>
    %dma_wait3A_124 = arith.constant 0 : i32
    %dma_wait3A_125 = tpu.memref_slice %arg5[%dma_wait3A_119, %dma_wait3A_124] : memref<2x64xi32, #tpu.memory_space<vmem>> -> memref<1x64xi32, #tpu.memory_space<vmem>>
    %dma_wait3A_126 = tpu.memref_squeeze %dma_wait3A_125 : memref<1x64xi32, #tpu.memory_space<vmem>> -> memref<64xi32, #tpu.memory_space<vmem>>
    %dma_wait3A_127 = tpu.memref_slice %arg3[%add3A_27] : memref<16384xi32, #tpu.memory_space<hbm>> -> memref<64xi32, #tpu.memory_space<hbm>>
    tpu.wait_dma2 semaphore(%arg8 : memref<!tpu.dma_semaphore, #tpu.memory_space<semaphore_mem>>) src(%dma_wait3A_127 : memref<64xi32, #tpu.memory_space<hbm>>) dst(%dma_wait3A_126 : memref<64xi32, #tpu.memory_space<vmem>>)
    %dma_wait3A_128 = arith.constant 1 : i32
    %dma_wait3A_129 = arith.constant 0 : i32
    %dma_wait3A_130 = arith.constant 0 : i32
    %dma_wait3A_131 = tpu.memref_slice %arg6[%dma_wait3A_128, %dma_wait3A_129, %dma_wait3A_130] : memref<2x64x768xf32, #tpu.memory_space<vmem>> -> memref<1x64x768xf32, #tpu.memory_space<vmem>>
    %dma_wait3A_132 = tpu.memref_squeeze %dma_wait3A_131 : memref<1x64x768xf32, #tpu.memory_space<vmem>> -> memref<64x768xf32, #tpu.memory_space<vmem>>
    %dma_wait3A_133 = arith.constant 0 : i32
    %dma_wait3A_134 = tpu.memref_slice %arg2[%add3A_27, %dma_wait3A_133] : memref<16384x768xf32, #tpu.memory_space<hbm>> -> memref<64x768xf32, #tpu.memory_space<hbm>>
    %dma_wait3A_135 = arith.constant 0 : i32
    %dma_wait3A_136 = arith.constant 0 : i32
    %dma_wait3A_137 = tpu.memref_slice %arg6[%dma_wait3A_128, %dma_wait3A_135, %dma_wait3A_136] : memref<2x64x768xf32, #tpu.memory_space<vmem>> -> memref<1x64x768xf32, #tpu.memory_space<vmem>>
    %dma_wait3A_138 = tpu.memref_squeeze %dma_wait3A_137 : memref<1x64x768xf32, #tpu.memory_space<vmem>> -> memref<64x768xf32, #tpu.memory_space<vmem>>
    %dma_wait3A_139 = arith.constant 0 : i32
    %dma_wait3A_140 = tpu.memref_slice %arg2[%add3A_27, %dma_wait3A_139] : memref<16384x768xf32, #tpu.memory_space<hbm>> -> memref<64x768xf32, #tpu.memory_space<hbm>>
    tpu.wait_dma2 semaphore(%arg8 : memref<!tpu.dma_semaphore, #tpu.memory_space<semaphore_mem>>) src(%dma_wait3A_140 : memref<64x768xf32, #tpu.memory_space<hbm>>) dst(%dma_wait3A_138 : memref<64x768xf32, #tpu.memory_space<vmem>>)
    %dma_start3A_141 = arith.constant 1 : i32
    %dma_start3A_142 = arith.constant 1 : i32
    %dma_start3A_143 = arith.constant 0 : i32
    %dma_start3A_144 = arith.constant 0 : i32
    %dma_start3A_145 = tpu.memref_slice %arg6[%dma_start3A_141, %dma_start3A_143, %dma_start3A_144] : memref<2x64x768xf32, #tpu.memory_space<vmem>> -> memref<1x64x768xf32, #tpu.memory_space<vmem>>
    %dma_start3A_146 = tpu.memref_squeeze %dma_start3A_145 : memref<1x64x768xf32, #tpu.memory_space<vmem>> -> memref<64x768xf32, #tpu.memory_space<vmem>>
    %dma_start3A_147 = arith.constant 0 : i32
    %dma_start3A_148 = tpu.memref_slice %arg5[%dma_start3A_142, %dma_start3A_147] : memref<2x64xi32, #tpu.memory_space<vmem>> -> memref<1x64xi32, #tpu.memory_space<vmem>>
    %dma_start3A_149 = tpu.memref_squeeze %dma_start3A_148 : memref<1x64xi32, #tpu.memory_space<vmem>> -> memref<64xi32, #tpu.memory_space<vmem>>
    %dma_start3A_150 = arith.constant 0 : i32
    %dma_start3A_151 = arith.constant 0 : i32
    %dma_start3A_152 = tpu.memref_slice %arg4[%dma_start3A_150, %dma_start3A_151] : memref<20480x768xf32, #tpu.memory_space<hbm>> -> memref<20480x768xf32, #tpu.memory_space<hbm>>
    tpu.enqueue_indirect_dma source(%dma_start3A_146 : memref<64x768xf32, #tpu.memory_space<vmem>>) target(%dma_start3A_152 : memref<20480x768xf32, #tpu.memory_space<hbm>>) offsets(%dma_start3A_149 : memref<64xi32, #tpu.memory_space<vmem>>) semaphore(%arg9 : memref<!tpu.dma_semaphore, #tpu.memory_space<semaphore_mem>>)
    %dma_wait3A_153 = arith.constant 1 : i32
    %dma_wait3A_154 = arith.constant 1 : i32
    %dma_wait3A_155 = arith.constant 0 : i32
    %dma_wait3A_156 = arith.constant 0 : i32
    %dma_wait3A_157 = tpu.memref_slice %arg6[%dma_wait3A_153, %dma_wait3A_155, %dma_wait3A_156] : memref<2x64x768xf32, #tpu.memory_space<vmem>> -> memref<1x64x768xf32, #tpu.memory_space<vmem>>
    %dma_wait3A_158 = tpu.memref_squeeze %dma_wait3A_157 : memref<1x64x768xf32, #tpu.memory_space<vmem>> -> memref<64x768xf32, #tpu.memory_space<vmem>>
    %dma_wait3A_159 = arith.constant 0 : i32
    %dma_wait3A_160 = tpu.memref_slice %arg5[%dma_wait3A_154, %dma_wait3A_159] : memref<2x64xi32, #tpu.memory_space<vmem>> -> memref<1x64xi32, #tpu.memory_space<vmem>>
    %dma_wait3A_161 = tpu.memref_squeeze %dma_wait3A_160 : memref<1x64xi32, #tpu.memory_space<vmem>> -> memref<64xi32, #tpu.memory_space<vmem>>
    %dma_wait3A_162 = arith.constant 0 : i32
    %dma_wait3A_163 = arith.constant 0 : i32
    %dma_wait3A_164 = tpu.memref_slice %arg4[%dma_wait3A_162, %dma_wait3A_163] : memref<20480x768xf32, #tpu.memory_space<hbm>> -> memref<20480x768xf32, #tpu.memory_space<hbm>>
    tpu.wait_indirect_dma semaphore(%arg9 : memref<!tpu.dma_semaphore, #tpu.memory_space<semaphore_mem>>) src(%dma_wait3A_158 : memref<64x768xf32, #tpu.memory_space<vmem>>) dst(%dma_wait3A_164 : memref<20480x768xf32, #tpu.memory_space<hbm>>)
    %add3A_165 = arith.constant 192 : i32
    %add3A_166 = arith.addi %mul3A_2, %add3A_165 : i32
    %dma_start3A_167 = arith.constant 1 : i32
    %dma_start3A_168 = arith.constant 0 : i32
    %dma_start3A_169 = tpu.memref_slice %arg5[%dma_start3A_167, %dma_start3A_168] : memref<2x64xi32, #tpu.memory_space<vmem>> -> memref<1x64xi32, #tpu.memory_space<vmem>>
    %dma_start3A_170 = tpu.memref_squeeze %dma_start3A_169 : memref<1x64xi32, #tpu.memory_space<vmem>> -> memref<64xi32, #tpu.memory_space<vmem>>
    %dma_start3A_171 = tpu.memref_slice %arg3[%add3A_166] : memref<16384xi32, #tpu.memory_space<hbm>> -> memref<64xi32, #tpu.memory_space<hbm>>
    %dma_start3A_172 = arith.constant 0 : i32
    %dma_start3A_173 = tpu.memref_slice %arg5[%dma_start3A_167, %dma_start3A_172] : memref<2x64xi32, #tpu.memory_space<vmem>> -> memref<1x64xi32, #tpu.memory_space<vmem>>
    %dma_start3A_174 = tpu.memref_squeeze %dma_start3A_173 : memref<1x64xi32, #tpu.memory_space<vmem>> -> memref<64xi32, #tpu.memory_space<vmem>>
    %dma_start3A_175 = tpu.memref_slice %arg3[%add3A_166] : memref<16384xi32, #tpu.memory_space<hbm>> -> memref<64xi32, #tpu.memory_space<hbm>>
    tpu.enqueue_dma source(%dma_start3A_175 : memref<64xi32, #tpu.memory_space<hbm>>) target(%dma_start3A_174 : memref<64xi32, #tpu.memory_space<vmem>>) target_semaphore(%arg8 : memref<!tpu.dma_semaphore, #tpu.memory_space<semaphore_mem>>)
    %dma_start3A_176 = arith.constant 1 : i32
    %dma_start3A_177 = arith.constant 0 : i32
    %dma_start3A_178 = arith.constant 0 : i32
    %dma_start3A_179 = tpu.memref_slice %arg6[%dma_start3A_176, %dma_start3A_177, %dma_start3A_178] : memref<2x64x768xf32, #tpu.memory_space<vmem>> -> memref<1x64x768xf32, #tpu.memory_space<vmem>>
    %dma_start3A_180 = tpu.memref_squeeze %dma_start3A_179 : memref<1x64x768xf32, #tpu.memory_space<vmem>> -> memref<64x768xf32, #tpu.memory_space<vmem>>
    %dma_start3A_181 = arith.constant 0 : i32
    %dma_start3A_182 = tpu.memref_slice %arg2[%add3A_166, %dma_start3A_181] : memref<16384x768xf32, #tpu.memory_space<hbm>> -> memref<64x768xf32, #tpu.memory_space<hbm>>
    %dma_start3A_183 = arith.constant 0 : i32
    %dma_start3A_184 = arith.constant 0 : i32
    %dma_start3A_185 = tpu.memref_slice %arg6[%dma_start3A_176, %dma_start3A_183, %dma_start3A_184] : memref<2x64x768xf32, #tpu.memory_space<vmem>> -> memref<1x64x768xf32, #tpu.memory_space<vmem>>
    %dma_start3A_186 = tpu.memref_squeeze %dma_start3A_185 : memref<1x64x768xf32, #tpu.memory_space<vmem>> -> memref<64x768xf32, #tpu.memory_space<vmem>>
    %dma_start3A_187 = arith.constant 0 : i32
    %dma_start3A_188 = tpu.memref_slice %arg2[%add3A_166, %dma_start3A_187] : memref<16384x768xf32, #tpu.memory_space<hbm>> -> memref<64x768xf32, #tpu.memory_space<hbm>>
    tpu.enqueue_dma source(%dma_start3A_188 : memref<64x768xf32, #tpu.memory_space<hbm>>) target(%dma_start3A_186 : memref<64x768xf32, #tpu.memory_space<vmem>>) target_semaphore(%arg8 : memref<!tpu.dma_semaphore, #tpu.memory_space<semaphore_mem>>)
    %dma_wait3A_189 = arith.constant 0 : i32
    %dma_wait3A_190 = arith.constant 0 : i32
    %dma_wait3A_191 = tpu.memref_slice %arg5[%dma_wait3A_189, %dma_wait3A_190] : memref<2x64xi32, #tpu.memory_space<vmem>> -> memref<1x64xi32, #tpu.memory_space<vmem>>
    %dma_wait3A_192 = tpu.memref_squeeze %dma_wait3A_191 : memref<1x64xi32, #tpu.memory_space<vmem>> -> memref<64xi32, #tpu.memory_space<vmem>>
    %dma_wait3A_193 = tpu.memref_slice %arg3[%add3A_96] : memref<16384xi32, #tpu.memory_space<hbm>> -> memref<64xi32, #tpu.memory_space<hbm>>
    %dma_wait3A_194 = arith.constant 0 : i32
    %dma_wait3A_195 = tpu.memref_slice %arg5[%dma_wait3A_189, %dma_wait3A_194] : memref<2x64xi32, #tpu.memory_space<vmem>> -> memref<1x64xi32, #tpu.memory_space<vmem>>
    %dma_wait3A_196 = tpu.memref_squeeze %dma_wait3A_195 : memref<1x64xi32, #tpu.memory_space<vmem>> -> memref<64xi32, #tpu.memory_space<vmem>>
    %dma_wait3A_197 = tpu.memref_slice %arg3[%add3A_96] : memref<16384xi32, #tpu.memory_space<hbm>> -> memref<64xi32, #tpu.memory_space<hbm>>
    tpu.wait_dma2 semaphore(%arg7 : memref<!tpu.dma_semaphore, #tpu.memory_space<semaphore_mem>>) src(%dma_wait3A_197 : memref<64xi32, #tpu.memory_space<hbm>>) dst(%dma_wait3A_196 : memref<64xi32, #tpu.memory_space<vmem>>)
    %dma_wait3A_198 = arith.constant 0 : i32
    %dma_wait3A_199 = arith.constant 0 : i32
    %dma_wait3A_200 = arith.constant 0 : i32
    %dma_wait3A_201 = tpu.memref_slice %arg6[%dma_wait3A_198, %dma_wait3A_199, %dma_wait3A_200] : memref<2x64x768xf32, #tpu.memory_space<vmem>> -> memref<1x64x768xf32, #tpu.memory_space<vmem>>
    %dma_wait3A_202 = tpu.memref_squeeze %dma_wait3A_201 : memref<1x64x768xf32, #tpu.memory_space<vmem>> -> memref<64x768xf32, #tpu.memory_space<vmem>>
    %dma_wait3A_203 = arith.constant 0 : i32
    %dma_wait3A_204 = tpu.memref_slice %arg2[%add3A_96, %dma_wait3A_203] : memref<16384x768xf32, #tpu.memory_space<hbm>> -> memref<64x768xf32, #tpu.memory_space<hbm>>
    %dma_wait3A_205 = arith.constant 0 : i32
    %dma_wait3A_206 = arith.constant 0 : i32
    %dma_wait3A_207 = tpu.memref_slice %arg6[%dma_wait3A_198, %dma_wait3A_205, %dma_wait3A_206] : memref<2x64x768xf32, #tpu.memory_space<vmem>> -> memref<1x64x768xf32, #tpu.memory_space<vmem>>
    %dma_wait3A_208 = tpu.memref_squeeze %dma_wait3A_207 : memref<1x64x768xf32, #tpu.memory_space<vmem>> -> memref<64x768xf32, #tpu.memory_space<vmem>>
    %dma_wait3A_209 = arith.constant 0 : i32
    %dma_wait3A_210 = tpu.memref_slice %arg2[%add3A_96, %dma_wait3A_209] : memref<16384x768xf32, #tpu.memory_space<hbm>> -> memref<64x768xf32, #tpu.memory_space<hbm>>
    tpu.wait_dma2 semaphore(%arg7 : memref<!tpu.dma_semaphore, #tpu.memory_space<semaphore_mem>>) src(%dma_wait3A_210 : memref<64x768xf32, #tpu.memory_space<hbm>>) dst(%dma_wait3A_208 : memref<64x768xf32, #tpu.memory_space<vmem>>)
    %dma_start3A_211 = arith.constant 0 : i32
    %dma_start3A_212 = arith.constant 0 : i32
    %dma_start3A_213 = arith.constant 0 : i32
    %dma_start3A_214 = arith.constant 0 : i32
    %dma_start3A_215 = tpu.memref_slice %arg6[%dma_start3A_211, %dma_start3A_213, %dma_start3A_214] : memref<2x64x768xf32, #tpu.memory_space<vmem>> -> memref<1x64x768xf32, #tpu.memory_space<vmem>>
    %dma_start3A_216 = tpu.memref_squeeze %dma_start3A_215 : memref<1x64x768xf32, #tpu.memory_space<vmem>> -> memref<64x768xf32, #tpu.memory_space<vmem>>
    %dma_start3A_217 = arith.constant 0 : i32
    %dma_start3A_218 = tpu.memref_slice %arg5[%dma_start3A_212, %dma_start3A_217] : memref<2x64xi32, #tpu.memory_space<vmem>> -> memref<1x64xi32, #tpu.memory_space<vmem>>
    %dma_start3A_219 = tpu.memref_squeeze %dma_start3A_218 : memref<1x64xi32, #tpu.memory_space<vmem>> -> memref<64xi32, #tpu.memory_space<vmem>>
    %dma_start3A_220 = arith.constant 0 : i32
    %dma_start3A_221 = arith.constant 0 : i32
    %dma_start3A_222 = tpu.memref_slice %arg4[%dma_start3A_220, %dma_start3A_221] : memref<20480x768xf32, #tpu.memory_space<hbm>> -> memref<20480x768xf32, #tpu.memory_space<hbm>>
    tpu.enqueue_indirect_dma source(%dma_start3A_216 : memref<64x768xf32, #tpu.memory_space<vmem>>) target(%dma_start3A_222 : memref<20480x768xf32, #tpu.memory_space<hbm>>) offsets(%dma_start3A_219 : memref<64xi32, #tpu.memory_space<vmem>>) semaphore(%arg9 : memref<!tpu.dma_semaphore, #tpu.memory_space<semaphore_mem>>)
    %dma_wait3A_223 = arith.constant 0 : i32
    %dma_wait3A_224 = arith.constant 0 : i32
    %dma_wait3A_225 = arith.constant 0 : i32
    %dma_wait3A_226 = arith.constant 0 : i32
    %dma_wait3A_227 = tpu.memref_slice %arg6[%dma_wait3A_223, %dma_wait3A_225, %dma_wait3A_226] : memref<2x64x768xf32, #tpu.memory_space<vmem>> -> memref<1x64x768xf32, #tpu.memory_space<vmem>>
    %dma_wait3A_228 = tpu.memref_squeeze %dma_wait3A_227 : memref<1x64x768xf32, #tpu.memory_space<vmem>> -> memref<64x768xf32, #tpu.memory_space<vmem>>
    %dma_wait3A_229 = arith.constant 0 : i32
    %dma_wait3A_230 = tpu.memref_slice %arg5[%dma_wait3A_224, %dma_wait3A_229] : memref<2x64xi32, #tpu.memory_space<vmem>> -> memref<1x64xi32, #tpu.memory_space<vmem>>
    %dma_wait3A_231 = tpu.memref_squeeze %dma_wait3A_230 : memref<1x64xi32, #tpu.memory_space<vmem>> -> memref<64xi32, #tpu.memory_space<vmem>>
    %dma_wait3A_232 = arith.constant 0 : i32
    %dma_wait3A_233 = arith.constant 0 : i32
    %dma_wait3A_234 = tpu.memref_slice %arg4[%dma_wait3A_232, %dma_wait3A_233] : memref<20480x768xf32, #tpu.memory_space<hbm>> -> memref<20480x768xf32, #tpu.memory_space<hbm>>
    tpu.wait_indirect_dma semaphore(%arg9 : memref<!tpu.dma_semaphore, #tpu.memory_space<semaphore_mem>>) src(%dma_wait3A_228 : memref<64x768xf32, #tpu.memory_space<vmem>>) dst(%dma_wait3A_234 : memref<20480x768xf32, #tpu.memory_space<hbm>>)
    %add3A_235 = arith.constant 256 : i32
    %add3A_236 = arith.addi %mul3A_2, %add3A_235 : i32
    %dma_start3A_237 = arith.constant 0 : i32
    %dma_start3A_238 = arith.constant 0 : i32
    %dma_start3A_239 = tpu.memref_slice %arg5[%dma_start3A_237, %dma_start3A_238] : memref<2x64xi32, #tpu.memory_space<vmem>> -> memref<1x64xi32, #tpu.memory_space<vmem>>
    %dma_start3A_240 = tpu.memref_squeeze %dma_start3A_239 : memref<1x64xi32, #tpu.memory_space<vmem>> -> memref<64xi32, #tpu.memory_space<vmem>>
    %dma_start3A_241 = tpu.memref_slice %arg3[%add3A_236] : memref<16384xi32, #tpu.memory_space<hbm>> -> memref<64xi32, #tpu.memory_space<hbm>>
    %dma_start3A_242 = arith.constant 0 : i32
    %dma_start3A_243 = tpu.memref_slice %arg5[%dma_start3A_237, %dma_start3A_242] : memref<2x64xi32, #tpu.memory_space<vmem>> -> memref<1x64xi32, #tpu.memory_space<vmem>>
    %dma_start3A_244 = tpu.memref_squeeze %dma_start3A_243 : memref<1x64xi32, #tpu.memory_space<vmem>> -> memref<64xi32, #tpu.memory_space<vmem>>
    %dma_start3A_245 = tpu.memref_slice %arg3[%add3A_236] : memref<16384xi32, #tpu.memory_space<hbm>> -> memref<64xi32, #tpu.memory_space<hbm>>
    tpu.enqueue_dma source(%dma_start3A_245 : memref<64xi32, #tpu.memory_space<hbm>>) target(%dma_start3A_244 : memref<64xi32, #tpu.memory_space<vmem>>) target_semaphore(%arg7 : memref<!tpu.dma_semaphore, #tpu.memory_space<semaphore_mem>>)
    %dma_start3A_246 = arith.constant 0 : i32
    %dma_start3A_247 = arith.constant 0 : i32
    %dma_start3A_248 = arith.constant 0 : i32
    %dma_start3A_249 = tpu.memref_slice %arg6[%dma_start3A_246, %dma_start3A_247, %dma_start3A_248] : memref<2x64x768xf32, #tpu.memory_space<vmem>> -> memref<1x64x768xf32, #tpu.memory_space<vmem>>
    %dma_start3A_250 = tpu.memref_squeeze %dma_start3A_249 : memref<1x64x768xf32, #tpu.memory_space<vmem>> -> memref<64x768xf32, #tpu.memory_space<vmem>>
    %dma_start3A_251 = arith.constant 0 : i32
    %dma_start3A_252 = tpu.memref_slice %arg2[%add3A_236, %dma_start3A_251] : memref<16384x768xf32, #tpu.memory_space<hbm>> -> memref<64x768xf32, #tpu.memory_space<hbm>>
    %dma_start3A_253 = arith.constant 0 : i32
    %dma_start3A_254 = arith.constant 0 : i32
    %dma_start3A_255 = tpu.memref_slice %arg6[%dma_start3A_246, %dma_start3A_253, %dma_start3A_254] : memref<2x64x768xf32, #tpu.memory_space<vmem>> -> memref<1x64x768xf32, #tpu.memory_space<vmem>>
    %dma_start3A_256 = tpu.memref_squeeze %dma_start3A_255 : memref<1x64x768xf32, #tpu.memory_space<vmem>> -> memref<64x768xf32, #tpu.memory_space<vmem>>
    %dma_start3A_257 = arith.constant 0 : i32
    %dma_start3A_258 = tpu.memref_slice %arg2[%add3A_236, %dma_start3A_257] : memref<16384x768xf32, #tpu.memory_space<hbm>> -> memref<64x768xf32, #tpu.memory_space<hbm>>
    tpu.enqueue_dma source(%dma_start3A_258 : memref<64x768xf32, #tpu.memory_space<hbm>>) target(%dma_start3A_256 : memref<64x768xf32, #tpu.memory_space<vmem>>) target_semaphore(%arg7 : memref<!tpu.dma_semaphore, #tpu.memory_space<semaphore_mem>>)
    %dma_wait3A_259 = arith.constant 1 : i32
    %dma_wait3A_260 = arith.constant 0 : i32
    %dma_wait3A_261 = tpu.memref_slice %arg5[%dma_wait3A_259, %dma_wait3A_260] : memref<2x64xi32, #tpu.memory_space<vmem>> -> memref<1x64xi32, #tpu.memory_space<vmem>>
    %dma_wait3A_262 = tpu.memref_squeeze %dma_wait3A_261 : memref<1x64xi32, #tpu.memory_space<vmem>> -> memref<64xi32, #tpu.memory_space<vmem>>
    %dma_wait3A_263 = tpu.memref_slice %arg3[%add3A_166] : memref<16384xi32, #tpu.memory_space<hbm>> -> memref<64xi32, #tpu.memory_space<hbm>>
    %dma_wait3A_264 = arith.constant 0 : i32
    %dma_wait3A_265 = tpu.memref_slice %arg5[%dma_wait3A_259, %dma_wait3A_264] : memref<2x64xi32, #tpu.memory_space<vmem>> -> memref<1x64xi32, #tpu.memory_space<vmem>>
    %dma_wait3A_266 = tpu.memref_squeeze %dma_wait3A_265 : memref<1x64xi32, #tpu.memory_space<vmem>> -> memref<64xi32, #tpu.memory_space<vmem>>
    %dma_wait3A_267 = tpu.memref_slice %arg3[%add3A_166] : memref<16384xi32, #tpu.memory_space<hbm>> -> memref<64xi32, #tpu.memory_space<hbm>>
    tpu.wait_dma2 semaphore(%arg8 : memref<!tpu.dma_semaphore, #tpu.memory_space<semaphore_mem>>) src(%dma_wait3A_267 : memref<64xi32, #tpu.memory_space<hbm>>) dst(%dma_wait3A_266 : memref<64xi32, #tpu.memory_space<vmem>>)
    %dma_wait3A_268 = arith.constant 1 : i32
    %dma_wait3A_269 = arith.constant 0 : i32
    %dma_wait3A_270 = arith.constant 0 : i32
    %dma_wait3A_271 = tpu.memref_slice %arg6[%dma_wait3A_268, %dma_wait3A_269, %dma_wait3A_270] : memref<2x64x768xf32, #tpu.memory_space<vmem>> -> memref<1x64x768xf32, #tpu.memory_space<vmem>>
    %dma_wait3A_272 = tpu.memref_squeeze %dma_wait3A_271 : memref<1x64x768xf32, #tpu.memory_space<vmem>> -> memref<64x768xf32, #tpu.memory_space<vmem>>
    %dma_wait3A_273 = arith.constant 0 : i32
    %dma_wait3A_274 = tpu.memref_slice %arg2[%add3A_166, %dma_wait3A_273] : memref<16384x768xf32, #tpu.memory_space<hbm>> -> memref<64x768xf32, #tpu.memory_space<hbm>>
    %dma_wait3A_275 = arith.constant 0 : i32
    %dma_wait3A_276 = arith.constant 0 : i32
    %dma_wait3A_277 = tpu.memref_slice %arg6[%dma_wait3A_268, %dma_wait3A_275, %dma_wait3A_276] : memref<2x64x768xf32, #tpu.memory_space<vmem>> -> memref<1x64x768xf32, #tpu.memory_space<vmem>>
    %dma_wait3A_278 = tpu.memref_squeeze %dma_wait3A_277 : memref<1x64x768xf32, #tpu.memory_space<vmem>> -> memref<64x768xf32, #tpu.memory_space<vmem>>
    %dma_wait3A_279 = arith.constant 0 : i32
    %dma_wait3A_280 = tpu.memref_slice %arg2[%add3A_166, %dma_wait3A_279] : memref<16384x768xf32, #tpu.memory_space<hbm>> -> memref<64x768xf32, #tpu.memory_space<hbm>>
    tpu.wait_dma2 semaphore(%arg8 : memref<!tpu.dma_semaphore, #tpu.memory_space<semaphore_mem>>) src(%dma_wait3A_280 : memref<64x768xf32, #tpu.memory_space<hbm>>) dst(%dma_wait3A_278 : memref<64x768xf32, #tpu.memory_space<vmem>>)
    %dma_start3A_281 = arith.constant 1 : i32
    %dma_start3A_282 = arith.constant 1 : i32
    %dma_start3A_283 = arith.constant 0 : i32
    %dma_start3A_284 = arith.constant 0 : i32
    %dma_start3A_285 = tpu.memref_slice %arg6[%dma_start3A_281, %dma_start3A_283, %dma_start3A_284] : memref<2x64x768xf32, #tpu.memory_space<vmem>> -> memref<1x64x768xf32, #tpu.memory_space<vmem>>
    %dma_start3A_286 = tpu.memref_squeeze %dma_start3A_285 : memref<1x64x768xf32, #tpu.memory_space<vmem>> -> memref<64x768xf32, #tpu.memory_space<vmem>>
    %dma_start3A_287 = arith.constant 0 : i32
    %dma_start3A_288 = tpu.memref_slice %arg5[%dma_start3A_282, %dma_start3A_287] : memref<2x64xi32, #tpu.memory_space<vmem>> -> memref<1x64xi32, #tpu.memory_space<vmem>>
    %dma_start3A_289 = tpu.memref_squeeze %dma_start3A_288 : memref<1x64xi32, #tpu.memory_space<vmem>> -> memref<64xi32, #tpu.memory_space<vmem>>
    %dma_start3A_290 = arith.constant 0 : i32
    %dma_start3A_291 = arith.constant 0 : i32
    %dma_start3A_292 = tpu.memref_slice %arg4[%dma_start3A_290, %dma_start3A_291] : memref<20480x768xf32, #tpu.memory_space<hbm>> -> memref<20480x768xf32, #tpu.memory_space<hbm>>
    tpu.enqueue_indirect_dma source(%dma_start3A_286 : memref<64x768xf32, #tpu.memory_space<vmem>>) target(%dma_start3A_292 : memref<20480x768xf32, #tpu.memory_space<hbm>>) offsets(%dma_start3A_289 : memref<64xi32, #tpu.memory_space<vmem>>) semaphore(%arg9 : memref<!tpu.dma_semaphore, #tpu.memory_space<semaphore_mem>>)
    %dma_wait3A_293 = arith.constant 1 : i32
    %dma_wait3A_294 = arith.constant 1 : i32
    %dma_wait3A_295 = arith.constant 0 : i32
    %dma_wait3A_296 = arith.constant 0 : i32
    %dma_wait3A_297 = tpu.memref_slice %arg6[%dma_wait3A_293, %dma_wait3A_295, %dma_wait3A_296] : memref<2x64x768xf32, #tpu.memory_space<vmem>> -> memref<1x64x768xf32, #tpu.memory_space<vmem>>
    %dma_wait3A_298 = tpu.memref_squeeze %dma_wait3A_297 : memref<1x64x768xf32, #tpu.memory_space<vmem>> -> memref<64x768xf32, #tpu.memory_space<vmem>>
    %dma_wait3A_299 = arith.constant 0 : i32
    %dma_wait3A_300 = tpu.memref_slice %arg5[%dma_wait3A_294, %dma_wait3A_299] : memref<2x64xi32, #tpu.memory_space<vmem>> -> memref<1x64xi32, #tpu.memory_space<vmem>>
    %dma_wait3A_301 = tpu.memref_squeeze %dma_wait3A_300 : memref<1x64xi32, #tpu.memory_space<vmem>> -> memref<64xi32, #tpu.memory_space<vmem>>
    %dma_wait3A_302 = arith.constant 0 : i32
    %dma_wait3A_303 = arith.constant 0 : i32
    %dma_wait3A_304 = tpu.memref_slice %arg4[%dma_wait3A_302, %dma_wait3A_303] : memref<20480x768xf32, #tpu.memory_space<hbm>> -> memref<20480x768xf32, #tpu.memory_space<hbm>>
    tpu.wait_indirect_dma semaphore(%arg9 : memref<!tpu.dma_semaphore, #tpu.memory_space<semaphore_mem>>) src(%dma_wait3A_298 : memref<64x768xf32, #tpu.memory_space<vmem>>) dst(%dma_wait3A_304 : memref<20480x768xf32, #tpu.memory_space<hbm>>)
    %add3A_305 = arith.constant 320 : i32
    %add3A_306 = arith.addi %mul3A_2, %add3A_305 : i32
    %dma_start3A_307 = arith.constant 1 : i32
    %dma_start3A_308 = arith.constant 0 : i32
    %dma_start3A_309 = tpu.memref_slice %arg5[%dma_start3A_307, %dma_start3A_308] : memref<2x64xi32, #tpu.memory_space<vmem>> -> memref<1x64xi32, #tpu.memory_space<vmem>>
    %dma_start3A_310 = tpu.memref_squeeze %dma_start3A_309 : memref<1x64xi32, #tpu.memory_space<vmem>> -> memref<64xi32, #tpu.memory_space<vmem>>
    %dma_start3A_311 = tpu.memref_slice %arg3[%add3A_306] : memref<16384xi32, #tpu.memory_space<hbm>> -> memref<64xi32, #tpu.memory_space<hbm>>
    %dma_start3A_312 = arith.constant 0 : i32
    %dma_start3A_313 = tpu.memref_slice %arg5[%dma_start3A_307, %dma_start3A_312] : memref<2x64xi32, #tpu.memory_space<vmem>> -> memref<1x64xi32, #tpu.memory_space<vmem>>
    %dma_start3A_314 = tpu.memref_squeeze %dma_start3A_313 : memref<1x64xi32, #tpu.memory_space<vmem>> -> memref<64xi32, #tpu.memory_space<vmem>>
    %dma_start3A_315 = tpu.memref_slice %arg3[%add3A_306] : memref<16384xi32, #tpu.memory_space<hbm>> -> memref<64xi32, #tpu.memory_space<hbm>>
    tpu.enqueue_dma source(%dma_start3A_315 : memref<64xi32, #tpu.memory_space<hbm>>) target(%dma_start3A_314 : memref<64xi32, #tpu.memory_space<vmem>>) target_semaphore(%arg8 : memref<!tpu.dma_semaphore, #tpu.memory_space<semaphore_mem>>)
    %dma_start3A_316 = arith.constant 1 : i32
    %dma_start3A_317 = arith.constant 0 : i32
    %dma_start3A_318 = arith.constant 0 : i32
    %dma_start3A_319 = tpu.memref_slice %arg6[%dma_start3A_316, %dma_start3A_317, %dma_start3A_318] : memref<2x64x768xf32, #tpu.memory_space<vmem>> -> memref<1x64x768xf32, #tpu.memory_space<vmem>>
    %dma_start3A_320 = tpu.memref_squeeze %dma_start3A_319 : memref<1x64x768xf32, #tpu.memory_space<vmem>> -> memref<64x768xf32, #tpu.memory_space<vmem>>
    %dma_start3A_321 = arith.constant 0 : i32
    %dma_start3A_322 = tpu.memref_slice %arg2[%add3A_306, %dma_start3A_321] : memref<16384x768xf32, #tpu.memory_space<hbm>> -> memref<64x768xf32, #tpu.memory_space<hbm>>
    %dma_start3A_323 = arith.constant 0 : i32
    %dma_start3A_324 = arith.constant 0 : i32
    %dma_start3A_325 = tpu.memref_slice %arg6[%dma_start3A_316, %dma_start3A_323, %dma_start3A_324] : memref<2x64x768xf32, #tpu.memory_space<vmem>> -> memref<1x64x768xf32, #tpu.memory_space<vmem>>
    %dma_start3A_326 = tpu.memref_squeeze %dma_start3A_325 : memref<1x64x768xf32, #tpu.memory_space<vmem>> -> memref<64x768xf32, #tpu.memory_space<vmem>>
    %dma_start3A_327 = arith.constant 0 : i32
    %dma_start3A_328 = tpu.memref_slice %arg2[%add3A_306, %dma_start3A_327] : memref<16384x768xf32, #tpu.memory_space<hbm>> -> memref<64x768xf32, #tpu.memory_space<hbm>>
    tpu.enqueue_dma source(%dma_start3A_328 : memref<64x768xf32, #tpu.memory_space<hbm>>) target(%dma_start3A_326 : memref<64x768xf32, #tpu.memory_space<vmem>>) target_semaphore(%arg8 : memref<!tpu.dma_semaphore, #tpu.memory_space<semaphore_mem>>)
    %dma_wait3A_329 = arith.constant 0 : i32
    %dma_wait3A_330 = arith.constant 0 : i32
    %dma_wait3A_331 = tpu.memref_slice %arg5[%dma_wait3A_329, %dma_wait3A_330] : memref<2x64xi32, #tpu.memory_space<vmem>> -> memref<1x64xi32, #tpu.memory_space<vmem>>
    %dma_wait3A_332 = tpu.memref_squeeze %dma_wait3A_331 : memref<1x64xi32, #tpu.memory_space<vmem>> -> memref<64xi32, #tpu.memory_space<vmem>>
    %dma_wait3A_333 = tpu.memref_slice %arg3[%add3A_236] : memref<16384xi32, #tpu.memory_space<hbm>> -> memref<64xi32, #tpu.memory_space<hbm>>
    %dma_wait3A_334 = arith.constant 0 : i32
    %dma_wait3A_335 = tpu.memref_slice %arg5[%dma_wait3A_329, %dma_wait3A_334] : memref<2x64xi32, #tpu.memory_space<vmem>> -> memref<1x64xi32, #tpu.memory_space<vmem>>
    %dma_wait3A_336 = tpu.memref_squeeze %dma_wait3A_335 : memref<1x64xi32, #tpu.memory_space<vmem>> -> memref<64xi32, #tpu.memory_space<vmem>>
    %dma_wait3A_337 = tpu.memref_slice %arg3[%add3A_236] : memref<16384xi32, #tpu.memory_space<hbm>> -> memref<64xi32, #tpu.memory_space<hbm>>
    tpu.wait_dma2 semaphore(%arg7 : memref<!tpu.dma_semaphore, #tpu.memory_space<semaphore_mem>>) src(%dma_wait3A_337 : memref<64xi32, #tpu.memory_space<hbm>>) dst(%dma_wait3A_336 : memref<64xi32, #tpu.memory_space<vmem>>)
    %dma_wait3A_338 = arith.constant 0 : i32
    %dma_wait3A_339 = arith.constant 0 : i32
    %dma_wait3A_340 = arith.constant 0 : i32
    %dma_wait3A_341 = tpu.memref_slice %arg6[%dma_wait3A_338, %dma_wait3A_339, %dma_wait3A_340] : memref<2x64x768xf32, #tpu.memory_space<vmem>> -> memref<1x64x768xf32, #tpu.memory_space<vmem>>
    %dma_wait3A_342 = tpu.memref_squeeze %dma_wait3A_341 : memref<1x64x768xf32, #tpu.memory_space<vmem>> -> memref<64x768xf32, #tpu.memory_space<vmem>>
    %dma_wait3A_343 = arith.constant 0 : i32
    %dma_wait3A_344 = tpu.memref_slice %arg2[%add3A_236, %dma_wait3A_343] : memref<16384x768xf32, #tpu.memory_space<hbm>> -> memref<64x768xf32, #tpu.memory_space<hbm>>
    %dma_wait3A_345 = arith.constant 0 : i32
    %dma_wait3A_346 = arith.constant 0 : i32
    %dma_wait3A_347 = tpu.memref_slice %arg6[%dma_wait3A_338, %dma_wait3A_345, %dma_wait3A_346] : memref<2x64x768xf32, #tpu.memory_space<vmem>> -> memref<1x64x768xf32, #tpu.memory_space<vmem>>
    %dma_wait3A_348 = tpu.memref_squeeze %dma_wait3A_347 : memref<1x64x768xf32, #tpu.memory_space<vmem>> -> memref<64x768xf32, #tpu.memory_space<vmem>>
    %dma_wait3A_349 = arith.constant 0 : i32
    %dma_wait3A_350 = tpu.memref_slice %arg2[%add3A_236, %dma_wait3A_349] : memref<16384x768xf32, #tpu.memory_space<hbm>> -> memref<64x768xf32, #tpu.memory_space<hbm>>
    tpu.wait_dma2 semaphore(%arg7 : memref<!tpu.dma_semaphore, #tpu.memory_space<semaphore_mem>>) src(%dma_wait3A_350 : memref<64x768xf32, #tpu.memory_space<hbm>>) dst(%dma_wait3A_348 : memref<64x768xf32, #tpu.memory_space<vmem>>)
    %dma_start3A_351 = arith.constant 0 : i32
    %dma_start3A_352 = arith.constant 0 : i32
    %dma_start3A_353 = arith.constant 0 : i32
    %dma_start3A_354 = arith.constant 0 : i32
    %dma_start3A_355 = tpu.memref_slice %arg6[%dma_start3A_351, %dma_start3A_353, %dma_start3A_354] : memref<2x64x768xf32, #tpu.memory_space<vmem>> -> memref<1x64x768xf32, #tpu.memory_space<vmem>>
    %dma_start3A_356 = tpu.memref_squeeze %dma_start3A_355 : memref<1x64x768xf32, #tpu.memory_space<vmem>> -> memref<64x768xf32, #tpu.memory_space<vmem>>
    %dma_start3A_357 = arith.constant 0 : i32
    %dma_start3A_358 = tpu.memref_slice %arg5[%dma_start3A_352, %dma_start3A_357] : memref<2x64xi32, #tpu.memory_space<vmem>> -> memref<1x64xi32, #tpu.memory_space<vmem>>
    %dma_start3A_359 = tpu.memref_squeeze %dma_start3A_358 : memref<1x64xi32, #tpu.memory_space<vmem>> -> memref<64xi32, #tpu.memory_space<vmem>>
    %dma_start3A_360 = arith.constant 0 : i32
    %dma_start3A_361 = arith.constant 0 : i32
    %dma_start3A_362 = tpu.memref_slice %arg4[%dma_start3A_360, %dma_start3A_361] : memref<20480x768xf32, #tpu.memory_space<hbm>> -> memref<20480x768xf32, #tpu.memory_space<hbm>>
    tpu.enqueue_indirect_dma source(%dma_start3A_356 : memref<64x768xf32, #tpu.memory_space<vmem>>) target(%dma_start3A_362 : memref<20480x768xf32, #tpu.memory_space<hbm>>) offsets(%dma_start3A_359 : memref<64xi32, #tpu.memory_space<vmem>>) semaphore(%arg9 : memref<!tpu.dma_semaphore, #tpu.memory_space<semaphore_mem>>)
    %dma_wait3A_363 = arith.constant 0 : i32
    %dma_wait3A_364 = arith.constant 0 : i32
    %dma_wait3A_365 = arith.constant 0 : i32
    %dma_wait3A_366 = arith.constant 0 : i32
    %dma_wait3A_367 = tpu.memref_slice %arg6[%dma_wait3A_363, %dma_wait3A_365, %dma_wait3A_366] : memref<2x64x768xf32, #tpu.memory_space<vmem>> -> memref<1x64x768xf32, #tpu.memory_space<vmem>>
    %dma_wait3A_368 = tpu.memref_squeeze %dma_wait3A_367 : memref<1x64x768xf32, #tpu.memory_space<vmem>> -> memref<64x768xf32, #tpu.memory_space<vmem>>
    %dma_wait3A_369 = arith.constant 0 : i32
    %dma_wait3A_370 = tpu.memref_slice %arg5[%dma_wait3A_364, %dma_wait3A_369] : memref<2x64xi32, #tpu.memory_space<vmem>> -> memref<1x64xi32, #tpu.memory_space<vmem>>
    %dma_wait3A_371 = tpu.memref_squeeze %dma_wait3A_370 : memref<1x64xi32, #tpu.memory_space<vmem>> -> memref<64xi32, #tpu.memory_space<vmem>>
    %dma_wait3A_372 = arith.constant 0 : i32
    %dma_wait3A_373 = arith.constant 0 : i32
    %dma_wait3A_374 = tpu.memref_slice %arg4[%dma_wait3A_372, %dma_wait3A_373] : memref<20480x768xf32, #tpu.memory_space<hbm>> -> memref<20480x768xf32, #tpu.memory_space<hbm>>
    tpu.wait_indirect_dma semaphore(%arg9 : memref<!tpu.dma_semaphore, #tpu.memory_space<semaphore_mem>>) src(%dma_wait3A_368 : memref<64x768xf32, #tpu.memory_space<vmem>>) dst(%dma_wait3A_374 : memref<20480x768xf32, #tpu.memory_space<hbm>>)
    %add3A_375 = arith.constant 384 : i32
    %add3A_376 = arith.addi %mul3A_2, %add3A_375 : i32
    %dma_start3A_377 = arith.constant 0 : i32
    %dma_start3A_378 = arith.constant 0 : i32
    %dma_start3A_379 = tpu.memref_slice %arg5[%dma_start3A_377, %dma_start3A_378] : memref<2x64xi32, #tpu.memory_space<vmem>> -> memref<1x64xi32, #tpu.memory_space<vmem>>
    %dma_start3A_380 = tpu.memref_squeeze %dma_start3A_379 : memref<1x64xi32, #tpu.memory_space<vmem>> -> memref<64xi32, #tpu.memory_space<vmem>>
    %dma_start3A_381 = tpu.memref_slice %arg3[%add3A_376] : memref<16384xi32, #tpu.memory_space<hbm>> -> memref<64xi32, #tpu.memory_space<hbm>>
    %dma_start3A_382 = arith.constant 0 : i32
    %dma_start3A_383 = tpu.memref_slice %arg5[%dma_start3A_377, %dma_start3A_382] : memref<2x64xi32, #tpu.memory_space<vmem>> -> memref<1x64xi32, #tpu.memory_space<vmem>>
    %dma_start3A_384 = tpu.memref_squeeze %dma_start3A_383 : memref<1x64xi32, #tpu.memory_space<vmem>> -> memref<64xi32, #tpu.memory_space<vmem>>
    %dma_start3A_385 = tpu.memref_slice %arg3[%add3A_376] : memref<16384xi32, #tpu.memory_space<hbm>> -> memref<64xi32, #tpu.memory_space<hbm>>
    tpu.enqueue_dma source(%dma_start3A_385 : memref<64xi32, #tpu.memory_space<hbm>>) target(%dma_start3A_384 : memref<64xi32, #tpu.memory_space<vmem>>) target_semaphore(%arg7 : memref<!tpu.dma_semaphore, #tpu.memory_space<semaphore_mem>>)
    %dma_start3A_386 = arith.constant 0 : i32
    %dma_start3A_387 = arith.constant 0 : i32
    %dma_start3A_388 = arith.constant 0 : i32
    %dma_start3A_389 = tpu.memref_slice %arg6[%dma_start3A_386, %dma_start3A_387, %dma_start3A_388] : memref<2x64x768xf32, #tpu.memory_space<vmem>> -> memref<1x64x768xf32, #tpu.memory_space<vmem>>
    %dma_start3A_390 = tpu.memref_squeeze %dma_start3A_389 : memref<1x64x768xf32, #tpu.memory_space<vmem>> -> memref<64x768xf32, #tpu.memory_space<vmem>>
    %dma_start3A_391 = arith.constant 0 : i32
    %dma_start3A_392 = tpu.memref_slice %arg2[%add3A_376, %dma_start3A_391] : memref<16384x768xf32, #tpu.memory_space<hbm>> -> memref<64x768xf32, #tpu.memory_space<hbm>>
    %dma_start3A_393 = arith.constant 0 : i32
    %dma_start3A_394 = arith.constant 0 : i32
    %dma_start3A_395 = tpu.memref_slice %arg6[%dma_start3A_386, %dma_start3A_393, %dma_start3A_394] : memref<2x64x768xf32, #tpu.memory_space<vmem>> -> memref<1x64x768xf32, #tpu.memory_space<vmem>>
    %dma_start3A_396 = tpu.memref_squeeze %dma_start3A_395 : memref<1x64x768xf32, #tpu.memory_space<vmem>> -> memref<64x768xf32, #tpu.memory_space<vmem>>
    %dma_start3A_397 = arith.constant 0 : i32
    %dma_start3A_398 = tpu.memref_slice %arg2[%add3A_376, %dma_start3A_397] : memref<16384x768xf32, #tpu.memory_space<hbm>> -> memref<64x768xf32, #tpu.memory_space<hbm>>
    tpu.enqueue_dma source(%dma_start3A_398 : memref<64x768xf32, #tpu.memory_space<hbm>>) target(%dma_start3A_396 : memref<64x768xf32, #tpu.memory_space<vmem>>) target_semaphore(%arg7 : memref<!tpu.dma_semaphore, #tpu.memory_space<semaphore_mem>>)
    %dma_wait3A_399 = arith.constant 1 : i32
    %dma_wait3A_400 = arith.constant 0 : i32
    %dma_wait3A_401 = tpu.memref_slice %arg5[%dma_wait3A_399, %dma_wait3A_400] : memref<2x64xi32, #tpu.memory_space<vmem>> -> memref<1x64xi32, #tpu.memory_space<vmem>>
    %dma_wait3A_402 = tpu.memref_squeeze %dma_wait3A_401 : memref<1x64xi32, #tpu.memory_space<vmem>> -> memref<64xi32, #tpu.memory_space<vmem>>
    %dma_wait3A_403 = tpu.memref_slice %arg3[%add3A_306] : memref<16384xi32, #tpu.memory_space<hbm>> -> memref<64xi32, #tpu.memory_space<hbm>>
    %dma_wait3A_404 = arith.constant 0 : i32
    %dma_wait3A_405 = tpu.memref_slice %arg5[%dma_wait3A_399, %dma_wait3A_404] : memref<2x64xi32, #tpu.memory_space<vmem>> -> memref<1x64xi32, #tpu.memory_space<vmem>>
    %dma_wait3A_406 = tpu.memref_squeeze %dma_wait3A_405 : memref<1x64xi32, #tpu.memory_space<vmem>> -> memref<64xi32, #tpu.memory_space<vmem>>
    %dma_wait3A_407 = tpu.memref_slice %arg3[%add3A_306] : memref<16384xi32, #tpu.memory_space<hbm>> -> memref<64xi32, #tpu.memory_space<hbm>>
    tpu.wait_dma2 semaphore(%arg8 : memref<!tpu.dma_semaphore, #tpu.memory_space<semaphore_mem>>) src(%dma_wait3A_407 : memref<64xi32, #tpu.memory_space<hbm>>) dst(%dma_wait3A_406 : memref<64xi32, #tpu.memory_space<vmem>>)
    %dma_wait3A_408 = arith.constant 1 : i32
    %dma_wait3A_409 = arith.constant 0 : i32
    %dma_wait3A_410 = arith.constant 0 : i32
    %dma_wait3A_411 = tpu.memref_slice %arg6[%dma_wait3A_408, %dma_wait3A_409, %dma_wait3A_410] : memref<2x64x768xf32, #tpu.memory_space<vmem>> -> memref<1x64x768xf32, #tpu.memory_space<vmem>>
    %dma_wait3A_412 = tpu.memref_squeeze %dma_wait3A_411 : memref<1x64x768xf32, #tpu.memory_space<vmem>> -> memref<64x768xf32, #tpu.memory_space<vmem>>
    %dma_wait3A_413 = arith.constant 0 : i32
    %dma_wait3A_414 = tpu.memref_slice %arg2[%add3A_306, %dma_wait3A_413] : memref<16384x768xf32, #tpu.memory_space<hbm>> -> memref<64x768xf32, #tpu.memory_space<hbm>>
    %dma_wait3A_415 = arith.constant 0 : i32
    %dma_wait3A_416 = arith.constant 0 : i32
    %dma_wait3A_417 = tpu.memref_slice %arg6[%dma_wait3A_408, %dma_wait3A_415, %dma_wait3A_416] : memref<2x64x768xf32, #tpu.memory_space<vmem>> -> memref<1x64x768xf32, #tpu.memory_space<vmem>>
    %dma_wait3A_418 = tpu.memref_squeeze %dma_wait3A_417 : memref<1x64x768xf32, #tpu.memory_space<vmem>> -> memref<64x768xf32, #tpu.memory_space<vmem>>
    %dma_wait3A_419 = arith.constant 0 : i32
    %dma_wait3A_420 = tpu.memref_slice %arg2[%add3A_306, %dma_wait3A_419] : memref<16384x768xf32, #tpu.memory_space<hbm>> -> memref<64x768xf32, #tpu.memory_space<hbm>>
    tpu.wait_dma2 semaphore(%arg8 : memref<!tpu.dma_semaphore, #tpu.memory_space<semaphore_mem>>) src(%dma_wait3A_420 : memref<64x768xf32, #tpu.memory_space<hbm>>) dst(%dma_wait3A_418 : memref<64x768xf32, #tpu.memory_space<vmem>>)
    %dma_start3A_421 = arith.constant 1 : i32
    %dma_start3A_422 = arith.constant 1 : i32
    %dma_start3A_423 = arith.constant 0 : i32
    %dma_start3A_424 = arith.constant 0 : i32
    %dma_start3A_425 = tpu.memref_slice %arg6[%dma_start3A_421, %dma_start3A_423, %dma_start3A_424] : memref<2x64x768xf32, #tpu.memory_space<vmem>> -> memref<1x64x768xf32, #tpu.memory_space<vmem>>
    %dma_start3A_426 = tpu.memref_squeeze %dma_start3A_425 : memref<1x64x768xf32, #tpu.memory_space<vmem>> -> memref<64x768xf32, #tpu.memory_space<vmem>>
    %dma_start3A_427 = arith.constant 0 : i32
    %dma_start3A_428 = tpu.memref_slice %arg5[%dma_start3A_422, %dma_start3A_427] : memref<2x64xi32, #tpu.memory_space<vmem>> -> memref<1x64xi32, #tpu.memory_space<vmem>>
    %dma_start3A_429 = tpu.memref_squeeze %dma_start3A_428 : memref<1x64xi32, #tpu.memory_space<vmem>> -> memref<64xi32, #tpu.memory_space<vmem>>
    %dma_start3A_430 = arith.constant 0 : i32
    %dma_start3A_431 = arith.constant 0 : i32
    %dma_start3A_432 = tpu.memref_slice %arg4[%dma_start3A_430, %dma_start3A_431] : memref<20480x768xf32, #tpu.memory_space<hbm>> -> memref<20480x768xf32, #tpu.memory_space<hbm>>
    tpu.enqueue_indirect_dma source(%dma_start3A_426 : memref<64x768xf32, #tpu.memory_space<vmem>>) target(%dma_start3A_432 : memref<20480x768xf32, #tpu.memory_space<hbm>>) offsets(%dma_start3A_429 : memref<64xi32, #tpu.memory_space<vmem>>) semaphore(%arg9 : memref<!tpu.dma_semaphore, #tpu.memory_space<semaphore_mem>>)
    %dma_wait3A_433 = arith.constant 1 : i32
    %dma_wait3A_434 = arith.constant 1 : i32
    %dma_wait3A_435 = arith.constant 0 : i32
    %dma_wait3A_436 = arith.constant 0 : i32
    %dma_wait3A_437 = tpu.memref_slice %arg6[%dma_wait3A_433, %dma_wait3A_435, %dma_wait3A_436] : memref<2x64x768xf32, #tpu.memory_space<vmem>> -> memref<1x64x768xf32, #tpu.memory_space<vmem>>
    %dma_wait3A_438 = tpu.memref_squeeze %dma_wait3A_437 : memref<1x64x768xf32, #tpu.memory_space<vmem>> -> memref<64x768xf32, #tpu.memory_space<vmem>>
    %dma_wait3A_439 = arith.constant 0 : i32
    %dma_wait3A_440 = tpu.memref_slice %arg5[%dma_wait3A_434, %dma_wait3A_439] : memref<2x64xi32, #tpu.memory_space<vmem>> -> memref<1x64xi32, #tpu.memory_space<vmem>>
    %dma_wait3A_441 = tpu.memref_squeeze %dma_wait3A_440 : memref<1x64xi32, #tpu.memory_space<vmem>> -> memref<64xi32, #tpu.memory_space<vmem>>
    %dma_wait3A_442 = arith.constant 0 : i32
    %dma_wait3A_443 = arith.constant 0 : i32
    %dma_wait3A_444 = tpu.memref_slice %arg4[%dma_wait3A_442, %dma_wait3A_443] : memref<20480x768xf32, #tpu.memory_space<hbm>> -> memref<20480x768xf32, #tpu.memory_space<hbm>>
    tpu.wait_indirect_dma semaphore(%arg9 : memref<!tpu.dma_semaphore, #tpu.memory_space<semaphore_mem>>) src(%dma_wait3A_438 : memref<64x768xf32, #tpu.memory_space<vmem>>) dst(%dma_wait3A_444 : memref<20480x768xf32, #tpu.memory_space<hbm>>)
    %add3A_445 = arith.constant 448 : i32
    %add3A_446 = arith.addi %mul3A_2, %add3A_445 : i32
    %dma_start3A_447 = arith.constant 1 : i32
    %dma_start3A_448 = arith.constant 0 : i32
    %dma_start3A_449 = tpu.memref_slice %arg5[%dma_start3A_447, %dma_start3A_448] : memref<2x64xi32, #tpu.memory_space<vmem>> -> memref<1x64xi32, #tpu.memory_space<vmem>>
    %dma_start3A_450 = tpu.memref_squeeze %dma_start3A_449 : memref<1x64xi32, #tpu.memory_space<vmem>> -> memref<64xi32, #tpu.memory_space<vmem>>
    %dma_start3A_451 = tpu.memref_slice %arg3[%add3A_446] : memref<16384xi32, #tpu.memory_space<hbm>> -> memref<64xi32, #tpu.memory_space<hbm>>
    %dma_start3A_452 = arith.constant 0 : i32
    %dma_start3A_453 = tpu.memref_slice %arg5[%dma_start3A_447, %dma_start3A_452] : memref<2x64xi32, #tpu.memory_space<vmem>> -> memref<1x64xi32, #tpu.memory_space<vmem>>
    %dma_start3A_454 = tpu.memref_squeeze %dma_start3A_453 : memref<1x64xi32, #tpu.memory_space<vmem>> -> memref<64xi32, #tpu.memory_space<vmem>>
    %dma_start3A_455 = tpu.memref_slice %arg3[%add3A_446] : memref<16384xi32, #tpu.memory_space<hbm>> -> memref<64xi32, #tpu.memory_space<hbm>>
    tpu.enqueue_dma source(%dma_start3A_455 : memref<64xi32, #tpu.memory_space<hbm>>) target(%dma_start3A_454 : memref<64xi32, #tpu.memory_space<vmem>>) target_semaphore(%arg8 : memref<!tpu.dma_semaphore, #tpu.memory_space<semaphore_mem>>)
    %dma_start3A_456 = arith.constant 1 : i32
    %dma_start3A_457 = arith.constant 0 : i32
    %dma_start3A_458 = arith.constant 0 : i32
    %dma_start3A_459 = tpu.memref_slice %arg6[%dma_start3A_456, %dma_start3A_457, %dma_start3A_458] : memref<2x64x768xf32, #tpu.memory_space<vmem>> -> memref<1x64x768xf32, #tpu.memory_space<vmem>>
    %dma_start3A_460 = tpu.memref_squeeze %dma_start3A_459 : memref<1x64x768xf32, #tpu.memory_space<vmem>> -> memref<64x768xf32, #tpu.memory_space<vmem>>
    %dma_start3A_461 = arith.constant 0 : i32
    %dma_start3A_462 = tpu.memref_slice %arg2[%add3A_446, %dma_start3A_461] : memref<16384x768xf32, #tpu.memory_space<hbm>> -> memref<64x768xf32, #tpu.memory_space<hbm>>
    %dma_start3A_463 = arith.constant 0 : i32
    %dma_start3A_464 = arith.constant 0 : i32
    %dma_start3A_465 = tpu.memref_slice %arg6[%dma_start3A_456, %dma_start3A_463, %dma_start3A_464] : memref<2x64x768xf32, #tpu.memory_space<vmem>> -> memref<1x64x768xf32, #tpu.memory_space<vmem>>
    %dma_start3A_466 = tpu.memref_squeeze %dma_start3A_465 : memref<1x64x768xf32, #tpu.memory_space<vmem>> -> memref<64x768xf32, #tpu.memory_space<vmem>>
    %dma_start3A_467 = arith.constant 0 : i32
    %dma_start3A_468 = tpu.memref_slice %arg2[%add3A_446, %dma_start3A_467] : memref<16384x768xf32, #tpu.memory_space<hbm>> -> memref<64x768xf32, #tpu.memory_space<hbm>>
    tpu.enqueue_dma source(%dma_start3A_468 : memref<64x768xf32, #tpu.memory_space<hbm>>) target(%dma_start3A_466 : memref<64x768xf32, #tpu.memory_space<vmem>>) target_semaphore(%arg8 : memref<!tpu.dma_semaphore, #tpu.memory_space<semaphore_mem>>)
    %dma_wait3A_469 = arith.constant 0 : i32
    %dma_wait3A_470 = arith.constant 0 : i32
    %dma_wait3A_471 = tpu.memref_slice %arg5[%dma_wait3A_469, %dma_wait3A_470] : memref<2x64xi32, #tpu.memory_space<vmem>> -> memref<1x64xi32, #tpu.memory_space<vmem>>
    %dma_wait3A_472 = tpu.memref_squeeze %dma_wait3A_471 : memref<1x64xi32, #tpu.memory_space<vmem>> -> memref<64xi32, #tpu.memory_space<vmem>>
    %dma_wait3A_473 = tpu.memref_slice %arg3[%add3A_376] : memref<16384xi32, #tpu.memory_space<hbm>> -> memref<64xi32, #tpu.memory_space<hbm>>
    %dma_wait3A_474 = arith.constant 0 : i32
    %dma_wait3A_475 = tpu.memref_slice %arg5[%dma_wait3A_469, %dma_wait3A_474] : memref<2x64xi32, #tpu.memory_space<vmem>> -> memref<1x64xi32, #tpu.memory_space<vmem>>
    %dma_wait3A_476 = tpu.memref_squeeze %dma_wait3A_475 : memref<1x64xi32, #tpu.memory_space<vmem>> -> memref<64xi32, #tpu.memory_space<vmem>>
    %dma_wait3A_477 = tpu.memref_slice %arg3[%add3A_376] : memref<16384xi32, #tpu.memory_space<hbm>> -> memref<64xi32, #tpu.memory_space<hbm>>
    tpu.wait_dma2 semaphore(%arg7 : memref<!tpu.dma_semaphore, #tpu.memory_space<semaphore_mem>>) src(%dma_wait3A_477 : memref<64xi32, #tpu.memory_space<hbm>>) dst(%dma_wait3A_476 : memref<64xi32, #tpu.memory_space<vmem>>)
    %dma_wait3A_478 = arith.constant 0 : i32
    %dma_wait3A_479 = arith.constant 0 : i32
    %dma_wait3A_480 = arith.constant 0 : i32
    %dma_wait3A_481 = tpu.memref_slice %arg6[%dma_wait3A_478, %dma_wait3A_479, %dma_wait3A_480] : memref<2x64x768xf32, #tpu.memory_space<vmem>> -> memref<1x64x768xf32, #tpu.memory_space<vmem>>
    %dma_wait3A_482 = tpu.memref_squeeze %dma_wait3A_481 : memref<1x64x768xf32, #tpu.memory_space<vmem>> -> memref<64x768xf32, #tpu.memory_space<vmem>>
    %dma_wait3A_483 = arith.constant 0 : i32
    %dma_wait3A_484 = tpu.memref_slice %arg2[%add3A_376, %dma_wait3A_483] : memref<16384x768xf32, #tpu.memory_space<hbm>> -> memref<64x768xf32, #tpu.memory_space<hbm>>
    %dma_wait3A_485 = arith.constant 0 : i32
    %dma_wait3A_486 = arith.constant 0 : i32
    %dma_wait3A_487 = tpu.memref_slice %arg6[%dma_wait3A_478, %dma_wait3A_485, %dma_wait3A_486] : memref<2x64x768xf32, #tpu.memory_space<vmem>> -> memref<1x64x768xf32, #tpu.memory_space<vmem>>
    %dma_wait3A_488 = tpu.memref_squeeze %dma_wait3A_487 : memref<1x64x768xf32, #tpu.memory_space<vmem>> -> memref<64x768xf32, #tpu.memory_space<vmem>>
    %dma_wait3A_489 = arith.constant 0 : i32
    %dma_wait3A_490 = tpu.memref_slice %arg2[%add3A_376, %dma_wait3A_489] : memref<16384x768xf32, #tpu.memory_space<hbm>> -> memref<64x768xf32, #tpu.memory_space<hbm>>
    tpu.wait_dma2 semaphore(%arg7 : memref<!tpu.dma_semaphore, #tpu.memory_space<semaphore_mem>>) src(%dma_wait3A_490 : memref<64x768xf32, #tpu.memory_space<hbm>>) dst(%dma_wait3A_488 : memref<64x768xf32, #tpu.memory_space<vmem>>)
    %dma_start3A_491 = arith.constant 0 : i32
    %dma_start3A_492 = arith.constant 0 : i32
    %dma_start3A_493 = arith.constant 0 : i32
    %dma_start3A_494 = arith.constant 0 : i32
    %dma_start3A_495 = tpu.memref_slice %arg6[%dma_start3A_491, %dma_start3A_493, %dma_start3A_494] : memref<2x64x768xf32, #tpu.memory_space<vmem>> -> memref<1x64x768xf32, #tpu.memory_space<vmem>>
    %dma_start3A_496 = tpu.memref_squeeze %dma_start3A_495 : memref<1x64x768xf32, #tpu.memory_space<vmem>> -> memref<64x768xf32, #tpu.memory_space<vmem>>
    %dma_start3A_497 = arith.constant 0 : i32
    %dma_start3A_498 = tpu.memref_slice %arg5[%dma_start3A_492, %dma_start3A_497] : memref<2x64xi32, #tpu.memory_space<vmem>> -> memref<1x64xi32, #tpu.memory_space<vmem>>
    %dma_start3A_499 = tpu.memref_squeeze %dma_start3A_498 : memref<1x64xi32, #tpu.memory_space<vmem>> -> memref<64xi32, #tpu.memory_space<vmem>>
    %dma_start3A_500 = arith.constant 0 : i32
    %dma_start3A_501 = arith.constant 0 : i32
    %dma_start3A_502 = tpu.memref_slice %arg4[%dma_start3A_500, %dma_start3A_501] : memref<20480x768xf32, #tpu.memory_space<hbm>> -> memref<20480x768xf32, #tpu.memory_space<hbm>>
    tpu.enqueue_indirect_dma source(%dma_start3A_496 : memref<64x768xf32, #tpu.memory_space<vmem>>) target(%dma_start3A_502 : memref<20480x768xf32, #tpu.memory_space<hbm>>) offsets(%dma_start3A_499 : memref<64xi32, #tpu.memory_space<vmem>>) semaphore(%arg9 : memref<!tpu.dma_semaphore, #tpu.memory_space<semaphore_mem>>)
    %dma_wait3A_503 = arith.constant 0 : i32
    %dma_wait3A_504 = arith.constant 0 : i32
    %dma_wait3A_505 = arith.constant 0 : i32
    %dma_wait3A_506 = arith.constant 0 : i32
    %dma_wait3A_507 = tpu.memref_slice %arg6[%dma_wait3A_503, %dma_wait3A_505, %dma_wait3A_506] : memref<2x64x768xf32, #tpu.memory_space<vmem>> -> memref<1x64x768xf32, #tpu.memory_space<vmem>>
    %dma_wait3A_508 = tpu.memref_squeeze %dma_wait3A_507 : memref<1x64x768xf32, #tpu.memory_space<vmem>> -> memref<64x768xf32, #tpu.memory_space<vmem>>
    %dma_wait3A_509 = arith.constant 0 : i32
    %dma_wait3A_510 = tpu.memref_slice %arg5[%dma_wait3A_504, %dma_wait3A_509] : memref<2x64xi32, #tpu.memory_space<vmem>> -> memref<1x64xi32, #tpu.memory_space<vmem>>
    %dma_wait3A_511 = tpu.memref_squeeze %dma_wait3A_510 : memref<1x64xi32, #tpu.memory_space<vmem>> -> memref<64xi32, #tpu.memory_space<vmem>>
    %dma_wait3A_512 = arith.constant 0 : i32
    %dma_wait3A_513 = arith.constant 0 : i32
    %dma_wait3A_514 = tpu.memref_slice %arg4[%dma_wait3A_512, %dma_wait3A_513] : memref<20480x768xf32, #tpu.memory_space<hbm>> -> memref<20480x768xf32, #tpu.memory_space<hbm>>
    tpu.wait_indirect_dma semaphore(%arg9 : memref<!tpu.dma_semaphore, #tpu.memory_space<semaphore_mem>>) src(%dma_wait3A_508 : memref<64x768xf32, #tpu.memory_space<vmem>>) dst(%dma_wait3A_514 : memref<20480x768xf32, #tpu.memory_space<hbm>>)
    %dma_wait3A_515 = arith.constant 1 : i32
    %dma_wait3A_516 = arith.constant 0 : i32
    %dma_wait3A_517 = tpu.memref_slice %arg5[%dma_wait3A_515, %dma_wait3A_516] : memref<2x64xi32, #tpu.memory_space<vmem>> -> memref<1x64xi32, #tpu.memory_space<vmem>>
    %dma_wait3A_518 = tpu.memref_squeeze %dma_wait3A_517 : memref<1x64xi32, #tpu.memory_space<vmem>> -> memref<64xi32, #tpu.memory_space<vmem>>
    %dma_wait3A_519 = tpu.memref_slice %arg3[%add3A_446] : memref<16384xi32, #tpu.memory_space<hbm>> -> memref<64xi32, #tpu.memory_space<hbm>>
    %dma_wait3A_520 = arith.constant 0 : i32
    %dma_wait3A_521 = tpu.memref_slice %arg5[%dma_wait3A_515, %dma_wait3A_520] : memref<2x64xi32, #tpu.memory_space<vmem>> -> memref<1x64xi32, #tpu.memory_space<vmem>>
    %dma_wait3A_522 = tpu.memref_squeeze %dma_wait3A_521 : memref<1x64xi32, #tpu.memory_space<vmem>> -> memref<64xi32, #tpu.memory_space<vmem>>
    %dma_wait3A_523 = tpu.memref_slice %arg3[%add3A_446] : memref<16384xi32, #tpu.memory_space<hbm>> -> memref<64xi32, #tpu.memory_space<hbm>>
    tpu.wait_dma2 semaphore(%arg8 : memref<!tpu.dma_semaphore, #tpu.memory_space<semaphore_mem>>) src(%dma_wait3A_523 : memref<64xi32, #tpu.memory_space<hbm>>) dst(%dma_wait3A_522 : memref<64xi32, #tpu.memory_space<vmem>>)
    %dma_wait3A_524 = arith.constant 1 : i32
    %dma_wait3A_525 = arith.constant 0 : i32
    %dma_wait3A_526 = arith.constant 0 : i32
    %dma_wait3A_527 = tpu.memref_slice %arg6[%dma_wait3A_524, %dma_wait3A_525, %dma_wait3A_526] : memref<2x64x768xf32, #tpu.memory_space<vmem>> -> memref<1x64x768xf32, #tpu.memory_space<vmem>>
    %dma_wait3A_528 = tpu.memref_squeeze %dma_wait3A_527 : memref<1x64x768xf32, #tpu.memory_space<vmem>> -> memref<64x768xf32, #tpu.memory_space<vmem>>
    %dma_wait3A_529 = arith.constant 0 : i32
    %dma_wait3A_530 = tpu.memref_slice %arg2[%add3A_446, %dma_wait3A_529] : memref<16384x768xf32, #tpu.memory_space<hbm>> -> memref<64x768xf32, #tpu.memory_space<hbm>>
    %dma_wait3A_531 = arith.constant 0 : i32
    %dma_wait3A_532 = arith.constant 0 : i32
    %dma_wait3A_533 = tpu.memref_slice %arg6[%dma_wait3A_524, %dma_wait3A_531, %dma_wait3A_532] : memref<2x64x768xf32, #tpu.memory_space<vmem>> -> memref<1x64x768xf32, #tpu.memory_space<vmem>>
    %dma_wait3A_534 = tpu.memref_squeeze %dma_wait3A_533 : memref<1x64x768xf32, #tpu.memory_space<vmem>> -> memref<64x768xf32, #tpu.memory_space<vmem>>
    %dma_wait3A_535 = arith.constant 0 : i32
    %dma_wait3A_536 = tpu.memref_slice %arg2[%add3A_446, %dma_wait3A_535] : memref<16384x768xf32, #tpu.memory_space<hbm>> -> memref<64x768xf32, #tpu.memory_space<hbm>>
    tpu.wait_dma2 semaphore(%arg8 : memref<!tpu.dma_semaphore, #tpu.memory_space<semaphore_mem>>) src(%dma_wait3A_536 : memref<64x768xf32, #tpu.memory_space<hbm>>) dst(%dma_wait3A_534 : memref<64x768xf32, #tpu.memory_space<vmem>>)
    %dma_start3A_537 = arith.constant 1 : i32
    %dma_start3A_538 = arith.constant 1 : i32
    %dma_start3A_539 = arith.constant 0 : i32
    %dma_start3A_540 = arith.constant 0 : i32
    %dma_start3A_541 = tpu.memref_slice %arg6[%dma_start3A_537, %dma_start3A_539, %dma_start3A_540] : memref<2x64x768xf32, #tpu.memory_space<vmem>> -> memref<1x64x768xf32, #tpu.memory_space<vmem>>
    %dma_start3A_542 = tpu.memref_squeeze %dma_start3A_541 : memref<1x64x768xf32, #tpu.memory_space<vmem>> -> memref<64x768xf32, #tpu.memory_space<vmem>>
    %dma_start3A_543 = arith.constant 0 : i32
    %dma_start3A_544 = tpu.memref_slice %arg5[%dma_start3A_538, %dma_start3A_543] : memref<2x64xi32, #tpu.memory_space<vmem>> -> memref<1x64xi32, #tpu.memory_space<vmem>>
    %dma_start3A_545 = tpu.memref_squeeze %dma_start3A_544 : memref<1x64xi32, #tpu.memory_space<vmem>> -> memref<64xi32, #tpu.memory_space<vmem>>
    %dma_start3A_546 = arith.constant 0 : i32
    %dma_start3A_547 = arith.constant 0 : i32
    %dma_start3A_548 = tpu.memref_slice %arg4[%dma_start3A_546, %dma_start3A_547] : memref<20480x768xf32, #tpu.memory_space<hbm>> -> memref<20480x768xf32, #tpu.memory_space<hbm>>
    tpu.enqueue_indirect_dma source(%dma_start3A_542 : memref<64x768xf32, #tpu.memory_space<vmem>>) target(%dma_start3A_548 : memref<20480x768xf32, #tpu.memory_space<hbm>>) offsets(%dma_start3A_545 : memref<64xi32, #tpu.memory_space<vmem>>) semaphore(%arg9 : memref<!tpu.dma_semaphore, #tpu.memory_space<semaphore_mem>>)
    %dma_wait3A_549 = arith.constant 1 : i32
    %dma_wait3A_550 = arith.constant 1 : i32
    %dma_wait3A_551 = arith.constant 0 : i32
    %dma_wait3A_552 = arith.constant 0 : i32
    %dma_wait3A_553 = tpu.memref_slice %arg6[%dma_wait3A_549, %dma_wait3A_551, %dma_wait3A_552] : memref<2x64x768xf32, #tpu.memory_space<vmem>> -> memref<1x64x768xf32, #tpu.memory_space<vmem>>
    %dma_wait3A_554 = tpu.memref_squeeze %dma_wait3A_553 : memref<1x64x768xf32, #tpu.memory_space<vmem>> -> memref<64x768xf32, #tpu.memory_space<vmem>>
    %dma_wait3A_555 = arith.constant 0 : i32
    %dma_wait3A_556 = tpu.memref_slice %arg5[%dma_wait3A_550, %dma_wait3A_555] : memref<2x64xi32, #tpu.memory_space<vmem>> -> memref<1x64xi32, #tpu.memory_space<vmem>>
    %dma_wait3A_557 = tpu.memref_squeeze %dma_wait3A_556 : memref<1x64xi32, #tpu.memory_space<vmem>> -> memref<64xi32, #tpu.memory_space<vmem>>
    %dma_wait3A_558 = arith.constant 0 : i32
    %dma_wait3A_559 = arith.constant 0 : i32
    %dma_wait3A_560 = tpu.memref_slice %arg4[%dma_wait3A_558, %dma_wait3A_559] : memref<20480x768xf32, #tpu.memory_space<hbm>> -> memref<20480x768xf32, #tpu.memory_space<hbm>>
    tpu.wait_indirect_dma semaphore(%arg9 : memref<!tpu.dma_semaphore, #tpu.memory_space<semaphore_mem>>) src(%dma_wait3A_554 : memref<64x768xf32, #tpu.memory_space<vmem>>) dst(%dma_wait3A_560 : memref<20480x768xf32, #tpu.memory_space<hbm>>)
    return
  }
}

#map = affine_map<(d0, d1) -> (0, 0)>
#map1 = affine_map<(d0, d1) -> (0)>
module attributes {stable_mosaic.version = 14 : i64} {
  func.func @k(%arg0: i32, %arg1: i32, %arg2: memref<20480x768xf32, #tpu.memory_space<hbm>>, %arg3: memref<16384xi32, #tpu.memory_space<hbm>>, %arg4: memref<16384x768xf32, #tpu.memory_space<hbm>>, %arg5: memref<2x64xi32, #tpu.memory_space<vmem>>, %arg6: memref<2x64x768xf32, #tpu.memory_space<vmem>>, %arg7: memref<!tpu.dma_semaphore, #tpu.memory_space<semaphore_mem>>, %arg8: memref<!tpu.dma_semaphore, #tpu.memory_space<semaphore_mem>>, %arg9: memref<!tpu.dma_semaphore, #tpu.memory_space<semaphore_mem>>, %arg10: memref<!tpu.dma_semaphore, #tpu.memory_space<semaphore_mem>>, %arg11: memref<!tpu.dma_semaphore, #tpu.memory_space<semaphore_mem>>) attributes {dimension_semantics = [#tpu.dimension_semantics<core_parallel>, #tpu.dimension_semantics<subcore_parallel>], iteration_bounds = array<i64: 2, 16>, scalar_prefetch = 0 : i64, scratch_operands = 7 : i64, tpu.core_type = #tpu.core_type<sc_vector_subcore>, window_params = [{transform_indices = #map}, {transform_indices = #map1}, {transform_indices = #map}]} {
    %mul3A = arith.constant 2 : i32
    %mul3A_0 = arith.muli %arg1, %mul3A : i32
    %add3A = arith.addi %mul3A_0, %arg0 : i32
    %mul3A_1 = arith.constant 512 : i32
    %mul3A_2 = arith.muli %add3A, %mul3A_1 : i32
    %add3A_3 = arith.constant 0 : i32
    %add3A_4 = arith.addi %mul3A_2, %add3A_3 : i32
    %dma_start3A = arith.constant 0 : i32
    %dma_start3A_5 = arith.constant 0 : i32
    %dma_start3A_6 = tpu.memref_slice %arg5[%dma_start3A, %dma_start3A_5] : memref<2x64xi32, #tpu.memory_space<vmem>> -> memref<1x64xi32, #tpu.memory_space<vmem>>
    %dma_start3A_7 = tpu.memref_squeeze %dma_start3A_6 : memref<1x64xi32, #tpu.memory_space<vmem>> -> memref<64xi32, #tpu.memory_space<vmem>>
    %dma_start3A_8 = tpu.memref_slice %arg3[%add3A_4] : memref<16384xi32, #tpu.memory_space<hbm>> -> memref<64xi32, #tpu.memory_space<hbm>>
    %dma_start3A_9 = arith.constant 0 : i32
    %dma_start3A_10 = tpu.memref_slice %arg5[%dma_start3A, %dma_start3A_9] : memref<2x64xi32, #tpu.memory_space<vmem>> -> memref<1x64xi32, #tpu.memory_space<vmem>>
    %dma_start3A_11 = tpu.memref_squeeze %dma_start3A_10 : memref<1x64xi32, #tpu.memory_space<vmem>> -> memref<64xi32, #tpu.memory_space<vmem>>
    %dma_start3A_12 = tpu.memref_slice %arg3[%add3A_4] : memref<16384xi32, #tpu.memory_space<hbm>> -> memref<64xi32, #tpu.memory_space<hbm>>
    tpu.enqueue_dma source(%dma_start3A_12 : memref<64xi32, #tpu.memory_space<hbm>>) target(%dma_start3A_11 : memref<64xi32, #tpu.memory_space<vmem>>) target_semaphore(%arg7 : memref<!tpu.dma_semaphore, #tpu.memory_space<semaphore_mem>>)
    %add3A_13 = arith.constant 64 : i32
    %add3A_14 = arith.addi %mul3A_2, %add3A_13 : i32
    %dma_start3A_15 = arith.constant 1 : i32
    %dma_start3A_16 = arith.constant 0 : i32
    %dma_start3A_17 = tpu.memref_slice %arg5[%dma_start3A_15, %dma_start3A_16] : memref<2x64xi32, #tpu.memory_space<vmem>> -> memref<1x64xi32, #tpu.memory_space<vmem>>
    %dma_start3A_18 = tpu.memref_squeeze %dma_start3A_17 : memref<1x64xi32, #tpu.memory_space<vmem>> -> memref<64xi32, #tpu.memory_space<vmem>>
    %dma_start3A_19 = tpu.memref_slice %arg3[%add3A_14] : memref<16384xi32, #tpu.memory_space<hbm>> -> memref<64xi32, #tpu.memory_space<hbm>>
    %dma_start3A_20 = arith.constant 0 : i32
    %dma_start3A_21 = tpu.memref_slice %arg5[%dma_start3A_15, %dma_start3A_20] : memref<2x64xi32, #tpu.memory_space<vmem>> -> memref<1x64xi32, #tpu.memory_space<vmem>>
    %dma_start3A_22 = tpu.memref_squeeze %dma_start3A_21 : memref<1x64xi32, #tpu.memory_space<vmem>> -> memref<64xi32, #tpu.memory_space<vmem>>
    %dma_start3A_23 = tpu.memref_slice %arg3[%add3A_14] : memref<16384xi32, #tpu.memory_space<hbm>> -> memref<64xi32, #tpu.memory_space<hbm>>
    tpu.enqueue_dma source(%dma_start3A_23 : memref<64xi32, #tpu.memory_space<hbm>>) target(%dma_start3A_22 : memref<64xi32, #tpu.memory_space<vmem>>) target_semaphore(%arg8 : memref<!tpu.dma_semaphore, #tpu.memory_space<semaphore_mem>>)
    %dma_wait3A = arith.constant 0 : i32
    %dma_wait3A_24 = arith.constant 0 : i32
    %dma_wait3A_25 = tpu.memref_slice %arg5[%dma_wait3A, %dma_wait3A_24] : memref<2x64xi32, #tpu.memory_space<vmem>> -> memref<1x64xi32, #tpu.memory_space<vmem>>
    %dma_wait3A_26 = tpu.memref_squeeze %dma_wait3A_25 : memref<1x64xi32, #tpu.memory_space<vmem>> -> memref<64xi32, #tpu.memory_space<vmem>>
    %dma_wait3A_27 = tpu.memref_slice %arg3[%add3A_4] : memref<16384xi32, #tpu.memory_space<hbm>> -> memref<64xi32, #tpu.memory_space<hbm>>
    %dma_wait3A_28 = arith.constant 0 : i32
    %dma_wait3A_29 = tpu.memref_slice %arg5[%dma_wait3A, %dma_wait3A_28] : memref<2x64xi32, #tpu.memory_space<vmem>> -> memref<1x64xi32, #tpu.memory_space<vmem>>
    %dma_wait3A_30 = tpu.memref_squeeze %dma_wait3A_29 : memref<1x64xi32, #tpu.memory_space<vmem>> -> memref<64xi32, #tpu.memory_space<vmem>>
    %dma_wait3A_31 = tpu.memref_slice %arg3[%add3A_4] : memref<16384xi32, #tpu.memory_space<hbm>> -> memref<64xi32, #tpu.memory_space<hbm>>
    tpu.wait_dma2 semaphore(%arg7 : memref<!tpu.dma_semaphore, #tpu.memory_space<semaphore_mem>>) src(%dma_wait3A_31 : memref<64xi32, #tpu.memory_space<hbm>>) dst(%dma_wait3A_30 : memref<64xi32, #tpu.memory_space<vmem>>)
    %dma_start3A_32 = arith.constant 0 : i32
    %dma_start3A_33 = arith.constant 0 : i32
    %dma_start3A_34 = arith.constant 0 : i32
    %dma_start3A_35 = arith.constant 0 : i32
    %dma_start3A_36 = tpu.memref_slice %arg6[%dma_start3A_33, %dma_start3A_34, %dma_start3A_35] : memref<2x64x768xf32, #tpu.memory_space<vmem>> -> memref<1x64x768xf32, #tpu.memory_space<vmem>>
    %dma_start3A_37 = tpu.memref_squeeze %dma_start3A_36 : memref<1x64x768xf32, #tpu.memory_space<vmem>> -> memref<64x768xf32, #tpu.memory_space<vmem>>
    %dma_start3A_38 = arith.constant 0 : i32
    %dma_start3A_39 = tpu.memref_slice %arg5[%dma_start3A_32, %dma_start3A_38] : memref<2x64xi32, #tpu.memory_space<vmem>> -> memref<1x64xi32, #tpu.memory_space<vmem>>
    %dma_start3A_40 = tpu.memref_squeeze %dma_start3A_39 : memref<1x64xi32, #tpu.memory_space<vmem>> -> memref<64xi32, #tpu.memory_space<vmem>>
    %dma_start3A_41 = arith.constant 0 : i32
    %dma_start3A_42 = arith.constant 0 : i32
    %dma_start3A_43 = tpu.memref_slice %arg2[%dma_start3A_41, %dma_start3A_42] : memref<20480x768xf32, #tpu.memory_space<hbm>> -> memref<20480x768xf32, #tpu.memory_space<hbm>>
    tpu.enqueue_indirect_dma source(%dma_start3A_43 : memref<20480x768xf32, #tpu.memory_space<hbm>>) target(%dma_start3A_37 : memref<64x768xf32, #tpu.memory_space<vmem>>) offsets(%dma_start3A_40 : memref<64xi32, #tpu.memory_space<vmem>>) semaphore(%arg9 : memref<!tpu.dma_semaphore, #tpu.memory_space<semaphore_mem>>)
    %dma_wait3A_44 = arith.constant 0 : i32
    %dma_wait3A_45 = arith.constant 0 : i32
    %dma_wait3A_46 = arith.constant 0 : i32
    %dma_wait3A_47 = arith.constant 0 : i32
    %dma_wait3A_48 = tpu.memref_slice %arg6[%dma_wait3A_45, %dma_wait3A_46, %dma_wait3A_47] : memref<2x64x768xf32, #tpu.memory_space<vmem>> -> memref<1x64x768xf32, #tpu.memory_space<vmem>>
    %dma_wait3A_49 = tpu.memref_squeeze %dma_wait3A_48 : memref<1x64x768xf32, #tpu.memory_space<vmem>> -> memref<64x768xf32, #tpu.memory_space<vmem>>
    %dma_wait3A_50 = arith.constant 0 : i32
    %dma_wait3A_51 = tpu.memref_slice %arg5[%dma_wait3A_44, %dma_wait3A_50] : memref<2x64xi32, #tpu.memory_space<vmem>> -> memref<1x64xi32, #tpu.memory_space<vmem>>
    %dma_wait3A_52 = tpu.memref_squeeze %dma_wait3A_51 : memref<1x64xi32, #tpu.memory_space<vmem>> -> memref<64xi32, #tpu.memory_space<vmem>>
    %dma_wait3A_53 = arith.constant 0 : i32
    %dma_wait3A_54 = arith.constant 0 : i32
    %dma_wait3A_55 = tpu.memref_slice %arg2[%dma_wait3A_53, %dma_wait3A_54] : memref<20480x768xf32, #tpu.memory_space<hbm>> -> memref<20480x768xf32, #tpu.memory_space<hbm>>
    tpu.wait_indirect_dma semaphore(%arg9 : memref<!tpu.dma_semaphore, #tpu.memory_space<semaphore_mem>>) src(%dma_wait3A_55 : memref<20480x768xf32, #tpu.memory_space<hbm>>) dst(%dma_wait3A_49 : memref<64x768xf32, #tpu.memory_space<vmem>>)
    %add3A_56 = arith.constant 0 : i32
    %add3A_57 = arith.addi %mul3A_2, %add3A_56 : i32
    %dma_start3A_58 = arith.constant 0 : i32
    %dma_start3A_59 = arith.constant 0 : i32
    %dma_start3A_60 = arith.constant 0 : i32
    %dma_start3A_61 = tpu.memref_slice %arg6[%dma_start3A_58, %dma_start3A_59, %dma_start3A_60] : memref<2x64x768xf32, #tpu.memory_space<vmem>> -> memref<1x64x768xf32, #tpu.memory_space<vmem>>
    %dma_start3A_62 = tpu.memref_squeeze %dma_start3A_61 : memref<1x64x768xf32, #tpu.memory_space<vmem>> -> memref<64x768xf32, #tpu.memory_space<vmem>>
    %dma_start3A_63 = arith.constant 0 : i32
    %dma_start3A_64 = tpu.memref_slice %arg4[%add3A_57, %dma_start3A_63] : memref<16384x768xf32, #tpu.memory_space<hbm>> -> memref<64x768xf32, #tpu.memory_space<hbm>>
    %dma_start3A_65 = arith.constant 0 : i32
    %dma_start3A_66 = tpu.memref_slice %arg4[%add3A_57, %dma_start3A_65] : memref<16384x768xf32, #tpu.memory_space<hbm>> -> memref<64x768xf32, #tpu.memory_space<hbm>>
    %dma_start3A_67 = arith.constant 0 : i32
    %dma_start3A_68 = arith.constant 0 : i32
    %dma_start3A_69 = tpu.memref_slice %arg6[%dma_start3A_58, %dma_start3A_67, %dma_start3A_68] : memref<2x64x768xf32, #tpu.memory_space<vmem>> -> memref<1x64x768xf32, #tpu.memory_space<vmem>>
    %dma_start3A_70 = tpu.memref_squeeze %dma_start3A_69 : memref<1x64x768xf32, #tpu.memory_space<vmem>> -> memref<64x768xf32, #tpu.memory_space<vmem>>
    tpu.enqueue_dma source(%dma_start3A_70 : memref<64x768xf32, #tpu.memory_space<vmem>>) target(%dma_start3A_66 : memref<64x768xf32, #tpu.memory_space<hbm>>) target_semaphore(%arg10 : memref<!tpu.dma_semaphore, #tpu.memory_space<semaphore_mem>>)
    %add3A_71 = arith.constant 128 : i32
    %add3A_72 = arith.addi %mul3A_2, %add3A_71 : i32
    %dma_start3A_73 = arith.constant 0 : i32
    %dma_start3A_74 = arith.constant 0 : i32
    %dma_start3A_75 = tpu.memref_slice %arg5[%dma_start3A_73, %dma_start3A_74] : memref<2x64xi32, #tpu.memory_space<vmem>> -> memref<1x64xi32, #tpu.memory_space<vmem>>
    %dma_start3A_76 = tpu.memref_squeeze %dma_start3A_75 : memref<1x64xi32, #tpu.memory_space<vmem>> -> memref<64xi32, #tpu.memory_space<vmem>>
    %dma_start3A_77 = tpu.memref_slice %arg3[%add3A_72] : memref<16384xi32, #tpu.memory_space<hbm>> -> memref<64xi32, #tpu.memory_space<hbm>>
    %dma_start3A_78 = arith.constant 0 : i32
    %dma_start3A_79 = tpu.memref_slice %arg5[%dma_start3A_73, %dma_start3A_78] : memref<2x64xi32, #tpu.memory_space<vmem>> -> memref<1x64xi32, #tpu.memory_space<vmem>>
    %dma_start3A_80 = tpu.memref_squeeze %dma_start3A_79 : memref<1x64xi32, #tpu.memory_space<vmem>> -> memref<64xi32, #tpu.memory_space<vmem>>
    %dma_start3A_81 = tpu.memref_slice %arg3[%add3A_72] : memref<16384xi32, #tpu.memory_space<hbm>> -> memref<64xi32, #tpu.memory_space<hbm>>
    tpu.enqueue_dma source(%dma_start3A_81 : memref<64xi32, #tpu.memory_space<hbm>>) target(%dma_start3A_80 : memref<64xi32, #tpu.memory_space<vmem>>) target_semaphore(%arg7 : memref<!tpu.dma_semaphore, #tpu.memory_space<semaphore_mem>>)
    %dma_wait3A_82 = arith.constant 1 : i32
    %dma_wait3A_83 = arith.constant 0 : i32
    %dma_wait3A_84 = tpu.memref_slice %arg5[%dma_wait3A_82, %dma_wait3A_83] : memref<2x64xi32, #tpu.memory_space<vmem>> -> memref<1x64xi32, #tpu.memory_space<vmem>>
    %dma_wait3A_85 = tpu.memref_squeeze %dma_wait3A_84 : memref<1x64xi32, #tpu.memory_space<vmem>> -> memref<64xi32, #tpu.memory_space<vmem>>
    %dma_wait3A_86 = tpu.memref_slice %arg3[%add3A_14] : memref<16384xi32, #tpu.memory_space<hbm>> -> memref<64xi32, #tpu.memory_space<hbm>>
    %dma_wait3A_87 = arith.constant 0 : i32
    %dma_wait3A_88 = tpu.memref_slice %arg5[%dma_wait3A_82, %dma_wait3A_87] : memref<2x64xi32, #tpu.memory_space<vmem>> -> memref<1x64xi32, #tpu.memory_space<vmem>>
    %dma_wait3A_89 = tpu.memref_squeeze %dma_wait3A_88 : memref<1x64xi32, #tpu.memory_space<vmem>> -> memref<64xi32, #tpu.memory_space<vmem>>
    %dma_wait3A_90 = tpu.memref_slice %arg3[%add3A_14] : memref<16384xi32, #tpu.memory_space<hbm>> -> memref<64xi32, #tpu.memory_space<hbm>>
    tpu.wait_dma2 semaphore(%arg8 : memref<!tpu.dma_semaphore, #tpu.memory_space<semaphore_mem>>) src(%dma_wait3A_90 : memref<64xi32, #tpu.memory_space<hbm>>) dst(%dma_wait3A_89 : memref<64xi32, #tpu.memory_space<vmem>>)
    %dma_start3A_91 = arith.constant 1 : i32
    %dma_start3A_92 = arith.constant 1 : i32
    %dma_start3A_93 = arith.constant 0 : i32
    %dma_start3A_94 = arith.constant 0 : i32
    %dma_start3A_95 = tpu.memref_slice %arg6[%dma_start3A_92, %dma_start3A_93, %dma_start3A_94] : memref<2x64x768xf32, #tpu.memory_space<vmem>> -> memref<1x64x768xf32, #tpu.memory_space<vmem>>
    %dma_start3A_96 = tpu.memref_squeeze %dma_start3A_95 : memref<1x64x768xf32, #tpu.memory_space<vmem>> -> memref<64x768xf32, #tpu.memory_space<vmem>>
    %dma_start3A_97 = arith.constant 0 : i32
    %dma_start3A_98 = tpu.memref_slice %arg5[%dma_start3A_91, %dma_start3A_97] : memref<2x64xi32, #tpu.memory_space<vmem>> -> memref<1x64xi32, #tpu.memory_space<vmem>>
    %dma_start3A_99 = tpu.memref_squeeze %dma_start3A_98 : memref<1x64xi32, #tpu.memory_space<vmem>> -> memref<64xi32, #tpu.memory_space<vmem>>
    %dma_start3A_100 = arith.constant 0 : i32
    %dma_start3A_101 = arith.constant 0 : i32
    %dma_start3A_102 = tpu.memref_slice %arg2[%dma_start3A_100, %dma_start3A_101] : memref<20480x768xf32, #tpu.memory_space<hbm>> -> memref<20480x768xf32, #tpu.memory_space<hbm>>
    tpu.enqueue_indirect_dma source(%dma_start3A_102 : memref<20480x768xf32, #tpu.memory_space<hbm>>) target(%dma_start3A_96 : memref<64x768xf32, #tpu.memory_space<vmem>>) offsets(%dma_start3A_99 : memref<64xi32, #tpu.memory_space<vmem>>) semaphore(%arg9 : memref<!tpu.dma_semaphore, #tpu.memory_space<semaphore_mem>>)
    %dma_wait3A_103 = arith.constant 1 : i32
    %dma_wait3A_104 = arith.constant 1 : i32
    %dma_wait3A_105 = arith.constant 0 : i32
    %dma_wait3A_106 = arith.constant 0 : i32
    %dma_wait3A_107 = tpu.memref_slice %arg6[%dma_wait3A_104, %dma_wait3A_105, %dma_wait3A_106] : memref<2x64x768xf32, #tpu.memory_space<vmem>> -> memref<1x64x768xf32, #tpu.memory_space<vmem>>
    %dma_wait3A_108 = tpu.memref_squeeze %dma_wait3A_107 : memref<1x64x768xf32, #tpu.memory_space<vmem>> -> memref<64x768xf32, #tpu.memory_space<vmem>>
    %dma_wait3A_109 = arith.constant 0 : i32
    %dma_wait3A_110 = tpu.memref_slice %arg5[%dma_wait3A_103, %dma_wait3A_109] : memref<2x64xi32, #tpu.memory_space<vmem>> -> memref<1x64xi32, #tpu.memory_space<vmem>>
    %dma_wait3A_111 = tpu.memref_squeeze %dma_wait3A_110 : memref<1x64xi32, #tpu.memory_space<vmem>> -> memref<64xi32, #tpu.memory_space<vmem>>
    %dma_wait3A_112 = arith.constant 0 : i32
    %dma_wait3A_113 = arith.constant 0 : i32
    %dma_wait3A_114 = tpu.memref_slice %arg2[%dma_wait3A_112, %dma_wait3A_113] : memref<20480x768xf32, #tpu.memory_space<hbm>> -> memref<20480x768xf32, #tpu.memory_space<hbm>>
    tpu.wait_indirect_dma semaphore(%arg9 : memref<!tpu.dma_semaphore, #tpu.memory_space<semaphore_mem>>) src(%dma_wait3A_114 : memref<20480x768xf32, #tpu.memory_space<hbm>>) dst(%dma_wait3A_108 : memref<64x768xf32, #tpu.memory_space<vmem>>)
    %add3A_115 = arith.constant 64 : i32
    %add3A_116 = arith.addi %mul3A_2, %add3A_115 : i32
    %dma_start3A_117 = arith.constant 1 : i32
    %dma_start3A_118 = arith.constant 0 : i32
    %dma_start3A_119 = arith.constant 0 : i32
    %dma_start3A_120 = tpu.memref_slice %arg6[%dma_start3A_117, %dma_start3A_118, %dma_start3A_119] : memref<2x64x768xf32, #tpu.memory_space<vmem>> -> memref<1x64x768xf32, #tpu.memory_space<vmem>>
    %dma_start3A_121 = tpu.memref_squeeze %dma_start3A_120 : memref<1x64x768xf32, #tpu.memory_space<vmem>> -> memref<64x768xf32, #tpu.memory_space<vmem>>
    %dma_start3A_122 = arith.constant 0 : i32
    %dma_start3A_123 = tpu.memref_slice %arg4[%add3A_116, %dma_start3A_122] : memref<16384x768xf32, #tpu.memory_space<hbm>> -> memref<64x768xf32, #tpu.memory_space<hbm>>
    %dma_start3A_124 = arith.constant 0 : i32
    %dma_start3A_125 = tpu.memref_slice %arg4[%add3A_116, %dma_start3A_124] : memref<16384x768xf32, #tpu.memory_space<hbm>> -> memref<64x768xf32, #tpu.memory_space<hbm>>
    %dma_start3A_126 = arith.constant 0 : i32
    %dma_start3A_127 = arith.constant 0 : i32
    %dma_start3A_128 = tpu.memref_slice %arg6[%dma_start3A_117, %dma_start3A_126, %dma_start3A_127] : memref<2x64x768xf32, #tpu.memory_space<vmem>> -> memref<1x64x768xf32, #tpu.memory_space<vmem>>
    %dma_start3A_129 = tpu.memref_squeeze %dma_start3A_128 : memref<1x64x768xf32, #tpu.memory_space<vmem>> -> memref<64x768xf32, #tpu.memory_space<vmem>>
    tpu.enqueue_dma source(%dma_start3A_129 : memref<64x768xf32, #tpu.memory_space<vmem>>) target(%dma_start3A_125 : memref<64x768xf32, #tpu.memory_space<hbm>>) target_semaphore(%arg11 : memref<!tpu.dma_semaphore, #tpu.memory_space<semaphore_mem>>)
    %add3A_130 = arith.constant 192 : i32
    %add3A_131 = arith.addi %mul3A_2, %add3A_130 : i32
    %dma_start3A_132 = arith.constant 1 : i32
    %dma_start3A_133 = arith.constant 0 : i32
    %dma_start3A_134 = tpu.memref_slice %arg5[%dma_start3A_132, %dma_start3A_133] : memref<2x64xi32, #tpu.memory_space<vmem>> -> memref<1x64xi32, #tpu.memory_space<vmem>>
    %dma_start3A_135 = tpu.memref_squeeze %dma_start3A_134 : memref<1x64xi32, #tpu.memory_space<vmem>> -> memref<64xi32, #tpu.memory_space<vmem>>
    %dma_start3A_136 = tpu.memref_slice %arg3[%add3A_131] : memref<16384xi32, #tpu.memory_space<hbm>> -> memref<64xi32, #tpu.memory_space<hbm>>
    %dma_start3A_137 = arith.constant 0 : i32
    %dma_start3A_138 = tpu.memref_slice %arg5[%dma_start3A_132, %dma_start3A_137] : memref<2x64xi32, #tpu.memory_space<vmem>> -> memref<1x64xi32, #tpu.memory_space<vmem>>
    %dma_start3A_139 = tpu.memref_squeeze %dma_start3A_138 : memref<1x64xi32, #tpu.memory_space<vmem>> -> memref<64xi32, #tpu.memory_space<vmem>>
    %dma_start3A_140 = tpu.memref_slice %arg3[%add3A_131] : memref<16384xi32, #tpu.memory_space<hbm>> -> memref<64xi32, #tpu.memory_space<hbm>>
    tpu.enqueue_dma source(%dma_start3A_140 : memref<64xi32, #tpu.memory_space<hbm>>) target(%dma_start3A_139 : memref<64xi32, #tpu.memory_space<vmem>>) target_semaphore(%arg8 : memref<!tpu.dma_semaphore, #tpu.memory_space<semaphore_mem>>)
    %dma_wait3A_141 = arith.constant 0 : i32
    %dma_wait3A_142 = arith.constant 0 : i32
    %dma_wait3A_143 = tpu.memref_slice %arg5[%dma_wait3A_141, %dma_wait3A_142] : memref<2x64xi32, #tpu.memory_space<vmem>> -> memref<1x64xi32, #tpu.memory_space<vmem>>
    %dma_wait3A_144 = tpu.memref_squeeze %dma_wait3A_143 : memref<1x64xi32, #tpu.memory_space<vmem>> -> memref<64xi32, #tpu.memory_space<vmem>>
    %dma_wait3A_145 = tpu.memref_slice %arg3[%add3A_72] : memref<16384xi32, #tpu.memory_space<hbm>> -> memref<64xi32, #tpu.memory_space<hbm>>
    %dma_wait3A_146 = arith.constant 0 : i32
    %dma_wait3A_147 = tpu.memref_slice %arg5[%dma_wait3A_141, %dma_wait3A_146] : memref<2x64xi32, #tpu.memory_space<vmem>> -> memref<1x64xi32, #tpu.memory_space<vmem>>
    %dma_wait3A_148 = tpu.memref_squeeze %dma_wait3A_147 : memref<1x64xi32, #tpu.memory_space<vmem>> -> memref<64xi32, #tpu.memory_space<vmem>>
    %dma_wait3A_149 = tpu.memref_slice %arg3[%add3A_72] : memref<16384xi32, #tpu.memory_space<hbm>> -> memref<64xi32, #tpu.memory_space<hbm>>
    tpu.wait_dma2 semaphore(%arg7 : memref<!tpu.dma_semaphore, #tpu.memory_space<semaphore_mem>>) src(%dma_wait3A_149 : memref<64xi32, #tpu.memory_space<hbm>>) dst(%dma_wait3A_148 : memref<64xi32, #tpu.memory_space<vmem>>)
    %dma_wait3A_150 = arith.constant 0 : i32
    %dma_wait3A_151 = arith.constant 0 : i32
    %dma_wait3A_152 = arith.constant 0 : i32
    %dma_wait3A_153 = tpu.memref_slice %arg6[%dma_wait3A_150, %dma_wait3A_151, %dma_wait3A_152] : memref<2x64x768xf32, #tpu.memory_space<vmem>> -> memref<1x64x768xf32, #tpu.memory_space<vmem>>
    %dma_wait3A_154 = tpu.memref_squeeze %dma_wait3A_153 : memref<1x64x768xf32, #tpu.memory_space<vmem>> -> memref<64x768xf32, #tpu.memory_space<vmem>>
    %dma_wait3A_155 = arith.constant 0 : i32
    %dma_wait3A_156 = tpu.memref_slice %arg4[%add3A_57, %dma_wait3A_155] : memref<16384x768xf32, #tpu.memory_space<hbm>> -> memref<64x768xf32, #tpu.memory_space<hbm>>
    %dma_wait3A_157 = arith.constant 0 : i32
    %dma_wait3A_158 = tpu.memref_slice %arg4[%add3A_57, %dma_wait3A_157] : memref<16384x768xf32, #tpu.memory_space<hbm>> -> memref<64x768xf32, #tpu.memory_space<hbm>>
    %dma_wait3A_159 = arith.constant 0 : i32
    %dma_wait3A_160 = arith.constant 0 : i32
    %dma_wait3A_161 = tpu.memref_slice %arg6[%dma_wait3A_150, %dma_wait3A_159, %dma_wait3A_160] : memref<2x64x768xf32, #tpu.memory_space<vmem>> -> memref<1x64x768xf32, #tpu.memory_space<vmem>>
    %dma_wait3A_162 = tpu.memref_squeeze %dma_wait3A_161 : memref<1x64x768xf32, #tpu.memory_space<vmem>> -> memref<64x768xf32, #tpu.memory_space<vmem>>
    tpu.wait_dma2 semaphore(%arg10 : memref<!tpu.dma_semaphore, #tpu.memory_space<semaphore_mem>>) src(%dma_wait3A_162 : memref<64x768xf32, #tpu.memory_space<vmem>>) dst(%dma_wait3A_158 : memref<64x768xf32, #tpu.memory_space<hbm>>)
    %dma_start3A_163 = arith.constant 0 : i32
    %dma_start3A_164 = arith.constant 0 : i32
    %dma_start3A_165 = arith.constant 0 : i32
    %dma_start3A_166 = arith.constant 0 : i32
    %dma_start3A_167 = tpu.memref_slice %arg6[%dma_start3A_164, %dma_start3A_165, %dma_start3A_166] : memref<2x64x768xf32, #tpu.memory_space<vmem>> -> memref<1x64x768xf32, #tpu.memory_space<vmem>>
    %dma_start3A_168 = tpu.memref_squeeze %dma_start3A_167 : memref<1x64x768xf32, #tpu.memory_space<vmem>> -> memref<64x768xf32, #tpu.memory_space<vmem>>
    %dma_start3A_169 = arith.constant 0 : i32
    %dma_start3A_170 = tpu.memref_slice %arg5[%dma_start3A_163, %dma_start3A_169] : memref<2x64xi32, #tpu.memory_space<vmem>> -> memref<1x64xi32, #tpu.memory_space<vmem>>
    %dma_start3A_171 = tpu.memref_squeeze %dma_start3A_170 : memref<1x64xi32, #tpu.memory_space<vmem>> -> memref<64xi32, #tpu.memory_space<vmem>>
    %dma_start3A_172 = arith.constant 0 : i32
    %dma_start3A_173 = arith.constant 0 : i32
    %dma_start3A_174 = tpu.memref_slice %arg2[%dma_start3A_172, %dma_start3A_173] : memref<20480x768xf32, #tpu.memory_space<hbm>> -> memref<20480x768xf32, #tpu.memory_space<hbm>>
    tpu.enqueue_indirect_dma source(%dma_start3A_174 : memref<20480x768xf32, #tpu.memory_space<hbm>>) target(%dma_start3A_168 : memref<64x768xf32, #tpu.memory_space<vmem>>) offsets(%dma_start3A_171 : memref<64xi32, #tpu.memory_space<vmem>>) semaphore(%arg9 : memref<!tpu.dma_semaphore, #tpu.memory_space<semaphore_mem>>)
    %dma_wait3A_175 = arith.constant 0 : i32
    %dma_wait3A_176 = arith.constant 0 : i32
    %dma_wait3A_177 = arith.constant 0 : i32
    %dma_wait3A_178 = arith.constant 0 : i32
    %dma_wait3A_179 = tpu.memref_slice %arg6[%dma_wait3A_176, %dma_wait3A_177, %dma_wait3A_178] : memref<2x64x768xf32, #tpu.memory_space<vmem>> -> memref<1x64x768xf32, #tpu.memory_space<vmem>>
    %dma_wait3A_180 = tpu.memref_squeeze %dma_wait3A_179 : memref<1x64x768xf32, #tpu.memory_space<vmem>> -> memref<64x768xf32, #tpu.memory_space<vmem>>
    %dma_wait3A_181 = arith.constant 0 : i32
    %dma_wait3A_182 = tpu.memref_slice %arg5[%dma_wait3A_175, %dma_wait3A_181] : memref<2x64xi32, #tpu.memory_space<vmem>> -> memref<1x64xi32, #tpu.memory_space<vmem>>
    %dma_wait3A_183 = tpu.memref_squeeze %dma_wait3A_182 : memref<1x64xi32, #tpu.memory_space<vmem>> -> memref<64xi32, #tpu.memory_space<vmem>>
    %dma_wait3A_184 = arith.constant 0 : i32
    %dma_wait3A_185 = arith.constant 0 : i32
    %dma_wait3A_186 = tpu.memref_slice %arg2[%dma_wait3A_184, %dma_wait3A_185] : memref<20480x768xf32, #tpu.memory_space<hbm>> -> memref<20480x768xf32, #tpu.memory_space<hbm>>
    tpu.wait_indirect_dma semaphore(%arg9 : memref<!tpu.dma_semaphore, #tpu.memory_space<semaphore_mem>>) src(%dma_wait3A_186 : memref<20480x768xf32, #tpu.memory_space<hbm>>) dst(%dma_wait3A_180 : memref<64x768xf32, #tpu.memory_space<vmem>>)
    %add3A_187 = arith.constant 128 : i32
    %add3A_188 = arith.addi %mul3A_2, %add3A_187 : i32
    %dma_start3A_189 = arith.constant 0 : i32
    %dma_start3A_190 = arith.constant 0 : i32
    %dma_start3A_191 = arith.constant 0 : i32
    %dma_start3A_192 = tpu.memref_slice %arg6[%dma_start3A_189, %dma_start3A_190, %dma_start3A_191] : memref<2x64x768xf32, #tpu.memory_space<vmem>> -> memref<1x64x768xf32, #tpu.memory_space<vmem>>
    %dma_start3A_193 = tpu.memref_squeeze %dma_start3A_192 : memref<1x64x768xf32, #tpu.memory_space<vmem>> -> memref<64x768xf32, #tpu.memory_space<vmem>>
    %dma_start3A_194 = arith.constant 0 : i32
    %dma_start3A_195 = tpu.memref_slice %arg4[%add3A_188, %dma_start3A_194] : memref<16384x768xf32, #tpu.memory_space<hbm>> -> memref<64x768xf32, #tpu.memory_space<hbm>>
    %dma_start3A_196 = arith.constant 0 : i32
    %dma_start3A_197 = tpu.memref_slice %arg4[%add3A_188, %dma_start3A_196] : memref<16384x768xf32, #tpu.memory_space<hbm>> -> memref<64x768xf32, #tpu.memory_space<hbm>>
    %dma_start3A_198 = arith.constant 0 : i32
    %dma_start3A_199 = arith.constant 0 : i32
    %dma_start3A_200 = tpu.memref_slice %arg6[%dma_start3A_189, %dma_start3A_198, %dma_start3A_199] : memref<2x64x768xf32, #tpu.memory_space<vmem>> -> memref<1x64x768xf32, #tpu.memory_space<vmem>>
    %dma_start3A_201 = tpu.memref_squeeze %dma_start3A_200 : memref<1x64x768xf32, #tpu.memory_space<vmem>> -> memref<64x768xf32, #tpu.memory_space<vmem>>
    tpu.enqueue_dma source(%dma_start3A_201 : memref<64x768xf32, #tpu.memory_space<vmem>>) target(%dma_start3A_197 : memref<64x768xf32, #tpu.memory_space<hbm>>) target_semaphore(%arg10 : memref<!tpu.dma_semaphore, #tpu.memory_space<semaphore_mem>>)
    %add3A_202 = arith.constant 256 : i32
    %add3A_203 = arith.addi %mul3A_2, %add3A_202 : i32
    %dma_start3A_204 = arith.constant 0 : i32
    %dma_start3A_205 = arith.constant 0 : i32
    %dma_start3A_206 = tpu.memref_slice %arg5[%dma_start3A_204, %dma_start3A_205] : memref<2x64xi32, #tpu.memory_space<vmem>> -> memref<1x64xi32, #tpu.memory_space<vmem>>
    %dma_start3A_207 = tpu.memref_squeeze %dma_start3A_206 : memref<1x64xi32, #tpu.memory_space<vmem>> -> memref<64xi32, #tpu.memory_space<vmem>>
    %dma_start3A_208 = tpu.memref_slice %arg3[%add3A_203] : memref<16384xi32, #tpu.memory_space<hbm>> -> memref<64xi32, #tpu.memory_space<hbm>>
    %dma_start3A_209 = arith.constant 0 : i32
    %dma_start3A_210 = tpu.memref_slice %arg5[%dma_start3A_204, %dma_start3A_209] : memref<2x64xi32, #tpu.memory_space<vmem>> -> memref<1x64xi32, #tpu.memory_space<vmem>>
    %dma_start3A_211 = tpu.memref_squeeze %dma_start3A_210 : memref<1x64xi32, #tpu.memory_space<vmem>> -> memref<64xi32, #tpu.memory_space<vmem>>
    %dma_start3A_212 = tpu.memref_slice %arg3[%add3A_203] : memref<16384xi32, #tpu.memory_space<hbm>> -> memref<64xi32, #tpu.memory_space<hbm>>
    tpu.enqueue_dma source(%dma_start3A_212 : memref<64xi32, #tpu.memory_space<hbm>>) target(%dma_start3A_211 : memref<64xi32, #tpu.memory_space<vmem>>) target_semaphore(%arg7 : memref<!tpu.dma_semaphore, #tpu.memory_space<semaphore_mem>>)
    %dma_wait3A_213 = arith.constant 1 : i32
    %dma_wait3A_214 = arith.constant 0 : i32
    %dma_wait3A_215 = tpu.memref_slice %arg5[%dma_wait3A_213, %dma_wait3A_214] : memref<2x64xi32, #tpu.memory_space<vmem>> -> memref<1x64xi32, #tpu.memory_space<vmem>>
    %dma_wait3A_216 = tpu.memref_squeeze %dma_wait3A_215 : memref<1x64xi32, #tpu.memory_space<vmem>> -> memref<64xi32, #tpu.memory_space<vmem>>
    %dma_wait3A_217 = tpu.memref_slice %arg3[%add3A_131] : memref<16384xi32, #tpu.memory_space<hbm>> -> memref<64xi32, #tpu.memory_space<hbm>>
    %dma_wait3A_218 = arith.constant 0 : i32
    %dma_wait3A_219 = tpu.memref_slice %arg5[%dma_wait3A_213, %dma_wait3A_218] : memref<2x64xi32, #tpu.memory_space<vmem>> -> memref<1x64xi32, #tpu.memory_space<vmem>>
    %dma_wait3A_220 = tpu.memref_squeeze %dma_wait3A_219 : memref<1x64xi32, #tpu.memory_space<vmem>> -> memref<64xi32, #tpu.memory_space<vmem>>
    %dma_wait3A_221 = tpu.memref_slice %arg3[%add3A_131] : memref<16384xi32, #tpu.memory_space<hbm>> -> memref<64xi32, #tpu.memory_space<hbm>>
    tpu.wait_dma2 semaphore(%arg8 : memref<!tpu.dma_semaphore, #tpu.memory_space<semaphore_mem>>) src(%dma_wait3A_221 : memref<64xi32, #tpu.memory_space<hbm>>) dst(%dma_wait3A_220 : memref<64xi32, #tpu.memory_space<vmem>>)
    %dma_wait3A_222 = arith.constant 1 : i32
    %dma_wait3A_223 = arith.constant 0 : i32
    %dma_wait3A_224 = arith.constant 0 : i32
    %dma_wait3A_225 = tpu.memref_slice %arg6[%dma_wait3A_222, %dma_wait3A_223, %dma_wait3A_224] : memref<2x64x768xf32, #tpu.memory_space<vmem>> -> memref<1x64x768xf32, #tpu.memory_space<vmem>>
    %dma_wait3A_226 = tpu.memref_squeeze %dma_wait3A_225 : memref<1x64x768xf32, #tpu.memory_space<vmem>> -> memref<64x768xf32, #tpu.memory_space<vmem>>
    %dma_wait3A_227 = arith.constant 0 : i32
    %dma_wait3A_228 = tpu.memref_slice %arg4[%add3A_116, %dma_wait3A_227] : memref<16384x768xf32, #tpu.memory_space<hbm>> -> memref<64x768xf32, #tpu.memory_space<hbm>>
    %dma_wait3A_229 = arith.constant 0 : i32
    %dma_wait3A_230 = tpu.memref_slice %arg4[%add3A_116, %dma_wait3A_229] : memref<16384x768xf32, #tpu.memory_space<hbm>> -> memref<64x768xf32, #tpu.memory_space<hbm>>
    %dma_wait3A_231 = arith.constant 0 : i32
    %dma_wait3A_232 = arith.constant 0 : i32
    %dma_wait3A_233 = tpu.memref_slice %arg6[%dma_wait3A_222, %dma_wait3A_231, %dma_wait3A_232] : memref<2x64x768xf32, #tpu.memory_space<vmem>> -> memref<1x64x768xf32, #tpu.memory_space<vmem>>
    %dma_wait3A_234 = tpu.memref_squeeze %dma_wait3A_233 : memref<1x64x768xf32, #tpu.memory_space<vmem>> -> memref<64x768xf32, #tpu.memory_space<vmem>>
    tpu.wait_dma2 semaphore(%arg11 : memref<!tpu.dma_semaphore, #tpu.memory_space<semaphore_mem>>) src(%dma_wait3A_234 : memref<64x768xf32, #tpu.memory_space<vmem>>) dst(%dma_wait3A_230 : memref<64x768xf32, #tpu.memory_space<hbm>>)
    %dma_start3A_235 = arith.constant 1 : i32
    %dma_start3A_236 = arith.constant 1 : i32
    %dma_start3A_237 = arith.constant 0 : i32
    %dma_start3A_238 = arith.constant 0 : i32
    %dma_start3A_239 = tpu.memref_slice %arg6[%dma_start3A_236, %dma_start3A_237, %dma_start3A_238] : memref<2x64x768xf32, #tpu.memory_space<vmem>> -> memref<1x64x768xf32, #tpu.memory_space<vmem>>
    %dma_start3A_240 = tpu.memref_squeeze %dma_start3A_239 : memref<1x64x768xf32, #tpu.memory_space<vmem>> -> memref<64x768xf32, #tpu.memory_space<vmem>>
    %dma_start3A_241 = arith.constant 0 : i32
    %dma_start3A_242 = tpu.memref_slice %arg5[%dma_start3A_235, %dma_start3A_241] : memref<2x64xi32, #tpu.memory_space<vmem>> -> memref<1x64xi32, #tpu.memory_space<vmem>>
    %dma_start3A_243 = tpu.memref_squeeze %dma_start3A_242 : memref<1x64xi32, #tpu.memory_space<vmem>> -> memref<64xi32, #tpu.memory_space<vmem>>
    %dma_start3A_244 = arith.constant 0 : i32
    %dma_start3A_245 = arith.constant 0 : i32
    %dma_start3A_246 = tpu.memref_slice %arg2[%dma_start3A_244, %dma_start3A_245] : memref<20480x768xf32, #tpu.memory_space<hbm>> -> memref<20480x768xf32, #tpu.memory_space<hbm>>
    tpu.enqueue_indirect_dma source(%dma_start3A_246 : memref<20480x768xf32, #tpu.memory_space<hbm>>) target(%dma_start3A_240 : memref<64x768xf32, #tpu.memory_space<vmem>>) offsets(%dma_start3A_243 : memref<64xi32, #tpu.memory_space<vmem>>) semaphore(%arg9 : memref<!tpu.dma_semaphore, #tpu.memory_space<semaphore_mem>>)
    %dma_wait3A_247 = arith.constant 1 : i32
    %dma_wait3A_248 = arith.constant 1 : i32
    %dma_wait3A_249 = arith.constant 0 : i32
    %dma_wait3A_250 = arith.constant 0 : i32
    %dma_wait3A_251 = tpu.memref_slice %arg6[%dma_wait3A_248, %dma_wait3A_249, %dma_wait3A_250] : memref<2x64x768xf32, #tpu.memory_space<vmem>> -> memref<1x64x768xf32, #tpu.memory_space<vmem>>
    %dma_wait3A_252 = tpu.memref_squeeze %dma_wait3A_251 : memref<1x64x768xf32, #tpu.memory_space<vmem>> -> memref<64x768xf32, #tpu.memory_space<vmem>>
    %dma_wait3A_253 = arith.constant 0 : i32
    %dma_wait3A_254 = tpu.memref_slice %arg5[%dma_wait3A_247, %dma_wait3A_253] : memref<2x64xi32, #tpu.memory_space<vmem>> -> memref<1x64xi32, #tpu.memory_space<vmem>>
    %dma_wait3A_255 = tpu.memref_squeeze %dma_wait3A_254 : memref<1x64xi32, #tpu.memory_space<vmem>> -> memref<64xi32, #tpu.memory_space<vmem>>
    %dma_wait3A_256 = arith.constant 0 : i32
    %dma_wait3A_257 = arith.constant 0 : i32
    %dma_wait3A_258 = tpu.memref_slice %arg2[%dma_wait3A_256, %dma_wait3A_257] : memref<20480x768xf32, #tpu.memory_space<hbm>> -> memref<20480x768xf32, #tpu.memory_space<hbm>>
    tpu.wait_indirect_dma semaphore(%arg9 : memref<!tpu.dma_semaphore, #tpu.memory_space<semaphore_mem>>) src(%dma_wait3A_258 : memref<20480x768xf32, #tpu.memory_space<hbm>>) dst(%dma_wait3A_252 : memref<64x768xf32, #tpu.memory_space<vmem>>)
    %add3A_259 = arith.constant 192 : i32
    %add3A_260 = arith.addi %mul3A_2, %add3A_259 : i32
    %dma_start3A_261 = arith.constant 1 : i32
    %dma_start3A_262 = arith.constant 0 : i32
    %dma_start3A_263 = arith.constant 0 : i32
    %dma_start3A_264 = tpu.memref_slice %arg6[%dma_start3A_261, %dma_start3A_262, %dma_start3A_263] : memref<2x64x768xf32, #tpu.memory_space<vmem>> -> memref<1x64x768xf32, #tpu.memory_space<vmem>>
    %dma_start3A_265 = tpu.memref_squeeze %dma_start3A_264 : memref<1x64x768xf32, #tpu.memory_space<vmem>> -> memref<64x768xf32, #tpu.memory_space<vmem>>
    %dma_start3A_266 = arith.constant 0 : i32
    %dma_start3A_267 = tpu.memref_slice %arg4[%add3A_260, %dma_start3A_266] : memref<16384x768xf32, #tpu.memory_space<hbm>> -> memref<64x768xf32, #tpu.memory_space<hbm>>
    %dma_start3A_268 = arith.constant 0 : i32
    %dma_start3A_269 = tpu.memref_slice %arg4[%add3A_260, %dma_start3A_268] : memref<16384x768xf32, #tpu.memory_space<hbm>> -> memref<64x768xf32, #tpu.memory_space<hbm>>
    %dma_start3A_270 = arith.constant 0 : i32
    %dma_start3A_271 = arith.constant 0 : i32
    %dma_start3A_272 = tpu.memref_slice %arg6[%dma_start3A_261, %dma_start3A_270, %dma_start3A_271] : memref<2x64x768xf32, #tpu.memory_space<vmem>> -> memref<1x64x768xf32, #tpu.memory_space<vmem>>
    %dma_start3A_273 = tpu.memref_squeeze %dma_start3A_272 : memref<1x64x768xf32, #tpu.memory_space<vmem>> -> memref<64x768xf32, #tpu.memory_space<vmem>>
    tpu.enqueue_dma source(%dma_start3A_273 : memref<64x768xf32, #tpu.memory_space<vmem>>) target(%dma_start3A_269 : memref<64x768xf32, #tpu.memory_space<hbm>>) target_semaphore(%arg11 : memref<!tpu.dma_semaphore, #tpu.memory_space<semaphore_mem>>)
    %add3A_274 = arith.constant 320 : i32
    %add3A_275 = arith.addi %mul3A_2, %add3A_274 : i32
    %dma_start3A_276 = arith.constant 1 : i32
    %dma_start3A_277 = arith.constant 0 : i32
    %dma_start3A_278 = tpu.memref_slice %arg5[%dma_start3A_276, %dma_start3A_277] : memref<2x64xi32, #tpu.memory_space<vmem>> -> memref<1x64xi32, #tpu.memory_space<vmem>>
    %dma_start3A_279 = tpu.memref_squeeze %dma_start3A_278 : memref<1x64xi32, #tpu.memory_space<vmem>> -> memref<64xi32, #tpu.memory_space<vmem>>
    %dma_start3A_280 = tpu.memref_slice %arg3[%add3A_275] : memref<16384xi32, #tpu.memory_space<hbm>> -> memref<64xi32, #tpu.memory_space<hbm>>
    %dma_start3A_281 = arith.constant 0 : i32
    %dma_start3A_282 = tpu.memref_slice %arg5[%dma_start3A_276, %dma_start3A_281] : memref<2x64xi32, #tpu.memory_space<vmem>> -> memref<1x64xi32, #tpu.memory_space<vmem>>
    %dma_start3A_283 = tpu.memref_squeeze %dma_start3A_282 : memref<1x64xi32, #tpu.memory_space<vmem>> -> memref<64xi32, #tpu.memory_space<vmem>>
    %dma_start3A_284 = tpu.memref_slice %arg3[%add3A_275] : memref<16384xi32, #tpu.memory_space<hbm>> -> memref<64xi32, #tpu.memory_space<hbm>>
    tpu.enqueue_dma source(%dma_start3A_284 : memref<64xi32, #tpu.memory_space<hbm>>) target(%dma_start3A_283 : memref<64xi32, #tpu.memory_space<vmem>>) target_semaphore(%arg8 : memref<!tpu.dma_semaphore, #tpu.memory_space<semaphore_mem>>)
    %dma_wait3A_285 = arith.constant 0 : i32
    %dma_wait3A_286 = arith.constant 0 : i32
    %dma_wait3A_287 = tpu.memref_slice %arg5[%dma_wait3A_285, %dma_wait3A_286] : memref<2x64xi32, #tpu.memory_space<vmem>> -> memref<1x64xi32, #tpu.memory_space<vmem>>
    %dma_wait3A_288 = tpu.memref_squeeze %dma_wait3A_287 : memref<1x64xi32, #tpu.memory_space<vmem>> -> memref<64xi32, #tpu.memory_space<vmem>>
    %dma_wait3A_289 = tpu.memref_slice %arg3[%add3A_203] : memref<16384xi32, #tpu.memory_space<hbm>> -> memref<64xi32, #tpu.memory_space<hbm>>
    %dma_wait3A_290 = arith.constant 0 : i32
    %dma_wait3A_291 = tpu.memref_slice %arg5[%dma_wait3A_285, %dma_wait3A_290] : memref<2x64xi32, #tpu.memory_space<vmem>> -> memref<1x64xi32, #tpu.memory_space<vmem>>
    %dma_wait3A_292 = tpu.memref_squeeze %dma_wait3A_291 : memref<1x64xi32, #tpu.memory_space<vmem>> -> memref<64xi32, #tpu.memory_space<vmem>>
    %dma_wait3A_293 = tpu.memref_slice %arg3[%add3A_203] : memref<16384xi32, #tpu.memory_space<hbm>> -> memref<64xi32, #tpu.memory_space<hbm>>
    tpu.wait_dma2 semaphore(%arg7 : memref<!tpu.dma_semaphore, #tpu.memory_space<semaphore_mem>>) src(%dma_wait3A_293 : memref<64xi32, #tpu.memory_space<hbm>>) dst(%dma_wait3A_292 : memref<64xi32, #tpu.memory_space<vmem>>)
    %dma_wait3A_294 = arith.constant 0 : i32
    %dma_wait3A_295 = arith.constant 0 : i32
    %dma_wait3A_296 = arith.constant 0 : i32
    %dma_wait3A_297 = tpu.memref_slice %arg6[%dma_wait3A_294, %dma_wait3A_295, %dma_wait3A_296] : memref<2x64x768xf32, #tpu.memory_space<vmem>> -> memref<1x64x768xf32, #tpu.memory_space<vmem>>
    %dma_wait3A_298 = tpu.memref_squeeze %dma_wait3A_297 : memref<1x64x768xf32, #tpu.memory_space<vmem>> -> memref<64x768xf32, #tpu.memory_space<vmem>>
    %dma_wait3A_299 = arith.constant 0 : i32
    %dma_wait3A_300 = tpu.memref_slice %arg4[%add3A_188, %dma_wait3A_299] : memref<16384x768xf32, #tpu.memory_space<hbm>> -> memref<64x768xf32, #tpu.memory_space<hbm>>
    %dma_wait3A_301 = arith.constant 0 : i32
    %dma_wait3A_302 = tpu.memref_slice %arg4[%add3A_188, %dma_wait3A_301] : memref<16384x768xf32, #tpu.memory_space<hbm>> -> memref<64x768xf32, #tpu.memory_space<hbm>>
    %dma_wait3A_303 = arith.constant 0 : i32
    %dma_wait3A_304 = arith.constant 0 : i32
    %dma_wait3A_305 = tpu.memref_slice %arg6[%dma_wait3A_294, %dma_wait3A_303, %dma_wait3A_304] : memref<2x64x768xf32, #tpu.memory_space<vmem>> -> memref<1x64x768xf32, #tpu.memory_space<vmem>>
    %dma_wait3A_306 = tpu.memref_squeeze %dma_wait3A_305 : memref<1x64x768xf32, #tpu.memory_space<vmem>> -> memref<64x768xf32, #tpu.memory_space<vmem>>
    tpu.wait_dma2 semaphore(%arg10 : memref<!tpu.dma_semaphore, #tpu.memory_space<semaphore_mem>>) src(%dma_wait3A_306 : memref<64x768xf32, #tpu.memory_space<vmem>>) dst(%dma_wait3A_302 : memref<64x768xf32, #tpu.memory_space<hbm>>)
    %dma_start3A_307 = arith.constant 0 : i32
    %dma_start3A_308 = arith.constant 0 : i32
    %dma_start3A_309 = arith.constant 0 : i32
    %dma_start3A_310 = arith.constant 0 : i32
    %dma_start3A_311 = tpu.memref_slice %arg6[%dma_start3A_308, %dma_start3A_309, %dma_start3A_310] : memref<2x64x768xf32, #tpu.memory_space<vmem>> -> memref<1x64x768xf32, #tpu.memory_space<vmem>>
    %dma_start3A_312 = tpu.memref_squeeze %dma_start3A_311 : memref<1x64x768xf32, #tpu.memory_space<vmem>> -> memref<64x768xf32, #tpu.memory_space<vmem>>
    %dma_start3A_313 = arith.constant 0 : i32
    %dma_start3A_314 = tpu.memref_slice %arg5[%dma_start3A_307, %dma_start3A_313] : memref<2x64xi32, #tpu.memory_space<vmem>> -> memref<1x64xi32, #tpu.memory_space<vmem>>
    %dma_start3A_315 = tpu.memref_squeeze %dma_start3A_314 : memref<1x64xi32, #tpu.memory_space<vmem>> -> memref<64xi32, #tpu.memory_space<vmem>>
    %dma_start3A_316 = arith.constant 0 : i32
    %dma_start3A_317 = arith.constant 0 : i32
    %dma_start3A_318 = tpu.memref_slice %arg2[%dma_start3A_316, %dma_start3A_317] : memref<20480x768xf32, #tpu.memory_space<hbm>> -> memref<20480x768xf32, #tpu.memory_space<hbm>>
    tpu.enqueue_indirect_dma source(%dma_start3A_318 : memref<20480x768xf32, #tpu.memory_space<hbm>>) target(%dma_start3A_312 : memref<64x768xf32, #tpu.memory_space<vmem>>) offsets(%dma_start3A_315 : memref<64xi32, #tpu.memory_space<vmem>>) semaphore(%arg9 : memref<!tpu.dma_semaphore, #tpu.memory_space<semaphore_mem>>)
    %dma_wait3A_319 = arith.constant 0 : i32
    %dma_wait3A_320 = arith.constant 0 : i32
    %dma_wait3A_321 = arith.constant 0 : i32
    %dma_wait3A_322 = arith.constant 0 : i32
    %dma_wait3A_323 = tpu.memref_slice %arg6[%dma_wait3A_320, %dma_wait3A_321, %dma_wait3A_322] : memref<2x64x768xf32, #tpu.memory_space<vmem>> -> memref<1x64x768xf32, #tpu.memory_space<vmem>>
    %dma_wait3A_324 = tpu.memref_squeeze %dma_wait3A_323 : memref<1x64x768xf32, #tpu.memory_space<vmem>> -> memref<64x768xf32, #tpu.memory_space<vmem>>
    %dma_wait3A_325 = arith.constant 0 : i32
    %dma_wait3A_326 = tpu.memref_slice %arg5[%dma_wait3A_319, %dma_wait3A_325] : memref<2x64xi32, #tpu.memory_space<vmem>> -> memref<1x64xi32, #tpu.memory_space<vmem>>
    %dma_wait3A_327 = tpu.memref_squeeze %dma_wait3A_326 : memref<1x64xi32, #tpu.memory_space<vmem>> -> memref<64xi32, #tpu.memory_space<vmem>>
    %dma_wait3A_328 = arith.constant 0 : i32
    %dma_wait3A_329 = arith.constant 0 : i32
    %dma_wait3A_330 = tpu.memref_slice %arg2[%dma_wait3A_328, %dma_wait3A_329] : memref<20480x768xf32, #tpu.memory_space<hbm>> -> memref<20480x768xf32, #tpu.memory_space<hbm>>
    tpu.wait_indirect_dma semaphore(%arg9 : memref<!tpu.dma_semaphore, #tpu.memory_space<semaphore_mem>>) src(%dma_wait3A_330 : memref<20480x768xf32, #tpu.memory_space<hbm>>) dst(%dma_wait3A_324 : memref<64x768xf32, #tpu.memory_space<vmem>>)
    %add3A_331 = arith.constant 256 : i32
    %add3A_332 = arith.addi %mul3A_2, %add3A_331 : i32
    %dma_start3A_333 = arith.constant 0 : i32
    %dma_start3A_334 = arith.constant 0 : i32
    %dma_start3A_335 = arith.constant 0 : i32
    %dma_start3A_336 = tpu.memref_slice %arg6[%dma_start3A_333, %dma_start3A_334, %dma_start3A_335] : memref<2x64x768xf32, #tpu.memory_space<vmem>> -> memref<1x64x768xf32, #tpu.memory_space<vmem>>
    %dma_start3A_337 = tpu.memref_squeeze %dma_start3A_336 : memref<1x64x768xf32, #tpu.memory_space<vmem>> -> memref<64x768xf32, #tpu.memory_space<vmem>>
    %dma_start3A_338 = arith.constant 0 : i32
    %dma_start3A_339 = tpu.memref_slice %arg4[%add3A_332, %dma_start3A_338] : memref<16384x768xf32, #tpu.memory_space<hbm>> -> memref<64x768xf32, #tpu.memory_space<hbm>>
    %dma_start3A_340 = arith.constant 0 : i32
    %dma_start3A_341 = tpu.memref_slice %arg4[%add3A_332, %dma_start3A_340] : memref<16384x768xf32, #tpu.memory_space<hbm>> -> memref<64x768xf32, #tpu.memory_space<hbm>>
    %dma_start3A_342 = arith.constant 0 : i32
    %dma_start3A_343 = arith.constant 0 : i32
    %dma_start3A_344 = tpu.memref_slice %arg6[%dma_start3A_333, %dma_start3A_342, %dma_start3A_343] : memref<2x64x768xf32, #tpu.memory_space<vmem>> -> memref<1x64x768xf32, #tpu.memory_space<vmem>>
    %dma_start3A_345 = tpu.memref_squeeze %dma_start3A_344 : memref<1x64x768xf32, #tpu.memory_space<vmem>> -> memref<64x768xf32, #tpu.memory_space<vmem>>
    tpu.enqueue_dma source(%dma_start3A_345 : memref<64x768xf32, #tpu.memory_space<vmem>>) target(%dma_start3A_341 : memref<64x768xf32, #tpu.memory_space<hbm>>) target_semaphore(%arg10 : memref<!tpu.dma_semaphore, #tpu.memory_space<semaphore_mem>>)
    %add3A_346 = arith.constant 384 : i32
    %add3A_347 = arith.addi %mul3A_2, %add3A_346 : i32
    %dma_start3A_348 = arith.constant 0 : i32
    %dma_start3A_349 = arith.constant 0 : i32
    %dma_start3A_350 = tpu.memref_slice %arg5[%dma_start3A_348, %dma_start3A_349] : memref<2x64xi32, #tpu.memory_space<vmem>> -> memref<1x64xi32, #tpu.memory_space<vmem>>
    %dma_start3A_351 = tpu.memref_squeeze %dma_start3A_350 : memref<1x64xi32, #tpu.memory_space<vmem>> -> memref<64xi32, #tpu.memory_space<vmem>>
    %dma_start3A_352 = tpu.memref_slice %arg3[%add3A_347] : memref<16384xi32, #tpu.memory_space<hbm>> -> memref<64xi32, #tpu.memory_space<hbm>>
    %dma_start3A_353 = arith.constant 0 : i32
    %dma_start3A_354 = tpu.memref_slice %arg5[%dma_start3A_348, %dma_start3A_353] : memref<2x64xi32, #tpu.memory_space<vmem>> -> memref<1x64xi32, #tpu.memory_space<vmem>>
    %dma_start3A_355 = tpu.memref_squeeze %dma_start3A_354 : memref<1x64xi32, #tpu.memory_space<vmem>> -> memref<64xi32, #tpu.memory_space<vmem>>
    %dma_start3A_356 = tpu.memref_slice %arg3[%add3A_347] : memref<16384xi32, #tpu.memory_space<hbm>> -> memref<64xi32, #tpu.memory_space<hbm>>
    tpu.enqueue_dma source(%dma_start3A_356 : memref<64xi32, #tpu.memory_space<hbm>>) target(%dma_start3A_355 : memref<64xi32, #tpu.memory_space<vmem>>) target_semaphore(%arg7 : memref<!tpu.dma_semaphore, #tpu.memory_space<semaphore_mem>>)
    %dma_wait3A_357 = arith.constant 1 : i32
    %dma_wait3A_358 = arith.constant 0 : i32
    %dma_wait3A_359 = tpu.memref_slice %arg5[%dma_wait3A_357, %dma_wait3A_358] : memref<2x64xi32, #tpu.memory_space<vmem>> -> memref<1x64xi32, #tpu.memory_space<vmem>>
    %dma_wait3A_360 = tpu.memref_squeeze %dma_wait3A_359 : memref<1x64xi32, #tpu.memory_space<vmem>> -> memref<64xi32, #tpu.memory_space<vmem>>
    %dma_wait3A_361 = tpu.memref_slice %arg3[%add3A_275] : memref<16384xi32, #tpu.memory_space<hbm>> -> memref<64xi32, #tpu.memory_space<hbm>>
    %dma_wait3A_362 = arith.constant 0 : i32
    %dma_wait3A_363 = tpu.memref_slice %arg5[%dma_wait3A_357, %dma_wait3A_362] : memref<2x64xi32, #tpu.memory_space<vmem>> -> memref<1x64xi32, #tpu.memory_space<vmem>>
    %dma_wait3A_364 = tpu.memref_squeeze %dma_wait3A_363 : memref<1x64xi32, #tpu.memory_space<vmem>> -> memref<64xi32, #tpu.memory_space<vmem>>
    %dma_wait3A_365 = tpu.memref_slice %arg3[%add3A_275] : memref<16384xi32, #tpu.memory_space<hbm>> -> memref<64xi32, #tpu.memory_space<hbm>>
    tpu.wait_dma2 semaphore(%arg8 : memref<!tpu.dma_semaphore, #tpu.memory_space<semaphore_mem>>) src(%dma_wait3A_365 : memref<64xi32, #tpu.memory_space<hbm>>) dst(%dma_wait3A_364 : memref<64xi32, #tpu.memory_space<vmem>>)
    %dma_wait3A_366 = arith.constant 1 : i32
    %dma_wait3A_367 = arith.constant 0 : i32
    %dma_wait3A_368 = arith.constant 0 : i32
    %dma_wait3A_369 = tpu.memref_slice %arg6[%dma_wait3A_366, %dma_wait3A_367, %dma_wait3A_368] : memref<2x64x768xf32, #tpu.memory_space<vmem>> -> memref<1x64x768xf32, #tpu.memory_space<vmem>>
    %dma_wait3A_370 = tpu.memref_squeeze %dma_wait3A_369 : memref<1x64x768xf32, #tpu.memory_space<vmem>> -> memref<64x768xf32, #tpu.memory_space<vmem>>
    %dma_wait3A_371 = arith.constant 0 : i32
    %dma_wait3A_372 = tpu.memref_slice %arg4[%add3A_260, %dma_wait3A_371] : memref<16384x768xf32, #tpu.memory_space<hbm>> -> memref<64x768xf32, #tpu.memory_space<hbm>>
    %dma_wait3A_373 = arith.constant 0 : i32
    %dma_wait3A_374 = tpu.memref_slice %arg4[%add3A_260, %dma_wait3A_373] : memref<16384x768xf32, #tpu.memory_space<hbm>> -> memref<64x768xf32, #tpu.memory_space<hbm>>
    %dma_wait3A_375 = arith.constant 0 : i32
    %dma_wait3A_376 = arith.constant 0 : i32
    %dma_wait3A_377 = tpu.memref_slice %arg6[%dma_wait3A_366, %dma_wait3A_375, %dma_wait3A_376] : memref<2x64x768xf32, #tpu.memory_space<vmem>> -> memref<1x64x768xf32, #tpu.memory_space<vmem>>
    %dma_wait3A_378 = tpu.memref_squeeze %dma_wait3A_377 : memref<1x64x768xf32, #tpu.memory_space<vmem>> -> memref<64x768xf32, #tpu.memory_space<vmem>>
    tpu.wait_dma2 semaphore(%arg11 : memref<!tpu.dma_semaphore, #tpu.memory_space<semaphore_mem>>) src(%dma_wait3A_378 : memref<64x768xf32, #tpu.memory_space<vmem>>) dst(%dma_wait3A_374 : memref<64x768xf32, #tpu.memory_space<hbm>>)
    %dma_start3A_379 = arith.constant 1 : i32
    %dma_start3A_380 = arith.constant 1 : i32
    %dma_start3A_381 = arith.constant 0 : i32
    %dma_start3A_382 = arith.constant 0 : i32
    %dma_start3A_383 = tpu.memref_slice %arg6[%dma_start3A_380, %dma_start3A_381, %dma_start3A_382] : memref<2x64x768xf32, #tpu.memory_space<vmem>> -> memref<1x64x768xf32, #tpu.memory_space<vmem>>
    %dma_start3A_384 = tpu.memref_squeeze %dma_start3A_383 : memref<1x64x768xf32, #tpu.memory_space<vmem>> -> memref<64x768xf32, #tpu.memory_space<vmem>>
    %dma_start3A_385 = arith.constant 0 : i32
    %dma_start3A_386 = tpu.memref_slice %arg5[%dma_start3A_379, %dma_start3A_385] : memref<2x64xi32, #tpu.memory_space<vmem>> -> memref<1x64xi32, #tpu.memory_space<vmem>>
    %dma_start3A_387 = tpu.memref_squeeze %dma_start3A_386 : memref<1x64xi32, #tpu.memory_space<vmem>> -> memref<64xi32, #tpu.memory_space<vmem>>
    %dma_start3A_388 = arith.constant 0 : i32
    %dma_start3A_389 = arith.constant 0 : i32
    %dma_start3A_390 = tpu.memref_slice %arg2[%dma_start3A_388, %dma_start3A_389] : memref<20480x768xf32, #tpu.memory_space<hbm>> -> memref<20480x768xf32, #tpu.memory_space<hbm>>
    tpu.enqueue_indirect_dma source(%dma_start3A_390 : memref<20480x768xf32, #tpu.memory_space<hbm>>) target(%dma_start3A_384 : memref<64x768xf32, #tpu.memory_space<vmem>>) offsets(%dma_start3A_387 : memref<64xi32, #tpu.memory_space<vmem>>) semaphore(%arg9 : memref<!tpu.dma_semaphore, #tpu.memory_space<semaphore_mem>>)
    %dma_wait3A_391 = arith.constant 1 : i32
    %dma_wait3A_392 = arith.constant 1 : i32
    %dma_wait3A_393 = arith.constant 0 : i32
    %dma_wait3A_394 = arith.constant 0 : i32
    %dma_wait3A_395 = tpu.memref_slice %arg6[%dma_wait3A_392, %dma_wait3A_393, %dma_wait3A_394] : memref<2x64x768xf32, #tpu.memory_space<vmem>> -> memref<1x64x768xf32, #tpu.memory_space<vmem>>
    %dma_wait3A_396 = tpu.memref_squeeze %dma_wait3A_395 : memref<1x64x768xf32, #tpu.memory_space<vmem>> -> memref<64x768xf32, #tpu.memory_space<vmem>>
    %dma_wait3A_397 = arith.constant 0 : i32
    %dma_wait3A_398 = tpu.memref_slice %arg5[%dma_wait3A_391, %dma_wait3A_397] : memref<2x64xi32, #tpu.memory_space<vmem>> -> memref<1x64xi32, #tpu.memory_space<vmem>>
    %dma_wait3A_399 = tpu.memref_squeeze %dma_wait3A_398 : memref<1x64xi32, #tpu.memory_space<vmem>> -> memref<64xi32, #tpu.memory_space<vmem>>
    %dma_wait3A_400 = arith.constant 0 : i32
    %dma_wait3A_401 = arith.constant 0 : i32
    %dma_wait3A_402 = tpu.memref_slice %arg2[%dma_wait3A_400, %dma_wait3A_401] : memref<20480x768xf32, #tpu.memory_space<hbm>> -> memref<20480x768xf32, #tpu.memory_space<hbm>>
    tpu.wait_indirect_dma semaphore(%arg9 : memref<!tpu.dma_semaphore, #tpu.memory_space<semaphore_mem>>) src(%dma_wait3A_402 : memref<20480x768xf32, #tpu.memory_space<hbm>>) dst(%dma_wait3A_396 : memref<64x768xf32, #tpu.memory_space<vmem>>)
    %add3A_403 = arith.constant 320 : i32
    %add3A_404 = arith.addi %mul3A_2, %add3A_403 : i32
    %dma_start3A_405 = arith.constant 1 : i32
    %dma_start3A_406 = arith.constant 0 : i32
    %dma_start3A_407 = arith.constant 0 : i32
    %dma_start3A_408 = tpu.memref_slice %arg6[%dma_start3A_405, %dma_start3A_406, %dma_start3A_407] : memref<2x64x768xf32, #tpu.memory_space<vmem>> -> memref<1x64x768xf32, #tpu.memory_space<vmem>>
    %dma_start3A_409 = tpu.memref_squeeze %dma_start3A_408 : memref<1x64x768xf32, #tpu.memory_space<vmem>> -> memref<64x768xf32, #tpu.memory_space<vmem>>
    %dma_start3A_410 = arith.constant 0 : i32
    %dma_start3A_411 = tpu.memref_slice %arg4[%add3A_404, %dma_start3A_410] : memref<16384x768xf32, #tpu.memory_space<hbm>> -> memref<64x768xf32, #tpu.memory_space<hbm>>
    %dma_start3A_412 = arith.constant 0 : i32
    %dma_start3A_413 = tpu.memref_slice %arg4[%add3A_404, %dma_start3A_412] : memref<16384x768xf32, #tpu.memory_space<hbm>> -> memref<64x768xf32, #tpu.memory_space<hbm>>
    %dma_start3A_414 = arith.constant 0 : i32
    %dma_start3A_415 = arith.constant 0 : i32
    %dma_start3A_416 = tpu.memref_slice %arg6[%dma_start3A_405, %dma_start3A_414, %dma_start3A_415] : memref<2x64x768xf32, #tpu.memory_space<vmem>> -> memref<1x64x768xf32, #tpu.memory_space<vmem>>
    %dma_start3A_417 = tpu.memref_squeeze %dma_start3A_416 : memref<1x64x768xf32, #tpu.memory_space<vmem>> -> memref<64x768xf32, #tpu.memory_space<vmem>>
    tpu.enqueue_dma source(%dma_start3A_417 : memref<64x768xf32, #tpu.memory_space<vmem>>) target(%dma_start3A_413 : memref<64x768xf32, #tpu.memory_space<hbm>>) target_semaphore(%arg11 : memref<!tpu.dma_semaphore, #tpu.memory_space<semaphore_mem>>)
    %add3A_418 = arith.constant 448 : i32
    %add3A_419 = arith.addi %mul3A_2, %add3A_418 : i32
    %dma_start3A_420 = arith.constant 1 : i32
    %dma_start3A_421 = arith.constant 0 : i32
    %dma_start3A_422 = tpu.memref_slice %arg5[%dma_start3A_420, %dma_start3A_421] : memref<2x64xi32, #tpu.memory_space<vmem>> -> memref<1x64xi32, #tpu.memory_space<vmem>>
    %dma_start3A_423 = tpu.memref_squeeze %dma_start3A_422 : memref<1x64xi32, #tpu.memory_space<vmem>> -> memref<64xi32, #tpu.memory_space<vmem>>
    %dma_start3A_424 = tpu.memref_slice %arg3[%add3A_419] : memref<16384xi32, #tpu.memory_space<hbm>> -> memref<64xi32, #tpu.memory_space<hbm>>
    %dma_start3A_425 = arith.constant 0 : i32
    %dma_start3A_426 = tpu.memref_slice %arg5[%dma_start3A_420, %dma_start3A_425] : memref<2x64xi32, #tpu.memory_space<vmem>> -> memref<1x64xi32, #tpu.memory_space<vmem>>
    %dma_start3A_427 = tpu.memref_squeeze %dma_start3A_426 : memref<1x64xi32, #tpu.memory_space<vmem>> -> memref<64xi32, #tpu.memory_space<vmem>>
    %dma_start3A_428 = tpu.memref_slice %arg3[%add3A_419] : memref<16384xi32, #tpu.memory_space<hbm>> -> memref<64xi32, #tpu.memory_space<hbm>>
    tpu.enqueue_dma source(%dma_start3A_428 : memref<64xi32, #tpu.memory_space<hbm>>) target(%dma_start3A_427 : memref<64xi32, #tpu.memory_space<vmem>>) target_semaphore(%arg8 : memref<!tpu.dma_semaphore, #tpu.memory_space<semaphore_mem>>)
    %dma_wait3A_429 = arith.constant 0 : i32
    %dma_wait3A_430 = arith.constant 0 : i32
    %dma_wait3A_431 = tpu.memref_slice %arg5[%dma_wait3A_429, %dma_wait3A_430] : memref<2x64xi32, #tpu.memory_space<vmem>> -> memref<1x64xi32, #tpu.memory_space<vmem>>
    %dma_wait3A_432 = tpu.memref_squeeze %dma_wait3A_431 : memref<1x64xi32, #tpu.memory_space<vmem>> -> memref<64xi32, #tpu.memory_space<vmem>>
    %dma_wait3A_433 = tpu.memref_slice %arg3[%add3A_347] : memref<16384xi32, #tpu.memory_space<hbm>> -> memref<64xi32, #tpu.memory_space<hbm>>
    %dma_wait3A_434 = arith.constant 0 : i32
    %dma_wait3A_435 = tpu.memref_slice %arg5[%dma_wait3A_429, %dma_wait3A_434] : memref<2x64xi32, #tpu.memory_space<vmem>> -> memref<1x64xi32, #tpu.memory_space<vmem>>
    %dma_wait3A_436 = tpu.memref_squeeze %dma_wait3A_435 : memref<1x64xi32, #tpu.memory_space<vmem>> -> memref<64xi32, #tpu.memory_space<vmem>>
    %dma_wait3A_437 = tpu.memref_slice %arg3[%add3A_347] : memref<16384xi32, #tpu.memory_space<hbm>> -> memref<64xi32, #tpu.memory_space<hbm>>
    tpu.wait_dma2 semaphore(%arg7 : memref<!tpu.dma_semaphore, #tpu.memory_space<semaphore_mem>>) src(%dma_wait3A_437 : memref<64xi32, #tpu.memory_space<hbm>>) dst(%dma_wait3A_436 : memref<64xi32, #tpu.memory_space<vmem>>)
    %dma_wait3A_438 = arith.constant 0 : i32
    %dma_wait3A_439 = arith.constant 0 : i32
    %dma_wait3A_440 = arith.constant 0 : i32
    %dma_wait3A_441 = tpu.memref_slice %arg6[%dma_wait3A_438, %dma_wait3A_439, %dma_wait3A_440] : memref<2x64x768xf32, #tpu.memory_space<vmem>> -> memref<1x64x768xf32, #tpu.memory_space<vmem>>
    %dma_wait3A_442 = tpu.memref_squeeze %dma_wait3A_441 : memref<1x64x768xf32, #tpu.memory_space<vmem>> -> memref<64x768xf32, #tpu.memory_space<vmem>>
    %dma_wait3A_443 = arith.constant 0 : i32
    %dma_wait3A_444 = tpu.memref_slice %arg4[%add3A_332, %dma_wait3A_443] : memref<16384x768xf32, #tpu.memory_space<hbm>> -> memref<64x768xf32, #tpu.memory_space<hbm>>
    %dma_wait3A_445 = arith.constant 0 : i32
    %dma_wait3A_446 = tpu.memref_slice %arg4[%add3A_332, %dma_wait3A_445] : memref<16384x768xf32, #tpu.memory_space<hbm>> -> memref<64x768xf32, #tpu.memory_space<hbm>>
    %dma_wait3A_447 = arith.constant 0 : i32
    %dma_wait3A_448 = arith.constant 0 : i32
    %dma_wait3A_449 = tpu.memref_slice %arg6[%dma_wait3A_438, %dma_wait3A_447, %dma_wait3A_448] : memref<2x64x768xf32, #tpu.memory_space<vmem>> -> memref<1x64x768xf32, #tpu.memory_space<vmem>>
    %dma_wait3A_450 = tpu.memref_squeeze %dma_wait3A_449 : memref<1x64x768xf32, #tpu.memory_space<vmem>> -> memref<64x768xf32, #tpu.memory_space<vmem>>
    tpu.wait_dma2 semaphore(%arg10 : memref<!tpu.dma_semaphore, #tpu.memory_space<semaphore_mem>>) src(%dma_wait3A_450 : memref<64x768xf32, #tpu.memory_space<vmem>>) dst(%dma_wait3A_446 : memref<64x768xf32, #tpu.memory_space<hbm>>)
    %dma_start3A_451 = arith.constant 0 : i32
    %dma_start3A_452 = arith.constant 0 : i32
    %dma_start3A_453 = arith.constant 0 : i32
    %dma_start3A_454 = arith.constant 0 : i32
    %dma_start3A_455 = tpu.memref_slice %arg6[%dma_start3A_452, %dma_start3A_453, %dma_start3A_454] : memref<2x64x768xf32, #tpu.memory_space<vmem>> -> memref<1x64x768xf32, #tpu.memory_space<vmem>>
    %dma_start3A_456 = tpu.memref_squeeze %dma_start3A_455 : memref<1x64x768xf32, #tpu.memory_space<vmem>> -> memref<64x768xf32, #tpu.memory_space<vmem>>
    %dma_start3A_457 = arith.constant 0 : i32
    %dma_start3A_458 = tpu.memref_slice %arg5[%dma_start3A_451, %dma_start3A_457] : memref<2x64xi32, #tpu.memory_space<vmem>> -> memref<1x64xi32, #tpu.memory_space<vmem>>
    %dma_start3A_459 = tpu.memref_squeeze %dma_start3A_458 : memref<1x64xi32, #tpu.memory_space<vmem>> -> memref<64xi32, #tpu.memory_space<vmem>>
    %dma_start3A_460 = arith.constant 0 : i32
    %dma_start3A_461 = arith.constant 0 : i32
    %dma_start3A_462 = tpu.memref_slice %arg2[%dma_start3A_460, %dma_start3A_461] : memref<20480x768xf32, #tpu.memory_space<hbm>> -> memref<20480x768xf32, #tpu.memory_space<hbm>>
    tpu.enqueue_indirect_dma source(%dma_start3A_462 : memref<20480x768xf32, #tpu.memory_space<hbm>>) target(%dma_start3A_456 : memref<64x768xf32, #tpu.memory_space<vmem>>) offsets(%dma_start3A_459 : memref<64xi32, #tpu.memory_space<vmem>>) semaphore(%arg9 : memref<!tpu.dma_semaphore, #tpu.memory_space<semaphore_mem>>)
    %dma_wait3A_463 = arith.constant 0 : i32
    %dma_wait3A_464 = arith.constant 0 : i32
    %dma_wait3A_465 = arith.constant 0 : i32
    %dma_wait3A_466 = arith.constant 0 : i32
    %dma_wait3A_467 = tpu.memref_slice %arg6[%dma_wait3A_464, %dma_wait3A_465, %dma_wait3A_466] : memref<2x64x768xf32, #tpu.memory_space<vmem>> -> memref<1x64x768xf32, #tpu.memory_space<vmem>>
    %dma_wait3A_468 = tpu.memref_squeeze %dma_wait3A_467 : memref<1x64x768xf32, #tpu.memory_space<vmem>> -> memref<64x768xf32, #tpu.memory_space<vmem>>
    %dma_wait3A_469 = arith.constant 0 : i32
    %dma_wait3A_470 = tpu.memref_slice %arg5[%dma_wait3A_463, %dma_wait3A_469] : memref<2x64xi32, #tpu.memory_space<vmem>> -> memref<1x64xi32, #tpu.memory_space<vmem>>
    %dma_wait3A_471 = tpu.memref_squeeze %dma_wait3A_470 : memref<1x64xi32, #tpu.memory_space<vmem>> -> memref<64xi32, #tpu.memory_space<vmem>>
    %dma_wait3A_472 = arith.constant 0 : i32
    %dma_wait3A_473 = arith.constant 0 : i32
    %dma_wait3A_474 = tpu.memref_slice %arg2[%dma_wait3A_472, %dma_wait3A_473] : memref<20480x768xf32, #tpu.memory_space<hbm>> -> memref<20480x768xf32, #tpu.memory_space<hbm>>
    tpu.wait_indirect_dma semaphore(%arg9 : memref<!tpu.dma_semaphore, #tpu.memory_space<semaphore_mem>>) src(%dma_wait3A_474 : memref<20480x768xf32, #tpu.memory_space<hbm>>) dst(%dma_wait3A_468 : memref<64x768xf32, #tpu.memory_space<vmem>>)
    %add3A_475 = arith.constant 384 : i32
    %add3A_476 = arith.addi %mul3A_2, %add3A_475 : i32
    %dma_start3A_477 = arith.constant 0 : i32
    %dma_start3A_478 = arith.constant 0 : i32
    %dma_start3A_479 = arith.constant 0 : i32
    %dma_start3A_480 = tpu.memref_slice %arg6[%dma_start3A_477, %dma_start3A_478, %dma_start3A_479] : memref<2x64x768xf32, #tpu.memory_space<vmem>> -> memref<1x64x768xf32, #tpu.memory_space<vmem>>
    %dma_start3A_481 = tpu.memref_squeeze %dma_start3A_480 : memref<1x64x768xf32, #tpu.memory_space<vmem>> -> memref<64x768xf32, #tpu.memory_space<vmem>>
    %dma_start3A_482 = arith.constant 0 : i32
    %dma_start3A_483 = tpu.memref_slice %arg4[%add3A_476, %dma_start3A_482] : memref<16384x768xf32, #tpu.memory_space<hbm>> -> memref<64x768xf32, #tpu.memory_space<hbm>>
    %dma_start3A_484 = arith.constant 0 : i32
    %dma_start3A_485 = tpu.memref_slice %arg4[%add3A_476, %dma_start3A_484] : memref<16384x768xf32, #tpu.memory_space<hbm>> -> memref<64x768xf32, #tpu.memory_space<hbm>>
    %dma_start3A_486 = arith.constant 0 : i32
    %dma_start3A_487 = arith.constant 0 : i32
    %dma_start3A_488 = tpu.memref_slice %arg6[%dma_start3A_477, %dma_start3A_486, %dma_start3A_487] : memref<2x64x768xf32, #tpu.memory_space<vmem>> -> memref<1x64x768xf32, #tpu.memory_space<vmem>>
    %dma_start3A_489 = tpu.memref_squeeze %dma_start3A_488 : memref<1x64x768xf32, #tpu.memory_space<vmem>> -> memref<64x768xf32, #tpu.memory_space<vmem>>
    tpu.enqueue_dma source(%dma_start3A_489 : memref<64x768xf32, #tpu.memory_space<vmem>>) target(%dma_start3A_485 : memref<64x768xf32, #tpu.memory_space<hbm>>) target_semaphore(%arg10 : memref<!tpu.dma_semaphore, #tpu.memory_space<semaphore_mem>>)
    %dma_wait3A_490 = arith.constant 1 : i32
    %dma_wait3A_491 = arith.constant 0 : i32
    %dma_wait3A_492 = tpu.memref_slice %arg5[%dma_wait3A_490, %dma_wait3A_491] : memref<2x64xi32, #tpu.memory_space<vmem>> -> memref<1x64xi32, #tpu.memory_space<vmem>>
    %dma_wait3A_493 = tpu.memref_squeeze %dma_wait3A_492 : memref<1x64xi32, #tpu.memory_space<vmem>> -> memref<64xi32, #tpu.memory_space<vmem>>
    %dma_wait3A_494 = tpu.memref_slice %arg3[%add3A_419] : memref<16384xi32, #tpu.memory_space<hbm>> -> memref<64xi32, #tpu.memory_space<hbm>>
    %dma_wait3A_495 = arith.constant 0 : i32
    %dma_wait3A_496 = tpu.memref_slice %arg5[%dma_wait3A_490, %dma_wait3A_495] : memref<2x64xi32, #tpu.memory_space<vmem>> -> memref<1x64xi32, #tpu.memory_space<vmem>>
    %dma_wait3A_497 = tpu.memref_squeeze %dma_wait3A_496 : memref<1x64xi32, #tpu.memory_space<vmem>> -> memref<64xi32, #tpu.memory_space<vmem>>
    %dma_wait3A_498 = tpu.memref_slice %arg3[%add3A_419] : memref<16384xi32, #tpu.memory_space<hbm>> -> memref<64xi32, #tpu.memory_space<hbm>>
    tpu.wait_dma2 semaphore(%arg8 : memref<!tpu.dma_semaphore, #tpu.memory_space<semaphore_mem>>) src(%dma_wait3A_498 : memref<64xi32, #tpu.memory_space<hbm>>) dst(%dma_wait3A_497 : memref<64xi32, #tpu.memory_space<vmem>>)
    %dma_wait3A_499 = arith.constant 1 : i32
    %dma_wait3A_500 = arith.constant 0 : i32
    %dma_wait3A_501 = arith.constant 0 : i32
    %dma_wait3A_502 = tpu.memref_slice %arg6[%dma_wait3A_499, %dma_wait3A_500, %dma_wait3A_501] : memref<2x64x768xf32, #tpu.memory_space<vmem>> -> memref<1x64x768xf32, #tpu.memory_space<vmem>>
    %dma_wait3A_503 = tpu.memref_squeeze %dma_wait3A_502 : memref<1x64x768xf32, #tpu.memory_space<vmem>> -> memref<64x768xf32, #tpu.memory_space<vmem>>
    %dma_wait3A_504 = arith.constant 0 : i32
    %dma_wait3A_505 = tpu.memref_slice %arg4[%add3A_404, %dma_wait3A_504] : memref<16384x768xf32, #tpu.memory_space<hbm>> -> memref<64x768xf32, #tpu.memory_space<hbm>>
    %dma_wait3A_506 = arith.constant 0 : i32
    %dma_wait3A_507 = tpu.memref_slice %arg4[%add3A_404, %dma_wait3A_506] : memref<16384x768xf32, #tpu.memory_space<hbm>> -> memref<64x768xf32, #tpu.memory_space<hbm>>
    %dma_wait3A_508 = arith.constant 0 : i32
    %dma_wait3A_509 = arith.constant 0 : i32
    %dma_wait3A_510 = tpu.memref_slice %arg6[%dma_wait3A_499, %dma_wait3A_508, %dma_wait3A_509] : memref<2x64x768xf32, #tpu.memory_space<vmem>> -> memref<1x64x768xf32, #tpu.memory_space<vmem>>
    %dma_wait3A_511 = tpu.memref_squeeze %dma_wait3A_510 : memref<1x64x768xf32, #tpu.memory_space<vmem>> -> memref<64x768xf32, #tpu.memory_space<vmem>>
    tpu.wait_dma2 semaphore(%arg11 : memref<!tpu.dma_semaphore, #tpu.memory_space<semaphore_mem>>) src(%dma_wait3A_511 : memref<64x768xf32, #tpu.memory_space<vmem>>) dst(%dma_wait3A_507 : memref<64x768xf32, #tpu.memory_space<hbm>>)
    %dma_start3A_512 = arith.constant 1 : i32
    %dma_start3A_513 = arith.constant 1 : i32
    %dma_start3A_514 = arith.constant 0 : i32
    %dma_start3A_515 = arith.constant 0 : i32
    %dma_start3A_516 = tpu.memref_slice %arg6[%dma_start3A_513, %dma_start3A_514, %dma_start3A_515] : memref<2x64x768xf32, #tpu.memory_space<vmem>> -> memref<1x64x768xf32, #tpu.memory_space<vmem>>
    %dma_start3A_517 = tpu.memref_squeeze %dma_start3A_516 : memref<1x64x768xf32, #tpu.memory_space<vmem>> -> memref<64x768xf32, #tpu.memory_space<vmem>>
    %dma_start3A_518 = arith.constant 0 : i32
    %dma_start3A_519 = tpu.memref_slice %arg5[%dma_start3A_512, %dma_start3A_518] : memref<2x64xi32, #tpu.memory_space<vmem>> -> memref<1x64xi32, #tpu.memory_space<vmem>>
    %dma_start3A_520 = tpu.memref_squeeze %dma_start3A_519 : memref<1x64xi32, #tpu.memory_space<vmem>> -> memref<64xi32, #tpu.memory_space<vmem>>
    %dma_start3A_521 = arith.constant 0 : i32
    %dma_start3A_522 = arith.constant 0 : i32
    %dma_start3A_523 = tpu.memref_slice %arg2[%dma_start3A_521, %dma_start3A_522] : memref<20480x768xf32, #tpu.memory_space<hbm>> -> memref<20480x768xf32, #tpu.memory_space<hbm>>
    tpu.enqueue_indirect_dma source(%dma_start3A_523 : memref<20480x768xf32, #tpu.memory_space<hbm>>) target(%dma_start3A_517 : memref<64x768xf32, #tpu.memory_space<vmem>>) offsets(%dma_start3A_520 : memref<64xi32, #tpu.memory_space<vmem>>) semaphore(%arg9 : memref<!tpu.dma_semaphore, #tpu.memory_space<semaphore_mem>>)
    %dma_wait3A_524 = arith.constant 1 : i32
    %dma_wait3A_525 = arith.constant 1 : i32
    %dma_wait3A_526 = arith.constant 0 : i32
    %dma_wait3A_527 = arith.constant 0 : i32
    %dma_wait3A_528 = tpu.memref_slice %arg6[%dma_wait3A_525, %dma_wait3A_526, %dma_wait3A_527] : memref<2x64x768xf32, #tpu.memory_space<vmem>> -> memref<1x64x768xf32, #tpu.memory_space<vmem>>
    %dma_wait3A_529 = tpu.memref_squeeze %dma_wait3A_528 : memref<1x64x768xf32, #tpu.memory_space<vmem>> -> memref<64x768xf32, #tpu.memory_space<vmem>>
    %dma_wait3A_530 = arith.constant 0 : i32
    %dma_wait3A_531 = tpu.memref_slice %arg5[%dma_wait3A_524, %dma_wait3A_530] : memref<2x64xi32, #tpu.memory_space<vmem>> -> memref<1x64xi32, #tpu.memory_space<vmem>>
    %dma_wait3A_532 = tpu.memref_squeeze %dma_wait3A_531 : memref<1x64xi32, #tpu.memory_space<vmem>> -> memref<64xi32, #tpu.memory_space<vmem>>
    %dma_wait3A_533 = arith.constant 0 : i32
    %dma_wait3A_534 = arith.constant 0 : i32
    %dma_wait3A_535 = tpu.memref_slice %arg2[%dma_wait3A_533, %dma_wait3A_534] : memref<20480x768xf32, #tpu.memory_space<hbm>> -> memref<20480x768xf32, #tpu.memory_space<hbm>>
    tpu.wait_indirect_dma semaphore(%arg9 : memref<!tpu.dma_semaphore, #tpu.memory_space<semaphore_mem>>) src(%dma_wait3A_535 : memref<20480x768xf32, #tpu.memory_space<hbm>>) dst(%dma_wait3A_529 : memref<64x768xf32, #tpu.memory_space<vmem>>)
    %add3A_536 = arith.constant 448 : i32
    %add3A_537 = arith.addi %mul3A_2, %add3A_536 : i32
    %dma_start3A_538 = arith.constant 1 : i32
    %dma_start3A_539 = arith.constant 0 : i32
    %dma_start3A_540 = arith.constant 0 : i32
    %dma_start3A_541 = tpu.memref_slice %arg6[%dma_start3A_538, %dma_start3A_539, %dma_start3A_540] : memref<2x64x768xf32, #tpu.memory_space<vmem>> -> memref<1x64x768xf32, #tpu.memory_space<vmem>>
    %dma_start3A_542 = tpu.memref_squeeze %dma_start3A_541 : memref<1x64x768xf32, #tpu.memory_space<vmem>> -> memref<64x768xf32, #tpu.memory_space<vmem>>
    %dma_start3A_543 = arith.constant 0 : i32
    %dma_start3A_544 = tpu.memref_slice %arg4[%add3A_537, %dma_start3A_543] : memref<16384x768xf32, #tpu.memory_space<hbm>> -> memref<64x768xf32, #tpu.memory_space<hbm>>
    %dma_start3A_545 = arith.constant 0 : i32
    %dma_start3A_546 = tpu.memref_slice %arg4[%add3A_537, %dma_start3A_545] : memref<16384x768xf32, #tpu.memory_space<hbm>> -> memref<64x768xf32, #tpu.memory_space<hbm>>
    %dma_start3A_547 = arith.constant 0 : i32
    %dma_start3A_548 = arith.constant 0 : i32
    %dma_start3A_549 = tpu.memref_slice %arg6[%dma_start3A_538, %dma_start3A_547, %dma_start3A_548] : memref<2x64x768xf32, #tpu.memory_space<vmem>> -> memref<1x64x768xf32, #tpu.memory_space<vmem>>
    %dma_start3A_550 = tpu.memref_squeeze %dma_start3A_549 : memref<1x64x768xf32, #tpu.memory_space<vmem>> -> memref<64x768xf32, #tpu.memory_space<vmem>>
    tpu.enqueue_dma source(%dma_start3A_550 : memref<64x768xf32, #tpu.memory_space<vmem>>) target(%dma_start3A_546 : memref<64x768xf32, #tpu.memory_space<hbm>>) target_semaphore(%arg11 : memref<!tpu.dma_semaphore, #tpu.memory_space<semaphore_mem>>)
    %dma_wait3A_551 = arith.constant 0 : i32
    %dma_wait3A_552 = arith.constant 0 : i32
    %dma_wait3A_553 = arith.constant 0 : i32
    %dma_wait3A_554 = tpu.memref_slice %arg6[%dma_wait3A_551, %dma_wait3A_552, %dma_wait3A_553] : memref<2x64x768xf32, #tpu.memory_space<vmem>> -> memref<1x64x768xf32, #tpu.memory_space<vmem>>
    %dma_wait3A_555 = tpu.memref_squeeze %dma_wait3A_554 : memref<1x64x768xf32, #tpu.memory_space<vmem>> -> memref<64x768xf32, #tpu.memory_space<vmem>>
    %dma_wait3A_556 = arith.constant 0 : i32
    %dma_wait3A_557 = tpu.memref_slice %arg4[%add3A_476, %dma_wait3A_556] : memref<16384x768xf32, #tpu.memory_space<hbm>> -> memref<64x768xf32, #tpu.memory_space<hbm>>
    %dma_wait3A_558 = arith.constant 0 : i32
    %dma_wait3A_559 = tpu.memref_slice %arg4[%add3A_476, %dma_wait3A_558] : memref<16384x768xf32, #tpu.memory_space<hbm>> -> memref<64x768xf32, #tpu.memory_space<hbm>>
    %dma_wait3A_560 = arith.constant 0 : i32
    %dma_wait3A_561 = arith.constant 0 : i32
    %dma_wait3A_562 = tpu.memref_slice %arg6[%dma_wait3A_551, %dma_wait3A_560, %dma_wait3A_561] : memref<2x64x768xf32, #tpu.memory_space<vmem>> -> memref<1x64x768xf32, #tpu.memory_space<vmem>>
    %dma_wait3A_563 = tpu.memref_squeeze %dma_wait3A_562 : memref<1x64x768xf32, #tpu.memory_space<vmem>> -> memref<64x768xf32, #tpu.memory_space<vmem>>
    tpu.wait_dma2 semaphore(%arg10 : memref<!tpu.dma_semaphore, #tpu.memory_space<semaphore_mem>>) src(%dma_wait3A_563 : memref<64x768xf32, #tpu.memory_space<vmem>>) dst(%dma_wait3A_559 : memref<64x768xf32, #tpu.memory_space<hbm>>)
    %dma_wait3A_564 = arith.constant 1 : i32
    %dma_wait3A_565 = arith.constant 0 : i32
    %dma_wait3A_566 = arith.constant 0 : i32
    %dma_wait3A_567 = tpu.memref_slice %arg6[%dma_wait3A_564, %dma_wait3A_565, %dma_wait3A_566] : memref<2x64x768xf32, #tpu.memory_space<vmem>> -> memref<1x64x768xf32, #tpu.memory_space<vmem>>
    %dma_wait3A_568 = tpu.memref_squeeze %dma_wait3A_567 : memref<1x64x768xf32, #tpu.memory_space<vmem>> -> memref<64x768xf32, #tpu.memory_space<vmem>>
    %dma_wait3A_569 = arith.constant 0 : i32
    %dma_wait3A_570 = tpu.memref_slice %arg4[%add3A_537, %dma_wait3A_569] : memref<16384x768xf32, #tpu.memory_space<hbm>> -> memref<64x768xf32, #tpu.memory_space<hbm>>
    %dma_wait3A_571 = arith.constant 0 : i32
    %dma_wait3A_572 = tpu.memref_slice %arg4[%add3A_537, %dma_wait3A_571] : memref<16384x768xf32, #tpu.memory_space<hbm>> -> memref<64x768xf32, #tpu.memory_space<hbm>>
    %dma_wait3A_573 = arith.constant 0 : i32
    %dma_wait3A_574 = arith.constant 0 : i32
    %dma_wait3A_575 = tpu.memref_slice %arg6[%dma_wait3A_564, %dma_wait3A_573, %dma_wait3A_574] : memref<2x64x768xf32, #tpu.memory_space<vmem>> -> memref<1x64x768xf32, #tpu.memory_space<vmem>>
    %dma_wait3A_576 = tpu.memref_squeeze %dma_wait3A_575 : memref<1x64x768xf32, #tpu.memory_space<vmem>> -> memref<64x768xf32, #tpu.memory_space<vmem>>
    tpu.wait_dma2 semaphore(%arg11 : memref<!tpu.dma_semaphore, #tpu.memory_space<semaphore_mem>>) src(%dma_wait3A_576 : memref<64x768xf32, #tpu.memory_space<vmem>>) dst(%dma_wait3A_572 : memref<64x768xf32, #tpu.memory_space<hbm>>)
    return
  }
}

module attributes {stable_mosaic.version = 14 : i64} {
  func.func @_route_body(%arg0: i32, %arg1: i32, %arg2: memref<1024x768xf32, #tpu.memory_space<vmem>>, %arg3: memref<768x8xf32, #tpu.memory_space<vmem>>, %arg4: memref<8xf32, #tpu.memory_space<vmem>>, %arg5: memref<1024x1024xf32, #tpu.memory_space<vmem>>, %arg6: memref<1x1024x1xi32, #tpu.memory_space<vmem>>, %arg7: memref<1x128xi32, #tpu.memory_space<vmem>>, %arg8: memref<16x1024x8xf32, #tpu.memory_space<vmem>>, %arg9: memref<1x8xf32, #tpu.memory_space<vmem>>, %arg10: memref<1x8xf32, #tpu.memory_space<vmem>>) attributes {dimension_semantics = [#tpu.dimension_semantics<arbitrary>, #tpu.dimension_semantics<arbitrary>], iteration_bounds = array<i64: 2, 16>, scalar_prefetch = 0 : i64, scratch_operands = 3 : i64, tpu.core_type = #tpu.core_type<tc>, window_params = [{transform_indices = @transform_0, window_bounds = array<i64: 1024, 768>}, {pipeline_mode = #tpu.pipeline_mode<synchronous>, transform_indices = @transform_1, window_bounds = array<i64: 768, 8>}, {pipeline_mode = #tpu.pipeline_mode<synchronous>, transform_indices = @transform_2, window_bounds = array<i64: 8>}, {pipeline_mode = #tpu.pipeline_mode<synchronous>, transform_indices = @transform_3, window_bounds = array<i64: 1024, 1024>}, {transform_indices = @transform_4, window_bounds = array<i64: 1, 1024, 1>}, {pipeline_mode = #tpu.pipeline_mode<synchronous>, transform_indices = @transform_5, window_bounds = array<i64: 1, 128>}]} {
    %eq3A = arith.constant 0 : i32
    %eq3A_0 = arith.cmpi eq, %arg0, %eq3A : i32
    %convert_element_type3A = arith.extui %eq3A_0 : i1 to i32
    %cond3A = arith.constant 0 : i32
    %cond3A_1 = arith.cmpi ne, %convert_element_type3A, %cond3A : i32
    scf.if %cond3A_1 {
      %eq3A_7 = arith.constant 0 : i32
      %eq3A_8 = arith.cmpi eq, %arg1, %eq3A_7 : i32
      %convert_element_type3A_9 = arith.extui %eq3A_8 : i1 to i32
      %cond3A_10 = arith.constant 0 : i32
      %cond3A_11 = arith.cmpi ne, %convert_element_type3A_9, %cond3A_10 : i32
      scf.if %cond3A_11 {
        %broadcast_in_dim3A_51 = arith.constant 0.000000e+00 : f32
        %broadcast_in_dim3A_52 = vector.broadcast %broadcast_in_dim3A_51 : f32 to vector<1x8xf32>
        %swap3A_53 = arith.constant 0 : index
        %swap3A_54 = arith.constant 0 : index
        %swap3A_55 = vector.load %arg9[%swap3A_53, %swap3A_54] : memref<1x8xf32, #tpu.memory_space<vmem>>, vector<1x8xf32>
        tpu.vector_store %arg9[%swap3A_53, %swap3A_54], %broadcast_in_dim3A_52 {strides = array<i32>} : memref<1x8xf32, #tpu.memory_space<vmem>>, vector<1x8xf32>,
        %broadcast_in_dim3A_56 = arith.constant 0.000000e+00 : f32
        %broadcast_in_dim3A_57 = vector.broadcast %broadcast_in_dim3A_56 : f32 to vector<1x8xf32>
        %swap3A_58 = arith.constant 0 : index
        %swap3A_59 = arith.constant 0 : index
        %swap3A_60 = vector.load %arg10[%swap3A_58, %swap3A_59] : memref<1x8xf32, #tpu.memory_space<vmem>>, vector<1x8xf32>
        tpu.vector_store %arg10[%swap3A_58, %swap3A_59], %broadcast_in_dim3A_57 {strides = array<i32>} : memref<1x8xf32, #tpu.memory_space<vmem>>, vector<1x8xf32>,
      } else {
      }
      %get3A = arith.constant 0 : index
      %get3A_12 = arith.constant 0 : index
      %get3A_13 = vector.load %arg2[%get3A, %get3A_12] : memref<1024x768xf32, #tpu.memory_space<vmem>>, vector<1024x768xf32>
      %get3A_14 = arith.constant 0 : index
      %get3A_15 = arith.constant 0 : index
      %get3A_16 = vector.load %arg3[%get3A_14, %get3A_15] : memref<768x8xf32, #tpu.memory_space<vmem>>, vector<768x8xf32>
      %dot_general3A = arith.constant dense<0.000000e+00> : vector<1024x8xf32>
      %dot_general3A_17 = tpu.matmul %get3A_13, %get3A_16, %dot_general3A {dimension_numbers = #tpu.dot_dimension_numbers<[1], [0], [0], [1], [0, 0, 1, 1], [], []>, transpose_lhs_hint = false} : vector<1024x768xf32>, vector<768x8xf32>, vector<1024x8xf32> -> vector<1024x8xf32>
      %get3A_18 = arith.constant 0 : index
      %get3A_19 = vector.load %arg4[%get3A_18] : memref<8xf32, #tpu.memory_space<vmem>>, vector<8xf32>
      %broadcast_in_dim3A = vector.shape_cast %get3A_19 : vector<8xf32> to vector<1x8xf32>
      %add3A = vector.broadcast %broadcast_in_dim3A : vector<1x8xf32> to vector<1024x8xf32>
      %add3A_20 = arith.addf %dot_general3A_17, %add3A : vector<1024x8xf32>
      %reduce_max3A = arith.constant dense<0xFF800000> : vector<1024xf32>
      %reduce_max3A_21 = vector.multi_reduction <maximumf>, %add3A_20, %reduce_max3A [1] : vector<1024x8xf32> to vector<1024xf32>
      %broadcast_in_dim3A_22 = vector.shape_cast %reduce_max3A_21 : vector<1024xf32> to vector<1024x1xf32>
      %eq3A_23 = vector.broadcast %broadcast_in_dim3A_22 : vector<1024x1xf32> to vector<1024x8xf32>
      %eq3A_24 = arith.cmpf oeq, %add3A_20, %eq3A_23 : vector<1024x8xf32>
      %convert_element_type3A_25 = arith.extui %eq3A_24 : vector<1024x8xi1> to vector<1024x8xi32>
      %convert_element_type3A_26 = arith.sitofp %convert_element_type3A_25 : vector<1024x8xi32> to vector<1024x8xf32>
      %iota3A = tpu.iota {dimensions = array<i32: 0>} : vector<8x8xi32>
      %iota3A_27 = tpu.iota {dimensions = array<i32: 1>} : vector<8x8xi32>
      %lt3A = arith.cmpi slt, %iota3A, %iota3A_27 : vector<8x8xi32>
      %convert_element_type3A_28 = arith.extui %lt3A : vector<8x8xi1> to vector<8x8xi32>
      %convert_element_type3A_29 = arith.sitofp %convert_element_type3A_28 : vector<8x8xi32> to vector<8x8xf32>
      %dot_general3A_30 = arith.constant dense<0.000000e+00> : vector<1024x8xf32>
      %dot_general3A_31 = tpu.matmul %convert_element_type3A_26, %convert_element_type3A_29, %dot_general3A_30 {dimension_numbers = #tpu.dot_dimension_numbers<[1], [0], [0], [1], [0, 0, 1, 1], [], []>, transpose_lhs_hint = false} : vector<1024x8xf32>, vector<8x8xf32>, vector<1024x8xf32> -> vector<1024x8xf32>
      %eq3A_32 = arith.constant 0.000000e+00 : f32
      %eq3A_33 = vector.broadcast %eq3A_32 : f32 to vector<1024x8xf32>
      %eq3A_34 = arith.cmpf oeq, %dot_general3A_31, %eq3A_33 : vector<1024x8xf32>
      %convert_element_type3A_35 = arith.extui %eq3A_34 : vector<1024x8xi1> to vector<1024x8xi32>
      %convert_element_type3A_36 = arith.sitofp %convert_element_type3A_35 : vector<1024x8xi32> to vector<1024x8xf32>
      %mul3A = arith.mulf %convert_element_type3A_26, %convert_element_type3A_36 : vector<1024x8xf32>
      %swap3A = arith.index_cast %arg1 : i32 to index
      %swap3A_37 = arith.constant 0 : index
      %swap3A_38 = arith.constant 0 : index
      %swap3A_39 = vector.load %arg8[%swap3A, %swap3A_37, %swap3A_38] : memref<16x1024x8xf32, #tpu.memory_space<vmem>>, vector<1x1024x8xf32>
      %swap3A_40 = vector.shape_cast %swap3A_39 : vector<1x1024x8xf32> to vector<1024x8xf32>
      %swap3A_41 = vector.shape_cast %mul3A : vector<1024x8xf32> to vector<1x1024x8xf32>
      tpu.vector_store %arg8[%swap3A, %swap3A_37, %swap3A_38], %swap3A_41 {strides = array<i32>} : memref<16x1024x8xf32, #tpu.memory_space<vmem>>, vector<1x1024x8xf32>,
      %get3A_42 = arith.constant 0 : index
      %get3A_43 = arith.constant 0 : index
      %get3A_44 = vector.load %arg9[%get3A_42, %get3A_43] : memref<1x8xf32, #tpu.memory_space<vmem>>, vector<1x8xf32>
      %reduce_sum3A = arith.constant dense<0.000000e+00> : vector<8xf32>
      %reduce_sum3A_45 = vector.multi_reduction <add>, %mul3A, %reduce_sum3A [0] : vector<1024x8xf32> to vector<8xf32>
      %broadcast_in_dim3A_46 = vector.shape_cast %reduce_sum3A_45 : vector<8xf32> to vector<1x8xf32>
      %add3A_47 = arith.addf %get3A_44, %broadcast_in_dim3A_46 : vector<1x8xf32>
      %swap3A_48 = arith.constant 0 : index
      %swap3A_49 = arith.constant 0 : index
      %swap3A_50 = vector.load %arg9[%swap3A_48, %swap3A_49] : memref<1x8xf32, #tpu.memory_space<vmem>>, vector<1x8xf32>
      tpu.vector_store %arg9[%swap3A_48, %swap3A_49], %add3A_47 {strides = array<i32>} : memref<1x8xf32, #tpu.memory_space<vmem>>, vector<1x8xf32>,
    } else {
    }
    %eq3A_2 = arith.constant 1 : i32
    %eq3A_3 = arith.cmpi eq, %arg0, %eq3A_2 : i32
    %convert_element_type3A_4 = arith.extui %eq3A_3 : i1 to i32
    %cond3A_5 = arith.constant 0 : i32
    %cond3A_6 = arith.cmpi ne, %convert_element_type3A_4, %cond3A_5 : i32
    scf.if %cond3A_6 {
      %get3A = arith.constant 0 : index
      %get3A_7 = arith.constant 0 : index
      %get3A_8 = vector.load %arg9[%get3A, %get3A_7] : memref<1x8xf32, #tpu.memory_space<vmem>>, vector<1x8xf32>
      %div3A = arith.constant 5.120000e+02 : f32
      %div3A_9 = vector.broadcast %div3A : f32 to vector<1x8xf32>
      %div3A_10 = arith.divf %get3A_8, %div3A_9 : vector<1x8xf32>
      %ceil3A = math.ceil %div3A_10 : vector<1x8xf32>
      %mul3A = arith.constant 5.120000e+02 : f32
      %mul3A_11 = vector.broadcast %mul3A : f32 to vector<1x8xf32>
      %mul3A_12 = arith.mulf %ceil3A, %mul3A_11 : vector<1x8xf32>
      %iota3A = tpu.iota {dimensions = array<i32: 0>} : vector<8x8xi32>
      %iota3A_13 = tpu.iota {dimensions = array<i32: 1>} : vector<8x8xi32>
      %lt3A = arith.cmpi slt, %iota3A, %iota3A_13 : vector<8x8xi32>
      %convert_element_type3A_14 = arith.extui %lt3A : vector<8x8xi1> to vector<8x8xi32>
      %convert_element_type3A_15 = arith.sitofp %convert_element_type3A_14 : vector<8x8xi32> to vector<8x8xf32>
      %dot_general3A = arith.constant dense<0.000000e+00> : vector<1x8xf32>
      %dot_general3A_16 = tpu.matmul %mul3A_12, %convert_element_type3A_15, %dot_general3A {dimension_numbers = #tpu.dot_dimension_numbers<[1], [0], [0], [1], [0, 0, 1, 1], [], []>, transpose_lhs_hint = false} : vector<1x8xf32>, vector<8x8xf32>, vector<1x8xf32> -> vector<1x8xf32>
      %add3A = arith.addf %dot_general3A_16, %mul3A_12 : vector<1x8xf32>
      %get3A_17 = arith.index_cast %arg1 : i32 to index
      %get3A_18 = arith.constant 0 : index
      %get3A_19 = arith.constant 0 : index
      %get3A_20 = vector.load %arg8[%get3A_17, %get3A_18, %get3A_19] : memref<16x1024x8xf32, #tpu.memory_space<vmem>>, vector<1x1024x8xf32>
      %get3A_21 = vector.shape_cast %get3A_20 : vector<1x1024x8xf32> to vector<1024x8xf32>
      %get3A_22 = arith.constant 0 : index
      %get3A_23 = arith.constant 0 : index
      %get3A_24 = vector.load %arg5[%get3A_22, %get3A_23] : memref<1024x1024xf32, #tpu.memory_space<vmem>>, vector<1024x1024xf32>
      %dot_general3A_25 = arith.constant dense<0.000000e+00> : vector<1024x8xf32>
      %dot_general3A_26 = tpu.matmul %get3A_24, %get3A_21, %dot_general3A_25 {dimension_numbers = #tpu.dot_dimension_numbers<[1], [0], [0], [1], [0, 0, 1, 1], [], []>, transpose_lhs_hint = false} : vector<1024x1024xf32>, vector<1024x8xf32>, vector<1024x8xf32> -> vector<1024x8xf32>
      %get3A_27 = arith.constant 0 : index
      %get3A_28 = arith.constant 0 : index
      %get3A_29 = vector.load %arg10[%get3A_27, %get3A_28] : memref<1x8xf32, #tpu.memory_space<vmem>>, vector<1x8xf32>
      %add3A_30 = arith.addf %dot_general3A_16, %get3A_29 : vector<1x8xf32>
      %add3A_31 = vector.broadcast %add3A_30 : vector<1x8xf32> to vector<1024x8xf32>
      %add3A_32 = arith.addf %add3A_31, %dot_general3A_26 : vector<1024x8xf32>
      %mul3A_33 = arith.mulf %add3A_32, %get3A_21 : vector<1024x8xf32>
      %reduce_sum3A = arith.constant dense<0.000000e+00> : vector<1024xf32>
      %reduce_sum3A_34 = vector.multi_reduction <add>, %mul3A_33, %reduce_sum3A [1] : vector<1024x8xf32> to vector<1024xf32>
      %broadcast_in_dim3A = vector.shape_cast %reduce_sum3A_34 : vector<1024xf32> to vector<1024x1xf32>
      %convert_element_type3A_35 = arith.fptosi %broadcast_in_dim3A : vector<1024x1xf32> to vector<1024x1xi32>
      %swap3A = arith.constant 0 : index
      %swap3A_36 = arith.constant 0 : index
      %swap3A_37 = arith.constant 0 : index
      %swap3A_38 = vector.load %arg6[%swap3A, %swap3A_36, %swap3A_37] : memref<1x1024x1xi32, #tpu.memory_space<vmem>>, vector<1x1024x1xi32>
      %swap3A_39 = vector.shape_cast %swap3A_38 : vector<1x1024x1xi32> to vector<1024x1xi32>
      %swap3A_40 = vector.shape_cast %convert_element_type3A_35 : vector<1024x1xi32> to vector<1x1024x1xi32>
      tpu.vector_store %arg6[%swap3A, %swap3A_36, %swap3A_37], %swap3A_40 {strides = array<i32>} : memref<1x1024x1xi32, #tpu.memory_space<vmem>>, vector<1x1024x1xi32>,
      %get3A_41 = arith.constant 0 : index
      %get3A_42 = arith.constant 0 : index
      %get3A_43 = vector.load %arg10[%get3A_41, %get3A_42] : memref<1x8xf32, #tpu.memory_space<vmem>>, vector<1x8xf32>
      %reduce_sum3A_44 = arith.constant dense<0.000000e+00> : vector<8xf32>
      %reduce_sum3A_45 = vector.multi_reduction <add>, %get3A_21, %reduce_sum3A_44 [0] : vector<1024x8xf32> to vector<8xf32>
      %broadcast_in_dim3A_46 = vector.shape_cast %reduce_sum3A_45 : vector<8xf32> to vector<1x8xf32>
      %add3A_47 = arith.addf %get3A_43, %broadcast_in_dim3A_46 : vector<1x8xf32>
      %swap3A_48 = arith.constant 0 : index
      %swap3A_49 = arith.constant 0 : index
      %swap3A_50 = vector.load %arg10[%swap3A_48, %swap3A_49] : memref<1x8xf32, #tpu.memory_space<vmem>>, vector<1x8xf32>
      tpu.vector_store %arg10[%swap3A_48, %swap3A_49], %add3A_47 {strides = array<i32>} : memref<1x8xf32, #tpu.memory_space<vmem>>, vector<1x8xf32>,
      %eq3A_51 = arith.constant 0 : i32
      %eq3A_52 = arith.cmpi eq, %arg1, %eq3A_51 : i32
      %convert_element_type3A_53 = arith.extui %eq3A_52 : i1 to i32
      %cond3A_54 = arith.constant 0 : i32
      %cond3A_55 = arith.cmpi ne, %convert_element_type3A_53, %cond3A_54 : i32
      scf.if %cond3A_55 {
        %iota3A_56 = tpu.iota {dimensions = array<i32: 1>} : vector<1x128xi32>
        %convert_element_type3A_57 = arith.sitofp %iota3A_56 : vector<1x128xi32> to vector<1x128xf32>
        %mul3A_58 = arith.constant 5.120000e+02 : f32
        %mul3A_59 = vector.broadcast %mul3A_58 : f32 to vector<1x128xf32>
        %mul3A_60 = arith.mulf %convert_element_type3A_57, %mul3A_59 : vector<1x128xf32>
        %iota3A_61 = tpu.iota {dimensions = array<i32: 1>} : vector<1x8xi32>
        %broadcast_in_dim3A_62 = arith.constant 0.000000e+00 : f32
        %broadcast_in_dim3A_63 = vector.broadcast %broadcast_in_dim3A_62 : f32 to vector<1x128xf32>
        %eq3A_64 = arith.constant 0 : i32
        %eq3A_65 = vector.broadcast %eq3A_64 : i32 to vector<1x8xi32>
        %eq3A_66 = arith.cmpi eq, %iota3A_61, %eq3A_65 : vector<1x8xi32>
        %jit3A = arith.constant 0.000000e+00 : f32
        %broadcast_in_dim3A_67 = vector.broadcast %jit3A : f32 to vector<1x8xf32>
        %select_n3A = arith.select %eq3A_66, %add3A, %broadcast_in_dim3A_67 : vector<1x8xi1>, vector<1x8xf32>
        %reduce_sum3A_68 = vector.shape_cast %select_n3A : vector<1x8xf32> to vector<1x1x8xf32>
        %reduce_sum3A_69 = arith.constant dense<0.000000e+00> : vector<1xf32>
        %reduce_sum3A_70 = vector.multi_reduction <add>, %reduce_sum3A_68, %reduce_sum3A_69 [1, 2] : vector<1x1x8xf32> to vector<1xf32>
        %reduce_sum3A_71 = vector.shape_cast %reduce_sum3A_70 : vector<1xf32> to vector<1x1x1xf32>
        %reduce_sum3A_72 = vector.extract %reduce_sum3A_71[0, 0, 0] : f32 from vector<1x1x1xf32>
        %ge3A = vector.broadcast %reduce_sum3A_72 : f32 to vector<1x128xf32>
        %ge3A_73 = arith.cmpf oge, %mul3A_60, %ge3A : vector<1x128xf32>
        %convert_element_type3A_74 = arith.extui %ge3A_73 : vector<1x128xi1> to vector<1x128xi32>
        %convert_element_type3A_75 = arith.sitofp %convert_element_type3A_74 : vector<1x128xi32> to vector<1x128xf32>
        %add3A_76 = arith.addf %broadcast_in_dim3A_63, %convert_element_type3A_75 : vector<1x128xf32>
        %eq3A_77 = arith.constant 1 : i32
        %eq3A_78 = vector.broadcast %eq3A_77 : i32 to vector<1x8xi32>
        %eq3A_79 = arith.cmpi eq, %iota3A_61, %eq3A_78 : vector<1x8xi32>
        %jit3A_80 = arith.constant 0.000000e+00 : f32
        %broadcast_in_dim3A_81 = vector.broadcast %jit3A_80 : f32 to vector<1x8xf32>
        %select_n3A_82 = arith.select %eq3A_79, %add3A, %broadcast_in_dim3A_81 : vector<1x8xi1>, vector<1x8xf32>
        %reduce_sum3A_83 = vector.shape_cast %select_n3A_82 : vector<1x8xf32> to vector<1x1x8xf32>
        %reduce_sum3A_84 = arith.constant dense<0.000000e+00> : vector<1xf32>
        %reduce_sum3A_85 = vector.multi_reduction <add>, %reduce_sum3A_83, %reduce_sum3A_84 [1, 2] : vector<1x1x8xf32> to vector<1xf32>
        %reduce_sum3A_86 = vector.shape_cast %reduce_sum3A_85 : vector<1xf32> to vector<1x1x1xf32>
        %reduce_sum3A_87 = vector.extract %reduce_sum3A_86[0, 0, 0] : f32 from vector<1x1x1xf32>
        %ge3A_88 = vector.broadcast %reduce_sum3A_87 : f32 to vector<1x128xf32>
        %ge3A_89 = arith.cmpf oge, %mul3A_60, %ge3A_88 : vector<1x128xf32>
        %convert_element_type3A_90 = arith.extui %ge3A_89 : vector<1x128xi1> to vector<1x128xi32>
        %convert_element_type3A_91 = arith.sitofp %convert_element_type3A_90 : vector<1x128xi32> to vector<1x128xf32>
        %add3A_92 = arith.addf %add3A_76, %convert_element_type3A_91 : vector<1x128xf32>
        %eq3A_93 = arith.constant 2 : i32
        %eq3A_94 = vector.broadcast %eq3A_93 : i32 to vector<1x8xi32>
        %eq3A_95 = arith.cmpi eq, %iota3A_61, %eq3A_94 : vector<1x8xi32>
        %jit3A_96 = arith.constant 0.000000e+00 : f32
        %broadcast_in_dim3A_97 = vector.broadcast %jit3A_96 : f32 to vector<1x8xf32>
        %select_n3A_98 = arith.select %eq3A_95, %add3A, %broadcast_in_dim3A_97 : vector<1x8xi1>, vector<1x8xf32>
        %reduce_sum3A_99 = vector.shape_cast %select_n3A_98 : vector<1x8xf32> to vector<1x1x8xf32>
        %reduce_sum3A_100 = arith.constant dense<0.000000e+00> : vector<1xf32>
        %reduce_sum3A_101 = vector.multi_reduction <add>, %reduce_sum3A_99, %reduce_sum3A_100 [1, 2] : vector<1x1x8xf32> to vector<1xf32>
        %reduce_sum3A_102 = vector.shape_cast %reduce_sum3A_101 : vector<1xf32> to vector<1x1x1xf32>
        %reduce_sum3A_103 = vector.extract %reduce_sum3A_102[0, 0, 0] : f32 from vector<1x1x1xf32>
        %ge3A_104 = vector.broadcast %reduce_sum3A_103 : f32 to vector<1x128xf32>
        %ge3A_105 = arith.cmpf oge, %mul3A_60, %ge3A_104 : vector<1x128xf32>
        %convert_element_type3A_106 = arith.extui %ge3A_105 : vector<1x128xi1> to vector<1x128xi32>
        %convert_element_type3A_107 = arith.sitofp %convert_element_type3A_106 : vector<1x128xi32> to vector<1x128xf32>
        %add3A_108 = arith.addf %add3A_92, %convert_element_type3A_107 : vector<1x128xf32>
        %eq3A_109 = arith.constant 3 : i32
        %eq3A_110 = vector.broadcast %eq3A_109 : i32 to vector<1x8xi32>
        %eq3A_111 = arith.cmpi eq, %iota3A_61, %eq3A_110 : vector<1x8xi32>
        %jit3A_112 = arith.constant 0.000000e+00 : f32
        %broadcast_in_dim3A_113 = vector.broadcast %jit3A_112 : f32 to vector<1x8xf32>
        %select_n3A_114 = arith.select %eq3A_111, %add3A, %broadcast_in_dim3A_113 : vector<1x8xi1>, vector<1x8xf32>
        %reduce_sum3A_115 = vector.shape_cast %select_n3A_114 : vector<1x8xf32> to vector<1x1x8xf32>
        %reduce_sum3A_116 = arith.constant dense<0.000000e+00> : vector<1xf32>
        %reduce_sum3A_117 = vector.multi_reduction <add>, %reduce_sum3A_115, %reduce_sum3A_116 [1, 2] : vector<1x1x8xf32> to vector<1xf32>
        %reduce_sum3A_118 = vector.shape_cast %reduce_sum3A_117 : vector<1xf32> to vector<1x1x1xf32>
        %reduce_sum3A_119 = vector.extract %reduce_sum3A_118[0, 0, 0] : f32 from vector<1x1x1xf32>
        %ge3A_120 = vector.broadcast %reduce_sum3A_119 : f32 to vector<1x128xf32>
        %ge3A_121 = arith.cmpf oge, %mul3A_60, %ge3A_120 : vector<1x128xf32>
        %convert_element_type3A_122 = arith.extui %ge3A_121 : vector<1x128xi1> to vector<1x128xi32>
        %convert_element_type3A_123 = arith.sitofp %convert_element_type3A_122 : vector<1x128xi32> to vector<1x128xf32>
        %add3A_124 = arith.addf %add3A_108, %convert_element_type3A_123 : vector<1x128xf32>
        %eq3A_125 = arith.constant 4 : i32
        %eq3A_126 = vector.broadcast %eq3A_125 : i32 to vector<1x8xi32>
        %eq3A_127 = arith.cmpi eq, %iota3A_61, %eq3A_126 : vector<1x8xi32>
        %jit3A_128 = arith.constant 0.000000e+00 : f32
        %broadcast_in_dim3A_129 = vector.broadcast %jit3A_128 : f32 to vector<1x8xf32>
        %select_n3A_130 = arith.select %eq3A_127, %add3A, %broadcast_in_dim3A_129 : vector<1x8xi1>, vector<1x8xf32>
        %reduce_sum3A_131 = vector.shape_cast %select_n3A_130 : vector<1x8xf32> to vector<1x1x8xf32>
        %reduce_sum3A_132 = arith.constant dense<0.000000e+00> : vector<1xf32>
        %reduce_sum3A_133 = vector.multi_reduction <add>, %reduce_sum3A_131, %reduce_sum3A_132 [1, 2] : vector<1x1x8xf32> to vector<1xf32>
        %reduce_sum3A_134 = vector.shape_cast %reduce_sum3A_133 : vector<1xf32> to vector<1x1x1xf32>
        %reduce_sum3A_135 = vector.extract %reduce_sum3A_134[0, 0, 0] : f32 from vector<1x1x1xf32>
        %ge3A_136 = vector.broadcast %reduce_sum3A_135 : f32 to vector<1x128xf32>
        %ge3A_137 = arith.cmpf oge, %mul3A_60, %ge3A_136 : vector<1x128xf32>
        %convert_element_type3A_138 = arith.extui %ge3A_137 : vector<1x128xi1> to vector<1x128xi32>
        %convert_element_type3A_139 = arith.sitofp %convert_element_type3A_138 : vector<1x128xi32> to vector<1x128xf32>
        %add3A_140 = arith.addf %add3A_124, %convert_element_type3A_139 : vector<1x128xf32>
        %eq3A_141 = arith.constant 5 : i32
        %eq3A_142 = vector.broadcast %eq3A_141 : i32 to vector<1x8xi32>
        %eq3A_143 = arith.cmpi eq, %iota3A_61, %eq3A_142 : vector<1x8xi32>
        %jit3A_144 = arith.constant 0.000000e+00 : f32
        %broadcast_in_dim3A_145 = vector.broadcast %jit3A_144 : f32 to vector<1x8xf32>
        %select_n3A_146 = arith.select %eq3A_143, %add3A, %broadcast_in_dim3A_145 : vector<1x8xi1>, vector<1x8xf32>
        %reduce_sum3A_147 = vector.shape_cast %select_n3A_146 : vector<1x8xf32> to vector<1x1x8xf32>
        %reduce_sum3A_148 = arith.constant dense<0.000000e+00> : vector<1xf32>
        %reduce_sum3A_149 = vector.multi_reduction <add>, %reduce_sum3A_147, %reduce_sum3A_148 [1, 2] : vector<1x1x8xf32> to vector<1xf32>
        %reduce_sum3A_150 = vector.shape_cast %reduce_sum3A_149 : vector<1xf32> to vector<1x1x1xf32>
        %reduce_sum3A_151 = vector.extract %reduce_sum3A_150[0, 0, 0] : f32 from vector<1x1x1xf32>
        %ge3A_152 = vector.broadcast %reduce_sum3A_151 : f32 to vector<1x128xf32>
        %ge3A_153 = arith.cmpf oge, %mul3A_60, %ge3A_152 : vector<1x128xf32>
        %convert_element_type3A_154 = arith.extui %ge3A_153 : vector<1x128xi1> to vector<1x128xi32>
        %convert_element_type3A_155 = arith.sitofp %convert_element_type3A_154 : vector<1x128xi32> to vector<1x128xf32>
        %add3A_156 = arith.addf %add3A_140, %convert_element_type3A_155 : vector<1x128xf32>
        %eq3A_157 = arith.constant 6 : i32
        %eq3A_158 = vector.broadcast %eq3A_157 : i32 to vector<1x8xi32>
        %eq3A_159 = arith.cmpi eq, %iota3A_61, %eq3A_158 : vector<1x8xi32>
        %jit3A_160 = arith.constant 0.000000e+00 : f32
        %broadcast_in_dim3A_161 = vector.broadcast %jit3A_160 : f32 to vector<1x8xf32>
        %select_n3A_162 = arith.select %eq3A_159, %add3A, %broadcast_in_dim3A_161 : vector<1x8xi1>, vector<1x8xf32>
        %reduce_sum3A_163 = vector.shape_cast %select_n3A_162 : vector<1x8xf32> to vector<1x1x8xf32>
        %reduce_sum3A_164 = arith.constant dense<0.000000e+00> : vector<1xf32>
        %reduce_sum3A_165 = vector.multi_reduction <add>, %reduce_sum3A_163, %reduce_sum3A_164 [1, 2] : vector<1x1x8xf32> to vector<1xf32>
        %reduce_sum3A_166 = vector.shape_cast %reduce_sum3A_165 : vector<1xf32> to vector<1x1x1xf32>
        %reduce_sum3A_167 = vector.extract %reduce_sum3A_166[0, 0, 0] : f32 from vector<1x1x1xf32>
        %ge3A_168 = vector.broadcast %reduce_sum3A_167 : f32 to vector<1x128xf32>
        %ge3A_169 = arith.cmpf oge, %mul3A_60, %ge3A_168 : vector<1x128xf32>
        %convert_element_type3A_170 = arith.extui %ge3A_169 : vector<1x128xi1> to vector<1x128xi32>
        %convert_element_type3A_171 = arith.sitofp %convert_element_type3A_170 : vector<1x128xi32> to vector<1x128xf32>
        %add3A_172 = arith.addf %add3A_156, %convert_element_type3A_171 : vector<1x128xf32>
        %eq3A_173 = arith.constant 7 : i32
        %eq3A_174 = vector.broadcast %eq3A_173 : i32 to vector<1x8xi32>
        %eq3A_175 = arith.cmpi eq, %iota3A_61, %eq3A_174 : vector<1x8xi32>
        %jit3A_176 = arith.constant 0.000000e+00 : f32
        %broadcast_in_dim3A_177 = vector.broadcast %jit3A_176 : f32 to vector<1x8xf32>
        %select_n3A_178 = arith.select %eq3A_175, %add3A, %broadcast_in_dim3A_177 : vector<1x8xi1>, vector<1x8xf32>
        %reduce_sum3A_179 = vector.shape_cast %select_n3A_178 : vector<1x8xf32> to vector<1x1x8xf32>
        %reduce_sum3A_180 = arith.constant dense<0.000000e+00> : vector<1xf32>
        %reduce_sum3A_181 = vector.multi_reduction <add>, %reduce_sum3A_179, %reduce_sum3A_180 [1, 2] : vector<1x1x8xf32> to vector<1xf32>
        %reduce_sum3A_182 = vector.shape_cast %reduce_sum3A_181 : vector<1xf32> to vector<1x1x1xf32>
        %reduce_sum3A_183 = vector.extract %reduce_sum3A_182[0, 0, 0] : f32 from vector<1x1x1xf32>
        %ge3A_184 = vector.broadcast %reduce_sum3A_183 : f32 to vector<1x128xf32>
        %ge3A_185 = arith.cmpf oge, %mul3A_60, %ge3A_184 : vector<1x128xf32>
        %convert_element_type3A_186 = arith.extui %ge3A_185 : vector<1x128xi1> to vector<1x128xi32>
        %convert_element_type3A_187 = arith.sitofp %convert_element_type3A_186 : vector<1x128xi32> to vector<1x128xf32>
        %add3A_188 = arith.addf %add3A_172, %convert_element_type3A_187 : vector<1x128xf32>
        %convert_element_type3A_189 = arith.fptosi %add3A_188 : vector<1x128xf32> to vector<1x128xi32>
        %swap3A_190 = arith.constant 0 : index
        %swap3A_191 = arith.constant 0 : index
        %swap3A_192 = vector.load %arg7[%swap3A_190, %swap3A_191] : memref<1x128xi32, #tpu.memory_space<vmem>>, vector<1x128xi32>
        tpu.vector_store %arg7[%swap3A_190, %swap3A_191], %convert_element_type3A_189 {strides = array<i32>} : memref<1x128xi32, #tpu.memory_space<vmem>>, vector<1x128xi32>,
      } else {
      }
    } else {
    }
    return
  }
  func.func @transform_0(%arg0: i32, %arg1: i32) -> (i32, i32) {
    %sub3A = arith.constant 1 : i32
    %sub3A_0 = arith.subi %sub3A, %arg0 : i32
    %mul3A = arith.muli %arg1, %sub3A_0 : i32
    %c0_i32 = arith.constant 0 : i32
    %c0_i32_1 = arith.constant 0 : i32
    return %mul3A, %c0_i32 : i32, i32
  }
  func.func @transform_1(%arg0: i32, %arg1: i32) -> (i32, i32) {
    %c0_i32 = arith.constant 0 : i32
    %c0_i32_0 = arith.constant 0 : i32
    %c0_i32_1 = arith.constant 0 : i32
    return %c0_i32, %c0_i32_0 : i32, i32
  }
  func.func @transform_2(%arg0: i32, %arg1: i32) -> i32 {
    %c0_i32 = arith.constant 0 : i32
    %c0_i32_0 = arith.constant 0 : i32
    return %c0_i32 : i32
  }
  func.func @transform_3(%arg0: i32, %arg1: i32) -> (i32, i32) {
    %c0_i32 = arith.constant 0 : i32
    %c0_i32_0 = arith.constant 0 : i32
    %c0_i32_1 = arith.constant 0 : i32
    return %c0_i32, %c0_i32_0 : i32, i32
  }
  func.func @transform_4(%arg0: i32, %arg1: i32) -> (i32, i32, i32) {
    %c0_i32 = arith.constant 0 : i32
    %c0_i32_0 = arith.constant 0 : i32
    %c0_i32_1 = arith.constant 0 : i32
    return %arg1, %c0_i32, %c0_i32_0 : i32, i32, i32
  }
  func.func @transform_5(%arg0: i32, %arg1: i32) -> (i32, i32) {
    %c0_i32 = arith.constant 0 : i32
    %c0_i32_0 = arith.constant 0 : i32
    %c0_i32_1 = arith.constant 0 : i32
    return %c0_i32, %c0_i32_0 : i32, i32
  }
}

module attributes {stable_mosaic.version = 14 : i64} {
  func.func @_gmm_body(%arg0: i32, %arg1: memref<40xi32, #tpu.memory_space<smem>>, %arg2: memref<512x768xf32, #tpu.memory_space<vmem>>, %arg3: memref<1x768x768xf32, #tpu.memory_space<vmem>>, %arg4: memref<1x1x768xf32, #tpu.memory_space<vmem>>, %arg5: memref<1x768x768xf32, #tpu.memory_space<vmem>>, %arg6: memref<1x1x768xf32, #tpu.memory_space<vmem>>, %arg7: memref<1x768x768xf32, #tpu.memory_space<vmem>>, %arg8: memref<1x1x768xf32, #tpu.memory_space<vmem>>, %arg9: memref<512x768xf32, #tpu.memory_space<vmem>>) attributes {dimension_semantics = [#tpu.dimension_semantics<arbitrary>], iteration_bounds = array<i64: 40>, scalar_prefetch = 1 : i64, scratch_operands = 0 : i64, tpu.core_type = #tpu.core_type<tc>, window_params = [{transform_indices = @transform_0, window_bounds = array<i64: 512, 768>}, {transform_indices = @transform_1, window_bounds = array<i64: 1, 768, 768>}, {transform_indices = @transform_2, window_bounds = array<i64: 1, 1, 768>}, {transform_indices = @transform_3, window_bounds = array<i64: 1, 768, 768>}, {transform_indices = @transform_4, window_bounds = array<i64: 1, 1, 768>}, {transform_indices = @transform_5, window_bounds = array<i64: 1, 768, 768>}, {transform_indices = @transform_6, window_bounds = array<i64: 1, 1, 768>}, {transform_indices = @transform_7, window_bounds = array<i64: 512, 768>}]} {
    %get3A = arith.index_cast %arg0 : i32 to index
    %get3A_0 = memref.load %arg1[%get3A] : memref<40xi32, #tpu.memory_space<smem>>
    %lt3A = arith.constant 8 : i32
    %lt3A_1 = arith.cmpi slt, %get3A_0, %lt3A : i32
    %convert_element_type3A = arith.extui %lt3A_1 : i1 to i32
    %cond3A = arith.constant 0 : i32
    %cond3A_2 = arith.cmpi ne, %convert_element_type3A, %cond3A : i32
    scf.if %cond3A_2 {
      %get3A_3 = arith.constant 0 : index
      %get3A_4 = arith.constant 0 : index
      %get3A_5 = vector.load %arg2[%get3A_3, %get3A_4] : memref<512x768xf32, #tpu.memory_space<vmem>>, vector<512x768xf32>
      %get3A_6 = arith.constant 0 : index
      %get3A_7 = arith.constant 0 : index
      %get3A_8 = arith.constant 0 : index
      %get3A_9 = vector.load %arg3[%get3A_6, %get3A_7, %get3A_8] : memref<1x768x768xf32, #tpu.memory_space<vmem>>, vector<1x768x768xf32>
      %get3A_10 = vector.shape_cast %get3A_9 : vector<1x768x768xf32> to vector<768x768xf32>
      %dot_general3A = arith.constant dense<0.000000e+00> : vector<512x768xf32>
      %dot_general3A_11 = tpu.matmul %get3A_5, %get3A_10, %dot_general3A {dimension_numbers = #tpu.dot_dimension_numbers<[1], [0], [0], [1], [0, 0, 1, 1], [], []>, transpose_lhs_hint = false} : vector<512x768xf32>, vector<768x768xf32>, vector<512x768xf32> -> vector<512x768xf32>
      %get3A_12 = arith.constant 0 : index
      %get3A_13 = arith.constant 0 : index
      %get3A_14 = arith.constant 0 : index
      %get3A_15 = vector.load %arg4[%get3A_12, %get3A_13, %get3A_14] : memref<1x1x768xf32, #tpu.memory_space<vmem>>, vector<1x1x768xf32>
      %get3A_16 = vector.shape_cast %get3A_15 : vector<1x1x768xf32> to vector<1x768xf32>
      %add3A = vector.broadcast %get3A_16 : vector<1x768xf32> to vector<512x768xf32>
      %add3A_17 = arith.addf %dot_general3A_11, %add3A : vector<512x768xf32>
      %get3A_18 = arith.constant 0 : index
      %get3A_19 = arith.constant 0 : index
      %get3A_20 = arith.constant 0 : index
      %get3A_21 = vector.load %arg5[%get3A_18, %get3A_19, %get3A_20] : memref<1x768x768xf32, #tpu.memory_space<vmem>>, vector<1x768x768xf32>
      %get3A_22 = vector.shape_cast %get3A_21 : vector<1x768x768xf32> to vector<768x768xf32>
      %dot_general3A_23 = arith.constant dense<0.000000e+00> : vector<512x768xf32>
      %dot_general3A_24 = tpu.matmul %get3A_5, %get3A_22, %dot_general3A_23 {dimension_numbers = #tpu.dot_dimension_numbers<[1], [0], [0], [1], [0, 0, 1, 1], [], []>, transpose_lhs_hint = false} : vector<512x768xf32>, vector<768x768xf32>, vector<512x768xf32> -> vector<512x768xf32>
      %get3A_25 = arith.constant 0 : index
      %get3A_26 = arith.constant 0 : index
      %get3A_27 = arith.constant 0 : index
      %get3A_28 = vector.load %arg6[%get3A_25, %get3A_26, %get3A_27] : memref<1x1x768xf32, #tpu.memory_space<vmem>>, vector<1x1x768xf32>
      %get3A_29 = vector.shape_cast %get3A_28 : vector<1x1x768xf32> to vector<1x768xf32>
      %add3A_30 = vector.broadcast %get3A_29 : vector<1x768xf32> to vector<512x768xf32>
      %add3A_31 = arith.addf %dot_general3A_24, %add3A_30 : vector<512x768xf32>
      %neg3A = arith.constant 0.000000e+00 : f32
      %neg3A_32 = vector.broadcast %neg3A : f32 to vector<512x768xf32>
      %neg3A_33 = arith.subf %neg3A_32, %add3A_31 : vector<512x768xf32>
      %exp3A = math.exp %neg3A_33 : vector<512x768xf32>
      %add3A_34 = arith.constant 1.000000e+00 : f32
      %add3A_35 = vector.broadcast %add3A_34 : f32 to vector<512x768xf32>
      %add3A_36 = arith.addf %add3A_35, %exp3A : vector<512x768xf32>
      %div3A = arith.constant 1.000000e+00 : f32
      %div3A_37 = vector.broadcast %div3A : f32 to vector<512x768xf32>
      %div3A_38 = arith.divf %div3A_37, %add3A_36 : vector<512x768xf32>
      %mul3A = arith.mulf %add3A_31, %div3A_38 : vector<512x768xf32>
      %mul3A_39 = arith.mulf %add3A_17, %mul3A : vector<512x768xf32>
      %get3A_40 = arith.constant 0 : index
      %get3A_41 = arith.constant 0 : index
      %get3A_42 = arith.constant 0 : index
      %get3A_43 = vector.load %arg7[%get3A_40, %get3A_41, %get3A_42] : memref<1x768x768xf32, #tpu.memory_space<vmem>>, vector<1x768x768xf32>
      %get3A_44 = vector.shape_cast %get3A_43 : vector<1x768x768xf32> to vector<768x768xf32>
      %dot_general3A_45 = arith.constant dense<0.000000e+00> : vector<512x768xf32>
      %dot_general3A_46 = tpu.matmul %mul3A_39, %get3A_44, %dot_general3A_45 {dimension_numbers = #tpu.dot_dimension_numbers<[1], [0], [0], [1], [0, 0, 1, 1], [], []>, transpose_lhs_hint = false} : vector<512x768xf32>, vector<768x768xf32>, vector<512x768xf32> -> vector<512x768xf32>
      %get3A_47 = arith.constant 0 : index
      %get3A_48 = arith.constant 0 : index
      %get3A_49 = arith.constant 0 : index
      %get3A_50 = vector.load %arg8[%get3A_47, %get3A_48, %get3A_49] : memref<1x1x768xf32, #tpu.memory_space<vmem>>, vector<1x1x768xf32>
      %get3A_51 = vector.shape_cast %get3A_50 : vector<1x1x768xf32> to vector<1x768xf32>
      %add3A_52 = vector.broadcast %get3A_51 : vector<1x768xf32> to vector<512x768xf32>
      %add3A_53 = arith.addf %dot_general3A_46, %add3A_52 : vector<512x768xf32>
      %swap3A = arith.constant 0 : index
      %swap3A_54 = arith.constant 0 : index
      %swap3A_55 = vector.load %arg9[%swap3A, %swap3A_54] : memref<512x768xf32, #tpu.memory_space<vmem>>, vector<512x768xf32>
      tpu.vector_store %arg9[%swap3A, %swap3A_54], %add3A_53 {strides = array<i32>} : memref<512x768xf32, #tpu.memory_space<vmem>>, vector<512x768xf32>,
    } else {
    }
    return
  }
  func.func @transform_0(%arg0: i32, %arg1: memref<40xi32, #tpu.memory_space<smem>>) -> (i32, i32) {
    %c0_i32 = arith.constant 0 : i32
    %c0_i32_0 = arith.constant 0 : i32
    return %arg0, %c0_i32 : i32, i32
  }
  func.func @transform_1(%arg0: i32, %arg1: memref<40xi32, #tpu.memory_space<smem>>) -> (i32, i32, i32) {
    %get3A = arith.index_cast %arg0 : i32 to index
    %get3A_0 = memref.load %arg1[%get3A] : memref<40xi32, #tpu.memory_space<smem>>
    %min3A = arith.constant 7 : i32
    %min3A_1 = arith.minsi %get3A_0, %min3A : i32
    %c0_i32 = arith.constant 0 : i32
    %c0_i32_2 = arith.constant 0 : i32
    %c0_i32_3 = arith.constant 0 : i32
    return %min3A_1, %c0_i32, %c0_i32_2 : i32, i32, i32
  }
  func.func @transform_2(%arg0: i32, %arg1: memref<40xi32, #tpu.memory_space<smem>>) -> (i32, i32, i32) {
    %get3A = arith.index_cast %arg0 : i32 to index
    %get3A_0 = memref.load %arg1[%get3A] : memref<40xi32, #tpu.memory_space<smem>>
    %min3A = arith.constant 7 : i32
    %min3A_1 = arith.minsi %get3A_0, %min3A : i32
    %c0_i32 = arith.constant 0 : i32
    %c0_i32_2 = arith.constant 0 : i32
    %c0_i32_3 = arith.constant 0 : i32
    return %min3A_1, %c0_i32, %c0_i32_2 : i32, i32, i32
  }
  func.func @transform_3(%arg0: i32, %arg1: memref<40xi32, #tpu.memory_space<smem>>) -> (i32, i32, i32) {
    %get3A = arith.index_cast %arg0 : i32 to index
    %get3A_0 = memref.load %arg1[%get3A] : memref<40xi32, #tpu.memory_space<smem>>
    %min3A = arith.constant 7 : i32
    %min3A_1 = arith.minsi %get3A_0, %min3A : i32
    %c0_i32 = arith.constant 0 : i32
    %c0_i32_2 = arith.constant 0 : i32
    %c0_i32_3 = arith.constant 0 : i32
    return %min3A_1, %c0_i32, %c0_i32_2 : i32, i32, i32
  }
  func.func @transform_4(%arg0: i32, %arg1: memref<40xi32, #tpu.memory_space<smem>>) -> (i32, i32, i32) {
    %get3A = arith.index_cast %arg0 : i32 to index
    %get3A_0 = memref.load %arg1[%get3A] : memref<40xi32, #tpu.memory_space<smem>>
    %min3A = arith.constant 7 : i32
    %min3A_1 = arith.minsi %get3A_0, %min3A : i32
    %c0_i32 = arith.constant 0 : i32
    %c0_i32_2 = arith.constant 0 : i32
    %c0_i32_3 = arith.constant 0 : i32
    return %min3A_1, %c0_i32, %c0_i32_2 : i32, i32, i32
  }
  func.func @transform_5(%arg0: i32, %arg1: memref<40xi32, #tpu.memory_space<smem>>) -> (i32, i32, i32) {
    %get3A = arith.index_cast %arg0 : i32 to index
    %get3A_0 = memref.load %arg1[%get3A] : memref<40xi32, #tpu.memory_space<smem>>
    %min3A = arith.constant 7 : i32
    %min3A_1 = arith.minsi %get3A_0, %min3A : i32
    %c0_i32 = arith.constant 0 : i32
    %c0_i32_2 = arith.constant 0 : i32
    %c0_i32_3 = arith.constant 0 : i32
    return %min3A_1, %c0_i32, %c0_i32_2 : i32, i32, i32
  }
  func.func @transform_6(%arg0: i32, %arg1: memref<40xi32, #tpu.memory_space<smem>>) -> (i32, i32, i32) {
    %get3A = arith.index_cast %arg0 : i32 to index
    %get3A_0 = memref.load %arg1[%get3A] : memref<40xi32, #tpu.memory_space<smem>>
    %min3A = arith.constant 7 : i32
    %min3A_1 = arith.minsi %get3A_0, %min3A : i32
    %c0_i32 = arith.constant 0 : i32
    %c0_i32_2 = arith.constant 0 : i32
    %c0_i32_3 = arith.constant 0 : i32
    return %min3A_1, %c0_i32, %c0_i32_2 : i32, i32, i32
  }
  func.func @transform_7(%arg0: i32, %arg1: memref<40xi32, #tpu.memory_space<smem>>) -> (i32, i32) {
    %c0_i32 = arith.constant 0 : i32
    %c0_i32_0 = arith.constant 0 : i32
    return %arg0, %c0_i32 : i32, i32
  }
}

</mosaic_0001>

<sc_bundles>
// kernel: kernel.6.cloned.1.call-start
scs
__scs_entry_jumppad:
0x0: {  	(pc) =	sbr.rel $0x88, $3  }
0x1: {  	(tag) =	ssettag $0x0;
	lr =	simm.s32 $0x1  }
0x2: {  	[smem:$0x3F98] =	sst lr;
	_ =	strace $0xD0000000  }
0x3: {  	_ = 	snop  }
0x4: {  	_ = 	snop  }
0x5: {  	_ = 	snop  }
0x6: {  	_ = 	snop  }
0x7: {  	_ = 	snop  }
__scs_overlays_trampoline_lowered:
0x8: {  	[smem:$0x3FA7] =	sst s0  }
0x9: {  	[smem:$0x3FA8] =	sst s1  }
0xa: {  	[smem:$0x3FA9] =	sst s2  }
0xb: {  	[smem:$0x3FAA] =	sst s3  }
0xc: {  	[smem:$0x3FAB] =	sst s4  }
0xd: {  	[smem:$0x3FAC] =	sst s5  }
0xe: {  	[smem:$0x3FAD] =	sst s6  }
0xf: {  	[smem:$0x3FAE] =	sst s7  }
0x10: {  	[smem:$0x3FAF] =	sst s8  }
0x11: {  	[smem:$0x3FB0] =	sst s9;
	s0 =	simm.s32 @!p0 $0x0  }
0x12: {  	s1 =	sld [smem:$0x3F96];
	s0 =	simm.s32 @p0 $0x1  }
0x13: {  	[smem:$0x3FB1] =	sst s0;
	s0 =	simm.s32 @!p1 $0x0  }
0x14: {  	s2 =	sld [smem:$0x3F95];
	s0 =	simm.s32 @p1 $0x1  }
0x15: {  	[smem:$0x3FB2] =	sst s0;
	s0 =	simm.s32 @!p2 $0x0  }
0x16: {  	s3 =	sld [smem:$0x3FDB];
	s0 =	simm.s32 @p2 $0x1  }
0x17: {  	s4 =	simm.s32 $0x1BF5;
	[smem:$0x3FB4] =	sst s0  }
0x18: {  	s0 =	sld [smem:$0x3F97];
	_ =	swait.ge [sflag:s4], $0x0  }
0x19: {  	s7 =	sld [smem:$0x3F98]  }
0x1a: {  	s8 =	sadd.s32 $0xFFFFE003, lr  }
0x1b: {  	s9 =	sadd.s32 $0xFFFFFEF7, lr;
	s5 =	simm.s32 $0xFFFFFFFF;
	p2 =	slt.u32 s8, $0xFFFFF086  }
0x1c: {  	p1 =	slt.u32 s9, $0xF7A;
	s5 =	simm.s32 @!p2 $0x0  }
0x1d: {  	s5 =	simm.s32 @p1 $0x1;
	p0 =	seq.s32 s7, s2  }
0x1e: {  	s7 =	smul.u32 @!p0 $0xF7A, s2;
	p2 =	seq.s32 @!p0 s5, $0x0  }
0x1f: {  	s9 =	smul.u32 $0xF7A, s1;
	s8 =	simm.s32 @!p0 $0x1BF5;
	p2 =	por !p2, p0  }
0x20: {  	[sflag:s8] =	ssyncset.s32 @!p0 $0xFFFFF086;
	s6 =	sadd.s32 @!p0 s3, s7;
	s7 =	simm.s32 @!p0 $0x108  }
0x21: {  	s3 =	sadd.s32 s3, s9;
	s6 =	sadd.s32 @!p0 $0x88, s6;
	s7 =	simm.s32 @p2 $0x1082  }
0x22: {  	[simem:s7], [sflag:s8] =	dma.local @!p0 [hbm:s6], $0xF7A  }
0x23: {  	s9 =	sor.u32 $0xD0000000, s2;
	s6 =	simm.s32 $0x108;
	_ =	swait.ge @!p0 [sflag:s8], $0x0  }
0x24: {  	s3 =	sadd.s32 $0x88, s3;
	s6 =	simm.s32 @!p1 $0x1082;
	[sflag:s4] =	ssyncset.s32 $0xFFFFF086  }
0x25: {  	[simem:s6], [sflag:s4] =	dma.local [hbm:s3], $0xF7A  }
0x26: {  	[smem:$0x3F98] =	sst s1;
	(tag) =	ssettag s2;
	_ =	strace s9  }
0x27: {  	s1 =	sld [smem:$0x3FA8]  }
0x28: {  	s2 =	sld [smem:$0x3FA9]  }
0x29: {  	s4 =	sld [smem:$0x3FAB]  }
0x2a: {  	p0 =	seq.s32 s5, $0x0;
	s5 =	sld [smem:$0x3FAC]  }
0x2b: {  	s6 =	sld [smem:$0x3FAD]  }
0x2c: {  	s7 =	sld [smem:$0x3FAE]  }
0x2d: {  	s3 =	simm.s32 $0x108;
	s8 =	sld [smem:$0x3FAF]  }
0x2e: {  	s3 =	simm.s32 @!p0 $0x1082;
	s9 =	sld [smem:$0x3FB0]  }
0x2f: {  	lr =	sadd.s32 s0, s3;
	s0 =	sld [smem:$0x3FA7]  }
0x30: {  	s3 =	sld [smem:$0x3FAA]  }
0x31: {  	[smem:$0x3FB3] =	sst s10  }
0x32: {  	s10 =	sld [smem:$0x3FB1];
	_ =	sdelay $0x3  }
0x33: {  	p0 =	seq.s32 s10, $0x1;
	s10 =	sld [smem:$0x3FB3];
	_ =	sdelay $0x3  }
0x34: {  	[smem:$0x3FB3] =	sst s10  }
0x35: {  	s10 =	sld [smem:$0x3FB2];
	_ =	sdelay $0x3  }
0x36: {  	p1 =	seq.s32 s10, $0x1;
	s10 =	sld [smem:$0x3FB3];
	_ =	sdelay $0x3  }
0x37: {  	[smem:$0x3FB3] =	sst s10  }
0x38: {  	s10 =	sld [smem:$0x3FB4]  }
0x39: {  	_ = 	snop;
	(pc) =	sbr.ind lr, $3  }
0x3a: {  	_ = 	snop  }
0x3b: {  	_ = 	snop  }
0x3c: {  	p2 =	seq.s32 s10, $0x1;
	s10 =	sld [smem:$0x3FB3]  }
0x3d: {  	_ =	shalt  }
0x3e: {  	_ =	shalt  }
0x3f: {  	_ =	shalt  }
0x40: {  	_ =	shalt  }
0x41: {  	_ =	shalt  }
0x42: {  	_ =	shalt  }
0x43: {  	_ =	shalt  }
0x44: {  	_ =	shalt  }
0x45: {  	_ =	shalt  }
0x46: {  	_ =	shalt  }
0x47: {  	_ =	shalt  }
0x48: {  	_ =	shalt  }
0x49: {  	_ =	shalt  }
0x4a: {  	_ =	shalt  }
0x4b: {  	_ =	shalt  }
0x4c: {  	_ =	shalt  }
0x4d: {  	_ =	shalt  }
0x4e: {  	_ =	shalt  }
0x4f: {  	_ =	shalt  }
0x50: {  	_ =	shalt  }
0x51: {  	_ =	shalt  }
0x52: {  	_ =	shalt  }
0x53: {  	_ =	shalt  }
0x54: {  	_ =	shalt  }
0x55: {  	_ =	shalt  }
0x56: {  	_ =	shalt  }
0x57: {  	_ =	shalt  }
0x58: {  	_ =	shalt  }
0x59: {  	_ =	shalt  }
0x5a: {  	_ =	shalt  }
0x5b: {  	_ =	shalt  }
0x5c: {  	_ =	shalt  }
0x5d: {  	_ =	shalt  }
0x5e: {  	_ =	shalt  }
0x5f: {  	_ =	shalt  }
0x60: {  	_ =	shalt  }
0x61: {  	_ =	shalt  }
0x62: {  	_ =	shalt  }
0x63: {  	_ =	shalt  }
0x64: {  	_ =	shalt  }
0x65: {  	_ =	shalt  }
0x66: {  	_ =	shalt  }
0x67: {  	_ =	shalt  }
0x68: {  	_ =	shalt  }
0x69: {  	_ =	shalt  }
0x6a: {  	_ =	shalt  }
0x6b: {  	_ =	shalt  }
0x6c: {  	_ =	shalt  }
0x6d: {  	_ =	shalt  }
0x6e: {  	_ =	shalt  }
0x6f: {  	_ =	shalt  }
0x70: {  	_ =	shalt  }
0x71: {  	_ =	shalt  }
0x72: {  	_ =	shalt  }
0x73: {  	_ =	shalt  }
0x74: {  	_ =	shalt  }
0x75: {  	_ =	shalt  }
0x76: {  	_ =	shalt  }
0x77: {  	_ =	shalt  }
0x78: {  	_ =	shalt  }
0x79: {  	_ =	shalt  }
0x7a: {  	_ =	shalt  }
0x7b: {  	_ =	shalt  }
0x7c: {  	_ =	shalt  }
0x7d: {  	_ =	shalt  }
0x7e: {  	_ =	shalt  }
0x7f: {  	_ =	shalt  }
0x80: {  	_ =	shalt  }
0x81: {  	_ =	shalt  }
0x82: {  	_ =	shalt  }
0x83: {  	_ =	shalt  }
0x84: {  	_ =	shalt  }
0x85: {  	_ =	shalt  }
0x86: {  	_ =	shalt  }
0x87: {  	_ =	shalt  }
.Lfunc_end0:
.L_simem_size_0:
called_computation_lowered:
.L_overlay_start_0:
0x88: {  	s2 =	sld [smem:$0x3FD9]  }
0x89: {  	s3 =	sld [smem:$0x3FFE];
	_ =	sdelay $0x1  }
0x8a: {  	s1 =	srdreg.scid  }
0x8b: {  	s0 =	sand.u32 $0x1, s1  }
0x8c: {  	s17 =	sshll.u32 s0, $0xA;
	s2 =	sadd.s32 s3, s2  }
0x8d: {  	s2 =	sadd.s32 s2, s17  }
0x8e: {  	[smem:$0x3FBF] =	sst s2  }
0x8f: {  	_ = 	snop  }
0x90: {  	s2 =	sld [smem:$0x3FC9];
	(tm) =	ssettm $0x1  }
0x91: {  	s18 =	sld [smem:$0x3FFB];
	_ =	sdelay $0x3  }
0x92: {  	_ =	strace s18  }
0x93: {  	s3 =	sld [smem:$0x3FFC];
	_ =	sdelay $0x3  }
0x94: {  	_ =	strace s3  }
0x95: {  	s3 =	sld [smem:$0x3FFD];
	_ =	sdelay $0x3  }
0x96: {  	_ =	strace s3  }
0x97: {  	_ =	strace $0x8FFFFFFF  }
0x98: {  	s19 =	sld [smem:$0x3FDB];
	_ =	sdelay $0x1  }
0x99: {  	s4 =	simm.s32 $_scs_section_size  }
0x9a: {  	s5 =	simm.s32 $_size__tile_overlayer_lowered;
	s6 =	simm.s32 $_tile_overlayer_lowered  }
0x9b: {  	s22 =	simm.s32 $0x1BFF;
	s21 =	sshll.u32 s6, $0x1;
	s3 =	sadd.s32 s4, s19  }
0x9c: {  	s7 =	simm.s32 $0x0;
	s20 =	sshll.u32 s5, $0x1;
	s5 =	sadd.s32 s21, s3  }
0x9d: {  	[timem:s7], [sflag:s22] =	dma.local [hbm:s5], s20  }
0x9e: {  	_ =	swait.ge [sflag:s22], s20  }
0x9f: {  	s4 =	ssub.s32 $0x0, s20;
	[sflag:s22] =	ssyncset.done $0x0  }
0xa0: {  	[sflag:s22] =	ssyncadd.s32 s4;
	_ =	sdelay $0x1  }
0xa1: {  	s23 =	simm.s32 $0x1B8B  }
0xa2: {  	_ =	swait.ge [sflag:s23], $0x1  }
0xa3: {  	[sflag:s23] =	ssyncset.done $0x0  }
0xa4: {  	s25 =	simm.s32 $0x1B8E;
	s24 =	sld [smem:$0x3FFE];
	[sflag:s23] =	ssyncadd.s32 $0xFFFFFFFF  }
0xa5: {  	s26 =	simm.s32 $execute0_lowered;
	[smem:$0x3FD2] =	sst s25  }
0xa6: {  	s5 =	sshll.u32 s26, $0x1;
	_ =	strace $0x80000046;
	[dreg:$0x1] =	wrdreg $0xFFFFFFFF  }
0xa7: {  	s28 =	simm.s32 $_size_execute0_lowered;
	s3 =	sadd.s32 s3, s5;
	[dreg:$0x0] =	wrdreg $0x0  }
0xa8: {  	s5 =	sshll.u32 s28, $0x1;
	[dreg:$0x2] =	wrdreg s3  }
0xa9: {  	[dreg:$0x3] =	wrdreg s5  }
0xaa: {  	[dreg:$0x4] =	wrdreg $0xC0  }
0xab: {  	_ =	task [dreg:s7], $0x5FFFF  }
0xac: {  	[dreg:$0x1] =	wrdreg $0xFFFFFFFF  }
0xad: {  	[dreg:$0x0] =	wrdreg $0x60  }
0xae: {  	[dreg:$0x2] =	wrdreg s2  }
0xaf: {  	[dreg:$0x3] =	wrdreg s24  }
0xb0: {  	[dreg:$0x4] =	wrdreg $0x9  }
0xb1: {  	_ =	task.clear_ibuf [dreg:s7], $0x5FFFF;
	_ =	strace $0x90000046  }
0xb2: {  	s29 =	simm.s32 $0x9;
	_ =	strace $0x80000048  }
0xb3: {  	_ =	swait.ge [sflag:s29], $0x1  }
0xb4: {  	[sflag:s29] =	ssyncadd.s32 $0xFFFFFFFF  }
0xb5: {  	_ =	strace $0x90000048  }
0xb6: {  	_ =	sfence  }
0xb7: {  	s30 =	sld [smem:$0x0];
	_ =	sdelay $0x2  }
0xb8: {  	s31 =	sshll.u32 s1, $0xD;
	s1 =	sshrl.u32 s1, $0x2  }
0xb9: {  	s3 =	sand.u32 $0x4000, s31;
	s1 =	sadd.s32 s1, s30  }
0xba: {  	s0 =	sor.u32 s3, s0;
	s1 =	sshll.u32 s1, $0x11  }
0xbb: {  	s0 =	sor.u32 s1, s0  }
0xbc: {  	s0 =	sadd.s32 $0x8F2B, s0  }
0xbd: {  	[sflag:s0] =	ssyncadd.remote.s32 $0x1  }
0xbe: {  	_ =	sfence.sel $0xFFFF  }
0xbf: {  	[dreg:$0x0] =	wrdreg $0xFFFFFFFF;
	(pc) =	sbr.abs _section_cstart, $3  }
0xc0: {  	[dreg:$0x1] =	wrdreg $0xFFFFFFFF  }
0xc1: {  	_ =	task.clear_ibuf [dreg:s7], $0x2FFFF;
	_ =	strace $0x9FFFFFFF  }
0xc2: {  	(tm) =	ssettm $0x7FFFFFFF  }
0xc3: {  	_ =	shalt  }
tec
execute0_lowered:
.L_overlay_start_1:
0x0: {  	(tag) =	ssettag $0x1  }
0x1: {  	s0 =	rddreg [dreg:$0x0]  }
0x2: {  	s1 =	rddreg [dreg:$0x1];
	s2 =	simm.s32 $0x0;
	s3 =	srdreg.scid  }
0x3: {  	s4 =	stileid.u32;
	[smem:$0x7FF] =	sst s2  }
0x4: {  	s3 =	sand.u32 $0x1, s3;
	s4 =	sshll.u32 s4, $0x7;
	s6 =	sadd.s32 $0x2200, s1  }
0x5: {  	_ =	strace $0x80000047;
	s5 =	sshll.u32 s3, $0x6;
	s7 =	ssub.s32 $0x2, s3  }
0x6: {  	s3 =	sadd.s32 $0x2A00, s1;
	s4 =	sor.u32 s5, s4;
	s25 =	sshrl.u32 s7, $0x1  }
0x7: {  	s5 =	sadd.s32 $0x2C00, s1;
	s8 =	smul.u32 $0x300, s4;
	s7 =	ssub.s32 s7, s25  }
0x8: {  	s26 =	sadd.s32 s6, s4;
	s9 =	sor.u32 $0x8, s4;
	s31 =	sor.u32 $0x10, s4  }
0x9: {  	s12 =	sor.u32 $0x18, s4;
	[dreg:$0x3] =	wrdreg s26;
	s30 =	sadd.s32 s6, s9  }
0xa: {  	s16 =	sor.u32 $0x20, s4;
	s11 =	sadd.s32 s6, s31;
	[dreg:$0x5] =	wrdreg s30  }
0xb: {  	s20 =	sor.u32 $0x28, s4;
	s15 =	sadd.s32 s6, s12;
	[dreg:$0x7] =	wrdreg s11  }
0xc: {  	s24 =	sor.u32 $0x30, s4;
	s19 =	sadd.s32 s6, s16;
	[dreg:$0x9] =	wrdreg s15  }
0xd: {  	s29 =	smul.u32 $0x300, s9;
	s23 =	sadd.s32 s6, s20;
	[dreg:$0xb] =	wrdreg s19  }
0xe: {  	s10 =	smul.u32 $0x300, s31;
	s28 =	sadd.s32 s0, s8;
	[dreg:$0xd] =	wrdreg s23  }
0xf: {  	s14 =	smul.u32 $0x300, s12;
	[dreg:$0x4] =	wrdreg s28;
	s8 =	sadd.s32 s0, s29  }
0x10: {  	s18 =	smul.u32 $0x300, s16;
	s13 =	sadd.s32 s0, s10;
	[dreg:$0x6] =	wrdreg s8  }
0x11: {  	s22 =	smul.u32 $0x300, s20;
	s17 =	sadd.s32 s0, s14;
	[dreg:$0x8] =	wrdreg s13  }
0x12: {  	s26 =	smul.u32 $0x300, s24;
	s21 =	sadd.s32 s0, s18;
	[dreg:$0xa] =	wrdreg s17  }
0x13: {  	s12 =	simm.s32 $0x2;
	s25 =	sadd.s32 s0, s22;
	[dreg:$0xc] =	wrdreg s21  }
0x14: {  	s28 =	sadd.s32 s6, s24;
	s29 =	sor.u32 $0x38, s4;
	[dreg:$0xe] =	wrdreg s25  }
0x15: {  	s30 =	sadd.s32 s0, s26;
	[dreg:$0xf] =	wrdreg s28;
	s31 =	smul.u32 $0x300, s29  }
0x16: {  	v2 =	vlaneseq.u32;
	s11 =	simm.s32 $0x3;
	[dreg:$0x10] =	wrdreg s30;
	s6 =	sadd.s32 s6, s29  }
0x17: {  	vm0 =	vmmov $0xffff;
	v1 =	vshrl.u32 v2, $0x3;
	s4 =	sadd.s32 $0x2B00, s1;
	[dreg:$0x11] =	wrdreg s6;
	s0 =	sadd.s32 s0, s31  }
0x18: {  	v0 =	vand.u32 $0x7, v2;
	v2 =	vor.u32 $0x8, v2;
	v1 =	vmul.u32 $0x8, v1;
	s10 =	simm.s32 $0x1;
	s6 =	smax.u32 s7, $0x1;
	[dreg:$0x12] =	wrdreg s0  }
.LBB2_1:
0x19: {  	s15 =	rddreg [dreg:$0x3]  }
0x1a: {  	[tilespmem:s2], [sflag:$0x1] =	stream.linear.gather [hbm4b:s15+s2], $0x40, $0x38;
	[tilespmem:$0x18100] =	vst v63  }
0x1b: {  	s16 =	rddreg [dreg:$0x4];
	s9 =	simm.s32 $0x100  }
0x1c: {  	[tilespmem:s9], [sflag:$0x1] =	stream.linear.gather [hbm4b:s16+s2], $0xC000, $0x38;
	[tilespmem:$0x18100] =	vst v63  }
0x1d: {  	s1 =	rddreg [dreg:$0x5];
	s0 =	simm.s32 $0x80  }
0x1e: {  	[tilespmem:s0], [sflag:$0x2] =	stream.linear.gather [hbm4b:s1+s2], $0x40, $0x38;
	[tilespmem:$0x18100] =	vst v63  }
0x1f: {  	s7 =	rddreg [dreg:$0x6];
	s8 =	simm.s32 $0xC100  }
0x20: {  	[tilespmem:s8], [sflag:$0x2] =	stream.linear.gather [hbm4b:s7+s2], $0xC000, $0x38;
	[tilespmem:$0x18100] =	vst v63  }
0x21: {  	_ =	swait.ge [sflag:s10], $0x40  }
0x22: {  	[sflag:s10] =	ssyncset.done $0x0  }
0x23: {  	[sflag:s10] =	ssyncadd.s32 $0xFFFFFFC0  }
0x24: {  	_ =	swait.ge [sflag:s10], $0xC000  }
0x25: {  	[sflag:s10] =	ssyncset.done $0x0  }
0x26: {  	[sflag:s10] =	ssyncadd.s32 $0xFFFF4000  }
0x27: {  	v3 =	vld [tilespmem:$0x0];
	_ =	sdelay $0x4  }
0x28: {  	v4 =	vshrl.u32 v3, $0x3  }
0x29: {  	v4 =	vmul.u32 $0x30, v4  }
0x2a: {  	v3 =	vand.u32 $0x7, v3  }
0x2b: {  	v3 =	vor.u32 v3, v4  }
0x2c: {  	v4 =	vperm.xlane v3, v0;
	_ =	sdelay $0x1  }
0x2d: {  	v4 =	vadd.s32 v1, v4;
	_ =	sdelay $0x3  }
0x2e: {  	v3 =	vperm.xlane v3, v2  }
0x2f: {  	[hbm4b:s3+s2] =	stream.indirect_vreg.scatter [tilespmem:s9], [sflag:$0x3], $0x80, v4, vm0, $0xb8;
	[tilespmem:$0x18100] =	vst v63  }
0x30: {  	s13 =	simm.s32 $0x900;
	v3 =	vadd.s32 v1, v3  }
0x31: {  	[hbm4b:s4+s2] =	stream.indirect_vreg.scatter [tilespmem:s13], [sflag:$0x3], $0x80, v4, vm0, $0xb8;
	[tilespmem:$0x18100] =	vst v63  }
0x32: {  	s14 =	simm.s32 $0x1100  }
0x33: {  	[hbm4b:s5+s2] =	stream.indirect_vreg.scatter [tilespmem:s14], [sflag:$0x3], $0x80, v4, vm0, $0xb8;
	[tilespmem:$0x18100] =	vst v63  }
0x34: {  	s15 =	simm.s32 $0x1900  }
0x35: {  	[hbm4b:s3+s2] =	stream.indirect_vreg.scatter [tilespmem:s15], [sflag:$0x3], $0x80, v3, vm0, $0xb8;
	[tilespmem:$0x18100] =	vst v63  }
0x36: {  	s16 =	simm.s32 $0x2100  }
0x37: {  	[hbm4b:s4+s2] =	stream.indirect_vreg.scatter [tilespmem:s16], [sflag:$0x3], $0x80, v3, vm0, $0xb8;
	[tilespmem:$0x18100] =	vst v63  }
0x38: {  	s17 =	simm.s32 $0x2900  }
0x39: {  	[hbm4b:s5+s2] =	stream.indirect_vreg.scatter [tilespmem:s17], [sflag:$0x3], $0x80, v3, vm0, $0xb8;
	[tilespmem:$0x18100] =	vst v63  }
0x3a: {  	v3 =	vld [tilespmem:$0x10];
	_ =	sdelay $0x4  }
0x3b: {  	v33 =	vshrl.u32 v3, $0x3  }
0x3c: {  	v4 =	vmul.u32 $0x30, v33  }
0x3d: {  	v3 =	vand.u32 $0x7, v3  }
0x3e: {  	v3 =	vor.u32 v3, v4  }
0x3f: {  	v4 =	vperm.xlane v3, v0;
	_ =	sdelay $0x1  }
0x40: {  	v4 =	vadd.s32 v1, v4;
	_ =	sdelay $0x3  }
0x41: {  	s18 =	simm.s32 $0x3100;
	v3 =	vperm.xlane v3, v2  }
0x42: {  	[hbm4b:s3+s2] =	stream.indirect_vreg.scatter [tilespmem:s18], [sflag:$0x3], $0x80, v4, vm0, $0xb8;
	[tilespmem:$0x18100] =	vst v63  }
0x43: {  	s19 =	simm.s32 $0x3900;
	v3 =	vadd.s32 v1, v3  }
0x44: {  	[hbm4b:s4+s2] =	stream.indirect_vreg.scatter [tilespmem:s19], [sflag:$0x3], $0x80, v4, vm0, $0xb8;
	[tilespmem:$0x18100] =	vst v63  }
0x45: {  	s20 =	simm.s32 $0x4100  }
0x46: {  	[hbm4b:s5+s2] =	stream.indirect_vreg.scatter [tilespmem:s20], [sflag:$0x3], $0x80, v4, vm0, $0xb8;
	[tilespmem:$0x18100] =	vst v63  }
0x47: {  	s21 =	simm.s32 $0x4900  }
0x48: {  	[hbm4b:s3+s2] =	stream.indirect_vreg.scatter [tilespmem:s21], [sflag:$0x3], $0x80, v3, vm0, $0xb8;
	[tilespmem:$0x18100] =	vst v63  }
0x49: {  	s22 =	simm.s32 $0x5100  }
0x4a: {  	[hbm4b:s4+s2] =	stream.indirect_vreg.scatter [tilespmem:s22], [sflag:$0x3], $0x80, v3, vm0, $0xb8;
	[tilespmem:$0x18100] =	vst v63  }
0x4b: {  	s23 =	simm.s32 $0x5900  }
0x4c: {  	[hbm4b:s5+s2] =	stream.indirect_vreg.scatter [tilespmem:s23], [sflag:$0x3], $0x80, v3, vm0, $0xb8;
	[tilespmem:$0x18100] =	vst v63  }
0x4d: {  	v3 =	vld [tilespmem:$0x20];
	_ =	sdelay $0x4  }
0x4e: {  	v34 =	vshrl.u32 v3, $0x3  }
0x4f: {  	v4 =	vmul.u32 $0x30, v34  }
0x50: {  	v3 =	vand.u32 $0x7, v3  }
0x51: {  	v3 =	vor.u32 v3, v4  }
0x52: {  	v4 =	vperm.xlane v3, v0;
	_ =	sdelay $0x1  }
0x53: {  	v4 =	vadd.s32 v1, v4;
	_ =	sdelay $0x3  }
0x54: {  	s24 =	simm.s32 $0x6100;
	v3 =	vperm.xlane v3, v2  }
0x55: {  	[hbm4b:s3+s2] =	stream.indirect_vreg.scatter [tilespmem:s24], [sflag:$0x3], $0x80, v4, vm0, $0xb8;
	[tilespmem:$0x18100] =	vst v63  }
0x56: {  	s25 =	simm.s32 $0x6900;
	v3 =	vadd.s32 v1, v3  }
0x57: {  	[hbm4b:s4+s2] =	stream.indirect_vreg.scatter [tilespmem:s25], [sflag:$0x3], $0x80, v4, vm0, $0xb8;
	[tilespmem:$0x18100] =	vst v63  }
0x58: {  	s26 =	simm.s32 $0x7100  }
0x59: {  	[hbm4b:s5+s2] =	stream.indirect_vreg.scatter [tilespmem:s26], [sflag:$0x3], $0x80, v4, vm0, $0xb8;
	[tilespmem:$0x18100] =	vst v63  }
0x5a: {  	s28 =	simm.s32 $0x7900  }
0x5b: {  	[hbm4b:s3+s2] =	stream.indirect_vreg.scatter [tilespmem:s28], [sflag:$0x3], $0x80, v3, vm0, $0xb8;
	[tilespmem:$0x18100] =	vst v63  }
0x5c: {  	s29 =	simm.s32 $0x8100  }
0x5d: {  	[hbm4b:s4+s2] =	stream.indirect_vreg.scatter [tilespmem:s29], [sflag:$0x3], $0x80, v3, vm0, $0xb8;
	[tilespmem:$0x18100] =	vst v63  }
0x5e: {  	s30 =	simm.s32 $0x8900  }
0x5f: {  	[hbm4b:s5+s2] =	stream.indirect_vreg.scatter [tilespmem:s30], [sflag:$0x3], $0x80, v3, vm0, $0xb8;
	[tilespmem:$0x18100] =	vst v63  }
0x60: {  	v3 =	vld [tilespmem:$0x30];
	_ =	sdelay $0x4  }
0x61: {  	v35 =	vshrl.u32 v3, $0x3  }
0x62: {  	v4 =	vmul.u32 $0x30, v35  }
0x63: {  	v3 =	vand.u32 $0x7, v3  }
0x64: {  	v3 =	vor.u32 v3, v4  }
0x65: {  	v4 =	vperm.xlane v3, v0;
	_ =	sdelay $0x1  }
0x66: {  	v4 =	vadd.s32 v1, v4;
	_ =	sdelay $0x3  }
0x67: {  	s31 =	simm.s32 $0x9100;
	v3 =	vperm.xlane v3, v2  }
0x68: {  	[hbm4b:s3+s2] =	stream.indirect_vreg.scatter [tilespmem:s31], [sflag:$0x3], $0x80, v4, vm0, $0xb8;
	[tilespmem:$0x18100] =	vst v63  }
0x69: {  	s8 =	simm.s32 $0x9900;
	v3 =	vadd.s32 v1, v3  }
0x6a: {  	[hbm4b:s4+s2] =	stream.indirect_vreg.scatter [tilespmem:s8], [sflag:$0x3], $0x80, v4, vm0, $0xb8;
	[tilespmem:$0x18100] =	vst v63  }
0x6b: {  	s15 =	simm.s32 $0xA100  }
0x6c: {  	[hbm4b:s5+s2] =	stream.indirect_vreg.scatter [tilespmem:s15], [sflag:$0x3], $0x80, v4, vm0, $0xb8;
	[tilespmem:$0x18100] =	vst v63  }
0x6d: {  	s16 =	simm.s32 $0xA900  }
0x6e: {  	[hbm4b:s3+s2] =	stream.indirect_vreg.scatter [tilespmem:s16], [sflag:$0x3], $0x80, v3, vm0, $0xb8;
	[tilespmem:$0x18100] =	vst v63  }
0x6f: {  	s17 =	simm.s32 $0xB100  }
0x70: {  	[hbm4b:s4+s2] =	stream.indirect_vreg.scatter [tilespmem:s17], [sflag:$0x3], $0x80, v3, vm0, $0xb8;
	[tilespmem:$0x18100] =	vst v63  }
0x71: {  	s18 =	simm.s32 $0xB900  }
0x72: {  	[hbm4b:s5+s2] =	stream.indirect_vreg.scatter [tilespmem:s18], [sflag:$0x3], $0x80, v3, vm0, $0xb8;
	[tilespmem:$0x18100] =	vst v63  }
0x73: {  	_ =	swait.ge [sflag:s11], $0xC000  }
0x74: {  	[sflag:s11] =	ssyncset.done $0x0  }
0x75: {  	s21 =	rddreg [dreg:$0x7];
	[sflag:s11] =	ssyncadd.s32 $0xFFFF4000  }
0x76: {  	[tilespmem:s2], [sflag:$0x1] =	stream.linear.gather [hbm4b:s21+s2], $0x40, $0x38;
	[tilespmem:$0x18100] =	vst v63  }
0x77: {  	s22 =	rddreg [dreg:$0x8]  }
0x78: {  	[tilespmem:s9], [sflag:$0x1] =	stream.linear.gather [hbm4b:s22+s2], $0xC000, $0x38;
	[tilespmem:$0x18100] =	vst v63  }
0x79: {  	_ =	swait.ge [sflag:s12], $0x40  }
0x7a: {  	[sflag:s12] =	ssyncset.done $0x0  }
0x7b: {  	[sflag:s12] =	ssyncadd.s32 $0xFFFFFFC0  }
0x7c: {  	_ =	swait.ge [sflag:s12], $0xC000  }
0x7d: {  	[sflag:s12] =	ssyncset.done $0x0  }
0x7e: {  	[sflag:s12] =	ssyncadd.s32 $0xFFFF4000  }
0x7f: {  	v3 =	vld [tilespmem:$0x80];
	_ =	sdelay $0x4  }
0x80: {  	v36 =	vshrl.u32 v3, $0x3  }
0x81: {  	v4 =	vmul.u32 $0x30, v36  }
0x82: {  	v3 =	vand.u32 $0x7, v3  }
0x83: {  	v3 =	vor.u32 v3, v4  }
0x84: {  	v4 =	vperm.xlane v3, v0;
	_ =	sdelay $0x1  }
0x85: {  	v4 =	vadd.s32 v1, v4;
	_ =	sdelay $0x3  }
0x86: {  	s7 =	simm.s32 $0xC100;
	v3 =	vperm.xlane v3, v2  }
0x87: {  	[hbm4b:s3+s2] =	stream.indirect_vreg.scatter [tilespmem:s7], [sflag:$0x3], $0x80, v4, vm0, $0xb8;
	[tilespmem:$0x18100] =	vst v63  }
0x88: {  	s25 =	simm.s32 $0xC900;
	v3 =	vadd.s32 v1, v3  }
0x89: {  	[hbm4b:s4+s2] =	stream.indirect_vreg.scatter [tilespmem:s25], [sflag:$0x3], $0x80, v4, vm0, $0xb8;
	[tilespmem:$0x18100] =	vst v63  }
0x8a: {  	s26 =	simm.s32 $0xD100  }
0x8b: {  	[hbm4b:s5+s2] =	stream.indirect_vreg.scatter [tilespmem:s26], [sflag:$0x3], $0x80, v4, vm0, $0xb8;
	[tilespmem:$0x18100] =	vst v63  }
0x8c: {  	s28 =	simm.s32 $0xD900  }
0x8d: {  	[hbm4b:s3+s2] =	stream.indirect_vreg.scatter [tilespmem:s28], [sflag:$0x3], $0x80, v3, vm0, $0xb8;
	[tilespmem:$0x18100] =	vst v63  }
0x8e: {  	s30 =	simm.s32 $0xE100  }
0x8f: {  	[hbm4b:s4+s2] =	stream.indirect_vreg.scatter [tilespmem:s30], [sflag:$0x3], $0x80, v3, vm0, $0xb8;
	[tilespmem:$0x18100] =	vst v63  }
0x90: {  	s31 =	simm.s32 $0xE900  }
0x91: {  	[hbm4b:s5+s2] =	stream.indirect_vreg.scatter [tilespmem:s31], [sflag:$0x3], $0x80, v3, vm0, $0xb8;
	[tilespmem:$0x18100] =	vst v63  }
0x92: {  	v3 =	vld [tilespmem:$0x90];
	_ =	sdelay $0x4  }
0x93: {  	v37 =	vshrl.u32 v3, $0x3  }
0x94: {  	v4 =	vmul.u32 $0x30, v37  }
0x95: {  	v3 =	vand.u32 $0x7, v3  }
0x96: {  	v3 =	vor.u32 v3, v4  }
0x97: {  	v4 =	vperm.xlane v3, v0;
	_ =	sdelay $0x1  }
0x98: {  	v4 =	vadd.s32 v1, v4;
	_ =	sdelay $0x3  }
0x99: {  	s8 =	simm.s32 $0xF100;
	v3 =	vperm.xlane v3, v2  }
0x9a: {  	[hbm4b:s3+s2] =	stream.indirect_vreg.scatter [tilespmem:s8], [sflag:$0x3], $0x80, v4, vm0, $0xb8;
	[tilespmem:$0x18100] =	vst v63  }
0x9b: {  	s15 =	simm.s32 $0xF900;
	v3 =	vadd.s32 v1, v3  }
0x9c: {  	[hbm4b:s4+s2] =	stream.indirect_vreg.scatter [tilespmem:s15], [sflag:$0x3], $0x80, v4, vm0, $0xb8;
	[tilespmem:$0x18100] =	vst v63  }
0x9d: {  	s16 =	simm.s32 $0x10100  }
0x9e: {  	[hbm4b:s5+s2] =	stream.indirect_vreg.scatter [tilespmem:s16], [sflag:$0x3], $0x80, v4, vm0, $0xb8;
	[tilespmem:$0x18100] =	vst v63  }
0x9f: {  	s17 =	simm.s32 $0x10900  }
0xa0: {  	[hbm4b:s3+s2] =	stream.indirect_vreg.scatter [tilespmem:s17], [sflag:$0x3], $0x80, v3, vm0, $0xb8;
	[tilespmem:$0x18100] =	vst v63  }
0xa1: {  	s18 =	simm.s32 $0x11100  }
0xa2: {  	[hbm4b:s4+s2] =	stream.indirect_vreg.scatter [tilespmem:s18], [sflag:$0x3], $0x80, v3, vm0, $0xb8;
	[tilespmem:$0x18100] =	vst v63  }
0xa3: {  	s21 =	simm.s32 $0x11900  }
0xa4: {  	[hbm4b:s5+s2] =	stream.indirect_vreg.scatter [tilespmem:s21], [sflag:$0x3], $0x80, v3, vm0, $0xb8;
	[tilespmem:$0x18100] =	vst v63  }
0xa5: {  	v3 =	vld [tilespmem:$0xA0];
	_ =	sdelay $0x4  }
0xa6: {  	v38 =	vshrl.u32 v3, $0x3  }
0xa7: {  	v4 =	vmul.u32 $0x30, v38  }
0xa8: {  	v3 =	vand.u32 $0x7, v3  }
0xa9: {  	v3 =	vor.u32 v3, v4  }
0xaa: {  	v4 =	vperm.xlane v3, v0;
	_ =	sdelay $0x1  }
0xab: {  	v4 =	vadd.s32 v1, v4;
	_ =	sdelay $0x3  }
0xac: {  	s22 =	simm.s32 $0x12100;
	v3 =	vperm.xlane v3, v2  }
0xad: {  	[hbm4b:s3+s2] =	stream.indirect_vreg.scatter [tilespmem:s22], [sflag:$0x3], $0x80, v4, vm0, $0xb8;
	[tilespmem:$0x18100] =	vst v63  }
0xae: {  	s25 =	simm.s32 $0x12900;
	v3 =	vadd.s32 v1, v3  }
0xaf: {  	[hbm4b:s4+s2] =	stream.indirect_vreg.scatter [tilespmem:s25], [sflag:$0x3], $0x80, v4, vm0, $0xb8;
	[tilespmem:$0x18100] =	vst v63  }
0xb0: {  	s26 =	simm.s32 $0x13100  }
0xb1: {  	[hbm4b:s5+s2] =	stream.indirect_vreg.scatter [tilespmem:s26], [sflag:$0x3], $0x80, v4, vm0, $0xb8;
	[tilespmem:$0x18100] =	vst v63  }
0xb2: {  	s28 =	simm.s32 $0x13900  }
0xb3: {  	[hbm4b:s3+s2] =	stream.indirect_vreg.scatter [tilespmem:s28], [sflag:$0x3], $0x80, v3, vm0, $0xb8;
	[tilespmem:$0x18100] =	vst v63  }
0xb4: {  	s30 =	simm.s32 $0x14100  }
0xb5: {  	[hbm4b:s4+s2] =	stream.indirect_vreg.scatter [tilespmem:s30], [sflag:$0x3], $0x80, v3, vm0, $0xb8;
	[tilespmem:$0x18100] =	vst v63  }
0xb6: {  	s31 =	simm.s32 $0x14900  }
0xb7: {  	[hbm4b:s5+s2] =	stream.indirect_vreg.scatter [tilespmem:s31], [sflag:$0x3], $0x80, v3, vm0, $0xb8;
	[tilespmem:$0x18100] =	vst v63  }
0xb8: {  	v3 =	vld [tilespmem:$0xB0];
	_ =	sdelay $0x4  }
0xb9: {  	v39 =	vshrl.u32 v3, $0x3  }
0xba: {  	v4 =	vmul.u32 $0x30, v39  }
0xbb: {  	v3 =	vand.u32 $0x7, v3  }
0xbc: {  	v3 =	vor.u32 v3, v4  }
0xbd: {  	v4 =	vperm.xlane v3, v0;
	_ =	sdelay $0x1  }
0xbe: {  	v4 =	vadd.s32 v1, v4;
	_ =	sdelay $0x3  }
0xbf: {  	s8 =	simm.s32 $0x15100;
	v3 =	vperm.xlane v3, v2  }
0xc0: {  	[hbm4b:s3+s2] =	stream.indirect_vreg.scatter [tilespmem:s8], [sflag:$0x3], $0x80, v4, vm0, $0xb8;
	[tilespmem:$0x18100] =	vst v63  }
0xc1: {  	s15 =	simm.s32 $0x15900;
	v3 =	vadd.s32 v1, v3  }
0xc2: {  	[hbm4b:s4+s2] =	stream.indirect_vreg.scatter [tilespmem:s15], [sflag:$0x3], $0x80, v4, vm0, $0xb8;
	[tilespmem:$0x18100] =	vst v63  }
0xc3: {  	s16 =	simm.s32 $0x16100  }
0xc4: {  	[hbm4b:s5+s2] =	stream.indirect_vreg.scatter [tilespmem:s16], [sflag:$0x3], $0x80, v4, vm0, $0xb8;
	[tilespmem:$0x18100] =	vst v63  }
0xc5: {  	s17 =	simm.s32 $0x16900  }
0xc6: {  	[hbm4b:s3+s2] =	stream.indirect_vreg.scatter [tilespmem:s17], [sflag:$0x3], $0x80, v3, vm0, $0xb8;
	[tilespmem:$0x18100] =	vst v63  }
0xc7: {  	s18 =	simm.s32 $0x17100  }
0xc8: {  	[hbm4b:s4+s2] =	stream.indirect_vreg.scatter [tilespmem:s18], [sflag:$0x3], $0x80, v3, vm0, $0xb8;
	[tilespmem:$0x18100] =	vst v63  }
0xc9: {  	s21 =	simm.s32 $0x17900  }
0xca: {  	[hbm4b:s5+s2] =	stream.indirect_vreg.scatter [tilespmem:s21], [sflag:$0x3], $0x80, v3, vm0, $0xb8;
	[tilespmem:$0x18100] =	vst v63  }
0xcb: {  	_ =	swait.ge [sflag:s11], $0xC000  }
0xcc: {  	[sflag:s11] =	ssyncset.done $0x0  }
0xcd: {  	s1 =	simm.s32 $0x80;
	s22 =	rddreg [dreg:$0x9];
	[sflag:s11] =	ssyncadd.s32 $0xFFFF4000  }
0xce: {  	[tilespmem:s1], [sflag:$0x2] =	stream.linear.gather [hbm4b:s22+s2], $0x40, $0x38;
	[tilespmem:$0x18100] =	vst v63  }
0xcf: {  	s7 =	simm.s32 $0xC100;
	s25 =	rddreg [dreg:$0xa]  }
0xd0: {  	[tilespmem:s7], [sflag:$0x2] =	stream.linear.gather [hbm4b:s25+s2], $0xC000, $0x38;
	[tilespmem:$0x18100] =	vst v63  }
0xd1: {  	_ =	swait.ge [sflag:s10], $0x40  }
0xd2: {  	[sflag:s10] =	ssyncset.done $0x0  }
0xd3: {  	[sflag:s10] =	ssyncadd.s32 $0xFFFFFFC0  }
0xd4: {  	_ =	swait.ge [sflag:s10], $0xC000  }
0xd5: {  	[sflag:s10] =	ssyncset.done $0x0  }
0xd6: {  	[sflag:s10] =	ssyncadd.s32 $0xFFFF4000  }
0xd7: {  	v3 =	vld [tilespmem:$0x0];
	_ =	sdelay $0x4  }
0xd8: {  	v40 =	vshrl.u32 v3, $0x3  }
0xd9: {  	v4 =	vmul.u32 $0x30, v40  }
0xda: {  	v3 =	vand.u32 $0x7, v3  }
0xdb: {  	v3 =	vor.u32 v3, v4  }
0xdc: {  	v4 =	vperm.xlane v3, v0;
	_ =	sdelay $0x1  }
0xdd: {  	v4 =	vadd.s32 v1, v4;
	_ =	sdelay $0x3  }
0xde: {  	v3 =	vperm.xlane v3, v2  }
0xdf: {  	[hbm4b:s3+s2] =	stream.indirect_vreg.scatter [tilespmem:s9], [sflag:$0x3], $0x80, v4, vm0, $0xb8;
	[tilespmem:$0x18100] =	vst v63  }
0xe0: {  	s26 =	simm.s32 $0x900;
	v3 =	vadd.s32 v1, v3  }
0xe1: {  	[hbm4b:s4+s2] =	stream.indirect_vreg.scatter [tilespmem:s26], [sflag:$0x3], $0x80, v4, vm0, $0xb8;
	[tilespmem:$0x18100] =	vst v63  }
0xe2: {  	s28 =	simm.s32 $0x1100  }
0xe3: {  	[hbm4b:s5+s2] =	stream.indirect_vreg.scatter [tilespmem:s28], [sflag:$0x3], $0x80, v4, vm0, $0xb8;
	[tilespmem:$0x18100] =	vst v63  }
0xe4: {  	s7 =	simm.s32 $0x1900  }
0xe5: {  	[hbm4b:s3+s2] =	stream.indirect_vreg.scatter [tilespmem:s7], [sflag:$0x3], $0x80, v3, vm0, $0xb8;
	[tilespmem:$0x18100] =	vst v63  }
0xe6: {  	s8 =	simm.s32 $0x2100  }
0xe7: {  	[hbm4b:s4+s2] =	stream.indirect_vreg.scatter [tilespmem:s8], [sflag:$0x3], $0x80, v3, vm0, $0xb8;
	[tilespmem:$0x18100] =	vst v63  }
0xe8: {  	s13 =	simm.s32 $0x2900  }
0xe9: {  	[hbm4b:s5+s2] =	stream.indirect_vreg.scatter [tilespmem:s13], [sflag:$0x3], $0x80, v3, vm0, $0xb8;
	[tilespmem:$0x18100] =	vst v63  }
0xea: {  	v3 =	vld [tilespmem:$0x10];
	_ =	sdelay $0x4  }
0xeb: {  	v41 =	vshrl.u32 v3, $0x3  }
0xec: {  	v4 =	vmul.u32 $0x30, v41  }
0xed: {  	v3 =	vand.u32 $0x7, v3  }
0xee: {  	v3 =	vor.u32 v3, v4  }
0xef: {  	v4 =	vperm.xlane v3, v0;
	_ =	sdelay $0x1  }
0xf0: {  	v4 =	vadd.s32 v1, v4;
	_ =	sdelay $0x3  }
0xf1: {  	s14 =	simm.s32 $0x3100;
	v3 =	vperm.xlane v3, v2  }
0xf2: {  	[hbm4b:s3+s2] =	stream.indirect_vreg.scatter [tilespmem:s14], [sflag:$0x3], $0x80, v4, vm0, $0xb8;
	[tilespmem:$0x18100] =	vst v63  }
0xf3: {  	s13 =	simm.s32 $0x3900;
	v3 =	vadd.s32 v1, v3  }
0xf4: {  	[hbm4b:s4+s2] =	stream.indirect_vreg.scatter [tilespmem:s13], [sflag:$0x3], $0x80, v4, vm0, $0xb8;
	[tilespmem:$0x18100] =	vst v63  }
0xf5: {  	s14 =	simm.s32 $0x4100  }
0xf6: {  	[hbm4b:s5+s2] =	stream.indirect_vreg.scatter [tilespmem:s14], [sflag:$0x3], $0x80, v4, vm0, $0xb8;
	[tilespmem:$0x18100] =	vst v63  }
0xf7: {  	s17 =	simm.s32 $0x4900  }
0xf8: {  	[hbm4b:s3+s2] =	stream.indirect_vreg.scatter [tilespmem:s17], [sflag:$0x3], $0x80, v3, vm0, $0xb8;
	[tilespmem:$0x18100] =	vst v63  }
0xf9: {  	s18 =	simm.s32 $0x5100  }
0xfa: {  	[hbm4b:s4+s2] =	stream.indirect_vreg.scatter [tilespmem:s18], [sflag:$0x3], $0x80, v3, vm0, $0xb8;
	[tilespmem:$0x18100] =	vst v63  }
0xfb: {  	s19 =	simm.s32 $0x5900  }
0xfc: {  	[hbm4b:s5+s2] =	stream.indirect_vreg.scatter [tilespmem:s19], [sflag:$0x3], $0x80, v3, vm0, $0xb8;
	[tilespmem:$0x18100] =	vst v63  }
0xfd: {  	v3 =	vld [tilespmem:$0x20];
	_ =	sdelay $0x4  }
0xfe: {  	v42 =	vshrl.u32 v3, $0x3  }
0xff: {  	v4 =	vmul.u32 $0x30, v42  }
0x100: {  	v3 =	vand.u32 $0x7, v3  }
0x101: {  	v3 =	vor.u32 v3, v4  }
0x102: {  	v4 =	vperm.xlane v3, v0;
	_ =	sdelay $0x1  }
0x103: {  	v4 =	vadd.s32 v1, v4;
	_ =	sdelay $0x3  }
0x104: {  	s20 =	simm.s32 $0x6100;
	v3 =	vperm.xlane v3, v2  }
0x105: {  	[hbm4b:s3+s2] =	stream.indirect_vreg.scatter [tilespmem:s20], [sflag:$0x3], $0x80, v4, vm0, $0xb8;
	[tilespmem:$0x18100] =	vst v63  }
0x106: {  	s19 =	simm.s32 $0x6900;
	v3 =	vadd.s32 v1, v3  }
0x107: {  	[hbm4b:s4+s2] =	stream.indirect_vreg.scatter [tilespmem:s19], [sflag:$0x3], $0x80, v4, vm0, $0xb8;
	[tilespmem:$0x18100] =	vst v63  }
0x108: {  	s20 =	simm.s32 $0x7100  }
0x109: {  	[hbm4b:s5+s2] =	stream.indirect_vreg.scatter [tilespmem:s20], [sflag:$0x3], $0x80, v4, vm0, $0xb8;
	[tilespmem:$0x18100] =	vst v63  }
0x10a: {  	s21 =	simm.s32 $0x7900  }
0x10b: {  	[hbm4b:s3+s2] =	stream.indirect_vreg.scatter [tilespmem:s21], [sflag:$0x3], $0x80, v3, vm0, $0xb8;
	[tilespmem:$0x18100] =	vst v63  }
0x10c: {  	s22 =	simm.s32 $0x8100  }
0x10d: {  	[hbm4b:s4+s2] =	stream.indirect_vreg.scatter [tilespmem:s22], [sflag:$0x3], $0x80, v3, vm0, $0xb8;
	[tilespmem:$0x18100] =	vst v63  }
0x10e: {  	s23 =	simm.s32 $0x8900  }
0x10f: {  	[hbm4b:s5+s2] =	stream.indirect_vreg.scatter [tilespmem:s23], [sflag:$0x3], $0x80, v3, vm0, $0xb8;
	[tilespmem:$0x18100] =	vst v63  }
0x110: {  	v3 =	vld [tilespmem:$0x30];
	_ =	sdelay $0x4  }
0x111: {  	v43 =	vshrl.u32 v3, $0x3  }
0x112: {  	v4 =	vmul.u32 $0x30, v43  }
0x113: {  	v3 =	vand.u32 $0x7, v3  }
0x114: {  	v3 =	vor.u32 v3, v4  }
0x115: {  	v4 =	vperm.xlane v3, v0;
	_ =	sdelay $0x1  }
0x116: {  	v4 =	vadd.s32 v1, v4;
	_ =	sdelay $0x3  }
0x117: {  	s24 =	simm.s32 $0x9100;
	v3 =	vperm.xlane v3, v2  }
0x118: {  	[hbm4b:s3+s2] =	stream.indirect_vreg.scatter [tilespmem:s24], [sflag:$0x3], $0x80, v4, vm0, $0xb8;
	[tilespmem:$0x18100] =	vst v63  }
0x119: {  	s23 =	simm.s32 $0x9900;
	v3 =	vadd.s32 v1, v3  }
0x11a: {  	[hbm4b:s4+s2] =	stream.indirect_vreg.scatter [tilespmem:s23], [sflag:$0x3], $0x80, v4, vm0, $0xb8;
	[tilespmem:$0x18100] =	vst v63  }
0x11b: {  	s24 =	simm.s32 $0xA100  }
0x11c: {  	[hbm4b:s5+s2] =	stream.indirect_vreg.scatter [tilespmem:s24], [sflag:$0x3], $0x80, v4, vm0, $0xb8;
	[tilespmem:$0x18100] =	vst v63  }
0x11d: {  	s25 =	simm.s32 $0xA900  }
0x11e: {  	[hbm4b:s3+s2] =	stream.indirect_vreg.scatter [tilespmem:s25], [sflag:$0x3], $0x80, v3, vm0, $0xb8;
	[tilespmem:$0x18100] =	vst v63  }
0x11f: {  	s26 =	simm.s32 $0xB100  }
0x120: {  	[hbm4b:s4+s2] =	stream.indirect_vreg.scatter [tilespmem:s26], [sflag:$0x3], $0x80, v3, vm0, $0xb8;
	[tilespmem:$0x18100] =	vst v63  }
0x121: {  	s29 =	simm.s32 $0xB900  }
0x122: {  	[hbm4b:s5+s2] =	stream.indirect_vreg.scatter [tilespmem:s29], [sflag:$0x3], $0x80, v3, vm0, $0xb8;
	[tilespmem:$0x18100] =	vst v63  }
0x123: {  	_ =	swait.ge [sflag:s11], $0xC000  }
0x124: {  	[sflag:s11] =	ssyncset.done $0x0  }
0x125: {  	s30 =	rddreg [dreg:$0xb];
	[sflag:s11] =	ssyncadd.s32 $0xFFFF4000  }
0x126: {  	[tilespmem:s2], [sflag:$0x1] =	stream.linear.gather [hbm4b:s30+s2], $0x40, $0x38;
	[tilespmem:$0x18100] =	vst v63  }
0x127: {  	s31 =	rddreg [dreg:$0xc]  }
0x128: {  	[tilespmem:s9], [sflag:$0x1] =	stream.linear.gather [hbm4b:s31+s2], $0xC000, $0x38;
	[tilespmem:$0x18100] =	vst v63  }
0x129: {  	_ =	swait.ge [sflag:s12], $0x40  }
0x12a: {  	[sflag:s12] =	ssyncset.done $0x0  }
0x12b: {  	[sflag:s12] =	ssyncadd.s32 $0xFFFFFFC0  }
0x12c: {  	_ =	swait.ge [sflag:s12], $0xC000  }
0x12d: {  	[sflag:s12] =	ssyncset.done $0x0  }
0x12e: {  	[sflag:s12] =	ssyncadd.s32 $0xFFFF4000  }
0x12f: {  	v3 =	vld [tilespmem:$0x80];
	_ =	sdelay $0x4  }
0x130: {  	v44 =	vshrl.u32 v3, $0x3  }
0x131: {  	v4 =	vmul.u32 $0x30, v44  }
0x132: {  	v3 =	vand.u32 $0x7, v3  }
0x133: {  	v3 =	vor.u32 v3, v4  }
0x134: {  	v4 =	vperm.xlane v3, v0;
	_ =	sdelay $0x1  }
0x135: {  	v4 =	vadd.s32 v1, v4;
	_ =	sdelay $0x3  }
0x136: {  	s1 =	simm.s32 $0xC100;
	v3 =	vperm.xlane v3, v2  }
0x137: {  	[hbm4b:s3+s2] =	stream.indirect_vreg.scatter [tilespmem:s1], [sflag:$0x3], $0x80, v4, vm0, $0xb8;
	[tilespmem:$0x18100] =	vst v63  }
0x138: {  	s29 =	simm.s32 $0xC900;
	v3 =	vadd.s32 v1, v3  }
0x139: {  	[hbm4b:s4+s2] =	stream.indirect_vreg.scatter [tilespmem:s29], [sflag:$0x3], $0x80, v4, vm0, $0xb8;
	[tilespmem:$0x18100] =	vst v63  }
0x13a: {  	s28 =	simm.s32 $0xD100  }
0x13b: {  	[hbm4b:s5+s2] =	stream.indirect_vreg.scatter [tilespmem:s28], [sflag:$0x3], $0x80, v4, vm0, $0xb8;
	[tilespmem:$0x18100] =	vst v63  }
0x13c: {  	s30 =	simm.s32 $0xD900  }
0x13d: {  	[hbm4b:s3+s2] =	stream.indirect_vreg.scatter [tilespmem:s30], [sflag:$0x3], $0x80, v3, vm0, $0xb8;
	[tilespmem:$0x18100] =	vst v63  }
0x13e: {  	s31 =	simm.s32 $0xE100  }
0x13f: {  	[hbm4b:s4+s2] =	stream.indirect_vreg.scatter [tilespmem:s31], [sflag:$0x3], $0x80, v3, vm0, $0xb8;
	[tilespmem:$0x18100] =	vst v63  }
0x140: {  	s0 =	simm.s32 $0xE900  }
0x141: {  	[hbm4b:s5+s2] =	stream.indirect_vreg.scatter [tilespmem:s0], [sflag:$0x3], $0x80, v3, vm0, $0xb8;
	[tilespmem:$0x18100] =	vst v63  }
0x142: {  	v3 =	vld [tilespmem:$0x90];
	_ =	sdelay $0x4  }
0x143: {  	v45 =	vshrl.u32 v3, $0x3  }
0x144: {  	v4 =	vmul.u32 $0x30, v45  }
0x145: {  	v3 =	vand.u32 $0x7, v3  }
0x146: {  	v3 =	vor.u32 v3, v4  }
0x147: {  	v4 =	vperm.xlane v3, v0;
	_ =	sdelay $0x1  }
0x148: {  	v4 =	vadd.s32 v1, v4;
	_ =	sdelay $0x3  }
0x149: {  	s16 =	simm.s32 $0xF100;
	v3 =	vperm.xlane v3, v2  }
0x14a: {  	[hbm4b:s3+s2] =	stream.indirect_vreg.scatter [tilespmem:s16], [sflag:$0x3], $0x80, v4, vm0, $0xb8;
	[tilespmem:$0x18100] =	vst v63  }
0x14b: {  	s0 =	simm.s32 $0xF900;
	v3 =	vadd.s32 v1, v3  }
0x14c: {  	[hbm4b:s4+s2] =	stream.indirect_vreg.scatter [tilespmem:s0], [sflag:$0x3], $0x80, v4, vm0, $0xb8;
	[tilespmem:$0x18100] =	vst v63  }
0x14d: {  	s15 =	simm.s32 $0x10100  }
0x14e: {  	[hbm4b:s5+s2] =	stream.indirect_vreg.scatter [tilespmem:s15], [sflag:$0x3], $0x80, v4, vm0, $0xb8;
	[tilespmem:$0x18100] =	vst v63  }
0x14f: {  	s16 =	simm.s32 $0x10900  }
0x150: {  	[hbm4b:s3+s2] =	stream.indirect_vreg.scatter [tilespmem:s16], [sflag:$0x3], $0x80, v3, vm0, $0xb8;
	[tilespmem:$0x18100] =	vst v63  }
0x151: {  	s15 =	simm.s32 $0x11100  }
0x152: {  	[hbm4b:s4+s2] =	stream.indirect_vreg.scatter [tilespmem:s15], [sflag:$0x3], $0x80, v3, vm0, $0xb8;
	[tilespmem:$0x18100] =	vst v63  }
0x153: {  	s16 =	simm.s32 $0x11900  }
0x154: {  	[hbm4b:s5+s2] =	stream.indirect_vreg.scatter [tilespmem:s16], [sflag:$0x3], $0x80, v3, vm0, $0xb8;
	[tilespmem:$0x18100] =	vst v63  }
0x155: {  	v3 =	vld [tilespmem:$0xA0];
	_ =	sdelay $0x4  }
0x156: {  	v46 =	vshrl.u32 v3, $0x3  }
0x157: {  	v4 =	vmul.u32 $0x30, v46  }
0x158: {  	v3 =	vand.u32 $0x7, v3  }
0x159: {  	v3 =	vor.u32 v3, v4  }
0x15a: {  	v4 =	vperm.xlane v3, v0;
	_ =	sdelay $0x1  }
0x15b: {  	v4 =	vadd.s32 v1, v4;
	_ =	sdelay $0x3  }
0x15c: {  	s15 =	simm.s32 $0x12100;
	v3 =	vperm.xlane v3, v2  }
0x15d: {  	[hbm4b:s3+s2] =	stream.indirect_vreg.scatter [tilespmem:s15], [sflag:$0x3], $0x80, v4, vm0, $0xb8;
	[tilespmem:$0x18100] =	vst v63  }
0x15e: {  	s16 =	simm.s32 $0x12900;
	v3 =	vadd.s32 v1, v3  }
0x15f: {  	[hbm4b:s4+s2] =	stream.indirect_vreg.scatter [tilespmem:s16], [sflag:$0x3], $0x80, v4, vm0, $0xb8;
	[tilespmem:$0x18100] =	vst v63  }
0x160: {  	s15 =	simm.s32 $0x13100  }
0x161: {  	[hbm4b:s5+s2] =	stream.indirect_vreg.scatter [tilespmem:s15], [sflag:$0x3], $0x80, v4, vm0, $0xb8;
	[tilespmem:$0x18100] =	vst v63  }
0x162: {  	s16 =	simm.s32 $0x13900  }
0x163: {  	[hbm4b:s3+s2] =	stream.indirect_vreg.scatter [tilespmem:s16], [sflag:$0x3], $0x80, v3, vm0, $0xb8;
	[tilespmem:$0x18100] =	vst v63  }
0x164: {  	s15 =	simm.s32 $0x14100  }
0x165: {  	[hbm4b:s4+s2] =	stream.indirect_vreg.scatter [tilespmem:s15], [sflag:$0x3], $0x80, v3, vm0, $0xb8;
	[tilespmem:$0x18100] =	vst v63  }
0x166: {  	s16 =	simm.s32 $0x14900  }
0x167: {  	[hbm4b:s5+s2] =	stream.indirect_vreg.scatter [tilespmem:s16], [sflag:$0x3], $0x80, v3, vm0, $0xb8;
	[tilespmem:$0x18100] =	vst v63  }
0x168: {  	v3 =	vld [tilespmem:$0xB0];
	_ =	sdelay $0x4  }
0x169: {  	v47 =	vshrl.u32 v3, $0x3  }
0x16a: {  	v4 =	vmul.u32 $0x30, v47  }
0x16b: {  	v3 =	vand.u32 $0x7, v3  }
0x16c: {  	v3 =	vor.u32 v3, v4  }
0x16d: {  	v4 =	vperm.xlane v3, v0;
	_ =	sdelay $0x1  }
0x16e: {  	v4 =	vadd.s32 v1, v4;
	_ =	sdelay $0x3  }
0x16f: {  	s15 =	simm.s32 $0x15100;
	v3 =	vperm.xlane v3, v2  }
0x170: {  	[hbm4b:s3+s2] =	stream.indirect_vreg.scatter [tilespmem:s15], [sflag:$0x3], $0x80, v4, vm0, $0xb8;
	[tilespmem:$0x18100] =	vst v63  }
0x171: {  	s16 =	simm.s32 $0x15900;
	v3 =	vadd.s32 v1, v3  }
0x172: {  	[hbm4b:s4+s2] =	stream.indirect_vreg.scatter [tilespmem:s16], [sflag:$0x3], $0x80, v4, vm0, $0xb8;
	[tilespmem:$0x18100] =	vst v63  }
0x173: {  	s15 =	simm.s32 $0x16100  }
0x174: {  	[hbm4b:s5+s2] =	stream.indirect_vreg.scatter [tilespmem:s15], [sflag:$0x3], $0x80, v4, vm0, $0xb8;
	[tilespmem:$0x18100] =	vst v63  }
0x175: {  	s16 =	simm.s32 $0x16900  }
0x176: {  	[hbm4b:s3+s2] =	stream.indirect_vreg.scatter [tilespmem:s16], [sflag:$0x3], $0x80, v3, vm0, $0xb8;
	[tilespmem:$0x18100] =	vst v63  }
0x177: {  	s15 =	simm.s32 $0x17100  }
0x178: {  	[hbm4b:s4+s2] =	stream.indirect_vreg.scatter [tilespmem:s15], [sflag:$0x3], $0x80, v3, vm0, $0xb8;
	[tilespmem:$0x18100] =	vst v63  }
0x179: {  	s16 =	simm.s32 $0x17900  }
0x17a: {  	[hbm4b:s5+s2] =	stream.indirect_vreg.scatter [tilespmem:s16], [sflag:$0x3], $0x80, v3, vm0, $0xb8;
	[tilespmem:$0x18100] =	vst v63  }
0x17b: {  	_ =	swait.ge [sflag:s11], $0xC000  }
0x17c: {  	[sflag:s11] =	ssyncset.done $0x0  }
0x17d: {  	s0 =	simm.s32 $0x80;
	s15 =	rddreg [dreg:$0xd];
	[sflag:s11] =	ssyncadd.s32 $0xFFFF4000  }
0x17e: {  	[tilespmem:s0], [sflag:$0x2] =	stream.linear.gather [hbm4b:s15+s2], $0x40, $0x38;
	[tilespmem:$0x18100] =	vst v63  }
0x17f: {  	s1 =	simm.s32 $0xC100;
	s16 =	rddreg [dreg:$0xe]  }
0x180: {  	[tilespmem:s1], [sflag:$0x2] =	stream.linear.gather [hbm4b:s16+s2], $0xC000, $0x38;
	[tilespmem:$0x18100] =	vst v63  }
0x181: {  	_ =	swait.ge [sflag:s10], $0x40  }
0x182: {  	[sflag:s10] =	ssyncset.done $0x0  }
0x183: {  	[sflag:s10] =	ssyncadd.s32 $0xFFFFFFC0  }
0x184: {  	_ =	swait.ge [sflag:s10], $0xC000  }
0x185: {  	[sflag:s10] =	ssyncset.done $0x0  }
0x186: {  	[sflag:s10] =	ssyncadd.s32 $0xFFFF4000  }
0x187: {  	v3 =	vld [tilespmem:$0x0];
	_ =	sdelay $0x4  }
0x188: {  	v48 =	vshrl.u32 v3, $0x3  }
0x189: {  	v4 =	vmul.u32 $0x30, v48  }
0x18a: {  	v3 =	vand.u32 $0x7, v3  }
0x18b: {  	v3 =	vor.u32 v3, v4  }
0x18c: {  	v4 =	vperm.xlane v3, v0;
	_ =	sdelay $0x1  }
0x18d: {  	v4 =	vadd.s32 v1, v4;
	_ =	sdelay $0x3  }
0x18e: {  	v3 =	vperm.xlane v3, v2  }
0x18f: {  	[hbm4b:s3+s2] =	stream.indirect_vreg.scatter [tilespmem:s9], [sflag:$0x3], $0x80, v4, vm0, $0xb8;
	[tilespmem:$0x18100] =	vst v63  }
0x190: {  	s15 =	simm.s32 $0x900;
	v3 =	vadd.s32 v1, v3  }
0x191: {  	[hbm4b:s4+s2] =	stream.indirect_vreg.scatter [tilespmem:s15], [sflag:$0x3], $0x80, v4, vm0, $0xb8;
	[tilespmem:$0x18100] =	vst v63  }
0x192: {  	s16 =	simm.s32 $0x1100  }
0x193: {  	[hbm4b:s5+s2] =	stream.indirect_vreg.scatter [tilespmem:s16], [sflag:$0x3], $0x80, v4, vm0, $0xb8;
	[tilespmem:$0x18100] =	vst v63  }
0x194: {  	_ = 	snop  }
0x195: {  	[hbm4b:s3+s2] =	stream.indirect_vreg.scatter [tilespmem:s7], [sflag:$0x3], $0x80, v3, vm0, $0xb8;
	[tilespmem:$0x18100] =	vst v63  }
0x196: {  	_ = 	snop  }
0x197: {  	[hbm4b:s4+s2] =	stream.indirect_vreg.scatter [tilespmem:s8], [sflag:$0x3], $0x80, v3, vm0, $0xb8;
	[tilespmem:$0x18100] =	vst v63  }
0x198: {  	s15 =	simm.s32 $0x2900  }
0x199: {  	[hbm4b:s5+s2] =	stream.indirect_vreg.scatter [tilespmem:s15], [sflag:$0x3], $0x80, v3, vm0, $0xb8;
	[tilespmem:$0x18100] =	vst v63  }
0x19a: {  	v3 =	vld [tilespmem:$0x10];
	_ =	sdelay $0x4  }
0x19b: {  	v49 =	vshrl.u32 v3, $0x3  }
0x19c: {  	v4 =	vmul.u32 $0x30, v49  }
0x19d: {  	v3 =	vand.u32 $0x7, v3  }
0x19e: {  	v3 =	vor.u32 v3, v4  }
0x19f: {  	v4 =	vperm.xlane v3, v0;
	_ =	sdelay $0x1  }
0x1a0: {  	v4 =	vadd.s32 v1, v4;
	_ =	sdelay $0x3  }
0x1a1: {  	s16 =	simm.s32 $0x3100;
	v3 =	vperm.xlane v3, v2  }
0x1a2: {  	[hbm4b:s3+s2] =	stream.indirect_vreg.scatter [tilespmem:s16], [sflag:$0x3], $0x80, v4, vm0, $0xb8;
	[tilespmem:$0x18100] =	vst v63  }
0x1a3: {  	v3 =	vadd.s32 v1, v3  }
0x1a4: {  	[hbm4b:s4+s2] =	stream.indirect_vreg.scatter [tilespmem:s13], [sflag:$0x3], $0x80, v4, vm0, $0xb8;
	[tilespmem:$0x18100] =	vst v63  }
0x1a5: {  	_ = 	snop  }
0x1a6: {  	[hbm4b:s5+s2] =	stream.indirect_vreg.scatter [tilespmem:s14], [sflag:$0x3], $0x80, v4, vm0, $0xb8;
	[tilespmem:$0x18100] =	vst v63  }
0x1a7: {  	_ = 	snop  }
0x1a8: {  	[hbm4b:s3+s2] =	stream.indirect_vreg.scatter [tilespmem:s17], [sflag:$0x3], $0x80, v3, vm0, $0xb8;
	[tilespmem:$0x18100] =	vst v63  }
0x1a9: {  	_ = 	snop  }
0x1aa: {  	[hbm4b:s4+s2] =	stream.indirect_vreg.scatter [tilespmem:s18], [sflag:$0x3], $0x80, v3, vm0, $0xb8;
	[tilespmem:$0x18100] =	vst v63  }
0x1ab: {  	s17 =	simm.s32 $0x5900  }
0x1ac: {  	[hbm4b:s5+s2] =	stream.indirect_vreg.scatter [tilespmem:s17], [sflag:$0x3], $0x80, v3, vm0, $0xb8;
	[tilespmem:$0x18100] =	vst v63  }
0x1ad: {  	v3 =	vld [tilespmem:$0x20];
	_ =	sdelay $0x4  }
0x1ae: {  	v50 =	vshrl.u32 v3, $0x3  }
0x1af: {  	v4 =	vmul.u32 $0x30, v50  }
0x1b0: {  	v3 =	vand.u32 $0x7, v3  }
0x1b1: {  	v3 =	vor.u32 v3, v4  }
0x1b2: {  	v4 =	vperm.xlane v3, v0;
	_ =	sdelay $0x1  }
0x1b3: {  	v4 =	vadd.s32 v1, v4;
	_ =	sdelay $0x3  }
0x1b4: {  	s18 =	simm.s32 $0x6100;
	v3 =	vperm.xlane v3, v2  }
0x1b5: {  	[hbm4b:s3+s2] =	stream.indirect_vreg.scatter [tilespmem:s18], [sflag:$0x3], $0x80, v4, vm0, $0xb8;
	[tilespmem:$0x18100] =	vst v63  }
0x1b6: {  	v3 =	vadd.s32 v1, v3  }
0x1b7: {  	[hbm4b:s4+s2] =	stream.indirect_vreg.scatter [tilespmem:s19], [sflag:$0x3], $0x80, v4, vm0, $0xb8;
	[tilespmem:$0x18100] =	vst v63  }
0x1b8: {  	_ = 	snop  }
0x1b9: {  	[hbm4b:s5+s2] =	stream.indirect_vreg.scatter [tilespmem:s20], [sflag:$0x3], $0x80, v4, vm0, $0xb8;
	[tilespmem:$0x18100] =	vst v63  }
0x1ba: {  	_ = 	snop  }
0x1bb: {  	[hbm4b:s3+s2] =	stream.indirect_vreg.scatter [tilespmem:s21], [sflag:$0x3], $0x80, v3, vm0, $0xb8;
	[tilespmem:$0x18100] =	vst v63  }
0x1bc: {  	_ = 	snop  }
0x1bd: {  	[hbm4b:s4+s2] =	stream.indirect_vreg.scatter [tilespmem:s22], [sflag:$0x3], $0x80, v3, vm0, $0xb8;
	[tilespmem:$0x18100] =	vst v63  }
0x1be: {  	s22 =	simm.s32 $0x8900  }
0x1bf: {  	[hbm4b:s5+s2] =	stream.indirect_vreg.scatter [tilespmem:s22], [sflag:$0x3], $0x80, v3, vm0, $0xb8;
	[tilespmem:$0x18100] =	vst v63  }
0x1c0: {  	v3 =	vld [tilespmem:$0x30];
	_ =	sdelay $0x4  }
0x1c1: {  	v51 =	vshrl.u32 v3, $0x3  }
0x1c2: {  	v4 =	vmul.u32 $0x30, v51  }
0x1c3: {  	v3 =	vand.u32 $0x7, v3  }
0x1c4: {  	v3 =	vor.u32 v3, v4  }
0x1c5: {  	v4 =	vperm.xlane v3, v0;
	_ =	sdelay $0x1  }
0x1c6: {  	v4 =	vadd.s32 v1, v4;
	_ =	sdelay $0x3  }
0x1c7: {  	s7 =	simm.s32 $0x9100;
	v3 =	vperm.xlane v3, v2  }
0x1c8: {  	[hbm4b:s3+s2] =	stream.indirect_vreg.scatter [tilespmem:s7], [sflag:$0x3], $0x80, v4, vm0, $0xb8;
	[tilespmem:$0x18100] =	vst v63  }
0x1c9: {  	v3 =	vadd.s32 v1, v3  }
0x1ca: {  	[hbm4b:s4+s2] =	stream.indirect_vreg.scatter [tilespmem:s23], [sflag:$0x3], $0x80, v4, vm0, $0xb8;
	[tilespmem:$0x18100] =	vst v63  }
0x1cb: {  	_ = 	snop  }
0x1cc: {  	[hbm4b:s5+s2] =	stream.indirect_vreg.scatter [tilespmem:s24], [sflag:$0x3], $0x80, v4, vm0, $0xb8;
	[tilespmem:$0x18100] =	vst v63  }
0x1cd: {  	_ = 	snop  }
0x1ce: {  	[hbm4b:s3+s2] =	stream.indirect_vreg.scatter [tilespmem:s25], [sflag:$0x3], $0x80, v3, vm0, $0xb8;
	[tilespmem:$0x18100] =	vst v63  }
0x1cf: {  	_ = 	snop  }
0x1d0: {  	[hbm4b:s4+s2] =	stream.indirect_vreg.scatter [tilespmem:s26], [sflag:$0x3], $0x80, v3, vm0, $0xb8;
	[tilespmem:$0x18100] =	vst v63  }
0x1d1: {  	s8 =	simm.s32 $0xB900  }
0x1d2: {  	[hbm4b:s5+s2] =	stream.indirect_vreg.scatter [tilespmem:s8], [sflag:$0x3], $0x80, v3, vm0, $0xb8;
	[tilespmem:$0x18100] =	vst v63  }
0x1d3: {  	_ =	swait.ge [sflag:s11], $0xC000  }
0x1d4: {  	[sflag:s11] =	ssyncset.done $0x0  }
0x1d5: {  	s13 =	rddreg [dreg:$0xf];
	[sflag:s11] =	ssyncadd.s32 $0xFFFF4000  }
0x1d6: {  	[tilespmem:s2], [sflag:$0x1] =	stream.linear.gather [hbm4b:s13+s2], $0x40, $0x38;
	[tilespmem:$0x18100] =	vst v63  }
0x1d7: {  	s14 =	rddreg [dreg:$0x10]  }
0x1d8: {  	[tilespmem:s9], [sflag:$0x1] =	stream.linear.gather [hbm4b:s14+s2], $0xC000, $0x38;
	[tilespmem:$0x18100] =	vst v63  }
0x1d9: {  	_ =	swait.ge [sflag:s12], $0x40  }
0x1da: {  	[sflag:s12] =	ssyncset.done $0x0  }
0x1db: {  	[sflag:s12] =	ssyncadd.s32 $0xFFFFFFC0  }
0x1dc: {  	_ =	swait.ge [sflag:s12], $0xC000  }
0x1dd: {  	[sflag:s12] =	ssyncset.done $0x0  }
0x1de: {  	[sflag:s12] =	ssyncadd.s32 $0xFFFF4000  }
0x1df: {  	v3 =	vld [tilespmem:$0x80];
	_ =	sdelay $0x4  }
0x1e0: {  	v52 =	vshrl.u32 v3, $0x3  }
0x1e1: {  	v4 =	vmul.u32 $0x30, v52  }
0x1e2: {  	v3 =	vand.u32 $0x7, v3  }
0x1e3: {  	v3 =	vor.u32 v3, v4  }
0x1e4: {  	v4 =	vperm.xlane v3, v0;
	_ =	sdelay $0x1  }
0x1e5: {  	v4 =	vadd.s32 v1, v4;
	_ =	sdelay $0x3  }
0x1e6: {  	v3 =	vperm.xlane v3, v2  }
0x1e7: {  	[hbm4b:s3+s2] =	stream.indirect_vreg.scatter [tilespmem:s1], [sflag:$0x3], $0x80, v4, vm0, $0xb8;
	[tilespmem:$0x18100] =	vst v63  }
0x1e8: {  	v3 =	vadd.s32 v1, v3  }
0x1e9: {  	[hbm4b:s4+s2] =	stream.indirect_vreg.scatter [tilespmem:s29], [sflag:$0x3], $0x80, v4, vm0, $0xb8;
	[tilespmem:$0x18100] =	vst v63  }
0x1ea: {  	_ = 	snop  }
0x1eb: {  	[hbm4b:s5+s2] =	stream.indirect_vreg.scatter [tilespmem:s28], [sflag:$0x3], $0x80, v4, vm0, $0xb8;
	[tilespmem:$0x18100] =	vst v63  }
0x1ec: {  	_ = 	snop  }
0x1ed: {  	[hbm4b:s3+s2] =	stream.indirect_vreg.scatter [tilespmem:s30], [sflag:$0x3], $0x80, v3, vm0, $0xb8;
	[tilespmem:$0x18100] =	vst v63  }
0x1ee: {  	_ = 	snop  }
0x1ef: {  	[hbm4b:s4+s2] =	stream.indirect_vreg.scatter [tilespmem:s31], [sflag:$0x3], $0x80, v3, vm0, $0xb8;
	[tilespmem:$0x18100] =	vst v63  }
0x1f0: {  	s15 =	simm.s32 $0xE900  }
0x1f1: {  	[hbm4b:s5+s2] =	stream.indirect_vreg.scatter [tilespmem:s15], [sflag:$0x3], $0x80, v3, vm0, $0xb8;
	[tilespmem:$0x18100] =	vst v63  }
0x1f2: {  	v3 =	vld [tilespmem:$0x90];
	_ =	sdelay $0x4  }
0x1f3: {  	v53 =	vshrl.u32 v3, $0x3  }
0x1f4: {  	v4 =	vmul.u32 $0x30, v53  }
0x1f5: {  	v3 =	vand.u32 $0x7, v3  }
0x1f6: {  	v3 =	vor.u32 v3, v4  }
0x1f7: {  	v4 =	vperm.xlane v3, v0;
	_ =	sdelay $0x1  }
0x1f8: {  	v4 =	vadd.s32 v1, v4;
	_ =	sdelay $0x3  }
0x1f9: {  	s16 =	simm.s32 $0xF100;
	v3 =	vperm.xlane v3, v2  }
0x1fa: {  	[hbm4b:s3+s2] =	stream.indirect_vreg.scatter [tilespmem:s16], [sflag:$0x3], $0x80, v4, vm0, $0xb8;
	[tilespmem:$0x18100] =	vst v63  }
0x1fb: {  	s17 =	simm.s32 $0xF900;
	v3 =	vadd.s32 v1, v3  }
0x1fc: {  	[hbm4b:s4+s2] =	stream.indirect_vreg.scatter [tilespmem:s17], [sflag:$0x3], $0x80, v4, vm0, $0xb8;
	[tilespmem:$0x18100] =	vst v63  }
0x1fd: {  	s0 =	simm.s32 $0x10100  }
0x1fe: {  	[hbm4b:s5+s2] =	stream.indirect_vreg.scatter [tilespmem:s0], [sflag:$0x3], $0x80, v4, vm0, $0xb8;
	[tilespmem:$0x18100] =	vst v63  }
0x1ff: {  	s18 =	simm.s32 $0x10900  }
0x200: {  	[hbm4b:s3+s2] =	stream.indirect_vreg.scatter [tilespmem:s18], [sflag:$0x3], $0x80, v3, vm0, $0xb8;
	[tilespmem:$0x18100] =	vst v63  }
0x201: {  	s1 =	simm.s32 $0x11100  }
0x202: {  	[hbm4b:s4+s2] =	stream.indirect_vreg.scatter [tilespmem:s1], [sflag:$0x3], $0x80, v3, vm0, $0xb8;
	[tilespmem:$0x18100] =	vst v63  }
0x203: {  	s19 =	simm.s32 $0x11900  }
0x204: {  	[hbm4b:s5+s2] =	stream.indirect_vreg.scatter [tilespmem:s19], [sflag:$0x3], $0x80, v3, vm0, $0xb8;
	[tilespmem:$0x18100] =	vst v63  }
0x205: {  	v3 =	vld [tilespmem:$0xA0];
	_ =	sdelay $0x4  }
0x206: {  	v54 =	vshrl.u32 v3, $0x3  }
0x207: {  	v4 =	vmul.u32 $0x30, v54  }
0x208: {  	v3 =	vand.u32 $0x7, v3  }
0x209: {  	v3 =	vor.u32 v3, v4  }
0x20a: {  	v4 =	vperm.xlane v3, v0;
	_ =	sdelay $0x1  }
0x20b: {  	v4 =	vadd.s32 v1, v4;
	_ =	sdelay $0x3  }
0x20c: {  	s20 =	simm.s32 $0x12100;
	v3 =	vperm.xlane v3, v2  }
0x20d: {  	[hbm4b:s3+s2] =	stream.indirect_vreg.scatter [tilespmem:s20], [sflag:$0x3], $0x80, v4, vm0, $0xb8;
	[tilespmem:$0x18100] =	vst v63  }
0x20e: {  	s7 =	simm.s32 $0x12900;
	v3 =	vadd.s32 v1, v3  }
0x20f: {  	[hbm4b:s4+s2] =	stream.indirect_vreg.scatter [tilespmem:s7], [sflag:$0x3], $0x80, v4, vm0, $0xb8;
	[tilespmem:$0x18100] =	vst v63  }
0x210: {  	s8 =	simm.s32 $0x13100  }
0x211: {  	[hbm4b:s5+s2] =	stream.indirect_vreg.scatter [tilespmem:s8], [sflag:$0x3], $0x80, v4, vm0, $0xb8;
	[tilespmem:$0x18100] =	vst v63  }
0x212: {  	s21 =	simm.s32 $0x13900  }
0x213: {  	[hbm4b:s3+s2] =	stream.indirect_vreg.scatter [tilespmem:s21], [sflag:$0x3], $0x80, v3, vm0, $0xb8;
	[tilespmem:$0x18100] =	vst v63  }
0x214: {  	s22 =	simm.s32 $0x14100  }
0x215: {  	[hbm4b:s4+s2] =	stream.indirect_vreg.scatter [tilespmem:s22], [sflag:$0x3], $0x80, v3, vm0, $0xb8;
	[tilespmem:$0x18100] =	vst v63  }
0x216: {  	s26 =	simm.s32 $0x14900  }
0x217: {  	[hbm4b:s5+s2] =	stream.indirect_vreg.scatter [tilespmem:s26], [sflag:$0x3], $0x80, v3, vm0, $0xb8;
	[tilespmem:$0x18100] =	vst v63  }
0x218: {  	v3 =	vld [tilespmem:$0xB0];
	_ =	sdelay $0x4  }
0x219: {  	v55 =	vshrl.u32 v3, $0x3  }
0x21a: {  	v4 =	vmul.u32 $0x30, v55  }
0x21b: {  	v3 =	vand.u32 $0x7, v3  }
0x21c: {  	v3 =	vor.u32 v3, v4  }
0x21d: {  	v4 =	vperm.xlane v3, v0;
	_ =	sdelay $0x1  }
0x21e: {  	v4 =	vadd.s32 v1, v4;
	_ =	sdelay $0x3  }
0x21f: {  	s13 =	simm.s32 $0x15100;
	v3 =	vperm.xlane v3, v2  }
0x220: {  	[hbm4b:s3+s2] =	stream.indirect_vreg.scatter [tilespmem:s13], [sflag:$0x3], $0x80, v4, vm0, $0xb8;
	[tilespmem:$0x18100] =	vst v63  }
0x221: {  	s16 =	simm.s32 $0x15900;
	v3 =	vadd.s32 v1, v3  }
0x222: {  	[hbm4b:s4+s2] =	stream.indirect_vreg.scatter [tilespmem:s16], [sflag:$0x3], $0x80, v4, vm0, $0xb8;
	[tilespmem:$0x18100] =	vst v63  }
0x223: {  	s20 =	simm.s32 $0x16100  }
0x224: {  	[hbm4b:s5+s2] =	stream.indirect_vreg.scatter [tilespmem:s20], [sflag:$0x3], $0x80, v4, vm0, $0xb8;
	[tilespmem:$0x18100] =	vst v63  }
0x225: {  	s21 =	simm.s32 $0x16900  }
0x226: {  	[hbm4b:s3+s2] =	stream.indirect_vreg.scatter [tilespmem:s21], [sflag:$0x3], $0x80, v3, vm0, $0xb8;
	[tilespmem:$0x18100] =	vst v63  }
0x227: {  	s22 =	simm.s32 $0x17100  }
0x228: {  	[hbm4b:s4+s2] =	stream.indirect_vreg.scatter [tilespmem:s22], [sflag:$0x3], $0x80, v3, vm0, $0xb8;
	[tilespmem:$0x18100] =	vst v63  }
0x229: {  	s13 =	simm.s32 $0x17900  }
0x22a: {  	[hbm4b:s5+s2] =	stream.indirect_vreg.scatter [tilespmem:s13], [sflag:$0x3], $0x80, v3, vm0, $0xb8;
	[tilespmem:$0x18100] =	vst v63  }
0x22b: {  	_ =	swait.ge [sflag:s11], $0xC000  }
0x22c: {  	[sflag:s11] =	ssyncset.done $0x0  }
0x22d: {  	s13 =	simm.s32 $0x80;
	s15 =	rddreg [dreg:$0x11];
	[sflag:s11] =	ssyncadd.s32 $0xFFFF4000  }
0x22e: {  	[tilespmem:s13], [sflag:$0x2] =	stream.linear.gather [hbm4b:s15+s2], $0x40, $0x38;
	[tilespmem:$0x18100] =	vst v63  }
0x22f: {  	s16 =	rddreg [dreg:$0x12];
	s15 =	simm.s32 $0xC100  }
0x230: {  	[tilespmem:s15], [sflag:$0x2] =	stream.linear.gather [hbm4b:s16+s2], $0xC000, $0x38;
	[tilespmem:$0x18100] =	vst v63  }
0x231: {  	_ =	swait.ge [sflag:s10], $0x40  }
0x232: {  	[sflag:s10] =	ssyncset.done $0x0  }
0x233: {  	[sflag:s10] =	ssyncadd.s32 $0xFFFFFFC0  }
0x234: {  	_ =	swait.ge [sflag:s10], $0xC000  }
0x235: {  	[sflag:s10] =	ssyncset.done $0x0  }
0x236: {  	[sflag:s10] =	ssyncadd.s32 $0xFFFF4000  }
0x237: {  	v3 =	vld [tilespmem:$0x0];
	_ =	sdelay $0x4  }
0x238: {  	v56 =	vshrl.u32 v3, $0x3  }
0x239: {  	v4 =	vmul.u32 $0x30, v56  }
0x23a: {  	v3 =	vand.u32 $0x7, v3  }
0x23b: {  	v3 =	vor.u32 v3, v4  }
0x23c: {  	v4 =	vperm.xlane v3, v0;
	_ =	sdelay $0x1  }
0x23d: {  	v4 =	vadd.s32 v1, v4;
	_ =	sdelay $0x3  }
0x23e: {  	v3 =	vperm.xlane v3, v2  }
0x23f: {  	[hbm4b:s3+s2] =	stream.indirect_vreg.scatter [tilespmem:s9], [sflag:$0x3], $0x80, v4, vm0, $0xb8;
	[tilespmem:$0x18100] =	vst v63  }
0x240: {  	s16 =	simm.s32 $0x900;
	v3 =	vadd.s32 v1, v3  }
0x241: {  	[hbm4b:s4+s2] =	stream.indirect_vreg.scatter [tilespmem:s16], [sflag:$0x3], $0x80, v4, vm0, $0xb8;
	[tilespmem:$0x18100] =	vst v63  }
0x242: {  	s13 =	simm.s32 $0x1100  }
0x243: {  	[hbm4b:s5+s2] =	stream.indirect_vreg.scatter [tilespmem:s13], [sflag:$0x3], $0x80, v4, vm0, $0xb8;
	[tilespmem:$0x18100] =	vst v63  }
0x244: {  	s16 =	simm.s32 $0x1900  }
0x245: {  	[hbm4b:s3+s2] =	stream.indirect_vreg.scatter [tilespmem:s16], [sflag:$0x3], $0x80, v3, vm0, $0xb8;
	[tilespmem:$0x18100] =	vst v63  }
0x246: {  	s13 =	simm.s32 $0x2100  }
0x247: {  	[hbm4b:s4+s2] =	stream.indirect_vreg.scatter [tilespmem:s13], [sflag:$0x3], $0x80, v3, vm0, $0xb8;
	[tilespmem:$0x18100] =	vst v63  }
0x248: {  	s16 =	simm.s32 $0x2900  }
0x249: {  	[hbm4b:s5+s2] =	stream.indirect_vreg.scatter [tilespmem:s16], [sflag:$0x3], $0x80, v3, vm0, $0xb8;
	[tilespmem:$0x18100] =	vst v63  }
0x24a: {  	v3 =	vld [tilespmem:$0x10];
	_ =	sdelay $0x4  }
0x24b: {  	v57 =	vshrl.u32 v3, $0x3  }
0x24c: {  	v4 =	vmul.u32 $0x30, v57  }
0x24d: {  	v3 =	vand.u32 $0x7, v3  }
0x24e: {  	v3 =	vor.u32 v3, v4  }
0x24f: {  	v4 =	vperm.xlane v3, v0;
	_ =	sdelay $0x1  }
0x250: {  	v4 =	vadd.s32 v1, v4;
	_ =	sdelay $0x3  }
0x251: {  	s13 =	simm.s32 $0x3100;
	v3 =	vperm.xlane v3, v2  }
0x252: {  	[hbm4b:s3+s2] =	stream.indirect_vreg.scatter [tilespmem:s13], [sflag:$0x3], $0x80, v4, vm0, $0xb8;
	[tilespmem:$0x18100] =	vst v63  }
0x253: {  	s16 =	simm.s32 $0x3900;
	v3 =	vadd.s32 v1, v3  }
0x254: {  	[hbm4b:s4+s2] =	stream.indirect_vreg.scatter [tilespmem:s16], [sflag:$0x3], $0x80, v4, vm0, $0xb8;
	[tilespmem:$0x18100] =	vst v63  }
0x255: {  	s13 =	simm.s32 $0x4100  }
0x256: {  	[hbm4b:s5+s2] =	stream.indirect_vreg.scatter [tilespmem:s13], [sflag:$0x3], $0x80, v4, vm0, $0xb8;
	[tilespmem:$0x18100] =	vst v63  }
0x257: {  	s16 =	simm.s32 $0x4900  }
0x258: {  	[hbm4b:s3+s2] =	stream.indirect_vreg.scatter [tilespmem:s16], [sflag:$0x3], $0x80, v3, vm0, $0xb8;
	[tilespmem:$0x18100] =	vst v63  }
0x259: {  	s13 =	simm.s32 $0x5100  }
0x25a: {  	[hbm4b:s4+s2] =	stream.indirect_vreg.scatter [tilespmem:s13], [sflag:$0x3], $0x80, v3, vm0, $0xb8;
	[tilespmem:$0x18100] =	vst v63  }
0x25b: {  	s16 =	simm.s32 $0x5900  }
0x25c: {  	[hbm4b:s5+s2] =	stream.indirect_vreg.scatter [tilespmem:s16], [sflag:$0x3], $0x80, v3, vm0, $0xb8;
	[tilespmem:$0x18100] =	vst v63  }
0x25d: {  	v3 =	vld [tilespmem:$0x20];
	_ =	sdelay $0x4  }
0x25e: {  	v58 =	vshrl.u32 v3, $0x3  }
0x25f: {  	v4 =	vmul.u32 $0x30, v58  }
0x260: {  	v3 =	vand.u32 $0x7, v3  }
0x261: {  	v3 =	vor.u32 v3, v4  }
0x262: {  	v4 =	vperm.xlane v3, v0;
	_ =	sdelay $0x1  }
0x263: {  	v4 =	vadd.s32 v1, v4;
	_ =	sdelay $0x3  }
0x264: {  	s13 =	simm.s32 $0x6100;
	v3 =	vperm.xlane v3, v2  }
0x265: {  	[hbm4b:s3+s2] =	stream.indirect_vreg.scatter [tilespmem:s13], [sflag:$0x3], $0x80, v4, vm0, $0xb8;
	[tilespmem:$0x18100] =	vst v63  }
0x266: {  	s16 =	simm.s32 $0x6900;
	v3 =	vadd.s32 v1, v3  }
0x267: {  	[hbm4b:s4+s2] =	stream.indirect_vreg.scatter [tilespmem:s16], [sflag:$0x3], $0x80, v4, vm0, $0xb8;
	[tilespmem:$0x18100] =	vst v63  }
0x268: {  	s13 =	simm.s32 $0x7100  }
0x269: {  	[hbm4b:s5+s2] =	stream.indirect_vreg.scatter [tilespmem:s13], [sflag:$0x3], $0x80, v4, vm0, $0xb8;
	[tilespmem:$0x18100] =	vst v63  }
0x26a: {  	s16 =	simm.s32 $0x7900  }
0x26b: {  	[hbm4b:s3+s2] =	stream.indirect_vreg.scatter [tilespmem:s16], [sflag:$0x3], $0x80, v3, vm0, $0xb8;
	[tilespmem:$0x18100] =	vst v63  }
0x26c: {  	s13 =	simm.s32 $0x8100  }
0x26d: {  	[hbm4b:s4+s2] =	stream.indirect_vreg.scatter [tilespmem:s13], [sflag:$0x3], $0x80, v3, vm0, $0xb8;
	[tilespmem:$0x18100] =	vst v63  }
0x26e: {  	s16 =	simm.s32 $0x8900  }
0x26f: {  	[hbm4b:s5+s2] =	stream.indirect_vreg.scatter [tilespmem:s16], [sflag:$0x3], $0x80, v3, vm0, $0xb8;
	[tilespmem:$0x18100] =	vst v63  }
0x270: {  	v3 =	vld [tilespmem:$0x30];
	_ =	sdelay $0x4  }
0x271: {  	v59 =	vshrl.u32 v3, $0x3  }
0x272: {  	v4 =	vmul.u32 $0x30, v59  }
0x273: {  	v3 =	vand.u32 $0x7, v3  }
0x274: {  	v3 =	vor.u32 v3, v4  }
0x275: {  	v4 =	vperm.xlane v3, v0;
	_ =	sdelay $0x1  }
0x276: {  	v4 =	vadd.s32 v1, v4;
	_ =	sdelay $0x3  }
0x277: {  	s13 =	simm.s32 $0x9100;
	v3 =	vperm.xlane v3, v2  }
0x278: {  	[hbm4b:s3+s2] =	stream.indirect_vreg.scatter [tilespmem:s13], [sflag:$0x3], $0x80, v4, vm0, $0xb8;
	[tilespmem:$0x18100] =	vst v63  }
0x279: {  	s16 =	simm.s32 $0x9900;
	v3 =	vadd.s32 v1, v3  }
0x27a: {  	[hbm4b:s4+s2] =	stream.indirect_vreg.scatter [tilespmem:s16], [sflag:$0x3], $0x80, v4, vm0, $0xb8;
	[tilespmem:$0x18100] =	vst v63  }
0x27b: {  	s13 =	simm.s32 $0xA100  }
0x27c: {  	[hbm4b:s5+s2] =	stream.indirect_vreg.scatter [tilespmem:s13], [sflag:$0x3], $0x80, v4, vm0, $0xb8;
	[tilespmem:$0x18100] =	vst v63  }
0x27d: {  	s16 =	simm.s32 $0xA900  }
0x27e: {  	[hbm4b:s3+s2] =	stream.indirect_vreg.scatter [tilespmem:s16], [sflag:$0x3], $0x80, v3, vm0, $0xb8;
	[tilespmem:$0x18100] =	vst v63  }
0x27f: {  	s13 =	simm.s32 $0xB100  }
0x280: {  	[hbm4b:s4+s2] =	stream.indirect_vreg.scatter [tilespmem:s13], [sflag:$0x3], $0x80, v3, vm0, $0xb8;
	[tilespmem:$0x18100] =	vst v63  }
0x281: {  	s16 =	simm.s32 $0xB900  }
0x282: {  	[hbm4b:s5+s2] =	stream.indirect_vreg.scatter [tilespmem:s16], [sflag:$0x3], $0x80, v3, vm0, $0xb8;
	[tilespmem:$0x18100] =	vst v63  }
0x283: {  	_ =	swait.ge [sflag:s11], $0xC000  }
0x284: {  	[sflag:s11] =	ssyncset.done $0x0  }
0x285: {  	[sflag:s11] =	ssyncadd.s32 $0xFFFF4000  }
0x286: {  	_ =	swait.ge [sflag:s12], $0x40  }
0x287: {  	[sflag:s12] =	ssyncset.done $0x0  }
0x288: {  	[sflag:s12] =	ssyncadd.s32 $0xFFFFFFC0  }
0x289: {  	_ =	swait.ge [sflag:s12], $0xC000  }
0x28a: {  	[sflag:s12] =	ssyncset.done $0x0  }
0x28b: {  	[sflag:s12] =	ssyncadd.s32 $0xFFFF4000  }
0x28c: {  	v3 =	vld [tilespmem:$0x80];
	_ =	sdelay $0x4  }
0x28d: {  	v60 =	vshrl.u32 v3, $0x3  }
0x28e: {  	v4 =	vmul.u32 $0x30, v60  }
0x28f: {  	v3 =	vand.u32 $0x7, v3  }
0x290: {  	v3 =	vor.u32 v3, v4  }
0x291: {  	v4 =	vperm.xlane v3, v0;
	_ =	sdelay $0x1  }
0x292: {  	v4 =	vadd.s32 v1, v4;
	_ =	sdelay $0x3  }
0x293: {  	v3 =	vperm.xlane v3, v2  }
0x294: {  	[hbm4b:s3+s2] =	stream.indirect_vreg.scatter [tilespmem:s15], [sflag:$0x3], $0x80, v4, vm0, $0xb8;
	[tilespmem:$0x18100] =	vst v63  }
0x295: {  	s29 =	simm.s32 $0xC900;
	v3 =	vadd.s32 v1, v3  }
0x296: {  	[hbm4b:s4+s2] =	stream.indirect_vreg.scatter [tilespmem:s29], [sflag:$0x3], $0x80, v4, vm0, $0xb8;
	[tilespmem:$0x18100] =	vst v63  }
0x297: {  	s28 =	simm.s32 $0xD100  }
0x298: {  	[hbm4b:s5+s2] =	stream.indirect_vreg.scatter [tilespmem:s28], [sflag:$0x3], $0x80, v4, vm0, $0xb8;
	[tilespmem:$0x18100] =	vst v63  }
0x299: {  	s30 =	simm.s32 $0xD900  }
0x29a: {  	[hbm4b:s3+s2] =	stream.indirect_vreg.scatter [tilespmem:s30], [sflag:$0x3], $0x80, v3, vm0, $0xb8;
	[tilespmem:$0x18100] =	vst v63  }
0x29b: {  	s31 =	simm.s32 $0xE100  }
0x29c: {  	[hbm4b:s4+s2] =	stream.indirect_vreg.scatter [tilespmem:s31], [sflag:$0x3], $0x80, v3, vm0, $0xb8;
	[tilespmem:$0x18100] =	vst v63  }
0x29d: {  	s14 =	simm.s32 $0xE900  }
0x29e: {  	[hbm4b:s5+s2] =	stream.indirect_vreg.scatter [tilespmem:s14], [sflag:$0x3], $0x80, v3, vm0, $0xb8;
	[tilespmem:$0x18100] =	vst v63  }
0x29f: {  	v3 =	vld [tilespmem:$0x90];
	_ =	sdelay $0x4  }
0x2a0: {  	v61 =	vshrl.u32 v3, $0x3  }
0x2a1: {  	v4 =	vmul.u32 $0x30, v61  }
0x2a2: {  	v3 =	vand.u32 $0x7, v3  }
0x2a3: {  	v3 =	vor.u32 v3, v4  }
0x2a4: {  	v4 =	vperm.xlane v3, v0;
	_ =	sdelay $0x1  }
0x2a5: {  	v4 =	vadd.s32 v1, v4;
	_ =	sdelay $0x3  }
0x2a6: {  	s23 =	simm.s32 $0xF100;
	v3 =	vperm.xlane v3, v2  }
0x2a7: {  	[hbm4b:s3+s2] =	stream.indirect_vreg.scatter [tilespmem:s23], [sflag:$0x3], $0x80, v4, vm0, $0xb8;
	[tilespmem:$0x18100] =	vst v63  }
0x2a8: {  	s28 =	simm.s32 $0xF900;
	v3 =	vadd.s32 v1, v3  }
0x2a9: {  	[hbm4b:s4+s2] =	stream.indirect_vreg.scatter [tilespmem:s28], [sflag:$0x3], $0x80, v4, vm0, $0xb8;
	[tilespmem:$0x18100] =	vst v63  }
0x2aa: {  	_ = 	snop  }
0x2ab: {  	[hbm4b:s5+s2] =	stream.indirect_vreg.scatter [tilespmem:s0], [sflag:$0x3], $0x80, v4, vm0, $0xb8;
	[tilespmem:$0x18100] =	vst v63  }
0x2ac: {  	s17 =	simm.s32 $0x10900  }
0x2ad: {  	[hbm4b:s3+s2] =	stream.indirect_vreg.scatter [tilespmem:s17], [sflag:$0x3], $0x80, v3, vm0, $0xb8;
	[tilespmem:$0x18100] =	vst v63  }
0x2ae: {  	_ = 	snop  }
0x2af: {  	[hbm4b:s4+s2] =	stream.indirect_vreg.scatter [tilespmem:s1], [sflag:$0x3], $0x80, v3, vm0, $0xb8;
	[tilespmem:$0x18100] =	vst v63  }
0x2b0: {  	s24 =	simm.s32 $0x11900  }
0x2b1: {  	[hbm4b:s5+s2] =	stream.indirect_vreg.scatter [tilespmem:s24], [sflag:$0x3], $0x80, v3, vm0, $0xb8;
	[tilespmem:$0x18100] =	vst v63  }
0x2b2: {  	v3 =	vld [tilespmem:$0xA0];
	_ =	sdelay $0x4  }
0x2b3: {  	v62 =	vshrl.u32 v3, $0x3  }
0x2b4: {  	v4 =	vmul.u32 $0x30, v62  }
0x2b5: {  	v3 =	vand.u32 $0x7, v3  }
0x2b6: {  	v3 =	vor.u32 v3, v4  }
0x2b7: {  	v4 =	vperm.xlane v3, v0;
	_ =	sdelay $0x1  }
0x2b8: {  	v4 =	vadd.s32 v1, v4;
	_ =	sdelay $0x3  }
0x2b9: {  	s25 =	simm.s32 $0x12100;
	v3 =	vperm.xlane v3, v2  }
0x2ba: {  	[hbm4b:s3+s2] =	stream.indirect_vreg.scatter [tilespmem:s25], [sflag:$0x3], $0x80, v4, vm0, $0xb8;
	[tilespmem:$0x18100] =	vst v63  }
0x2bb: {  	v3 =	vadd.s32 v1, v3  }
0x2bc: {  	[hbm4b:s4+s2] =	stream.indirect_vreg.scatter [tilespmem:s7], [sflag:$0x3], $0x80, v4, vm0, $0xb8;
	[tilespmem:$0x18100] =	vst v63  }
0x2bd: {  	_ = 	snop  }
0x2be: {  	[hbm4b:s5+s2] =	stream.indirect_vreg.scatter [tilespmem:s8], [sflag:$0x3], $0x80, v4, vm0, $0xb8;
	[tilespmem:$0x18100] =	vst v63  }
0x2bf: {  	s18 =	simm.s32 $0x13900  }
0x2c0: {  	[hbm4b:s3+s2] =	stream.indirect_vreg.scatter [tilespmem:s18], [sflag:$0x3], $0x80, v3, vm0, $0xb8;
	[tilespmem:$0x18100] =	vst v63  }
0x2c1: {  	s19 =	simm.s32 $0x14100  }
0x2c2: {  	[hbm4b:s4+s2] =	stream.indirect_vreg.scatter [tilespmem:s19], [sflag:$0x3], $0x80, v3, vm0, $0xb8;
	[tilespmem:$0x18100] =	vst v63  }
0x2c3: {  	s26 =	simm.s32 $0x14900  }
0x2c4: {  	[hbm4b:s5+s2] =	stream.indirect_vreg.scatter [tilespmem:s26], [sflag:$0x3], $0x80, v3, vm0, $0xb8;
	[tilespmem:$0x18100] =	vst v63  }
0x2c5: {  	v3 =	vld [tilespmem:$0xB0];
	_ =	sdelay $0x4  }
0x2c6: {  	v63 =	vshrl.u32 v3, $0x3  }
0x2c7: {  	v4 =	vmul.u32 $0x30, v63  }
0x2c8: {  	v3 =	vand.u32 $0x7, v3  }
0x2c9: {  	v3 =	vor.u32 v3, v4  }
0x2ca: {  	v4 =	vperm.xlane v3, v0;
	_ =	sdelay $0x1  }
0x2cb: {  	v4 =	vadd.s32 v1, v4;
	_ =	sdelay $0x3  }
0x2cc: {  	s29 =	simm.s32 $0x15100;
	v3 =	vperm.xlane v3, v2  }
0x2cd: {  	[hbm4b:s3+s2] =	stream.indirect_vreg.scatter [tilespmem:s29], [sflag:$0x3], $0x80, v4, vm0, $0xb8;
	[tilespmem:$0x18100] =	vst v63  }
0x2ce: {  	s30 =	simm.s32 $0x15900;
	v3 =	vadd.s32 v1, v3  }
0x2cf: {  	[hbm4b:s4+s2] =	stream.indirect_vreg.scatter [tilespmem:s30], [sflag:$0x3], $0x80, v4, vm0, $0xb8;
	[tilespmem:$0x18100] =	vst v63  }
0x2d0: {  	s20 =	simm.s32 $0x16100  }
0x2d1: {  	[hbm4b:s5+s2] =	stream.indirect_vreg.scatter [tilespmem:s20], [sflag:$0x3], $0x80, v4, vm0, $0xb8;
	[tilespmem:$0x18100] =	vst v63  }
0x2d2: {  	s21 =	simm.s32 $0x16900  }
0x2d3: {  	[hbm4b:s3+s2] =	stream.indirect_vreg.scatter [tilespmem:s21], [sflag:$0x3], $0x80, v3, vm0, $0xb8;
	[tilespmem:$0x18100] =	vst v63  }
0x2d4: {  	p0 =	sne.s32 s6, $0x1;
	s22 =	simm.s32 $0x17100  }
0x2d5: {  	[hbm4b:s4+s2] =	stream.indirect_vreg.scatter [tilespmem:s22], [sflag:$0x3], $0x80, v3, vm0, $0xb8;
	[tilespmem:$0x18100] =	vst v63  }
.Ltmp0:
0x2d6: {  	s31 =	simm.s32 $0x17900;
	(pc) =	sbr.rel @p0 .LBB2_1-.Ltmp0, $4  }
0x2d7: {  	[hbm4b:s5+s2] =	stream.indirect_vreg.scatter [tilespmem:s31], [sflag:$0x3], $0x80, v3, vm0, $0xb8;
	[tilespmem:$0x18100] =	vst v63  }
0x2d8: {  	_ =	swait.ge [sflag:s11], $0xC000  }
0x2d9: {  	[sflag:s11] =	ssyncset.done $0x0  }
0x2da: {  	s6 =	sadd.s32 $0xFFFFFFFF, s6;
	[sflag:s11] =	ssyncadd.s32 $0xFFFF4000  }
0x2db: {  	_ =	sfence.sel $0x180000  }
0x2dc: {  	[bflag:$0x0] =	sbarrier.arrive $0xFFFF  }
0x2dd: {  	_ =	strace $0x90000047  }
0x2de: {  	s0 =	stileid.u32;
	[bflag:$0x2] =	sbarrier.arrive $0xFFFF  }
0x2df: {  	p0 =	sne.s32 s0, $0x0;
	s0 =	rddreg [dreg:$0x2]  }
0x2e0: {  	s0 =	sadd.s32 @!p0 $0x100000, s0  }
0x2e1: {  	[sflag:s0] =	ssyncadd.tile.s32 @!p0 $0x1;
	_ =	shalt  }
.Lfunc_end2:
_tile_overlayer_lowered:
.L_overlay_start_2:
0x2e2: {  	(tag) =	ssettag $0x2  }
0x2e3: {  	s0 =	rddreg [dreg:$0x0];
	s2 =	stileid.u32  }
0x2e4: {  	s1 =	rddreg [dreg:$0x1];
	p0 =	sne.s32 s2, $0x0  }
0x2e5: {  	s3 =	rddreg [dreg:$0x2];
	[bflag:$0x3] =	sbarrier.arrive $0xFFFF;
	s2 =	simm.s32 @!p0 $0x1C04  }
0x2e6: {  	[timem:s3], [sflag:s2] =	dma.local @!p0 [hbm:s0], s1  }
0x2e7: {  	s0 =	simm.s32 @!p0 $0x4  }
0x2e8: {  	_ =	swait.ge @!p0 [sflag:s0], s1  }
0x2e9: {  	s1 =	ssub.s32 @!p0 $0x0, s1;
	[sflag:s0] =	ssyncset.done @!p0 $0x0  }
0x2ea: {  	[sflag:s0] =	ssyncadd.s32 @!p0 s1  }
0x2eb: {  	[bflag:$0x3] =	sbarrier.arrive $0xFFFF  }
0x2ec: {  	_ =	shalt  }

// kernel: kernel.9.cloned.1.call-start
scs
__scs_entry_jumppad:
0x0: {  	(pc) =	sbr.rel $0x88, $3  }
0x1: {  	(tag) =	ssettag $0x0;
	lr =	simm.s32 $0x1  }
0x2: {  	[smem:$0x3F98] =	sst lr;
	_ =	strace $0xD0000000  }
0x3: {  	_ = 	snop  }
0x4: {  	_ = 	snop  }
0x5: {  	_ = 	snop  }
0x6: {  	_ = 	snop  }
0x7: {  	_ = 	snop  }
__scs_overlays_trampoline_lowered:
0x8: {  	[smem:$0x3FA7] =	sst s0  }
0x9: {  	[smem:$0x3FA8] =	sst s1  }
0xa: {  	[smem:$0x3FA9] =	sst s2  }
0xb: {  	[smem:$0x3FAA] =	sst s3  }
0xc: {  	[smem:$0x3FAB] =	sst s4  }
0xd: {  	[smem:$0x3FAC] =	sst s5  }
0xe: {  	[smem:$0x3FAD] =	sst s6  }
0xf: {  	[smem:$0x3FAE] =	sst s7  }
0x10: {  	[smem:$0x3FAF] =	sst s8  }
0x11: {  	[smem:$0x3FB0] =	sst s9;
	s0 =	simm.s32 @!p0 $0x0  }
0x12: {  	s1 =	sld [smem:$0x3F96];
	s0 =	simm.s32 @p0 $0x1  }
0x13: {  	[smem:$0x3FB1] =	sst s0;
	s0 =	simm.s32 @!p1 $0x0  }
0x14: {  	s2 =	sld [smem:$0x3F95];
	s0 =	simm.s32 @p1 $0x1  }
0x15: {  	[smem:$0x3FB2] =	sst s0;
	s0 =	simm.s32 @!p2 $0x0  }
0x16: {  	s3 =	sld [smem:$0x3FDB];
	s0 =	simm.s32 @p2 $0x1  }
0x17: {  	s4 =	simm.s32 $0x1BF5;
	[smem:$0x3FB4] =	sst s0  }
0x18: {  	s0 =	sld [smem:$0x3F97];
	_ =	swait.ge [sflag:s4], $0x0  }
0x19: {  	s7 =	sld [smem:$0x3F98]  }
0x1a: {  	s8 =	sadd.s32 $0xFFFFE003, lr  }
0x1b: {  	s9 =	sadd.s32 $0xFFFFFEF7, lr;
	s5 =	simm.s32 $0xFFFFFFFF;
	p2 =	slt.u32 s8, $0xFFFFF086  }
0x1c: {  	p1 =	slt.u32 s9, $0xF7A;
	s5 =	simm.s32 @!p2 $0x0  }
0x1d: {  	s5 =	simm.s32 @p1 $0x1;
	p0 =	seq.s32 s7, s2  }
0x1e: {  	s7 =	smul.u32 @!p0 $0xF7A, s2;
	p2 =	seq.s32 @!p0 s5, $0x0  }
0x1f: {  	s9 =	smul.u32 $0xF7A, s1;
	s8 =	simm.s32 @!p0 $0x1BF5;
	p2 =	por !p2, p0  }
0x20: {  	[sflag:s8] =	ssyncset.s32 @!p0 $0xFFFFF086;
	s6 =	sadd.s32 @!p0 s3, s7;
	s7 =	simm.s32 @!p0 $0x108  }
0x21: {  	s3 =	sadd.s32 s3, s9;
	s6 =	sadd.s32 @!p0 $0x88, s6;
	s7 =	simm.s32 @p2 $0x1082  }
0x22: {  	[simem:s7], [sflag:s8] =	dma.local @!p0 [hbm:s6], $0xF7A  }
0x23: {  	s9 =	sor.u32 $0xD0000000, s2;
	s6 =	simm.s32 $0x108;
	_ =	swait.ge @!p0 [sflag:s8], $0x0  }
0x24: {  	s3 =	sadd.s32 $0x88, s3;
	s6 =	simm.s32 @!p1 $0x1082;
	[sflag:s4] =	ssyncset.s32 $0xFFFFF086  }
0x25: {  	[simem:s6], [sflag:s4] =	dma.local [hbm:s3], $0xF7A  }
0x26: {  	[smem:$0x3F98] =	sst s1;
	(tag) =	ssettag s2;
	_ =	strace s9  }
0x27: {  	s1 =	sld [smem:$0x3FA8]  }
0x28: {  	s2 =	sld [smem:$0x3FA9]  }
0x29: {  	s4 =	sld [smem:$0x3FAB]  }
0x2a: {  	p0 =	seq.s32 s5, $0x0;
	s5 =	sld [smem:$0x3FAC]  }
0x2b: {  	s6 =	sld [smem:$0x3FAD]  }
0x2c: {  	s7 =	sld [smem:$0x3FAE]  }
0x2d: {  	s3 =	simm.s32 $0x108;
	s8 =	sld [smem:$0x3FAF]  }
0x2e: {  	s3 =	simm.s32 @!p0 $0x1082;
	s9 =	sld [smem:$0x3FB0]  }
0x2f: {  	lr =	sadd.s32 s0, s3;
	s0 =	sld [smem:$0x3FA7]  }
0x30: {  	s3 =	sld [smem:$0x3FAA]  }
0x31: {  	[smem:$0x3FB3] =	sst s10  }
0x32: {  	s10 =	sld [smem:$0x3FB1];
	_ =	sdelay $0x3  }
0x33: {  	p0 =	seq.s32 s10, $0x1;
	s10 =	sld [smem:$0x3FB3];
	_ =	sdelay $0x3  }
0x34: {  	[smem:$0x3FB3] =	sst s10  }
0x35: {  	s10 =	sld [smem:$0x3FB2];
	_ =	sdelay $0x3  }
0x36: {  	p1 =	seq.s32 s10, $0x1;
	s10 =	sld [smem:$0x3FB3];
	_ =	sdelay $0x3  }
0x37: {  	[smem:$0x3FB3] =	sst s10  }
0x38: {  	s10 =	sld [smem:$0x3FB4]  }
0x39: {  	_ = 	snop;
	(pc) =	sbr.ind lr, $3  }
0x3a: {  	_ = 	snop  }
0x3b: {  	_ = 	snop  }
0x3c: {  	p2 =	seq.s32 s10, $0x1;
	s10 =	sld [smem:$0x3FB3]  }
0x3d: {  	_ =	shalt  }
0x3e: {  	_ =	shalt  }
0x3f: {  	_ =	shalt  }
0x40: {  	_ =	shalt  }
0x41: {  	_ =	shalt  }
0x42: {  	_ =	shalt  }
0x43: {  	_ =	shalt  }
0x44: {  	_ =	shalt  }
0x45: {  	_ =	shalt  }
0x46: {  	_ =	shalt  }
0x47: {  	_ =	shalt  }
0x48: {  	_ =	shalt  }
0x49: {  	_ =	shalt  }
0x4a: {  	_ =	shalt  }
0x4b: {  	_ =	shalt  }
0x4c: {  	_ =	shalt  }
0x4d: {  	_ =	shalt  }
0x4e: {  	_ =	shalt  }
0x4f: {  	_ =	shalt  }
0x50: {  	_ =	shalt  }
0x51: {  	_ =	shalt  }
0x52: {  	_ =	shalt  }
0x53: {  	_ =	shalt  }
0x54: {  	_ =	shalt  }
0x55: {  	_ =	shalt  }
0x56: {  	_ =	shalt  }
0x57: {  	_ =	shalt  }
0x58: {  	_ =	shalt  }
0x59: {  	_ =	shalt  }
0x5a: {  	_ =	shalt  }
0x5b: {  	_ =	shalt  }
0x5c: {  	_ =	shalt  }
0x5d: {  	_ =	shalt  }
0x5e: {  	_ =	shalt  }
0x5f: {  	_ =	shalt  }
0x60: {  	_ =	shalt  }
0x61: {  	_ =	shalt  }
0x62: {  	_ =	shalt  }
0x63: {  	_ =	shalt  }
0x64: {  	_ =	shalt  }
0x65: {  	_ =	shalt  }
0x66: {  	_ =	shalt  }
0x67: {  	_ =	shalt  }
0x68: {  	_ =	shalt  }
0x69: {  	_ =	shalt  }
0x6a: {  	_ =	shalt  }
0x6b: {  	_ =	shalt  }
0x6c: {  	_ =	shalt  }
0x6d: {  	_ =	shalt  }
0x6e: {  	_ =	shalt  }
0x6f: {  	_ =	shalt  }
0x70: {  	_ =	shalt  }
0x71: {  	_ =	shalt  }
0x72: {  	_ =	shalt  }
0x73: {  	_ =	shalt  }
0x74: {  	_ =	shalt  }
0x75: {  	_ =	shalt  }
0x76: {  	_ =	shalt  }
0x77: {  	_ =	shalt  }
0x78: {  	_ =	shalt  }
0x79: {  	_ =	shalt  }
0x7a: {  	_ =	shalt  }
0x7b: {  	_ =	shalt  }
0x7c: {  	_ =	shalt  }
0x7d: {  	_ =	shalt  }
0x7e: {  	_ =	shalt  }
0x7f: {  	_ =	shalt  }
0x80: {  	_ =	shalt  }
0x81: {  	_ =	shalt  }
0x82: {  	_ =	shalt  }
0x83: {  	_ =	shalt  }
0x84: {  	_ =	shalt  }
0x85: {  	_ =	shalt  }
0x86: {  	_ =	shalt  }
0x87: {  	_ =	shalt  }
.Lfunc_end0:
.L_simem_size_0:
called_computation.1_lowered:
.L_overlay_start_0:
0x88: {  	s2 =	sld [smem:$0x3FD9]  }
0x89: {  	s3 =	sld [smem:$0x3FFE];
	_ =	sdelay $0x1  }
0x8a: {  	s1 =	srdreg.scid  }
0x8b: {  	s0 =	sand.u32 $0x1, s1  }
0x8c: {  	s17 =	sshll.u32 s0, $0xA;
	s2 =	sadd.s32 s3, s2  }
0x8d: {  	s2 =	sadd.s32 s2, s17  }
0x8e: {  	[smem:$0x3FBF] =	sst s2  }
0x8f: {  	_ = 	snop  }
0x90: {  	s2 =	sld [smem:$0x3FD0];
	(tm) =	ssettm $0x1  }
0x91: {  	s18 =	sld [smem:$0x3FFB];
	_ =	sdelay $0x3  }
0x92: {  	_ =	strace s18  }
0x93: {  	s3 =	sld [smem:$0x3FFC];
	_ =	sdelay $0x3  }
0x94: {  	_ =	strace s3  }
0x95: {  	s3 =	sld [smem:$0x3FFD];
	_ =	sdelay $0x3  }
0x96: {  	_ =	strace s3  }
0x97: {  	_ =	strace $0x8FFFFFFF  }
0x98: {  	s19 =	sld [smem:$0x3FDB];
	_ =	sdelay $0x1  }
0x99: {  	s4 =	simm.s32 $_scs_section_size  }
0x9a: {  	s5 =	simm.s32 $_size__tile_overlayer_lowered;
	s6 =	simm.s32 $_tile_overlayer_lowered  }
0x9b: {  	s22 =	simm.s32 $0x1BFF;
	s21 =	sshll.u32 s6, $0x1;
	s3 =	sadd.s32 s4, s19  }
0x9c: {  	s7 =	simm.s32 $0x0;
	s20 =	sshll.u32 s5, $0x1;
	s5 =	sadd.s32 s21, s3  }
0x9d: {  	[timem:s7], [sflag:s22] =	dma.local [hbm:s5], s20  }
0x9e: {  	_ =	swait.ge [sflag:s22], s20  }
0x9f: {  	s4 =	ssub.s32 $0x0, s20;
	[sflag:s22] =	ssyncset.done $0x0  }
0xa0: {  	[sflag:s22] =	ssyncadd.s32 s4;
	_ =	sdelay $0x1  }
0xa1: {  	s23 =	simm.s32 $0x1B8B  }
0xa2: {  	_ =	swait.ge [sflag:s23], $0x1  }
0xa3: {  	[sflag:s23] =	ssyncset.done $0x0  }
0xa4: {  	s25 =	simm.s32 $0x1B8E;
	s24 =	sld [smem:$0x3FFE];
	[sflag:s23] =	ssyncadd.s32 $0xFFFFFFFF  }
0xa5: {  	s26 =	simm.s32 $execute0_lowered;
	[smem:$0x3FD2] =	sst s25  }
0xa6: {  	s5 =	sshll.u32 s26, $0x1;
	_ =	strace $0x80000049;
	[dreg:$0x1] =	wrdreg $0xFFFFFFFF  }
0xa7: {  	s28 =	simm.s32 $_size_execute0_lowered;
	s3 =	sadd.s32 s3, s5;
	[dreg:$0x0] =	wrdreg $0x0  }
0xa8: {  	s5 =	sshll.u32 s28, $0x1;
	[dreg:$0x2] =	wrdreg s3  }
0xa9: {  	[dreg:$0x3] =	wrdreg s5  }
0xaa: {  	[dreg:$0x4] =	wrdreg $0xC0  }
0xab: {  	_ =	task [dreg:s7], $0x5FFFF  }
0xac: {  	[dreg:$0x1] =	wrdreg $0xFFFFFFFF  }
0xad: {  	[dreg:$0x0] =	wrdreg $0x60  }
0xae: {  	[dreg:$0x2] =	wrdreg s24  }
0xaf: {  	[dreg:$0x3] =	wrdreg s2  }
0xb0: {  	[dreg:$0x4] =	wrdreg $0x9  }
0xb1: {  	_ =	task.clear_ibuf [dreg:s7], $0x5FFFF;
	_ =	strace $0x90000049  }
0xb2: {  	s29 =	simm.s32 $0x9;
	_ =	strace $0x8000004B  }
0xb3: {  	_ =	swait.ge [sflag:s29], $0x1  }
0xb4: {  	[sflag:s29] =	ssyncadd.s32 $0xFFFFFFFF  }
0xb5: {  	_ =	strace $0x9000004B  }
0xb6: {  	_ =	sfence  }
0xb7: {  	s30 =	sld [smem:$0x0];
	_ =	sdelay $0x2  }
0xb8: {  	s31 =	sshll.u32 s1, $0xD;
	s1 =	sshrl.u32 s1, $0x2  }
0xb9: {  	s3 =	sand.u32 $0x4000, s31;
	s1 =	sadd.s32 s1, s30  }
0xba: {  	s0 =	sor.u32 s3, s0;
	s1 =	sshll.u32 s1, $0x11  }
0xbb: {  	s0 =	sor.u32 s1, s0  }
0xbc: {  	s0 =	sadd.s32 $0x8F2B, s0  }
0xbd: {  	[sflag:s0] =	ssyncadd.remote.s32 $0x1  }
0xbe: {  	_ =	sfence.sel $0xFFFF  }
0xbf: {  	[dreg:$0x0] =	wrdreg $0xFFFFFFFF;
	(pc) =	sbr.abs _section_cstart, $3  }
0xc0: {  	[dreg:$0x1] =	wrdreg $0xFFFFFFFF  }
0xc1: {  	_ =	task.clear_ibuf [dreg:s7], $0x2FFFF;
	_ =	strace $0x9FFFFFFF  }
0xc2: {  	(tm) =	ssettm $0x7FFFFFFF  }
0xc3: {  	_ =	shalt  }
tec
execute0_lowered:
.L_overlay_start_1:
0x0: {  	(tag) =	ssettag $0x1  }
0x1: {  	s0 =	rddreg [dreg:$0x0]  }
0x2: {  	s1 =	rddreg [dreg:$0x1];
	s3 =	srdreg.scid;
	s2 =	simm.s32 $0x0  }
0x3: {  	s4 =	stileid.u32;
	s11 =	simm.s32 $0xC100;
	s3 =	sand.u32 $0x1, s3  }
0x4: {  	[smem:$0x7FF] =	sst s2;
	s4 =	sshll.u32 s4, $0x7;
	s6 =	sadd.s32 $0x2200, s0  }
0x5: {  	s5 =	sshll.u32 s3, $0x6;
	_ =	strace $0x8000004A;
	s9 =	ssub.s32 $0x2, s3  }
0x6: {  	s3 =	sadd.s32 $0x1E2A00, s0;
	s4 =	sor.u32 s5, s4;
	s10 =	sshrl.u32 s9, $0x1  }
0x7: {  	s5 =	sadd.s32 s6, s4;
	s7 =	sor.u32 $0x8, s4;
	s8 =	smul.u32 $0x300, s4  }
0x8: {  	s15 =	sor.u32 $0x10, s4;
	s18 =	sor.u32 $0x18, s4;
	s21 =	sor.u32 $0x20, s4  }
0x9: {  	s24 =	sor.u32 $0x28, s4;
	s28 =	sor.u32 $0x30, s4;
	s4 =	sor.u32 $0x38, s4  }
0xa: {  	s31 =	ssub.s32 s9, s10;
	[dreg:$0x3] =	wrdreg s5;
	s13 =	sadd.s32 s6, s7  }
0xb: {  	s10 =	simm.s32 $0x2;
	s16 =	sadd.s32 s6, s15;
	[dreg:$0x4] =	wrdreg s13  }
0xc: {  	s7 =	smul.u32 $0x300, s7;
	s19 =	sadd.s32 s6, s18;
	[dreg:$0x6] =	wrdreg s16  }
0xd: {  	s22 =	sadd.s32 s6, s21;
	s25 =	sadd.s32 s6, s24;
	[dreg:$0x8] =	wrdreg s19  }
0xe: {  	s29 =	sadd.s32 s6, s28;
	s5 =	smul.u32 $0x300, s28;
	[dreg:$0xa] =	wrdreg s22  }
0xf: {  	s6 =	sadd.s32 s6, s4;
	s30 =	smul.u32 $0x300, s4;
	[dreg:$0xc] =	wrdreg s25  }
0x10: {  	s4 =	sadd.s32 $0x1E2B00, s0;
	s14 =	sadd.s32 s1, s8;
	[dreg:$0xe] =	wrdreg s29  }
0x11: {  	s8 =	smul.u32 $0x300, s15;
	[dreg:$0x10] =	wrdreg s6;
	s6 =	smax.u32 s31, $0x1  }
0x12: {  	s22 =	simm.s32 $0x100;
	[dreg:$0x5] =	wrdreg s14;
	s17 =	sadd.s32 s1, s7  }
0x13: {  	s7 =	smul.u32 $0x300, s18;
	s5 =	sadd.s32 s1, s5;
	[dreg:$0x7] =	wrdreg s17  }
0x14: {  	s20 =	sadd.s32 s1, s8;
	s8 =	smul.u32 $0x300, s21;
	[dreg:$0x11] =	wrdreg s5  }
0x15: {  	[dreg:$0x9] =	wrdreg s20;
	s23 =	sadd.s32 s1, s7;
	s7 =	smul.u32 $0x300, s24  }
0x16: {  	s15 =	simm.s32 $0x5;
	[dreg:$0xb] =	wrdreg s23;
	s26 =	sadd.s32 s1, s8  }
0x17: {  	v2 =	vlaneseq.u32;
	s14 =	simm.s32 $0x4;
	[dreg:$0xd] =	wrdreg s26;
	s7 =	sadd.s32 s1, s7  }
0x18: {  	vm0 =	vmmov $0xffff;
	v1 =	vshrl.u32 v2, $0x3;
	s5 =	sadd.s32 $0x1E2C00, s0;
	s1 =	sadd.s32 s1, s30;
	[dreg:$0xf] =	wrdreg s7  }
0x19: {  	v0 =	vand.u32 $0x7, v2;
	v2 =	vor.u32 $0x8, v2;
	v1 =	vmul.u32 $0x8, v1;
	s8 =	simm.s32 $0x1;
	[dreg:$0x12] =	wrdreg s1;
	s7 =	simm.s32 $0x3  }
.LBB2_1:
0x1a: {  	s16 =	rddreg [dreg:$0x3]  }
0x1b: {  	[tilespmem:s2], [sflag:$0x1] =	stream.linear.gather [hbm4b:s16+s2], $0x40, $0x38;
	[tilespmem:$0x18100] =	vst v63  }
0x1c: {  	s17 =	rddreg [dreg:$0x4];
	s0 =	simm.s32 $0x80  }
0x1d: {  	[tilespmem:s0], [sflag:$0x2] =	stream.linear.gather [hbm4b:s17+s2], $0x40, $0x38;
	[tilespmem:$0x18100] =	vst v63  }
0x1e: {  	_ =	swait.ge [sflag:s8], $0x40  }
0x1f: {  	[sflag:s8] =	ssyncset.done $0x0  }
0x20: {  	[sflag:s8] =	ssyncadd.s32 $0xFFFFFFC0  }
0x21: {  	v3 =	vld [tilespmem:$0x0];
	_ =	sdelay $0x4  }
0x22: {  	v4 =	vshrl.u32 v3, $0x3  }
0x23: {  	v4 =	vmul.u32 $0x30, v4  }
0x24: {  	v3 =	vand.u32 $0x7, v3  }
0x25: {  	v3 =	vor.u32 v3, v4  }
0x26: {  	v4 =	vperm.xlane v3, v0;
	_ =	sdelay $0x1  }
0x27: {  	v4 =	vadd.s32 v1, v4;
	_ =	sdelay $0x3  }
0x28: {  	v3 =	vperm.xlane v3, v2  }
0x29: {  	[tilespmem:s22], [sflag:$0x3] =	stream.indirect_vreg.gather [hbm4b:s3+s2], $0x80, v4, vm0, $0xb8;
	[tilespmem:$0x18100] =	vst v63  }
0x2a: {  	s19 =	simm.s32 $0x900;
	v3 =	vadd.s32 v1, v3  }
0x2b: {  	[tilespmem:s19], [sflag:$0x3] =	stream.indirect_vreg.gather [hbm4b:s4+s2], $0x80, v4, vm0, $0xb8;
	[tilespmem:$0x18100] =	vst v63  }
0x2c: {  	s20 =	simm.s32 $0x1100  }
0x2d: {  	[tilespmem:s20], [sflag:$0x3] =	stream.indirect_vreg.gather [hbm4b:s5+s2], $0x80, v4, vm0, $0xb8;
	[tilespmem:$0x18100] =	vst v63  }
0x2e: {  	s21 =	simm.s32 $0x1900  }
0x2f: {  	[tilespmem:s21], [sflag:$0x3] =	stream.indirect_vreg.gather [hbm4b:s3+s2], $0x80, v3, vm0, $0xb8;
	[tilespmem:$0x18100] =	vst v63  }
0x30: {  	s23 =	simm.s32 $0x2100  }
0x31: {  	[tilespmem:s23], [sflag:$0x3] =	stream.indirect_vreg.gather [hbm4b:s4+s2], $0x80, v3, vm0, $0xb8;
	[tilespmem:$0x18100] =	vst v63  }
0x32: {  	s24 =	simm.s32 $0x2900  }
0x33: {  	[tilespmem:s24], [sflag:$0x3] =	stream.indirect_vreg.gather [hbm4b:s5+s2], $0x80, v3, vm0, $0xb8;
	[tilespmem:$0x18100] =	vst v63  }
0x34: {  	v3 =	vld [tilespmem:$0x10];
	_ =	sdelay $0x4  }
0x35: {  	v33 =	vshrl.u32 v3, $0x3  }
0x36: {  	v4 =	vmul.u32 $0x30, v33  }
0x37: {  	v3 =	vand.u32 $0x7, v3  }
0x38: {  	v3 =	vor.u32 v3, v4  }
0x39: {  	v4 =	vperm.xlane v3, v0;
	_ =	sdelay $0x1  }
0x3a: {  	v4 =	vadd.s32 v1, v4;
	_ =	sdelay $0x3  }
0x3b: {  	s25 =	simm.s32 $0x3100;
	v3 =	vperm.xlane v3, v2  }
0x3c: {  	[tilespmem:s25], [sflag:$0x3] =	stream.indirect_vreg.gather [hbm4b:s3+s2], $0x80, v4, vm0, $0xb8;
	[tilespmem:$0x18100] =	vst v63  }
0x3d: {  	s26 =	simm.s32 $0x3900;
	v3 =	vadd.s32 v1, v3  }
0x3e: {  	[tilespmem:s26], [sflag:$0x3] =	stream.indirect_vreg.gather [hbm4b:s4+s2], $0x80, v4, vm0, $0xb8;
	[tilespmem:$0x18100] =	vst v63  }
0x3f: {  	s28 =	simm.s32 $0x4100  }
0x40: {  	[tilespmem:s28], [sflag:$0x3] =	stream.indirect_vreg.gather [hbm4b:s5+s2], $0x80, v4, vm0, $0xb8;
	[tilespmem:$0x18100] =	vst v63  }
0x41: {  	s29 =	simm.s32 $0x4900  }
0x42: {  	[tilespmem:s29], [sflag:$0x3] =	stream.indirect_vreg.gather [hbm4b:s3+s2], $0x80, v3, vm0, $0xb8;
	[tilespmem:$0x18100] =	vst v63  }
0x43: {  	s30 =	simm.s32 $0x5100  }
0x44: {  	[tilespmem:s30], [sflag:$0x3] =	stream.indirect_vreg.gather [hbm4b:s4+s2], $0x80, v3, vm0, $0xb8;
	[tilespmem:$0x18100] =	vst v63  }
0x45: {  	s31 =	simm.s32 $0x5900  }
0x46: {  	[tilespmem:s31], [sflag:$0x3] =	stream.indirect_vreg.gather [hbm4b:s5+s2], $0x80, v3, vm0, $0xb8;
	[tilespmem:$0x18100] =	vst v63  }
0x47: {  	v3 =	vld [tilespmem:$0x20];
	_ =	sdelay $0x4  }
0x48: {  	v34 =	vshrl.u32 v3, $0x3  }
0x49: {  	v4 =	vmul.u32 $0x30, v34  }
0x4a: {  	v3 =	vand.u32 $0x7, v3  }
0x4b: {  	v3 =	vor.u32 v3, v4  }
0x4c: {  	v4 =	vperm.xlane v3, v0;
	_ =	sdelay $0x1  }
0x4d: {  	v4 =	vadd.s32 v1, v4;
	_ =	sdelay $0x3  }
0x4e: {  	s9 =	simm.s32 $0x6100;
	v3 =	vperm.xlane v3, v2  }
0x4f: {  	[tilespmem:s9], [sflag:$0x3] =	stream.indirect_vreg.gather [hbm4b:s3+s2], $0x80, v4, vm0, $0xb8;
	[tilespmem:$0x18100] =	vst v63  }
0x50: {  	s16 =	simm.s32 $0x6900;
	v3 =	vadd.s32 v1, v3  }
0x51: {  	[tilespmem:s16], [sflag:$0x3] =	stream.indirect_vreg.gather [hbm4b:s4+s2], $0x80, v4, vm0, $0xb8;
	[tilespmem:$0x18100] =	vst v63  }
0x52: {  	s17 =	simm.s32 $0x7100  }
0x53: {  	[tilespmem:s17], [sflag:$0x3] =	stream.indirect_vreg.gather [hbm4b:s5+s2], $0x80, v4, vm0, $0xb8;
	[tilespmem:$0x18100] =	vst v63  }
0x54: {  	s20 =	simm.s32 $0x7900  }
0x55: {  	[tilespmem:s20], [sflag:$0x3] =	stream.indirect_vreg.gather [hbm4b:s3+s2], $0x80, v3, vm0, $0xb8;
	[tilespmem:$0x18100] =	vst v63  }
0x56: {  	s21 =	simm.s32 $0x8100  }
0x57: {  	[tilespmem:s21], [sflag:$0x3] =	stream.indirect_vreg.gather [hbm4b:s4+s2], $0x80, v3, vm0, $0xb8;
	[tilespmem:$0x18100] =	vst v63  }
0x58: {  	s23 =	simm.s32 $0x8900  }
0x59: {  	[tilespmem:s23], [sflag:$0x3] =	stream.indirect_vreg.gather [hbm4b:s5+s2], $0x80, v3, vm0, $0xb8;
	[tilespmem:$0x18100] =	vst v63  }
0x5a: {  	v3 =	vld [tilespmem:$0x30];
	_ =	sdelay $0x4  }
0x5b: {  	v35 =	vshrl.u32 v3, $0x3  }
0x5c: {  	v4 =	vmul.u32 $0x30, v35  }
0x5d: {  	v3 =	vand.u32 $0x7, v3  }
0x5e: {  	v3 =	vor.u32 v3, v4  }
0x5f: {  	v4 =	vperm.xlane v3, v0;
	_ =	sdelay $0x1  }
0x60: {  	v4 =	vadd.s32 v1, v4;
	_ =	sdelay $0x3  }
0x61: {  	s24 =	simm.s32 $0x9100;
	v3 =	vperm.xlane v3, v2  }
0x62: {  	[tilespmem:s24], [sflag:$0x3] =	stream.indirect_vreg.gather [hbm4b:s3+s2], $0x80, v4, vm0, $0xb8;
	[tilespmem:$0x18100] =	vst v63  }
0x63: {  	s25 =	simm.s32 $0x9900;
	v3 =	vadd.s32 v1, v3  }
0x64: {  	[tilespmem:s25], [sflag:$0x3] =	stream.indirect_vreg.gather [hbm4b:s4+s2], $0x80, v4, vm0, $0xb8;
	[tilespmem:$0x18100] =	vst v63  }
0x65: {  	s26 =	simm.s32 $0xA100  }
0x66: {  	[tilespmem:s26], [sflag:$0x3] =	stream.indirect_vreg.gather [hbm4b:s5+s2], $0x80, v4, vm0, $0xb8;
	[tilespmem:$0x18100] =	vst v63  }
0x67: {  	s28 =	simm.s32 $0xA900  }
0x68: {  	[tilespmem:s28], [sflag:$0x3] =	stream.indirect_vreg.gather [hbm4b:s3+s2], $0x80, v3, vm0, $0xb8;
	[tilespmem:$0x18100] =	vst v63  }
0x69: {  	s29 =	simm.s32 $0xB100  }
0x6a: {  	[tilespmem:s29], [sflag:$0x3] =	stream.indirect_vreg.gather [hbm4b:s4+s2], $0x80, v3, vm0, $0xb8;
	[tilespmem:$0x18100] =	vst v63  }
0x6b: {  	s30 =	simm.s32 $0xB900  }
0x6c: {  	[tilespmem:s30], [sflag:$0x3] =	stream.indirect_vreg.gather [hbm4b:s5+s2], $0x80, v3, vm0, $0xb8;
	[tilespmem:$0x18100] =	vst v63  }
0x6d: {  	_ =	swait.ge [sflag:s7], $0xC000  }
0x6e: {  	[sflag:s7] =	ssyncset.done $0x0  }
0x6f: {  	s31 =	rddreg [dreg:$0x5];
	[sflag:s7] =	ssyncadd.s32 $0xFFFF4000  }
0x70: {  	[hbm4b:s31+s2] =	stream.linear.scatter [tilespmem:s22], [sflag:$0x4], $0xC000, $0x38;
	[tilespmem:$0x18100] =	vst v63  }
0x71: {  	s0 =	rddreg [dreg:$0x6]  }
0x72: {  	[tilespmem:s2], [sflag:$0x1] =	stream.linear.gather [hbm4b:s0+s2], $0x40, $0x38;
	[tilespmem:$0x18100] =	vst v63  }
0x73: {  	_ =	swait.ge [sflag:s10], $0x40  }
0x74: {  	[sflag:s10] =	ssyncset.done $0x0  }
0x75: {  	[sflag:s10] =	ssyncadd.s32 $0xFFFFFFC0  }
0x76: {  	v3 =	vld [tilespmem:$0x80];
	_ =	sdelay $0x4  }
0x77: {  	v36 =	vshrl.u32 v3, $0x3  }
0x78: {  	v4 =	vmul.u32 $0x30, v36  }
0x79: {  	v3 =	vand.u32 $0x7, v3  }
0x7a: {  	v3 =	vor.u32 v3, v4  }
0x7b: {  	v4 =	vperm.xlane v3, v0;
	_ =	sdelay $0x1  }
0x7c: {  	v4 =	vadd.s32 v1, v4;
	_ =	sdelay $0x3  }
0x7d: {  	v3 =	vperm.xlane v3, v2  }
0x7e: {  	[tilespmem:s11], [sflag:$0x3] =	stream.indirect_vreg.gather [hbm4b:s3+s2], $0x80, v4, vm0, $0xb8;
	[tilespmem:$0x18100] =	vst v63  }
0x7f: {  	s9 =	simm.s32 $0xC900;
	v3 =	vadd.s32 v1, v3  }
0x80: {  	[tilespmem:s9], [sflag:$0x3] =	stream.indirect_vreg.gather [hbm4b:s4+s2], $0x80, v4, vm0, $0xb8;
	[tilespmem:$0x18100] =	vst v63  }
0x81: {  	s17 =	simm.s32 $0xD100  }
0x82: {  	[tilespmem:s17], [sflag:$0x3] =	stream.indirect_vreg.gather [hbm4b:s5+s2], $0x80, v4, vm0, $0xb8;
	[tilespmem:$0x18100] =	vst v63  }
0x83: {  	s21 =	simm.s32 $0xD900  }
0x84: {  	[tilespmem:s21], [sflag:$0x3] =	stream.indirect_vreg.gather [hbm4b:s3+s2], $0x80, v3, vm0, $0xb8;
	[tilespmem:$0x18100] =	vst v63  }
0x85: {  	s23 =	simm.s32 $0xE100  }
0x86: {  	[tilespmem:s23], [sflag:$0x3] =	stream.indirect_vreg.gather [hbm4b:s4+s2], $0x80, v3, vm0, $0xb8;
	[tilespmem:$0x18100] =	vst v63  }
0x87: {  	s24 =	simm.s32 $0xE900  }
0x88: {  	[tilespmem:s24], [sflag:$0x3] =	stream.indirect_vreg.gather [hbm4b:s5+s2], $0x80, v3, vm0, $0xb8;
	[tilespmem:$0x18100] =	vst v63  }
0x89: {  	v3 =	vld [tilespmem:$0x90];
	_ =	sdelay $0x4  }
0x8a: {  	v37 =	vshrl.u32 v3, $0x3  }
0x8b: {  	v4 =	vmul.u32 $0x30, v37  }
0x8c: {  	v3 =	vand.u32 $0x7, v3  }
0x8d: {  	v3 =	vor.u32 v3, v4  }
0x8e: {  	v4 =	vperm.xlane v3, v0;
	_ =	sdelay $0x1  }
0x8f: {  	v4 =	vadd.s32 v1, v4;
	_ =	sdelay $0x3  }
0x90: {  	s25 =	simm.s32 $0xF100;
	v3 =	vperm.xlane v3, v2  }
0x91: {  	[tilespmem:s25], [sflag:$0x3] =	stream.indirect_vreg.gather [hbm4b:s3+s2], $0x80, v4, vm0, $0xb8;
	[tilespmem:$0x18100] =	vst v63  }
0x92: {  	s26 =	simm.s32 $0xF900;
	v3 =	vadd.s32 v1, v3  }
0x93: {  	[tilespmem:s26], [sflag:$0x3] =	stream.indirect_vreg.gather [hbm4b:s4+s2], $0x80, v4, vm0, $0xb8;
	[tilespmem:$0x18100] =	vst v63  }
0x94: {  	s28 =	simm.s32 $0x10100  }
0x95: {  	[tilespmem:s28], [sflag:$0x3] =	stream.indirect_vreg.gather [hbm4b:s5+s2], $0x80, v4, vm0, $0xb8;
	[tilespmem:$0x18100] =	vst v63  }
0x96: {  	s29 =	simm.s32 $0x10900  }
0x97: {  	[tilespmem:s29], [sflag:$0x3] =	stream.indirect_vreg.gather [hbm4b:s3+s2], $0x80, v3, vm0, $0xb8;
	[tilespmem:$0x18100] =	vst v63  }
0x98: {  	s30 =	simm.s32 $0x11100  }
0x99: {  	[tilespmem:s30], [sflag:$0x3] =	stream.indirect_vreg.gather [hbm4b:s4+s2], $0x80, v3, vm0, $0xb8;
	[tilespmem:$0x18100] =	vst v63  }
0x9a: {  	s31 =	simm.s32 $0x11900  }
0x9b: {  	[tilespmem:s31], [sflag:$0x3] =	stream.indirect_vreg.gather [hbm4b:s5+s2], $0x80, v3, vm0, $0xb8;
	[tilespmem:$0x18100] =	vst v63  }
0x9c: {  	v3 =	vld [tilespmem:$0xA0];
	_ =	sdelay $0x4  }
0x9d: {  	v38 =	vshrl.u32 v3, $0x3  }
0x9e: {  	v4 =	vmul.u32 $0x30, v38  }
0x9f: {  	v3 =	vand.u32 $0x7, v3  }
0xa0: {  	v3 =	vor.u32 v3, v4  }
0xa1: {  	v4 =	vperm.xlane v3, v0;
	_ =	sdelay $0x1  }
0xa2: {  	v4 =	vadd.s32 v1, v4;
	_ =	sdelay $0x3  }
0xa3: {  	s0 =	simm.s32 $0x12100;
	v3 =	vperm.xlane v3, v2  }
0xa4: {  	[tilespmem:s0], [sflag:$0x3] =	stream.indirect_vreg.gather [hbm4b:s3+s2], $0x80, v4, vm0, $0xb8;
	[tilespmem:$0x18100] =	vst v63  }
0xa5: {  	s9 =	simm.s32 $0x12900;
	v3 =	vadd.s32 v1, v3  }
0xa6: {  	[tilespmem:s9], [sflag:$0x3] =	stream.indirect_vreg.gather [hbm4b:s4+s2], $0x80, v4, vm0, $0xb8;
	[tilespmem:$0x18100] =	vst v63  }
0xa7: {  	s17 =	simm.s32 $0x13100  }
0xa8: {  	[tilespmem:s17], [sflag:$0x3] =	stream.indirect_vreg.gather [hbm4b:s5+s2], $0x80, v4, vm0, $0xb8;
	[tilespmem:$0x18100] =	vst v63  }
0xa9: {  	s21 =	simm.s32 $0x13900  }
0xaa: {  	[tilespmem:s21], [sflag:$0x3] =	stream.indirect_vreg.gather [hbm4b:s3+s2], $0x80, v3, vm0, $0xb8;
	[tilespmem:$0x18100] =	vst v63  }
0xab: {  	s23 =	simm.s32 $0x14100  }
0xac: {  	[tilespmem:s23], [sflag:$0x3] =	stream.indirect_vreg.gather [hbm4b:s4+s2], $0x80, v3, vm0, $0xb8;
	[tilespmem:$0x18100] =	vst v63  }
0xad: {  	s24 =	simm.s32 $0x14900  }
0xae: {  	[tilespmem:s24], [sflag:$0x3] =	stream.indirect_vreg.gather [hbm4b:s5+s2], $0x80, v3, vm0, $0xb8;
	[tilespmem:$0x18100] =	vst v63  }
0xaf: {  	v3 =	vld [tilespmem:$0xB0];
	_ =	sdelay $0x4  }
0xb0: {  	v39 =	vshrl.u32 v3, $0x3  }
0xb1: {  	v4 =	vmul.u32 $0x30, v39  }
0xb2: {  	v3 =	vand.u32 $0x7, v3  }
0xb3: {  	v3 =	vor.u32 v3, v4  }
0xb4: {  	v4 =	vperm.xlane v3, v0;
	_ =	sdelay $0x1  }
0xb5: {  	v4 =	vadd.s32 v1, v4;
	_ =	sdelay $0x3  }
0xb6: {  	s25 =	simm.s32 $0x15100;
	v3 =	vperm.xlane v3, v2  }
0xb7: {  	[tilespmem:s25], [sflag:$0x3] =	stream.indirect_vreg.gather [hbm4b:s3+s2], $0x80, v4, vm0, $0xb8;
	[tilespmem:$0x18100] =	vst v63  }
0xb8: {  	s26 =	simm.s32 $0x15900;
	v3 =	vadd.s32 v1, v3  }
0xb9: {  	[tilespmem:s26], [sflag:$0x3] =	stream.indirect_vreg.gather [hbm4b:s4+s2], $0x80, v4, vm0, $0xb8;
	[tilespmem:$0x18100] =	vst v63  }
0xba: {  	s28 =	simm.s32 $0x16100  }
0xbb: {  	[tilespmem:s28], [sflag:$0x3] =	stream.indirect_vreg.gather [hbm4b:s5+s2], $0x80, v4, vm0, $0xb8;
	[tilespmem:$0x18100] =	vst v63  }
0xbc: {  	s29 =	simm.s32 $0x16900  }
0xbd: {  	[tilespmem:s29], [sflag:$0x3] =	stream.indirect_vreg.gather [hbm4b:s3+s2], $0x80, v3, vm0, $0xb8;
	[tilespmem:$0x18100] =	vst v63  }
0xbe: {  	s30 =	simm.s32 $0x17100  }
0xbf: {  	[tilespmem:s30], [sflag:$0x3] =	stream.indirect_vreg.gather [hbm4b:s4+s2], $0x80, v3, vm0, $0xb8;
	[tilespmem:$0x18100] =	vst v63  }
0xc0: {  	s31 =	simm.s32 $0x17900  }
0xc1: {  	[tilespmem:s31], [sflag:$0x3] =	stream.indirect_vreg.gather [hbm4b:s5+s2], $0x80, v3, vm0, $0xb8;
	[tilespmem:$0x18100] =	vst v63  }
0xc2: {  	_ =	swait.ge [sflag:s7], $0xC000  }
0xc3: {  	[sflag:s7] =	ssyncset.done $0x0  }
0xc4: {  	s0 =	rddreg [dreg:$0x7];
	[sflag:s7] =	ssyncadd.s32 $0xFFFF4000  }
0xc5: {  	[hbm4b:s0+s2] =	stream.linear.scatter [tilespmem:s11], [sflag:$0x5], $0xC000, $0x38;
	[tilespmem:$0x18100] =	vst v63  }
0xc6: {  	s1 =	simm.s32 $0x80;
	s9 =	rddreg [dreg:$0x8]  }
0xc7: {  	[tilespmem:s1], [sflag:$0x2] =	stream.linear.gather [hbm4b:s9+s2], $0x40, $0x38;
	[tilespmem:$0x18100] =	vst v63  }
0xc8: {  	_ =	swait.ge [sflag:s8], $0x40  }
0xc9: {  	[sflag:s8] =	ssyncset.done $0x0  }
0xca: {  	[sflag:s8] =	ssyncadd.s32 $0xFFFFFFC0  }
0xcb: {  	_ =	swait.ge [sflag:s14], $0xC000  }
0xcc: {  	[sflag:s14] =	ssyncset.done $0x0  }
0xcd: {  	[sflag:s14] =	ssyncadd.s32 $0xFFFF4000  }
0xce: {  	v3 =	vld [tilespmem:$0x0];
	_ =	sdelay $0x4  }
0xcf: {  	v40 =	vshrl.u32 v3, $0x3  }
0xd0: {  	v4 =	vmul.u32 $0x30, v40  }
0xd1: {  	v3 =	vand.u32 $0x7, v3  }
0xd2: {  	v3 =	vor.u32 v3, v4  }
0xd3: {  	v4 =	vperm.xlane v3, v0;
	_ =	sdelay $0x1  }
0xd4: {  	v4 =	vadd.s32 v1, v4;
	_ =	sdelay $0x3  }
0xd5: {  	v3 =	vperm.xlane v3, v2  }
0xd6: {  	[tilespmem:s22], [sflag:$0x3] =	stream.indirect_vreg.gather [hbm4b:s3+s2], $0x80, v4, vm0, $0xb8;
	[tilespmem:$0x18100] =	vst v63  }
0xd7: {  	s0 =	simm.s32 $0x900;
	v3 =	vadd.s32 v1, v3  }
0xd8: {  	[tilespmem:s0], [sflag:$0x3] =	stream.indirect_vreg.gather [hbm4b:s4+s2], $0x80, v4, vm0, $0xb8;
	[tilespmem:$0x18100] =	vst v63  }
0xd9: {  	s1 =	simm.s32 $0x1100  }
0xda: {  	[tilespmem:s1], [sflag:$0x3] =	stream.indirect_vreg.gather [hbm4b:s5+s2], $0x80, v4, vm0, $0xb8;
	[tilespmem:$0x18100] =	vst v63  }
0xdb: {  	s9 =	simm.s32 $0x1900  }
0xdc: {  	[tilespmem:s9], [sflag:$0x3] =	stream.indirect_vreg.gather [hbm4b:s3+s2], $0x80, v3, vm0, $0xb8;
	[tilespmem:$0x18100] =	vst v63  }
0xdd: {  	s23 =	simm.s32 $0x2100  }
0xde: {  	[tilespmem:s23], [sflag:$0x3] =	stream.indirect_vreg.gather [hbm4b:s4+s2], $0x80, v3, vm0, $0xb8;
	[tilespmem:$0x18100] =	vst v63  }
0xdf: {  	s12 =	simm.s32 $0x2900  }
0xe0: {  	[tilespmem:s12], [sflag:$0x3] =	stream.indirect_vreg.gather [hbm4b:s5+s2], $0x80, v3, vm0, $0xb8;
	[tilespmem:$0x18100] =	vst v63  }
0xe1: {  	v3 =	vld [tilespmem:$0x10];
	_ =	sdelay $0x4  }
0xe2: {  	v41 =	vshrl.u32 v3, $0x3  }
0xe3: {  	v4 =	vmul.u32 $0x30, v41  }
0xe4: {  	v3 =	vand.u32 $0x7, v3  }
0xe5: {  	v3 =	vor.u32 v3, v4  }
0xe6: {  	v4 =	vperm.xlane v3, v0;
	_ =	sdelay $0x1  }
0xe7: {  	v4 =	vadd.s32 v1, v4;
	_ =	sdelay $0x3  }
0xe8: {  	s13 =	simm.s32 $0x3100;
	v3 =	vperm.xlane v3, v2  }
0xe9: {  	[tilespmem:s13], [sflag:$0x3] =	stream.indirect_vreg.gather [hbm4b:s3+s2], $0x80, v4, vm0, $0xb8;
	[tilespmem:$0x18100] =	vst v63  }
0xea: {  	s24 =	simm.s32 $0x3900;
	v3 =	vadd.s32 v1, v3  }
0xeb: {  	[tilespmem:s24], [sflag:$0x3] =	stream.indirect_vreg.gather [hbm4b:s4+s2], $0x80, v4, vm0, $0xb8;
	[tilespmem:$0x18100] =	vst v63  }
0xec: {  	s25 =	simm.s32 $0x4100  }
0xed: {  	[tilespmem:s25], [sflag:$0x3] =	stream.indirect_vreg.gather [hbm4b:s5+s2], $0x80, v4, vm0, $0xb8;
	[tilespmem:$0x18100] =	vst v63  }
0xee: {  	s26 =	simm.s32 $0x4900  }
0xef: {  	[tilespmem:s26], [sflag:$0x3] =	stream.indirect_vreg.gather [hbm4b:s3+s2], $0x80, v3, vm0, $0xb8;
	[tilespmem:$0x18100] =	vst v63  }
0xf0: {  	s28 =	simm.s32 $0x5100  }
0xf1: {  	[tilespmem:s28], [sflag:$0x3] =	stream.indirect_vreg.gather [hbm4b:s4+s2], $0x80, v3, vm0, $0xb8;
	[tilespmem:$0x18100] =	vst v63  }
0xf2: {  	s18 =	simm.s32 $0x5900  }
0xf3: {  	[tilespmem:s18], [sflag:$0x3] =	stream.indirect_vreg.gather [hbm4b:s5+s2], $0x80, v3, vm0, $0xb8;
	[tilespmem:$0x18100] =	vst v63  }
0xf4: {  	v3 =	vld [tilespmem:$0x20];
	_ =	sdelay $0x4  }
0xf5: {  	v42 =	vshrl.u32 v3, $0x3  }
0xf6: {  	v4 =	vmul.u32 $0x30, v42  }
0xf7: {  	v3 =	vand.u32 $0x7, v3  }
0xf8: {  	v3 =	vor.u32 v3, v4  }
0xf9: {  	v4 =	vperm.xlane v3, v0;
	_ =	sdelay $0x1  }
0xfa: {  	v4 =	vadd.s32 v1, v4;
	_ =	sdelay $0x3  }
0xfb: {  	s19 =	simm.s32 $0x6100;
	v3 =	vperm.xlane v3, v2  }
0xfc: {  	[tilespmem:s19], [sflag:$0x3] =	stream.indirect_vreg.gather [hbm4b:s3+s2], $0x80, v4, vm0, $0xb8;
	[tilespmem:$0x18100] =	vst v63  }
0xfd: {  	s29 =	simm.s32 $0x6900;
	v3 =	vadd.s32 v1, v3  }
0xfe: {  	[tilespmem:s29], [sflag:$0x3] =	stream.indirect_vreg.gather [hbm4b:s4+s2], $0x80, v4, vm0, $0xb8;
	[tilespmem:$0x18100] =	vst v63  }
0xff: {  	s30 =	simm.s32 $0x7100  }
0x100: {  	[tilespmem:s30], [sflag:$0x3] =	stream.indirect_vreg.gather [hbm4b:s5+s2], $0x80, v4, vm0, $0xb8;
	[tilespmem:$0x18100] =	vst v63  }
0x101: {  	s31 =	simm.s32 $0x7900  }
0x102: {  	[tilespmem:s31], [sflag:$0x3] =	stream.indirect_vreg.gather [hbm4b:s3+s2], $0x80, v3, vm0, $0xb8;
	[tilespmem:$0x18100] =	vst v63  }
0x103: {  	s12 =	simm.s32 $0x8100  }
0x104: {  	[tilespmem:s12], [sflag:$0x3] =	stream.indirect_vreg.gather [hbm4b:s4+s2], $0x80, v3, vm0, $0xb8;
	[tilespmem:$0x18100] =	vst v63  }
0x105: {  	s20 =	simm.s32 $0x8900  }
0x106: {  	[tilespmem:s20], [sflag:$0x3] =	stream.indirect_vreg.gather [hbm4b:s5+s2], $0x80, v3, vm0, $0xb8;
	[tilespmem:$0x18100] =	vst v63  }
0x107: {  	v3 =	vld [tilespmem:$0x30];
	_ =	sdelay $0x4  }
0x108: {  	v43 =	vshrl.u32 v3, $0x3  }
0x109: {  	v4 =	vmul.u32 $0x30, v43  }
0x10a: {  	v3 =	vand.u32 $0x7, v3  }
0x10b: {  	v3 =	vor.u32 v3, v4  }
0x10c: {  	v4 =	vperm.xlane v3, v0;
	_ =	sdelay $0x1  }
0x10d: {  	v4 =	vadd.s32 v1, v4;
	_ =	sdelay $0x3  }
0x10e: {  	s21 =	simm.s32 $0x9100;
	v3 =	vperm.xlane v3, v2  }
0x10f: {  	[tilespmem:s21], [sflag:$0x3] =	stream.indirect_vreg.gather [hbm4b:s3+s2], $0x80, v4, vm0, $0xb8;
	[tilespmem:$0x18100] =	vst v63  }
0x110: {  	s13 =	simm.s32 $0x9900;
	v3 =	vadd.s32 v1, v3  }
0x111: {  	[tilespmem:s13], [sflag:$0x3] =	stream.indirect_vreg.gather [hbm4b:s4+s2], $0x80, v4, vm0, $0xb8;
	[tilespmem:$0x18100] =	vst v63  }
0x112: {  	s18 =	simm.s32 $0xA100  }
0x113: {  	[tilespmem:s18], [sflag:$0x3] =	stream.indirect_vreg.gather [hbm4b:s5+s2], $0x80, v4, vm0, $0xb8;
	[tilespmem:$0x18100] =	vst v63  }
0x114: {  	s19 =	simm.s32 $0xA900  }
0x115: {  	[tilespmem:s19], [sflag:$0x3] =	stream.indirect_vreg.gather [hbm4b:s3+s2], $0x80, v3, vm0, $0xb8;
	[tilespmem:$0x18100] =	vst v63  }
0x116: {  	s20 =	simm.s32 $0xB100  }
0x117: {  	[tilespmem:s20], [sflag:$0x3] =	stream.indirect_vreg.gather [hbm4b:s4+s2], $0x80, v3, vm0, $0xb8;
	[tilespmem:$0x18100] =	vst v63  }
0x118: {  	s17 =	simm.s32 $0xB900  }
0x119: {  	[tilespmem:s17], [sflag:$0x3] =	stream.indirect_vreg.gather [hbm4b:s5+s2], $0x80, v3, vm0, $0xb8;
	[tilespmem:$0x18100] =	vst v63  }
0x11a: {  	_ =	swait.ge [sflag:s7], $0xC000  }
0x11b: {  	[sflag:s7] =	ssyncset.done $0x0  }
0x11c: {  	s16 =	rddreg [dreg:$0x9];
	[sflag:s7] =	ssyncadd.s32 $0xFFFF4000  }
0x11d: {  	[hbm4b:s16+s2] =	stream.linear.scatter [tilespmem:s22], [sflag:$0x4], $0xC000, $0x38;
	[tilespmem:$0x18100] =	vst v63  }
0x11e: {  	s17 =	rddreg [dreg:$0xa]  }
0x11f: {  	[tilespmem:s2], [sflag:$0x1] =	stream.linear.gather [hbm4b:s17+s2], $0x40, $0x38;
	[tilespmem:$0x18100] =	vst v63  }
0x120: {  	_ =	swait.ge [sflag:s10], $0x40  }
0x121: {  	[sflag:s10] =	ssyncset.done $0x0  }
0x122: {  	[sflag:s10] =	ssyncadd.s32 $0xFFFFFFC0  }
0x123: {  	_ =	swait.ge [sflag:s15], $0xC000  }
0x124: {  	[sflag:s15] =	ssyncset.done $0x0  }
0x125: {  	[sflag:s15] =	ssyncadd.s32 $0xFFFF4000  }
0x126: {  	v3 =	vld [tilespmem:$0x80];
	_ =	sdelay $0x4  }
0x127: {  	v44 =	vshrl.u32 v3, $0x3  }
0x128: {  	v4 =	vmul.u32 $0x30, v44  }
0x129: {  	v3 =	vand.u32 $0x7, v3  }
0x12a: {  	v3 =	vor.u32 v3, v4  }
0x12b: {  	v4 =	vperm.xlane v3, v0;
	_ =	sdelay $0x1  }
0x12c: {  	v4 =	vadd.s32 v1, v4;
	_ =	sdelay $0x3  }
0x12d: {  	v3 =	vperm.xlane v3, v2  }
0x12e: {  	[tilespmem:s11], [sflag:$0x3] =	stream.indirect_vreg.gather [hbm4b:s3+s2], $0x80, v4, vm0, $0xb8;
	[tilespmem:$0x18100] =	vst v63  }
0x12f: {  	s17 =	simm.s32 $0xC900;
	v3 =	vadd.s32 v1, v3  }
0x130: {  	[tilespmem:s17], [sflag:$0x3] =	stream.indirect_vreg.gather [hbm4b:s4+s2], $0x80, v4, vm0, $0xb8;
	[tilespmem:$0x18100] =	vst v63  }
0x131: {  	s17 =	simm.s32 $0xD100  }
0x132: {  	[tilespmem:s17], [sflag:$0x3] =	stream.indirect_vreg.gather [hbm4b:s5+s2], $0x80, v4, vm0, $0xb8;
	[tilespmem:$0x18100] =	vst v63  }
0x133: {  	s17 =	simm.s32 $0xD900  }
0x134: {  	[tilespmem:s17], [sflag:$0x3] =	stream.indirect_vreg.gather [hbm4b:s3+s2], $0x80, v3, vm0, $0xb8;
	[tilespmem:$0x18100] =	vst v63  }
0x135: {  	s17 =	simm.s32 $0xE100  }
0x136: {  	[tilespmem:s17], [sflag:$0x3] =	stream.indirect_vreg.gather [hbm4b:s4+s2], $0x80, v3, vm0, $0xb8;
	[tilespmem:$0x18100] =	vst v63  }
0x137: {  	s17 =	simm.s32 $0xE900  }
0x138: {  	[tilespmem:s17], [sflag:$0x3] =	stream.indirect_vreg.gather [hbm4b:s5+s2], $0x80, v3, vm0, $0xb8;
	[tilespmem:$0x18100] =	vst v63  }
0x139: {  	v3 =	vld [tilespmem:$0x90];
	_ =	sdelay $0x4  }
0x13a: {  	v45 =	vshrl.u32 v3, $0x3  }
0x13b: {  	v4 =	vmul.u32 $0x30, v45  }
0x13c: {  	v3 =	vand.u32 $0x7, v3  }
0x13d: {  	v3 =	vor.u32 v3, v4  }
0x13e: {  	v4 =	vperm.xlane v3, v0;
	_ =	sdelay $0x1  }
0x13f: {  	v4 =	vadd.s32 v1, v4;
	_ =	sdelay $0x3  }
0x140: {  	s17 =	simm.s32 $0xF100;
	v3 =	vperm.xlane v3, v2  }
0x141: {  	[tilespmem:s17], [sflag:$0x3] =	stream.indirect_vreg.gather [hbm4b:s3+s2], $0x80, v4, vm0, $0xb8;
	[tilespmem:$0x18100] =	vst v63  }
0x142: {  	v3 =	vadd.s32 v1, v3;
	s17 =	simm.s32 $0xF900  }
0x143: {  	[tilespmem:s17], [sflag:$0x3] =	stream.indirect_vreg.gather [hbm4b:s4+s2], $0x80, v4, vm0, $0xb8;
	[tilespmem:$0x18100] =	vst v63  }
0x144: {  	s17 =	simm.s32 $0x10100  }
0x145: {  	[tilespmem:s17], [sflag:$0x3] =	stream.indirect_vreg.gather [hbm4b:s5+s2], $0x80, v4, vm0, $0xb8;
	[tilespmem:$0x18100] =	vst v63  }
0x146: {  	s17 =	simm.s32 $0x10900  }
0x147: {  	[tilespmem:s17], [sflag:$0x3] =	stream.indirect_vreg.gather [hbm4b:s3+s2], $0x80, v3, vm0, $0xb8;
	[tilespmem:$0x18100] =	vst v63  }
0x148: {  	s17 =	simm.s32 $0x11100  }
0x149: {  	[tilespmem:s17], [sflag:$0x3] =	stream.indirect_vreg.gather [hbm4b:s4+s2], $0x80, v3, vm0, $0xb8;
	[tilespmem:$0x18100] =	vst v63  }
0x14a: {  	s17 =	simm.s32 $0x11900  }
0x14b: {  	[tilespmem:s17], [sflag:$0x3] =	stream.indirect_vreg.gather [hbm4b:s5+s2], $0x80, v3, vm0, $0xb8;
	[tilespmem:$0x18100] =	vst v63  }
0x14c: {  	v3 =	vld [tilespmem:$0xA0];
	_ =	sdelay $0x4  }
0x14d: {  	v46 =	vshrl.u32 v3, $0x3  }
0x14e: {  	v4 =	vmul.u32 $0x30, v46  }
0x14f: {  	v3 =	vand.u32 $0x7, v3  }
0x150: {  	v3 =	vor.u32 v3, v4  }
0x151: {  	v4 =	vperm.xlane v3, v0;
	_ =	sdelay $0x1  }
0x152: {  	v4 =	vadd.s32 v1, v4;
	_ =	sdelay $0x3  }
0x153: {  	s17 =	simm.s32 $0x12100;
	v3 =	vperm.xlane v3, v2  }
0x154: {  	[tilespmem:s17], [sflag:$0x3] =	stream.indirect_vreg.gather [hbm4b:s3+s2], $0x80, v4, vm0, $0xb8;
	[tilespmem:$0x18100] =	vst v63  }
0x155: {  	v3 =	vadd.s32 v1, v3;
	s17 =	simm.s32 $0x12900  }
0x156: {  	[tilespmem:s17], [sflag:$0x3] =	stream.indirect_vreg.gather [hbm4b:s4+s2], $0x80, v4, vm0, $0xb8;
	[tilespmem:$0x18100] =	vst v63  }
0x157: {  	s17 =	simm.s32 $0x13100  }
0x158: {  	[tilespmem:s17], [sflag:$0x3] =	stream.indirect_vreg.gather [hbm4b:s5+s2], $0x80, v4, vm0, $0xb8;
	[tilespmem:$0x18100] =	vst v63  }
0x159: {  	s17 =	simm.s32 $0x13900  }
0x15a: {  	[tilespmem:s17], [sflag:$0x3] =	stream.indirect_vreg.gather [hbm4b:s3+s2], $0x80, v3, vm0, $0xb8;
	[tilespmem:$0x18100] =	vst v63  }
0x15b: {  	s17 =	simm.s32 $0x14100  }
0x15c: {  	[tilespmem:s17], [sflag:$0x3] =	stream.indirect_vreg.gather [hbm4b:s4+s2], $0x80, v3, vm0, $0xb8;
	[tilespmem:$0x18100] =	vst v63  }
0x15d: {  	s17 =	simm.s32 $0x14900  }
0x15e: {  	[tilespmem:s17], [sflag:$0x3] =	stream.indirect_vreg.gather [hbm4b:s5+s2], $0x80, v3, vm0, $0xb8;
	[tilespmem:$0x18100] =	vst v63  }
0x15f: {  	v3 =	vld [tilespmem:$0xB0];
	_ =	sdelay $0x4  }
0x160: {  	v47 =	vshrl.u32 v3, $0x3  }
0x161: {  	v4 =	vmul.u32 $0x30, v47  }
0x162: {  	v3 =	vand.u32 $0x7, v3  }
0x163: {  	v3 =	vor.u32 v3, v4  }
0x164: {  	v4 =	vperm.xlane v3, v0;
	_ =	sdelay $0x1  }
0x165: {  	v4 =	vadd.s32 v1, v4;
	_ =	sdelay $0x3  }
0x166: {  	s17 =	simm.s32 $0x15100;
	v3 =	vperm.xlane v3, v2  }
0x167: {  	[tilespmem:s17], [sflag:$0x3] =	stream.indirect_vreg.gather [hbm4b:s3+s2], $0x80, v4, vm0, $0xb8;
	[tilespmem:$0x18100] =	vst v63  }
0x168: {  	v3 =	vadd.s32 v1, v3;
	s17 =	simm.s32 $0x15900  }
0x169: {  	[tilespmem:s17], [sflag:$0x3] =	stream.indirect_vreg.gather [hbm4b:s4+s2], $0x80, v4, vm0, $0xb8;
	[tilespmem:$0x18100] =	vst v63  }
0x16a: {  	s17 =	simm.s32 $0x16100  }
0x16b: {  	[tilespmem:s17], [sflag:$0x3] =	stream.indirect_vreg.gather [hbm4b:s5+s2], $0x80, v4, vm0, $0xb8;
	[tilespmem:$0x18100] =	vst v63  }
0x16c: {  	s17 =	simm.s32 $0x16900  }
0x16d: {  	[tilespmem:s17], [sflag:$0x3] =	stream.indirect_vreg.gather [hbm4b:s3+s2], $0x80, v3, vm0, $0xb8;
	[tilespmem:$0x18100] =	vst v63  }
0x16e: {  	s17 =	simm.s32 $0x17100  }
0x16f: {  	[tilespmem:s17], [sflag:$0x3] =	stream.indirect_vreg.gather [hbm4b:s4+s2], $0x80, v3, vm0, $0xb8;
	[tilespmem:$0x18100] =	vst v63  }
0x170: {  	s17 =	simm.s32 $0x17900  }
0x171: {  	[tilespmem:s17], [sflag:$0x3] =	stream.indirect_vreg.gather [hbm4b:s5+s2], $0x80, v3, vm0, $0xb8;
	[tilespmem:$0x18100] =	vst v63  }
0x172: {  	_ =	swait.ge [sflag:s7], $0xC000  }
0x173: {  	[sflag:s7] =	ssyncset.done $0x0  }
0x174: {  	s16 =	rddreg [dreg:$0xb];
	[sflag:s7] =	ssyncadd.s32 $0xFFFF4000  }
0x175: {  	[hbm4b:s16+s2] =	stream.linear.scatter [tilespmem:s11], [sflag:$0x5], $0xC000, $0x38;
	[tilespmem:$0x18100] =	vst v63  }
0x176: {  	s17 =	rddreg [dreg:$0xc];
	s16 =	simm.s32 $0x80  }
0x177: {  	[tilespmem:s16], [sflag:$0x2] =	stream.linear.gather [hbm4b:s17+s2], $0x40, $0x38;
	[tilespmem:$0x18100] =	vst v63  }
0x178: {  	_ =	swait.ge [sflag:s8], $0x40  }
0x179: {  	[sflag:s8] =	ssyncset.done $0x0  }
0x17a: {  	[sflag:s8] =	ssyncadd.s32 $0xFFFFFFC0  }
0x17b: {  	_ =	swait.ge [sflag:s14], $0xC000  }
0x17c: {  	[sflag:s14] =	ssyncset.done $0x0  }
0x17d: {  	[sflag:s14] =	ssyncadd.s32 $0xFFFF4000  }
0x17e: {  	v3 =	vld [tilespmem:$0x0];
	_ =	sdelay $0x4  }
0x17f: {  	v48 =	vshrl.u32 v3, $0x3  }
0x180: {  	v4 =	vmul.u32 $0x30, v48  }
0x181: {  	v3 =	vand.u32 $0x7, v3  }
0x182: {  	v3 =	vor.u32 v3, v4  }
0x183: {  	v4 =	vperm.xlane v3, v0;
	_ =	sdelay $0x1  }
0x184: {  	v4 =	vadd.s32 v1, v4;
	_ =	sdelay $0x3  }
0x185: {  	v3 =	vperm.xlane v3, v2  }
0x186: {  	[tilespmem:s22], [sflag:$0x3] =	stream.indirect_vreg.gather [hbm4b:s3+s2], $0x80, v4, vm0, $0xb8;
	[tilespmem:$0x18100] =	vst v63  }
0x187: {  	v3 =	vadd.s32 v1, v3  }
0x188: {  	[tilespmem:s0], [sflag:$0x3] =	stream.indirect_vreg.gather [hbm4b:s4+s2], $0x80, v4, vm0, $0xb8;
	[tilespmem:$0x18100] =	vst v63  }
0x189: {  	_ = 	snop  }
0x18a: {  	[tilespmem:s1], [sflag:$0x3] =	stream.indirect_vreg.gather [hbm4b:s5+s2], $0x80, v4, vm0, $0xb8;
	[tilespmem:$0x18100] =	vst v63  }
0x18b: {  	_ = 	snop  }
0x18c: {  	[tilespmem:s9], [sflag:$0x3] =	stream.indirect_vreg.gather [hbm4b:s3+s2], $0x80, v3, vm0, $0xb8;
	[tilespmem:$0x18100] =	vst v63  }
0x18d: {  	_ = 	snop  }
0x18e: {  	[tilespmem:s23], [sflag:$0x3] =	stream.indirect_vreg.gather [hbm4b:s4+s2], $0x80, v3, vm0, $0xb8;
	[tilespmem:$0x18100] =	vst v63  }
0x18f: {  	s17 =	simm.s32 $0x2900  }
0x190: {  	[tilespmem:s17], [sflag:$0x3] =	stream.indirect_vreg.gather [hbm4b:s5+s2], $0x80, v3, vm0, $0xb8;
	[tilespmem:$0x18100] =	vst v63  }
0x191: {  	v3 =	vld [tilespmem:$0x10];
	_ =	sdelay $0x4  }
0x192: {  	v49 =	vshrl.u32 v3, $0x3  }
0x193: {  	v4 =	vmul.u32 $0x30, v49  }
0x194: {  	v3 =	vand.u32 $0x7, v3  }
0x195: {  	v3 =	vor.u32 v3, v4  }
0x196: {  	v4 =	vperm.xlane v3, v0;
	_ =	sdelay $0x1  }
0x197: {  	v4 =	vadd.s32 v1, v4;
	_ =	sdelay $0x3  }
0x198: {  	s23 =	simm.s32 $0x3100;
	v3 =	vperm.xlane v3, v2  }
0x199: {  	[tilespmem:s23], [sflag:$0x3] =	stream.indirect_vreg.gather [hbm4b:s3+s2], $0x80, v4, vm0, $0xb8;
	[tilespmem:$0x18100] =	vst v63  }
0x19a: {  	v3 =	vadd.s32 v1, v3  }
0x19b: {  	[tilespmem:s24], [sflag:$0x3] =	stream.indirect_vreg.gather [hbm4b:s4+s2], $0x80, v4, vm0, $0xb8;
	[tilespmem:$0x18100] =	vst v63  }
0x19c: {  	_ = 	snop  }
0x19d: {  	[tilespmem:s25], [sflag:$0x3] =	stream.indirect_vreg.gather [hbm4b:s5+s2], $0x80, v4, vm0, $0xb8;
	[tilespmem:$0x18100] =	vst v63  }
0x19e: {  	_ = 	snop  }
0x19f: {  	[tilespmem:s26], [sflag:$0x3] =	stream.indirect_vreg.gather [hbm4b:s3+s2], $0x80, v3, vm0, $0xb8;
	[tilespmem:$0x18100] =	vst v63  }
0x1a0: {  	_ = 	snop  }
0x1a1: {  	[tilespmem:s28], [sflag:$0x3] =	stream.indirect_vreg.gather [hbm4b:s4+s2], $0x80, v3, vm0, $0xb8;
	[tilespmem:$0x18100] =	vst v63  }
0x1a2: {  	s26 =	simm.s32 $0x5900  }
0x1a3: {  	[tilespmem:s26], [sflag:$0x3] =	stream.indirect_vreg.gather [hbm4b:s5+s2], $0x80, v3, vm0, $0xb8;
	[tilespmem:$0x18100] =	vst v63  }
0x1a4: {  	v3 =	vld [tilespmem:$0x20];
	_ =	sdelay $0x4  }
0x1a5: {  	v50 =	vshrl.u32 v3, $0x3  }
0x1a6: {  	v4 =	vmul.u32 $0x30, v50  }
0x1a7: {  	v3 =	vand.u32 $0x7, v3  }
0x1a8: {  	v3 =	vor.u32 v3, v4  }
0x1a9: {  	v4 =	vperm.xlane v3, v0;
	_ =	sdelay $0x1  }
0x1aa: {  	v4 =	vadd.s32 v1, v4;
	_ =	sdelay $0x3  }
0x1ab: {  	s28 =	simm.s32 $0x6100;
	v3 =	vperm.xlane v3, v2  }
0x1ac: {  	[tilespmem:s28], [sflag:$0x3] =	stream.indirect_vreg.gather [hbm4b:s3+s2], $0x80, v4, vm0, $0xb8;
	[tilespmem:$0x18100] =	vst v63  }
0x1ad: {  	v3 =	vadd.s32 v1, v3  }
0x1ae: {  	[tilespmem:s29], [sflag:$0x3] =	stream.indirect_vreg.gather [hbm4b:s4+s2], $0x80, v4, vm0, $0xb8;
	[tilespmem:$0x18100] =	vst v63  }
0x1af: {  	_ = 	snop  }
0x1b0: {  	[tilespmem:s30], [sflag:$0x3] =	stream.indirect_vreg.gather [hbm4b:s5+s2], $0x80, v4, vm0, $0xb8;
	[tilespmem:$0x18100] =	vst v63  }
0x1b1: {  	_ = 	snop  }
0x1b2: {  	[tilespmem:s31], [sflag:$0x3] =	stream.indirect_vreg.gather [hbm4b:s3+s2], $0x80, v3, vm0, $0xb8;
	[tilespmem:$0x18100] =	vst v63  }
0x1b3: {  	_ = 	snop  }
0x1b4: {  	[tilespmem:s12], [sflag:$0x3] =	stream.indirect_vreg.gather [hbm4b:s4+s2], $0x80, v3, vm0, $0xb8;
	[tilespmem:$0x18100] =	vst v63  }
0x1b5: {  	s29 =	simm.s32 $0x8900  }
0x1b6: {  	[tilespmem:s29], [sflag:$0x3] =	stream.indirect_vreg.gather [hbm4b:s5+s2], $0x80, v3, vm0, $0xb8;
	[tilespmem:$0x18100] =	vst v63  }
0x1b7: {  	v3 =	vld [tilespmem:$0x30];
	_ =	sdelay $0x4  }
0x1b8: {  	v51 =	vshrl.u32 v3, $0x3  }
0x1b9: {  	v4 =	vmul.u32 $0x30, v51  }
0x1ba: {  	v3 =	vand.u32 $0x7, v3  }
0x1bb: {  	v3 =	vor.u32 v3, v4  }
0x1bc: {  	v4 =	vperm.xlane v3, v0;
	_ =	sdelay $0x1  }
0x1bd: {  	v4 =	vadd.s32 v1, v4;
	_ =	sdelay $0x3  }
0x1be: {  	v3 =	vperm.xlane v3, v2  }
0x1bf: {  	[tilespmem:s21], [sflag:$0x3] =	stream.indirect_vreg.gather [hbm4b:s3+s2], $0x80, v4, vm0, $0xb8;
	[tilespmem:$0x18100] =	vst v63  }
0x1c0: {  	v3 =	vadd.s32 v1, v3  }
0x1c1: {  	[tilespmem:s13], [sflag:$0x3] =	stream.indirect_vreg.gather [hbm4b:s4+s2], $0x80, v4, vm0, $0xb8;
	[tilespmem:$0x18100] =	vst v63  }
0x1c2: {  	_ = 	snop  }
0x1c3: {  	[tilespmem:s18], [sflag:$0x3] =	stream.indirect_vreg.gather [hbm4b:s5+s2], $0x80, v4, vm0, $0xb8;
	[tilespmem:$0x18100] =	vst v63  }
0x1c4: {  	_ = 	snop  }
0x1c5: {  	[tilespmem:s19], [sflag:$0x3] =	stream.indirect_vreg.gather [hbm4b:s3+s2], $0x80, v3, vm0, $0xb8;
	[tilespmem:$0x18100] =	vst v63  }
0x1c6: {  	_ = 	snop  }
0x1c7: {  	[tilespmem:s20], [sflag:$0x3] =	stream.indirect_vreg.gather [hbm4b:s4+s2], $0x80, v3, vm0, $0xb8;
	[tilespmem:$0x18100] =	vst v63  }
0x1c8: {  	s30 =	simm.s32 $0xB900  }
0x1c9: {  	[tilespmem:s30], [sflag:$0x3] =	stream.indirect_vreg.gather [hbm4b:s5+s2], $0x80, v3, vm0, $0xb8;
	[tilespmem:$0x18100] =	vst v63  }
0x1ca: {  	_ =	swait.ge [sflag:s7], $0xC000  }
0x1cb: {  	[sflag:s7] =	ssyncset.done $0x0  }
0x1cc: {  	s31 =	rddreg [dreg:$0xd];
	[sflag:s7] =	ssyncadd.s32 $0xFFFF4000  }
0x1cd: {  	[hbm4b:s31+s2] =	stream.linear.scatter [tilespmem:s22], [sflag:$0x4], $0xC000, $0x38;
	[tilespmem:$0x18100] =	vst v63  }
0x1ce: {  	s0 =	rddreg [dreg:$0xe]  }
0x1cf: {  	[tilespmem:s2], [sflag:$0x1] =	stream.linear.gather [hbm4b:s0+s2], $0x40, $0x38;
	[tilespmem:$0x18100] =	vst v63  }
0x1d0: {  	_ =	swait.ge [sflag:s10], $0x40  }
0x1d1: {  	[sflag:s10] =	ssyncset.done $0x0  }
0x1d2: {  	[sflag:s10] =	ssyncadd.s32 $0xFFFFFFC0  }
0x1d3: {  	_ =	swait.ge [sflag:s15], $0xC000  }
0x1d4: {  	[sflag:s15] =	ssyncset.done $0x0  }
0x1d5: {  	[sflag:s15] =	ssyncadd.s32 $0xFFFF4000  }
0x1d6: {  	v3 =	vld [tilespmem:$0x80];
	_ =	sdelay $0x4  }
0x1d7: {  	v52 =	vshrl.u32 v3, $0x3  }
0x1d8: {  	v4 =	vmul.u32 $0x30, v52  }
0x1d9: {  	v3 =	vand.u32 $0x7, v3  }
0x1da: {  	v3 =	vor.u32 v3, v4  }
0x1db: {  	v4 =	vperm.xlane v3, v0;
	_ =	sdelay $0x1  }
0x1dc: {  	v4 =	vadd.s32 v1, v4;
	_ =	sdelay $0x3  }
0x1dd: {  	v3 =	vperm.xlane v3, v2  }
0x1de: {  	[tilespmem:s11], [sflag:$0x3] =	stream.indirect_vreg.gather [hbm4b:s3+s2], $0x80, v4, vm0, $0xb8;
	[tilespmem:$0x18100] =	vst v63  }
0x1df: {  	s1 =	simm.s32 $0xC900;
	v3 =	vadd.s32 v1, v3  }
0x1e0: {  	[tilespmem:s1], [sflag:$0x3] =	stream.indirect_vreg.gather [hbm4b:s4+s2], $0x80, v4, vm0, $0xb8;
	[tilespmem:$0x18100] =	vst v63  }
0x1e1: {  	s9 =	simm.s32 $0xD100  }
0x1e2: {  	[tilespmem:s9], [sflag:$0x3] =	stream.indirect_vreg.gather [hbm4b:s5+s2], $0x80, v4, vm0, $0xb8;
	[tilespmem:$0x18100] =	vst v63  }
0x1e3: {  	s12 =	simm.s32 $0xD900  }
0x1e4: {  	[tilespmem:s12], [sflag:$0x3] =	stream.indirect_vreg.gather [hbm4b:s3+s2], $0x80, v3, vm0, $0xb8;
	[tilespmem:$0x18100] =	vst v63  }
0x1e5: {  	s13 =	simm.s32 $0xE100  }
0x1e6: {  	[tilespmem:s13], [sflag:$0x3] =	stream.indirect_vreg.gather [hbm4b:s4+s2], $0x80, v3, vm0, $0xb8;
	[tilespmem:$0x18100] =	vst v63  }
0x1e7: {  	s16 =	simm.s32 $0xE900  }
0x1e8: {  	[tilespmem:s16], [sflag:$0x3] =	stream.indirect_vreg.gather [hbm4b:s5+s2], $0x80, v3, vm0, $0xb8;
	[tilespmem:$0x18100] =	vst v63  }
0x1e9: {  	v3 =	vld [tilespmem:$0x90];
	_ =	sdelay $0x4  }
0x1ea: {  	v53 =	vshrl.u32 v3, $0x3  }
0x1eb: {  	v4 =	vmul.u32 $0x30, v53  }
0x1ec: {  	v3 =	vand.u32 $0x7, v3  }
0x1ed: {  	v3 =	vor.u32 v3, v4  }
0x1ee: {  	v4 =	vperm.xlane v3, v0;
	_ =	sdelay $0x1  }
0x1ef: {  	v4 =	vadd.s32 v1, v4;
	_ =	sdelay $0x3  }
0x1f0: {  	s17 =	simm.s32 $0xF100;
	v3 =	vperm.xlane v3, v2  }
0x1f1: {  	[tilespmem:s17], [sflag:$0x3] =	stream.indirect_vreg.gather [hbm4b:s3+s2], $0x80, v4, vm0, $0xb8;
	[tilespmem:$0x18100] =	vst v63  }
0x1f2: {  	s18 =	simm.s32 $0xF900;
	v3 =	vadd.s32 v1, v3  }
0x1f3: {  	[tilespmem:s18], [sflag:$0x3] =	stream.indirect_vreg.gather [hbm4b:s4+s2], $0x80, v4, vm0, $0xb8;
	[tilespmem:$0x18100] =	vst v63  }
0x1f4: {  	s19 =	simm.s32 $0x10100  }
0x1f5: {  	[tilespmem:s19], [sflag:$0x3] =	stream.indirect_vreg.gather [hbm4b:s5+s2], $0x80, v4, vm0, $0xb8;
	[tilespmem:$0x18100] =	vst v63  }
0x1f6: {  	s20 =	simm.s32 $0x10900  }
0x1f7: {  	[tilespmem:s20], [sflag:$0x3] =	stream.indirect_vreg.gather [hbm4b:s3+s2], $0x80, v3, vm0, $0xb8;
	[tilespmem:$0x18100] =	vst v63  }
0x1f8: {  	s21 =	simm.s32 $0x11100  }
0x1f9: {  	[tilespmem:s21], [sflag:$0x3] =	stream.indirect_vreg.gather [hbm4b:s4+s2], $0x80, v3, vm0, $0xb8;
	[tilespmem:$0x18100] =	vst v63  }
0x1fa: {  	s23 =	simm.s32 $0x11900  }
0x1fb: {  	[tilespmem:s23], [sflag:$0x3] =	stream.indirect_vreg.gather [hbm4b:s5+s2], $0x80, v3, vm0, $0xb8;
	[tilespmem:$0x18100] =	vst v63  }
0x1fc: {  	v3 =	vld [tilespmem:$0xA0];
	_ =	sdelay $0x4  }
0x1fd: {  	v54 =	vshrl.u32 v3, $0x3  }
0x1fe: {  	v4 =	vmul.u32 $0x30, v54  }
0x1ff: {  	v3 =	vand.u32 $0x7, v3  }
0x200: {  	v3 =	vor.u32 v3, v4  }
0x201: {  	v4 =	vperm.xlane v3, v0;
	_ =	sdelay $0x1  }
0x202: {  	v4 =	vadd.s32 v1, v4;
	_ =	sdelay $0x3  }
0x203: {  	s24 =	simm.s32 $0x12100;
	v3 =	vperm.xlane v3, v2  }
0x204: {  	[tilespmem:s24], [sflag:$0x3] =	stream.indirect_vreg.gather [hbm4b:s3+s2], $0x80, v4, vm0, $0xb8;
	[tilespmem:$0x18100] =	vst v63  }
0x205: {  	s25 =	simm.s32 $0x12900;
	v3 =	vadd.s32 v1, v3  }
0x206: {  	[tilespmem:s25], [sflag:$0x3] =	stream.indirect_vreg.gather [hbm4b:s4+s2], $0x80, v4, vm0, $0xb8;
	[tilespmem:$0x18100] =	vst v63  }
0x207: {  	s26 =	simm.s32 $0x13100  }
0x208: {  	[tilespmem:s26], [sflag:$0x3] =	stream.indirect_vreg.gather [hbm4b:s5+s2], $0x80, v4, vm0, $0xb8;
	[tilespmem:$0x18100] =	vst v63  }
0x209: {  	s28 =	simm.s32 $0x13900  }
0x20a: {  	[tilespmem:s28], [sflag:$0x3] =	stream.indirect_vreg.gather [hbm4b:s3+s2], $0x80, v3, vm0, $0xb8;
	[tilespmem:$0x18100] =	vst v63  }
0x20b: {  	s29 =	simm.s32 $0x14100  }
0x20c: {  	[tilespmem:s29], [sflag:$0x3] =	stream.indirect_vreg.gather [hbm4b:s4+s2], $0x80, v3, vm0, $0xb8;
	[tilespmem:$0x18100] =	vst v63  }
0x20d: {  	s30 =	simm.s32 $0x14900  }
0x20e: {  	[tilespmem:s30], [sflag:$0x3] =	stream.indirect_vreg.gather [hbm4b:s5+s2], $0x80, v3, vm0, $0xb8;
	[tilespmem:$0x18100] =	vst v63  }
0x20f: {  	v3 =	vld [tilespmem:$0xB0];
	_ =	sdelay $0x4  }
0x210: {  	v55 =	vshrl.u32 v3, $0x3  }
0x211: {  	v4 =	vmul.u32 $0x30, v55  }
0x212: {  	v3 =	vand.u32 $0x7, v3  }
0x213: {  	v3 =	vor.u32 v3, v4  }
0x214: {  	v4 =	vperm.xlane v3, v0;
	_ =	sdelay $0x1  }
0x215: {  	v4 =	vadd.s32 v1, v4;
	_ =	sdelay $0x3  }
0x216: {  	s17 =	simm.s32 $0x15100;
	v3 =	vperm.xlane v3, v2  }
0x217: {  	[tilespmem:s17], [sflag:$0x3] =	stream.indirect_vreg.gather [hbm4b:s3+s2], $0x80, v4, vm0, $0xb8;
	[tilespmem:$0x18100] =	vst v63  }
0x218: {  	s26 =	simm.s32 $0x15900;
	v3 =	vadd.s32 v1, v3  }
0x219: {  	[tilespmem:s26], [sflag:$0x3] =	stream.indirect_vreg.gather [hbm4b:s4+s2], $0x80, v4, vm0, $0xb8;
	[tilespmem:$0x18100] =	vst v63  }
0x21a: {  	s28 =	simm.s32 $0x16100  }
0x21b: {  	[tilespmem:s28], [sflag:$0x3] =	stream.indirect_vreg.gather [hbm4b:s5+s2], $0x80, v4, vm0, $0xb8;
	[tilespmem:$0x18100] =	vst v63  }
0x21c: {  	s29 =	simm.s32 $0x16900  }
0x21d: {  	[tilespmem:s29], [sflag:$0x3] =	stream.indirect_vreg.gather [hbm4b:s3+s2], $0x80, v3, vm0, $0xb8;
	[tilespmem:$0x18100] =	vst v63  }
0x21e: {  	s30 =	simm.s32 $0x17100  }
0x21f: {  	[tilespmem:s30], [sflag:$0x3] =	stream.indirect_vreg.gather [hbm4b:s4+s2], $0x80, v3, vm0, $0xb8;
	[tilespmem:$0x18100] =	vst v63  }
0x220: {  	s17 =	simm.s32 $0x17900  }
0x221: {  	[tilespmem:s17], [sflag:$0x3] =	stream.indirect_vreg.gather [hbm4b:s5+s2], $0x80, v3, vm0, $0xb8;
	[tilespmem:$0x18100] =	vst v63  }
0x222: {  	_ =	swait.ge [sflag:s7], $0xC000  }
0x223: {  	[sflag:s7] =	ssyncset.done $0x0  }
0x224: {  	s16 =	rddreg [dreg:$0xf];
	[sflag:s7] =	ssyncadd.s32 $0xFFFF4000  }
0x225: {  	[hbm4b:s16+s2] =	stream.linear.scatter [tilespmem:s11], [sflag:$0x5], $0xC000, $0x38;
	[tilespmem:$0x18100] =	vst v63  }
0x226: {  	s17 =	rddreg [dreg:$0x10];
	s16 =	simm.s32 $0x80  }
0x227: {  	[tilespmem:s16], [sflag:$0x2] =	stream.linear.gather [hbm4b:s17+s2], $0x40, $0x38;
	[tilespmem:$0x18100] =	vst v63  }
0x228: {  	_ =	swait.ge [sflag:s8], $0x40  }
0x229: {  	[sflag:s8] =	ssyncset.done $0x0  }
0x22a: {  	[sflag:s8] =	ssyncadd.s32 $0xFFFFFFC0  }
0x22b: {  	_ =	swait.ge [sflag:s14], $0xC000  }
0x22c: {  	[sflag:s14] =	ssyncset.done $0x0  }
0x22d: {  	[sflag:s14] =	ssyncadd.s32 $0xFFFF4000  }
0x22e: {  	v3 =	vld [tilespmem:$0x0];
	_ =	sdelay $0x4  }
0x22f: {  	v56 =	vshrl.u32 v3, $0x3  }
0x230: {  	v4 =	vmul.u32 $0x30, v56  }
0x231: {  	v3 =	vand.u32 $0x7, v3  }
0x232: {  	v3 =	vor.u32 v3, v4  }
0x233: {  	v4 =	vperm.xlane v3, v0;
	_ =	sdelay $0x1  }
0x234: {  	v4 =	vadd.s32 v1, v4;
	_ =	sdelay $0x3  }
0x235: {  	v3 =	vperm.xlane v3, v2  }
0x236: {  	[tilespmem:s22], [sflag:$0x3] =	stream.indirect_vreg.gather [hbm4b:s3+s2], $0x80, v4, vm0, $0xb8;
	[tilespmem:$0x18100] =	vst v63  }
0x237: {  	s17 =	simm.s32 $0x900;
	v3 =	vadd.s32 v1, v3  }
0x238: {  	[tilespmem:s17], [sflag:$0x3] =	stream.indirect_vreg.gather [hbm4b:s4+s2], $0x80, v4, vm0, $0xb8;
	[tilespmem:$0x18100] =	vst v63  }
0x239: {  	s17 =	simm.s32 $0x1100  }
0x23a: {  	[tilespmem:s17], [sflag:$0x3] =	stream.indirect_vreg.gather [hbm4b:s5+s2], $0x80, v4, vm0, $0xb8;
	[tilespmem:$0x18100] =	vst v63  }
0x23b: {  	s17 =	simm.s32 $0x1900  }
0x23c: {  	[tilespmem:s17], [sflag:$0x3] =	stream.indirect_vreg.gather [hbm4b:s3+s2], $0x80, v3, vm0, $0xb8;
	[tilespmem:$0x18100] =	vst v63  }
0x23d: {  	s17 =	simm.s32 $0x2100  }
0x23e: {  	[tilespmem:s17], [sflag:$0x3] =	stream.indirect_vreg.gather [hbm4b:s4+s2], $0x80, v3, vm0, $0xb8;
	[tilespmem:$0x18100] =	vst v63  }
0x23f: {  	s17 =	simm.s32 $0x2900  }
0x240: {  	[tilespmem:s17], [sflag:$0x3] =	stream.indirect_vreg.gather [hbm4b:s5+s2], $0x80, v3, vm0, $0xb8;
	[tilespmem:$0x18100] =	vst v63  }
0x241: {  	v3 =	vld [tilespmem:$0x10];
	_ =	sdelay $0x4  }
0x242: {  	v57 =	vshrl.u32 v3, $0x3  }
0x243: {  	v4 =	vmul.u32 $0x30, v57  }
0x244: {  	v3 =	vand.u32 $0x7, v3  }
0x245: {  	v3 =	vor.u32 v3, v4  }
0x246: {  	v4 =	vperm.xlane v3, v0;
	_ =	sdelay $0x1  }
0x247: {  	v4 =	vadd.s32 v1, v4;
	_ =	sdelay $0x3  }
0x248: {  	s17 =	simm.s32 $0x3100;
	v3 =	vperm.xlane v3, v2  }
0x249: {  	[tilespmem:s17], [sflag:$0x3] =	stream.indirect_vreg.gather [hbm4b:s3+s2], $0x80, v4, vm0, $0xb8;
	[tilespmem:$0x18100] =	vst v63  }
0x24a: {  	v3 =	vadd.s32 v1, v3;
	s17 =	simm.s32 $0x3900  }
0x24b: {  	[tilespmem:s17], [sflag:$0x3] =	stream.indirect_vreg.gather [hbm4b:s4+s2], $0x80, v4, vm0, $0xb8;
	[tilespmem:$0x18100] =	vst v63  }
0x24c: {  	s17 =	simm.s32 $0x4100  }
0x24d: {  	[tilespmem:s17], [sflag:$0x3] =	stream.indirect_vreg.gather [hbm4b:s5+s2], $0x80, v4, vm0, $0xb8;
	[tilespmem:$0x18100] =	vst v63  }
0x24e: {  	s17 =	simm.s32 $0x4900  }
0x24f: {  	[tilespmem:s17], [sflag:$0x3] =	stream.indirect_vreg.gather [hbm4b:s3+s2], $0x80, v3, vm0, $0xb8;
	[tilespmem:$0x18100] =	vst v63  }
0x250: {  	s17 =	simm.s32 $0x5100  }
0x251: {  	[tilespmem:s17], [sflag:$0x3] =	stream.indirect_vreg.gather [hbm4b:s4+s2], $0x80, v3, vm0, $0xb8;
	[tilespmem:$0x18100] =	vst v63  }
0x252: {  	s17 =	simm.s32 $0x5900  }
0x253: {  	[tilespmem:s17], [sflag:$0x3] =	stream.indirect_vreg.gather [hbm4b:s5+s2], $0x80, v3, vm0, $0xb8;
	[tilespmem:$0x18100] =	vst v63  }
0x254: {  	v3 =	vld [tilespmem:$0x20];
	_ =	sdelay $0x4  }
0x255: {  	v58 =	vshrl.u32 v3, $0x3  }
0x256: {  	v4 =	vmul.u32 $0x30, v58  }
0x257: {  	v3 =	vand.u32 $0x7, v3  }
0x258: {  	v3 =	vor.u32 v3, v4  }
0x259: {  	v4 =	vperm.xlane v3, v0;
	_ =	sdelay $0x1  }
0x25a: {  	v4 =	vadd.s32 v1, v4;
	_ =	sdelay $0x3  }
0x25b: {  	s17 =	simm.s32 $0x6100;
	v3 =	vperm.xlane v3, v2  }
0x25c: {  	[tilespmem:s17], [sflag:$0x3] =	stream.indirect_vreg.gather [hbm4b:s3+s2], $0x80, v4, vm0, $0xb8;
	[tilespmem:$0x18100] =	vst v63  }
0x25d: {  	v3 =	vadd.s32 v1, v3;
	s17 =	simm.s32 $0x6900  }
0x25e: {  	[tilespmem:s17], [sflag:$0x3] =	stream.indirect_vreg.gather [hbm4b:s4+s2], $0x80, v4, vm0, $0xb8;
	[tilespmem:$0x18100] =	vst v63  }
0x25f: {  	s17 =	simm.s32 $0x7100  }
0x260: {  	[tilespmem:s17], [sflag:$0x3] =	stream.indirect_vreg.gather [hbm4b:s5+s2], $0x80, v4, vm0, $0xb8;
	[tilespmem:$0x18100] =	vst v63  }
0x261: {  	s17 =	simm.s32 $0x7900  }
0x262: {  	[tilespmem:s17], [sflag:$0x3] =	stream.indirect_vreg.gather [hbm4b:s3+s2], $0x80, v3, vm0, $0xb8;
	[tilespmem:$0x18100] =	vst v63  }
0x263: {  	s17 =	simm.s32 $0x8100  }
0x264: {  	[tilespmem:s17], [sflag:$0x3] =	stream.indirect_vreg.gather [hbm4b:s4+s2], $0x80, v3, vm0, $0xb8;
	[tilespmem:$0x18100] =	vst v63  }
0x265: {  	s17 =	simm.s32 $0x8900  }
0x266: {  	[tilespmem:s17], [sflag:$0x3] =	stream.indirect_vreg.gather [hbm4b:s5+s2], $0x80, v3, vm0, $0xb8;
	[tilespmem:$0x18100] =	vst v63  }
0x267: {  	v3 =	vld [tilespmem:$0x30];
	_ =	sdelay $0x4  }
0x268: {  	v59 =	vshrl.u32 v3, $0x3  }
0x269: {  	v4 =	vmul.u32 $0x30, v59  }
0x26a: {  	v3 =	vand.u32 $0x7, v3  }
0x26b: {  	v3 =	vor.u32 v3, v4  }
0x26c: {  	v4 =	vperm.xlane v3, v0;
	_ =	sdelay $0x1  }
0x26d: {  	v4 =	vadd.s32 v1, v4;
	_ =	sdelay $0x3  }
0x26e: {  	s17 =	simm.s32 $0x9100;
	v3 =	vperm.xlane v3, v2  }
0x26f: {  	[tilespmem:s17], [sflag:$0x3] =	stream.indirect_vreg.gather [hbm4b:s3+s2], $0x80, v4, vm0, $0xb8;
	[tilespmem:$0x18100] =	vst v63  }
0x270: {  	v3 =	vadd.s32 v1, v3;
	s17 =	simm.s32 $0x9900  }
0x271: {  	[tilespmem:s17], [sflag:$0x3] =	stream.indirect_vreg.gather [hbm4b:s4+s2], $0x80, v4, vm0, $0xb8;
	[tilespmem:$0x18100] =	vst v63  }
0x272: {  	s17 =	simm.s32 $0xA100  }
0x273: {  	[tilespmem:s17], [sflag:$0x3] =	stream.indirect_vreg.gather [hbm4b:s5+s2], $0x80, v4, vm0, $0xb8;
	[tilespmem:$0x18100] =	vst v63  }
0x274: {  	s17 =	simm.s32 $0xA900  }
0x275: {  	[tilespmem:s17], [sflag:$0x3] =	stream.indirect_vreg.gather [hbm4b:s3+s2], $0x80, v3, vm0, $0xb8;
	[tilespmem:$0x18100] =	vst v63  }
0x276: {  	s17 =	simm.s32 $0xB100  }
0x277: {  	[tilespmem:s17], [sflag:$0x3] =	stream.indirect_vreg.gather [hbm4b:s4+s2], $0x80, v3, vm0, $0xb8;
	[tilespmem:$0x18100] =	vst v63  }
0x278: {  	s17 =	simm.s32 $0xB900  }
0x279: {  	[tilespmem:s17], [sflag:$0x3] =	stream.indirect_vreg.gather [hbm4b:s5+s2], $0x80, v3, vm0, $0xb8;
	[tilespmem:$0x18100] =	vst v63  }
0x27a: {  	_ =	swait.ge [sflag:s7], $0xC000  }
0x27b: {  	[sflag:s7] =	ssyncset.done $0x0  }
0x27c: {  	s17 =	rddreg [dreg:$0x11];
	[sflag:s7] =	ssyncadd.s32 $0xFFFF4000  }
0x27d: {  	[hbm4b:s17+s2] =	stream.linear.scatter [tilespmem:s22], [sflag:$0x4], $0xC000, $0x38;
	[tilespmem:$0x18100] =	vst v63  }
0x27e: {  	_ =	swait.ge [sflag:s10], $0x40  }
0x27f: {  	[sflag:s10] =	ssyncset.done $0x0  }
0x280: {  	[sflag:s10] =	ssyncadd.s32 $0xFFFFFFC0  }
0x281: {  	_ =	swait.ge [sflag:s15], $0xC000  }
0x282: {  	[sflag:s15] =	ssyncset.done $0x0  }
0x283: {  	[sflag:s15] =	ssyncadd.s32 $0xFFFF4000  }
0x284: {  	v3 =	vld [tilespmem:$0x80];
	_ =	sdelay $0x4  }
0x285: {  	v60 =	vshrl.u32 v3, $0x3  }
0x286: {  	v4 =	vmul.u32 $0x30, v60  }
0x287: {  	v3 =	vand.u32 $0x7, v3  }
0x288: {  	v3 =	vor.u32 v3, v4  }
0x289: {  	v4 =	vperm.xlane v3, v0;
	_ =	sdelay $0x1  }
0x28a: {  	v4 =	vadd.s32 v1, v4;
	_ =	sdelay $0x3  }
0x28b: {  	v3 =	vperm.xlane v3, v2  }
0x28c: {  	[tilespmem:s11], [sflag:$0x3] =	stream.indirect_vreg.gather [hbm4b:s3+s2], $0x80, v4, vm0, $0xb8;
	[tilespmem:$0x18100] =	vst v63  }
0x28d: {  	s0 =	simm.s32 $0xC900;
	v3 =	vadd.s32 v1, v3  }
0x28e: {  	[tilespmem:s0], [sflag:$0x3] =	stream.indirect_vreg.gather [hbm4b:s4+s2], $0x80, v4, vm0, $0xb8;
	[tilespmem:$0x18100] =	vst v63  }
0x28f: {  	s1 =	simm.s32 $0xD100  }
0x290: {  	[tilespmem:s1], [sflag:$0x3] =	stream.indirect_vreg.gather [hbm4b:s5+s2], $0x80, v4, vm0, $0xb8;
	[tilespmem:$0x18100] =	vst v63  }
0x291: {  	s9 =	simm.s32 $0xD900  }
0x292: {  	[tilespmem:s9], [sflag:$0x3] =	stream.indirect_vreg.gather [hbm4b:s3+s2], $0x80, v3, vm0, $0xb8;
	[tilespmem:$0x18100] =	vst v63  }
0x293: {  	s12 =	simm.s32 $0xE100  }
0x294: {  	[tilespmem:s12], [sflag:$0x3] =	stream.indirect_vreg.gather [hbm4b:s4+s2], $0x80, v3, vm0, $0xb8;
	[tilespmem:$0x18100] =	vst v63  }
0x295: {  	s31 =	simm.s32 $0xE900  }
0x296: {  	[tilespmem:s31], [sflag:$0x3] =	stream.indirect_vreg.gather [hbm4b:s5+s2], $0x80, v3, vm0, $0xb8;
	[tilespmem:$0x18100] =	vst v63  }
0x297: {  	v3 =	vld [tilespmem:$0x90];
	_ =	sdelay $0x4  }
0x298: {  	v61 =	vshrl.u32 v3, $0x3  }
0x299: {  	v4 =	vmul.u32 $0x30, v61  }
0x29a: {  	v3 =	vand.u32 $0x7, v3  }
0x29b: {  	v3 =	vor.u32 v3, v4  }
0x29c: {  	v4 =	vperm.xlane v3, v0;
	_ =	sdelay $0x1  }
0x29d: {  	v4 =	vadd.s32 v1, v4;
	_ =	sdelay $0x3  }
0x29e: {  	s17 =	simm.s32 $0xF100;
	v3 =	vperm.xlane v3, v2  }
0x29f: {  	[tilespmem:s17], [sflag:$0x3] =	stream.indirect_vreg.gather [hbm4b:s3+s2], $0x80, v4, vm0, $0xb8;
	[tilespmem:$0x18100] =	vst v63  }
0x2a0: {  	s13 =	simm.s32 $0xF900;
	v3 =	vadd.s32 v1, v3  }
0x2a1: {  	[tilespmem:s13], [sflag:$0x3] =	stream.indirect_vreg.gather [hbm4b:s4+s2], $0x80, v4, vm0, $0xb8;
	[tilespmem:$0x18100] =	vst v63  }
0x2a2: {  	s18 =	simm.s32 $0x10100  }
0x2a3: {  	[tilespmem:s18], [sflag:$0x3] =	stream.indirect_vreg.gather [hbm4b:s5+s2], $0x80, v4, vm0, $0xb8;
	[tilespmem:$0x18100] =	vst v63  }
0x2a4: {  	s19 =	simm.s32 $0x10900  }
0x2a5: {  	[tilespmem:s19], [sflag:$0x3] =	stream.indirect_vreg.gather [hbm4b:s3+s2], $0x80, v3, vm0, $0xb8;
	[tilespmem:$0x18100] =	vst v63  }
0x2a6: {  	s20 =	simm.s32 $0x11100  }
0x2a7: {  	[tilespmem:s20], [sflag:$0x3] =	stream.indirect_vreg.gather [hbm4b:s4+s2], $0x80, v3, vm0, $0xb8;
	[tilespmem:$0x18100] =	vst v63  }
0x2a8: {  	s19 =	simm.s32 $0x11900  }
0x2a9: {  	[tilespmem:s19], [sflag:$0x3] =	stream.indirect_vreg.gather [hbm4b:s5+s2], $0x80, v3, vm0, $0xb8;
	[tilespmem:$0x18100] =	vst v63  }
0x2aa: {  	v3 =	vld [tilespmem:$0xA0];
	_ =	sdelay $0x4  }
0x2ab: {  	v62 =	vshrl.u32 v3, $0x3  }
0x2ac: {  	v4 =	vmul.u32 $0x30, v62  }
0x2ad: {  	v3 =	vand.u32 $0x7, v3  }
0x2ae: {  	v3 =	vor.u32 v3, v4  }
0x2af: {  	v4 =	vperm.xlane v3, v0;
	_ =	sdelay $0x1  }
0x2b0: {  	v4 =	vadd.s32 v1, v4;
	_ =	sdelay $0x3  }
0x2b1: {  	s20 =	simm.s32 $0x12100;
	v3 =	vperm.xlane v3, v2  }
0x2b2: {  	[tilespmem:s20], [sflag:$0x3] =	stream.indirect_vreg.gather [hbm4b:s3+s2], $0x80, v4, vm0, $0xb8;
	[tilespmem:$0x18100] =	vst v63  }
0x2b3: {  	s21 =	simm.s32 $0x12900;
	v3 =	vadd.s32 v1, v3  }
0x2b4: {  	[tilespmem:s21], [sflag:$0x3] =	stream.indirect_vreg.gather [hbm4b:s4+s2], $0x80, v4, vm0, $0xb8;
	[tilespmem:$0x18100] =	vst v63  }
0x2b5: {  	s23 =	simm.s32 $0x13100  }
0x2b6: {  	[tilespmem:s23], [sflag:$0x3] =	stream.indirect_vreg.gather [hbm4b:s5+s2], $0x80, v4, vm0, $0xb8;
	[tilespmem:$0x18100] =	vst v63  }
0x2b7: {  	s24 =	simm.s32 $0x13900  }
0x2b8: {  	[tilespmem:s24], [sflag:$0x3] =	stream.indirect_vreg.gather [hbm4b:s3+s2], $0x80, v3, vm0, $0xb8;
	[tilespmem:$0x18100] =	vst v63  }
0x2b9: {  	s25 =	simm.s32 $0x14100  }
0x2ba: {  	[tilespmem:s25], [sflag:$0x3] =	stream.indirect_vreg.gather [hbm4b:s4+s2], $0x80, v3, vm0, $0xb8;
	[tilespmem:$0x18100] =	vst v63  }
0x2bb: {  	s24 =	simm.s32 $0x14900  }
0x2bc: {  	[tilespmem:s24], [sflag:$0x3] =	stream.indirect_vreg.gather [hbm4b:s5+s2], $0x80, v3, vm0, $0xb8;
	[tilespmem:$0x18100] =	vst v63  }
0x2bd: {  	v3 =	vld [tilespmem:$0xB0];
	_ =	sdelay $0x4  }
0x2be: {  	v63 =	vshrl.u32 v3, $0x3  }
0x2bf: {  	v4 =	vmul.u32 $0x30, v63  }
0x2c0: {  	v3 =	vand.u32 $0x7, v3  }
0x2c1: {  	v3 =	vor.u32 v3, v4  }
0x2c2: {  	v4 =	vperm.xlane v3, v0;
	_ =	sdelay $0x1  }
0x2c3: {  	v4 =	vadd.s32 v1, v4;
	_ =	sdelay $0x3  }
0x2c4: {  	s25 =	simm.s32 $0x15100;
	v3 =	vperm.xlane v3, v2  }
0x2c5: {  	[tilespmem:s25], [sflag:$0x3] =	stream.indirect_vreg.gather [hbm4b:s3+s2], $0x80, v4, vm0, $0xb8;
	[tilespmem:$0x18100] =	vst v63  }
0x2c6: {  	s26 =	simm.s32 $0x15900;
	v3 =	vadd.s32 v1, v3  }
0x2c7: {  	[tilespmem:s26], [sflag:$0x3] =	stream.indirect_vreg.gather [hbm4b:s4+s2], $0x80, v4, vm0, $0xb8;
	[tilespmem:$0x18100] =	vst v63  }
0x2c8: {  	s28 =	simm.s32 $0x16100  }
0x2c9: {  	[tilespmem:s28], [sflag:$0x3] =	stream.indirect_vreg.gather [hbm4b:s5+s2], $0x80, v4, vm0, $0xb8;
	[tilespmem:$0x18100] =	vst v63  }
0x2ca: {  	s29 =	simm.s32 $0x16900  }
0x2cb: {  	[tilespmem:s29], [sflag:$0x3] =	stream.indirect_vreg.gather [hbm4b:s3+s2], $0x80, v3, vm0, $0xb8;
	[tilespmem:$0x18100] =	vst v63  }
0x2cc: {  	s30 =	simm.s32 $0x17100  }
0x2cd: {  	[tilespmem:s30], [sflag:$0x3] =	stream.indirect_vreg.gather [hbm4b:s4+s2], $0x80, v3, vm0, $0xb8;
	[tilespmem:$0x18100] =	vst v63  }
0x2ce: {  	s30 =	simm.s32 $0x17900  }
0x2cf: {  	[tilespmem:s30], [sflag:$0x3] =	stream.indirect_vreg.gather [hbm4b:s5+s2], $0x80, v3, vm0, $0xb8;
	[tilespmem:$0x18100] =	vst v63  }
0x2d0: {  	_ =	swait.ge [sflag:s7], $0xC000  }
0x2d1: {  	[sflag:s7] =	ssyncset.done $0x0  }
0x2d2: {  	s31 =	rddreg [dreg:$0x12];
	[sflag:s7] =	ssyncadd.s32 $0xFFFF4000  }
0x2d3: {  	[hbm4b:s31+s2] =	stream.linear.scatter [tilespmem:s11], [sflag:$0x5], $0xC000, $0x38;
	[tilespmem:$0x18100] =	vst v63  }
0x2d4: {  	p0 =	sne.s32 s6, $0x1;
	_ =	swait.ge [sflag:s14], $0xC000  }
.Ltmp0:
0x2d5: {  	[sflag:s14] =	ssyncset.done $0x0;
	(pc) =	sbr.rel @p0 .LBB2_1-.Ltmp0, $4  }
0x2d6: {  	[sflag:s14] =	ssyncadd.s32 $0xFFFF4000  }
0x2d7: {  	_ =	swait.ge [sflag:s15], $0xC000  }
0x2d8: {  	[sflag:s15] =	ssyncset.done $0x0  }
0x2d9: {  	s6 =	sadd.s32 $0xFFFFFFFF, s6;
	[sflag:s15] =	ssyncadd.s32 $0xFFFF4000  }
0x2da: {  	_ =	sfence.sel $0x180000  }
0x2db: {  	[bflag:$0x0] =	sbarrier.arrive $0xFFFF  }
0x2dc: {  	_ =	strace $0x9000004A  }
0x2dd: {  	s0 =	stileid.u32;
	[bflag:$0x2] =	sbarrier.arrive $0xFFFF  }
0x2de: {  	p0 =	sne.s32 s0, $0x0;
	s0 =	rddreg [dreg:$0x2]  }
0x2df: {  	s0 =	sadd.s32 @!p0 $0x100000, s0  }
0x2e0: {  	[sflag:s0] =	ssyncadd.tile.s32 @!p0 $0x1;
	_ =	shalt  }
.Lfunc_end2:
_tile_overlayer_lowered:
.L_overlay_start_2:
0x2e1: {  	(tag) =	ssettag $0x2  }
0x2e2: {  	s0 =	rddreg [dreg:$0x0];
	s2 =	stileid.u32  }
0x2e3: {  	s1 =	rddreg [dreg:$0x1];
	p0 =	sne.s32 s2, $0x0  }
0x2e4: {  	s3 =	rddreg [dreg:$0x2];
	[bflag:$0x3] =	sbarrier.arrive $0xFFFF;
	s2 =	simm.s32 @!p0 $0x1C06  }
0x2e5: {  	[timem:s3], [sflag:s2] =	dma.local @!p0 [hbm:s0], s1  }
0x2e6: {  	s0 =	simm.s32 @!p0 $0x6  }
0x2e7: {  	_ =	swait.ge @!p0 [sflag:s0], s1  }
0x2e8: {  	s1 =	ssub.s32 @!p0 $0x0, s1;
	[sflag:s0] =	ssyncset.done @!p0 $0x0  }
0x2e9: {  	[sflag:s0] =	ssyncadd.s32 @!p0 s1  }
0x2ea: {  	[bflag:$0x3] =	sbarrier.arrive $0xFFFF  }
0x2eb: {  	_ =	shalt  }

</sc_bundles>
